<compile_context>
chip_gen: v7x
topology: tpu7x:2x2x1
jax: 0.10.2.dev20260603
libtpu: 0.0.44.dev20260713+nightly
codegen_flags: <defaults>
</compile_context>

<pallas_src>
import functools

import jax
import jax.numpy as jnp
import numpy as np
from jax import lax
from jax.experimental import pallas as pl
from jax.experimental.pallas import tpu as pltpu, tpu_sc as plsc

N = 10000
E = 320000
C = 128
B = 50
NPG = 200
A = 512
H = 4
DH = C // H

NTP = 10240
EX = E + N
NW = 32
EPW = 10368
NCH = EPW // 128
EP = NW * EPW

_SC_MESH = plsc.VectorSubcoreMesh(core_axis_name="c", subcore_axis_name="s")


@functools.partial(
    pl.kernel,
    out_type=(
        jax.ShapeDtypeStruct((NW, NCH, 128), jnp.float32),
        jax.ShapeDtypeStruct((NW * NTP,), jnp.float32),
    ),
    mesh=_SC_MESH,
    scratch_types=[
        pltpu.VMEM((NCH, 128), jnp.int32),
        pltpu.VMEM((NCH, 128), jnp.int32),
        pltpu.VMEM((NTP,), jnp.float32),
        pltpu.VMEM((NTP,), jnp.float32),
        pltpu.VMEM((NTP,), jnp.float32),
        pltpu.VMEM((NCH, 128), jnp.float32),
    ],
    compiler_params=pltpu.CompilerParams(needs_layout_passes=False),
)
def _gat_scalar_sc(a_h, d_h, src_h, dst_h, ex_h, den_h,
                   src_v, dst_v, a_v, d_v, den_v, ex_v):
    cid = lax.axis_index("c")
    sid = lax.axis_index("s")
    wid = sid * 2 + cid

    pltpu.sync_copy(src_h.at[wid], src_v)
    pltpu.sync_copy(dst_h.at[wid], dst_v)
    pltpu.sync_copy(a_h.at[0], a_v)
    pltpu.sync_copy(d_h.at[0], d_v)

    def _zden(i, _):
        den_v[pl.ds(i * 16, 16)] = jnp.zeros((16,), jnp.float32)
        return 0
    lax.fori_loop(0, NTP // 16, _zden, 0)

    def _mx(i, carry):
        am, dm = carry
        am = jnp.maximum(am, a_v[pl.ds(i * 16, 16)])
        dm = jnp.maximum(dm, d_v[pl.ds(i * 16, 16)])
        return am, dm
    neg = jnp.full((16,), -3.0e38, jnp.float32)
    am, dm = lax.fori_loop(0, NTP // 16, _mx, (neg, neg))
    s = lax.reduce_max(am, (0,)) + lax.reduce_max(dm, (0,))
    m_shift = jnp.maximum(s, 0.2 * s)

    gbase = wid * EPW

    def _chunk(c, _):
        def _g16(g, _):
            s16 = src_v[c, pl.ds(g * 16, 16)]
            d16 = dst_v[c, pl.ds(g * 16, 16)]
            av = plsc.load_gather(a_v, [s16])
            dv = plsc.load_gather(d_v, [d16])
            sv = av + dv
            e = jnp.where(sv >= 0, sv, 0.2 * sv)
            ex = jnp.exp(e - m_shift)
            gidx = gbase + c * 128 + g * 16 + lax.iota(jnp.int32, 16)
            ex = jnp.where(gidx < EX, ex, 0.0)
            ex_v[c, pl.ds(g * 16, 16)] = ex
            plsc.addupdate_scatter(den_v, [d16], ex)
            return 0
        lax.fori_loop(0, 8, _g16, 0)
        return 0
    lax.fori_loop(0, NCH, _chunk, 0)

    pltpu.sync_copy(ex_v, ex_h.at[wid])
    pltpu.sync_copy(den_v, den_h.at[pl.ds(wid * NTP, NTP)])


_STRIPE = 640


@functools.partial(
    pl.kernel,
    out_type=jax.ShapeDtypeStruct((2, N, C), jnp.float32),
    mesh=_SC_MESH,
    scratch_types=[
        pltpu.VMEM((NCH, 128), jnp.int32),
        pltpu.VMEM((NCH, 128), jnp.int32),
        pltpu.VMEM((NCH, 128), jnp.float32),
        pltpu.VMEM((128, C), jnp.float32),
        pltpu.VMEM_SHARED((N, C), jnp.float32),
        pltpu.SemaphoreType.DMA,
    ],
    compiler_params=pltpu.CompilerParams(needs_layout_passes=False),
)
def _gat_rows_sc(h_h, src_h, dst_h, ex_h, num_h,
                 src_v, dst_v, ex_v, rows_v, numsp, sem):
    cid = lax.axis_index("c")
    sid = lax.axis_index("s")
    wid = sid * 2 + cid

    pltpu.sync_copy(src_h.at[wid], src_v)
    pltpu.sync_copy(dst_h.at[wid], dst_v)
    pltpu.sync_copy(ex_h.at[wid], ex_v)

    def _zrows(i, _):
        for j in range(C // 16):
            rows_v[i, pl.ds(j * 16, 16)] = jnp.zeros((16,), jnp.float32)
        return 0
    lax.fori_loop(0, 128, _zrows, 0)

    stripe = sid * _STRIPE
    for z in range(5):
        @pl.when(jnp.logical_or(sid < 15, z < 3))
        def _():
            pltpu.sync_copy(rows_v, numsp.at[pl.ds(stripe + z * 128, 128)])
    @pl.when(sid == 15)
    def _():
        pltpu.sync_copy(rows_v.at[pl.ds(0, 16)],
                        numsp.at[pl.ds(9984, 16)])
    plsc.subcore_barrier()

    def _chunk(c, _):
        pltpu.async_copy(h_h.at[src_v.at[c]], rows_v, sem).wait()

        def _scale(e, _):
            exb = plsc.load_gather(
                ex_v, [jnp.broadcast_to(c, (16,)).astype(jnp.int32),
                       jnp.broadcast_to(e, (16,)).astype(jnp.int32)])
            for j in range(C // 16):
                rows_v[e, pl.ds(j * 16, 16)] = (
                    rows_v[e, pl.ds(j * 16, 16)] * exb)
            return 0
        lax.fori_loop(0, 128, _scale, 0)

        pltpu.sync_copy(rows_v, numsp.at[dst_v.at[c]], add=True)
        return 0
    lax.fori_loop(0, NCH, _chunk, 0)

    plsc.subcore_barrier()

    @pl.when(sid < 15)
    def _():
        pltpu.sync_copy(numsp.at[pl.ds(stripe, _STRIPE)],
                        num_h.at[cid, pl.ds(stripe, _STRIPE)])

    @pl.when(sid == 15)
    def _():
        pltpu.sync_copy(numsp.at[pl.ds(15 * _STRIPE, 400)],
                        num_h.at[cid, pl.ds(15 * _STRIPE, 400)])


def _pre_body(x_ref, w_ref, as_ref, ad_ref, h_ref, a_ref, d_ref):
    h = jnp.dot(x_ref[...], w_ref[...].T,
                preferred_element_type=jnp.float32)
    h_ref[...] = h
    a_ref[...] = jnp.sum(h * as_ref[...], axis=1).reshape(1, NTP)
    d_ref[...] = jnp.sum(h * ad_ref[...], axis=1).reshape(1, NTP)


def _gat_pre(x, p):
    return pl.pallas_call(
        _pre_body,
        out_shape=(
            jax.ShapeDtypeStruct((NTP, C), jnp.float32),
            jax.ShapeDtypeStruct((1, NTP), jnp.float32),
            jax.ShapeDtypeStruct((1, NTP), jnp.float32),
        ),
    )(x, p["W"], p["as"].reshape(1, C), p["ad"].reshape(1, C))


def _post_body(num_ref, den_ref, b_ref, g_ref, bb_ref, r_ref, o_ref, *, act):
    num = num_ref[0] + num_ref[1]
    den = den_ref[...].reshape(NW, NTP).sum(axis=0)[:N].reshape(N, 1)
    x = num / (den + 1e-16) + b_ref[...]
    mu = jnp.mean(x, axis=0, keepdims=True)
    var = jnp.mean((x - mu) ** 2, axis=0, keepdims=True)
    y = g_ref[...] * (x - mu) / jnp.sqrt(var + 1e-5) + bb_ref[...]
    if act == "elu":
        y = jnp.where(y > 0, y, jnp.exp(jnp.minimum(y, 0.0)) - 1.0)
    else:
        y = jnp.maximum(y, 0.0)
    if r_ref is not None:
        y = jnp.maximum(y + r_ref[...][:N], 0.0)
    o_ref[...] = jnp.concatenate(
        [y, jnp.zeros((NTP - N, C), jnp.float32)], axis=0)


def _gat_post(num, den, p, bn, act, resid=None):
    args = [num, den, p["b"].reshape(1, C), bn["g"].reshape(1, C),
            bn["b"].reshape(1, C)]
    if resid is None:
        body = lambda n_, d_, b_, g_, bb_, o_: _post_body(
            n_, d_, b_, g_, bb_, None, o_, act=act)
    else:
        args.append(resid)
        body = lambda n_, d_, b_, g_, bb_, r_, o_: _post_body(
            n_, d_, b_, g_, bb_, r_, o_, act=act)
    return pl.pallas_call(
        body,
        out_shape=jax.ShapeDtypeStruct((NTP, C), jnp.float32),
    )(*args)


def _heads1_body(x_ref, pw_ref, pb_ref, pg_ref, pbb_ref, pfw_ref, pfb_ref,
                 vw_ref, vb_ref, vg_ref, vbb_ref, vfw_ref, vfb_ref,
                 pv_ref, vxf_ref):
    x = x_ref[...][:N]

    def bnrelu(y, g, bb):
        mu = jnp.mean(y, axis=0, keepdims=True)
        var = jnp.mean((y - mu) ** 2, axis=0, keepdims=True)
        return jnp.maximum(g * (y - mu) / jnp.sqrt(var + 1e-5) + bb, 0.0)

    px = bnrelu(jnp.dot(x, pw_ref[...].T, preferred_element_type=jnp.float32)
                + pb_ref[...], pg_ref[...], pbb_ref[...])
    pv = jnp.sum(px * pfw_ref[...], axis=1) + pfb_ref[0, 0]
    pv_ref[...] = jnp.concatenate(
        [pv, jnp.zeros((NTP - N,), jnp.float32)]).reshape(1, NTP)

    vx = bnrelu(jnp.dot(x, vw_ref[...].T, preferred_element_type=jnp.float32)
                + vb_ref[...], vg_ref[...], vbb_ref[...])
    vxf = jnp.dot(vx, vfw_ref[...].T, preferred_element_type=jnp.float32) \
        + vfb_ref[...]
    vxf_ref[...] = jnp.concatenate(
        [vxf, jnp.zeros((NTP - N, C), jnp.float32)], axis=0)


def _heads1(x, params):
    return pl.pallas_call(
        _heads1_body,
        out_shape=(
            jax.ShapeDtypeStruct((1, NTP), jnp.float32),
            jax.ShapeDtypeStruct((NTP, C), jnp.float32),
        ),
    )(x,
      params["p_lin"]["W"], params["p_lin"]["b"].reshape(1, C),
      params["p_bn"]["g"].reshape(1, C), params["p_bn"]["b"].reshape(1, C),
      params["p_final"]["W"].reshape(1, C),
      params["p_final"]["b"].reshape(1, 1),
      params["v_lin"]["W"], params["v_lin"]["b"].reshape(1, C),
      params["v_bn"]["g"].reshape(1, C), params["v_bn"]["b"].reshape(1, C),
      params["v_final"]["W"], params["v_final"]["b"].reshape(1, C))


def _heads2_body(pout_ref, g_ref, wq_ref, bq_ref, wk_ref, bk_ref,
                 wv_ref, bv_ref, wo_ref, bo_ref, vrw_ref, vrb_ref,
                 p_ref, v_ref):
    pout = pout_ref[...]
    rm = jnp.max(pout, axis=1, keepdims=True)
    z = pout - rm
    p_ref[...] = z - jnp.log(jnp.sum(jnp.exp(z), axis=1, keepdims=True))

    g = g_ref[...]
    qh = jnp.sum(wq_ref[...], axis=1).reshape(1, C) + bq_ref[...]
    kh = jnp.dot(g, wk_ref[...].T, preferred_element_type=jnp.float32) \
        + bk_ref[...]
    vh = jnp.dot(g, wv_ref[...].T, preferred_element_type=jnp.float32) \
        + bv_ref[...]

    jidx = lax.broadcasted_iota(jnp.int32, (C, H), 0)
    hidx = lax.broadcasted_iota(jnp.int32, (C, H), 1)
    msum = (jidx // DH == hidx).astype(jnp.float32)
    bidx = lax.broadcasted_iota(jnp.int32, (B, N), 0)
    iidx = lax.broadcasted_iota(jnp.int32, (B, N), 1)
    gsel = (iidx // NPG == bidx).astype(jnp.float32)

    scn = jnp.dot(kh * qh, msum, preferred_element_type=jnp.float32) \
        / np.sqrt(DH).astype(np.float32)
    gmax = jnp.max(scn)
    eu = jnp.exp(scn - gmax)
    denom = jnp.dot(gsel, eu, preferred_element_type=jnp.float32)
    denb = jnp.dot(gsel.T, denom, preferred_element_type=jnp.float32)
    at = eu / denb
    atex = jnp.dot(at, msum.T, preferred_element_type=jnp.float32)
    o = jnp.dot(gsel, atex * vh, preferred_element_type=jnp.float32)
    o = jnp.dot(o, wo_ref[...].T, preferred_element_type=jnp.float32) \
        + bo_ref[...]
    v_ref[...] = jnp.tanh(
        jnp.sum(o * vrw_ref[...], axis=1, keepdims=True) + vrb_ref[0, 0])


def _heads2(pout, gfeat, mha, v_read):
    return pl.pallas_call(
        _heads2_body,
        out_shape=(
            jax.ShapeDtypeStruct((B, A), jnp.float32),
            jax.ShapeDtypeStruct((B, 1), jnp.float32),
        ),
    )(pout, gfeat,
      mha["Wq"], mha["bq"].reshape(1, C),
      mha["Wk"], mha["bk"].reshape(1, C),
      mha["Wv"], mha["bv"].reshape(1, C),
      mha["Wo"], mha["bo"].reshape(1, C),
      v_read["W"].reshape(1, C), v_read["b"].reshape(1, 1))


def _gat_layer(x, edge_args, p):
    h, a, d = _gat_pre(x, p)
    src_w, dst_w = edge_args
    ex, den = _gat_scalar_sc(a, d, src_w, dst_w)
    num = _gat_rows_sc(h, src_w, dst_w, ex)
    return num, den


def kernel(edge_index, node_attr, batch, params):
    ar = jnp.arange(N, dtype=jnp.int32)
    pad = jnp.zeros((EP - EX,), jnp.int32)
    srcx = jnp.concatenate([edge_index[0].astype(jnp.int32), ar, pad])
    dstx = jnp.concatenate([edge_index[1].astype(jnp.int32), ar, pad])
    src_w = srcx.reshape(NW, NCH, 128)
    dst_w = dstx.reshape(NW, NCH, 128)
    edge_args = (src_w, dst_w)

    x = jnp.pad(node_attr, ((0, NTP - N), (0, 0)))

    num, den = _gat_layer(x, edge_args, params["gc0"])
    x = _gat_post(num, den, params["gc0"], params["bn0"], "elu")
    num, den = _gat_layer(x, edge_args, params["gc1"])
    x = _gat_post(num, den, params["gc1"], params["bn1"], "relu")
    r = x
    num, den = _gat_layer(x, edge_args, params["rb_gc1"])
    x = _gat_post(num, den, params["rb_gc1"], params["rb_bn1"], "elu")
    num, den = _gat_layer(x, edge_args, params["rb_gc2"])
    x = _gat_post(num, den, params["rb_gc2"], params["rb_bn2"], "relu",
                  resid=r)

    pv, vxf = _heads1(x, params)
    pout = jnp.pad(pv[0, :N].reshape(B, NPG), ((0, 0), (0, A - NPG)))
    p, v = _heads2(pout, vxf[:N], params["mha"], params["v_read"])
    return p, v

# --- scband reference (transcript-rebuilt; emitter-appended) ---
"""Pipeline reference for scband-graph-net-1-trunk-44684839747697 (READ-ONLY COPY).

The authoritative reference and input builder live on the scoring server;
editing this copy changes nothing except your own understanding.
"""

import jax, jax.numpy as jnp
import numpy as np

N = 10000; E = 320000; C = 128; B = 50; NPG = 200; A = 512; H = 4; DH = C // H


def _gat(x, src, dst, p):
    h = x @ p['W'].T
    a = (h * p['as']).sum(-1)
    d = (h * p['ad']).sum(-1)
    e = jax.nn.leaky_relu(a[src] + d[dst], 0.2)
    m = jax.ops.segment_max(e, dst, num_segments=N)
    ex = jnp.exp(e - m[dst])
    den = jax.ops.segment_sum(ex, dst, num_segments=N)
    alpha = ex / (den[dst] + 1e-16)
    out = jax.ops.segment_sum(alpha[:, None] * h[src], dst, num_segments=N)
    return out + p['b']


def _bn(x, p):
    mu = x.mean(0)
    var = x.var(0)
    return p['g'] * (x - mu) / jnp.sqrt(var + 1e-5) + p['b']


def _lin(x, p):
    return x @ p['W'].T + p['b']


def _forward(node_attr, params, edge_index, batch):
    ar = jnp.arange(N, dtype=edge_index.dtype)
    ei = jnp.concatenate([edge_index, jnp.stack([ar, ar])], axis=1)  # add_self_loops (PyG GATConv default)
    src, dst = ei[0], ei[1]
    # Trunk: GATConv -> BN -> ELU -> GATConv -> BN -> ReLU -> GATResBlock
    x = _gat(node_attr, src, dst, params['gc0'])
    x = jax.nn.elu(_bn(x, params['bn0']))
    x = _gat(x, src, dst, params['gc1'])
    x = jax.nn.relu(_bn(x, params['bn1']))
    r = x
    x = _gat(x, src, dst, params['rb_gc1'])
    x = jax.nn.elu(_bn(x, params['rb_bn1']))
    x = _gat(x, src, dst, params['rb_gc2'])
    x = jax.nn.relu(_bn(x, params['rb_bn2']))
    x = jax.nn.relu(x + r)
    # valid-node masking (all N nodes valid by construction; fixed-shape masked form)
    b = batch
    mask = b[:, -1].astype(x.dtype)
    # Policy head
    px = jax.nn.relu(_bn(_lin(x, params['p_lin']), params['p_bn']))
    pv = _lin(px, params['p_final'])[:, 0] * mask
    pout = jnp.zeros((B, A), jnp.float32).at[b[:, 0], b[:, 1]].add(pv)  # sparse_coo_tensor.to_dense sums duplicates
    p = jax.nn.log_softmax(pout, axis=1)
    # Value head: per-graph MHA readout with ones query (all graphs have NPG valid nodes)
    vx = jax.nn.relu(_bn(_lin(x, params['v_lin']), params['v_bn']))
    vx = _lin(vx, params['v_final']) * mask[:, None]
    g = vx.reshape(B, NPG, C)
    mha = params['mha']
    q = jnp.ones((C,), jnp.float32)
    qh = (q @ mha['Wq'].T + mha['bq']).reshape(H, DH)
    kh = (g @ mha['Wk'].T + mha['bk']).reshape(B, NPG, H, DH)
    vh = (g @ mha['Wv'].T + mha['bv']).reshape(B, NPG, H, DH)
    sc = jnp.einsum('hd,bnhd->bhn', qh, kh) / np.sqrt(DH).astype(np.float32)
    at = jax.nn.softmax(sc, axis=-1)
    o = jnp.einsum('bhn,bnhd->bhd', at, vh).reshape(B, C)
    o = o @ mha['Wo'].T + mha['bo']
    v = jnp.tanh(_lin(o, params['v_read']))
    return p, v


def setup_inputs(seed: int = 0):
    key = jax.random.key(seed)
    ks = jax.random.split(key, 4)
    node_attr = jax.random.normal(ks[0], (N, C), jnp.float32)
    edge_index = jax.random.randint(ks[1], (2, E), 0, N, dtype=jnp.int32)
    gid = jnp.repeat(jnp.arange(B, dtype=jnp.int32), NPG)
    aidx = jnp.tile(jnp.arange(NPG, dtype=jnp.int32), B)
    valid = jnp.ones((N,), jnp.int32)
    batch = jnp.stack([gid, aidx, valid], axis=1)
    kiter = iter(jax.random.split(ks[2], 32))
    def w(shape):
        return jax.random.normal(next(kiter), shape, jnp.float32) * 0.05
    def gatp():
        return {'W': w((C, C)), 'as': w((C,)), 'ad': w((C,)), 'b': jnp.zeros((C,), jnp.float32)}
    def bnp():
        return {'g': jnp.ones((C,), jnp.float32), 'b': jnp.zeros((C,), jnp.float32)}
    params = {
        'gc0': gatp(), 'bn0': bnp(), 'gc1': gatp(), 'bn1': bnp(),
        'rb_gc1': gatp(), 'rb_bn1': bnp(), 'rb_gc2': gatp(), 'rb_bn2': bnp(),
        'p_lin': {'W': w((C, C)), 'b': jnp.zeros((C,), jnp.float32)}, 'p_bn': bnp(),
        'p_final': {'W': w((1, C)), 'b': jnp.zeros((1,), jnp.float32)},
        'v_lin': {'W': w((C, C)), 'b': jnp.zeros((C,), jnp.float32)}, 'v_bn': bnp(),
        'v_final': {'W': w((C, C)), 'b': jnp.zeros((C,), jnp.float32)},
        'mha': {'Wq': w((C, C)), 'Wk': w((C, C)), 'Wv': w((C, C)),
                'bq': jnp.zeros((C,), jnp.float32), 'bk': jnp.zeros((C,), jnp.float32), 'bv': jnp.zeros((C,), jnp.float32),
                'Wo': w((C, C)), 'bo': jnp.zeros((C,), jnp.float32)},
        'v_read': {'W': w((1, C)), 'b': jnp.zeros((1,), jnp.float32)},
    }
    return {'edge_index': edge_index, 'node_attr': node_attr, 'batch': batch, 'params': params}


def reference(edge_index, node_attr, batch, params):
    return _forward(node_attr, params, edge_index, batch)

if __name__ == "__main__":
    import jax
    _d = setup_inputs()
    print(jax.jit(kernel)(*tuple(_d.values())))

</pallas_src>

<mosaic_0001>
#map = affine_map<(d0, d1) -> (0, 0)>
#map1 = affine_map<(d0, d1) -> (0, 0, 0)>
module attributes {stable_mosaic.version = 14 : i64} {
  func.func @_gat_rows_sc(%arg0: i32, %arg1: i32, %arg2: memref<10240x128xf32, #tpu.memory_space<hbm>>, %arg3: memref<32x81x128xi32, #tpu.memory_space<hbm>>, %arg4: memref<32x81x128xi32, #tpu.memory_space<hbm>>, %arg5: memref<32x81x128xf32, #tpu.memory_space<hbm>>, %arg6: memref<2x10000x128xf32, #tpu.memory_space<hbm>>, %arg7: memref<81x128xi32, #tpu.memory_space<vmem>>, %arg8: memref<81x128xi32, #tpu.memory_space<vmem>>, %arg9: memref<81x128xf32, #tpu.memory_space<vmem>>, %arg10: memref<128x128xf32, #tpu.memory_space<vmem>>, %arg11: memref<10000x128xf32, #tpu.memory_space<vmem_shared>>, %arg12: memref<!tpu.dma_semaphore, #tpu.memory_space<semaphore_mem>>) attributes {dimension_semantics = [#tpu.dimension_semantics<core_parallel>, #tpu.dimension_semantics<subcore_parallel>], iteration_bounds = array<i64: 2, 16>, scalar_prefetch = 0 : i64, scratch_operands = 6 : i64, tpu.core_type = #tpu.core_type<sc_vector_subcore>, window_params = [{transform_indices = #map}, {transform_indices = #map1}, {transform_indices = #map1}, {transform_indices = #map1}, {transform_indices = #map1}]} {
    %mul3A = arith.constant 2 : i32
    %mul3A_0 = arith.muli %arg1, %mul3A : i32
    %add3A = arith.addi %mul3A_0, %arg0 : i32
    "tpu.region"() ({
      %run_scoped3A = tpu.sem_alloc : memref<!tpu.dma_semaphore, #tpu.memory_space<semaphore_mem>>
      %dma_start3A = arith.constant 0 : i32
      %dma_start3A_62 = arith.constant 0 : i32
      %dma_start3A_63 = tpu.memref_slice %arg3[%add3A, %dma_start3A, %dma_start3A_62] : memref<32x81x128xi32, #tpu.memory_space<hbm>> -> memref<1x81x128xi32, #tpu.memory_space<hbm>>
      %dma_start3A_64 = tpu.memref_squeeze %dma_start3A_63 : memref<1x81x128xi32, #tpu.memory_space<hbm>> -> memref<81x128xi32, #tpu.memory_space<hbm>>
      %dma_start3A_65 = arith.constant 0 : i32
      %dma_start3A_66 = arith.constant 0 : i32
      %dma_start3A_67 = tpu.memref_slice %arg3[%add3A, %dma_start3A_65, %dma_start3A_66] : memref<32x81x128xi32, #tpu.memory_space<hbm>> -> memref<1x81x128xi32, #tpu.memory_space<hbm>>
      %dma_start3A_68 = tpu.memref_squeeze %dma_start3A_67 : memref<1x81x128xi32, #tpu.memory_space<hbm>> -> memref<81x128xi32, #tpu.memory_space<hbm>>
      tpu.enqueue_dma source(%dma_start3A_68 : memref<81x128xi32, #tpu.memory_space<hbm>>) target(%arg7 : memref<81x128xi32, #tpu.memory_space<vmem>>) target_semaphore(%run_scoped3A : memref<!tpu.dma_semaphore, #tpu.memory_space<semaphore_mem>>)
      %dma_wait3A = arith.constant 0 : i32
      %dma_wait3A_69 = arith.constant 0 : i32
      %dma_wait3A_70 = tpu.memref_slice %arg3[%add3A, %dma_wait3A, %dma_wait3A_69] : memref<32x81x128xi32, #tpu.memory_space<hbm>> -> memref<1x81x128xi32, #tpu.memory_space<hbm>>
      %dma_wait3A_71 = tpu.memref_squeeze %dma_wait3A_70 : memref<1x81x128xi32, #tpu.memory_space<hbm>> -> memref<81x128xi32, #tpu.memory_space<hbm>>
      %dma_wait3A_72 = arith.constant 0 : i32
      %dma_wait3A_73 = arith.constant 0 : i32
      %dma_wait3A_74 = tpu.memref_slice %arg3[%add3A, %dma_wait3A_72, %dma_wait3A_73] : memref<32x81x128xi32, #tpu.memory_space<hbm>> -> memref<1x81x128xi32, #tpu.memory_space<hbm>>
      %dma_wait3A_75 = tpu.memref_squeeze %dma_wait3A_74 : memref<1x81x128xi32, #tpu.memory_space<hbm>> -> memref<81x128xi32, #tpu.memory_space<hbm>>
      tpu.wait_dma2 semaphore(%run_scoped3A : memref<!tpu.dma_semaphore, #tpu.memory_space<semaphore_mem>>) src(%dma_wait3A_75 : memref<81x128xi32, #tpu.memory_space<hbm>>) dst(%arg7 : memref<81x128xi32, #tpu.memory_space<vmem>>)
      tpu.yield
    }) : () -> ()
    "tpu.region"() ({
      %run_scoped3A = tpu.sem_alloc : memref<!tpu.dma_semaphore, #tpu.memory_space<semaphore_mem>>
      %dma_start3A = arith.constant 0 : i32
      %dma_start3A_62 = arith.constant 0 : i32
      %dma_start3A_63 = tpu.memref_slice %arg4[%add3A, %dma_start3A, %dma_start3A_62] : memref<32x81x128xi32, #tpu.memory_space<hbm>> -> memref<1x81x128xi32, #tpu.memory_space<hbm>>
      %dma_start3A_64 = tpu.memref_squeeze %dma_start3A_63 : memref<1x81x128xi32, #tpu.memory_space<hbm>> -> memref<81x128xi32, #tpu.memory_space<hbm>>
      %dma_start3A_65 = arith.constant 0 : i32
      %dma_start3A_66 = arith.constant 0 : i32
      %dma_start3A_67 = tpu.memref_slice %arg4[%add3A, %dma_start3A_65, %dma_start3A_66] : memref<32x81x128xi32, #tpu.memory_space<hbm>> -> memref<1x81x128xi32, #tpu.memory_space<hbm>>
      %dma_start3A_68 = tpu.memref_squeeze %dma_start3A_67 : memref<1x81x128xi32, #tpu.memory_space<hbm>> -> memref<81x128xi32, #tpu.memory_space<hbm>>
      tpu.enqueue_dma source(%dma_start3A_68 : memref<81x128xi32, #tpu.memory_space<hbm>>) target(%arg8 : memref<81x128xi32, #tpu.memory_space<vmem>>) target_semaphore(%run_scoped3A : memref<!tpu.dma_semaphore, #tpu.memory_space<semaphore_mem>>)
      %dma_wait3A = arith.constant 0 : i32
      %dma_wait3A_69 = arith.constant 0 : i32
      %dma_wait3A_70 = tpu.memref_slice %arg4[%add3A, %dma_wait3A, %dma_wait3A_69] : memref<32x81x128xi32, #tpu.memory_space<hbm>> -> memref<1x81x128xi32, #tpu.memory_space<hbm>>
      %dma_wait3A_71 = tpu.memref_squeeze %dma_wait3A_70 : memref<1x81x128xi32, #tpu.memory_space<hbm>> -> memref<81x128xi32, #tpu.memory_space<hbm>>
      %dma_wait3A_72 = arith.constant 0 : i32
      %dma_wait3A_73 = arith.constant 0 : i32
      %dma_wait3A_74 = tpu.memref_slice %arg4[%add3A, %dma_wait3A_72, %dma_wait3A_73] : memref<32x81x128xi32, #tpu.memory_space<hbm>> -> memref<1x81x128xi32, #tpu.memory_space<hbm>>
      %dma_wait3A_75 = tpu.memref_squeeze %dma_wait3A_74 : memref<1x81x128xi32, #tpu.memory_space<hbm>> -> memref<81x128xi32, #tpu.memory_space<hbm>>
      tpu.wait_dma2 semaphore(%run_scoped3A : memref<!tpu.dma_semaphore, #tpu.memory_space<semaphore_mem>>) src(%dma_wait3A_75 : memref<81x128xi32, #tpu.memory_space<hbm>>) dst(%arg8 : memref<81x128xi32, #tpu.memory_space<vmem>>)
      tpu.yield
    }) : () -> ()
    "tpu.region"() ({
      %run_scoped3A = tpu.sem_alloc : memref<!tpu.dma_semaphore, #tpu.memory_space<semaphore_mem>>
      %dma_start3A = arith.constant 0 : i32
      %dma_start3A_62 = arith.constant 0 : i32
      %dma_start3A_63 = tpu.memref_slice %arg5[%add3A, %dma_start3A, %dma_start3A_62] : memref<32x81x128xf32, #tpu.memory_space<hbm>> -> memref<1x81x128xf32, #tpu.memory_space<hbm>>
      %dma_start3A_64 = tpu.memref_squeeze %dma_start3A_63 : memref<1x81x128xf32, #tpu.memory_space<hbm>> -> memref<81x128xf32, #tpu.memory_space<hbm>>
      %dma_start3A_65 = arith.constant 0 : i32
      %dma_start3A_66 = arith.constant 0 : i32
      %dma_start3A_67 = tpu.memref_slice %arg5[%add3A, %dma_start3A_65, %dma_start3A_66] : memref<32x81x128xf32, #tpu.memory_space<hbm>> -> memref<1x81x128xf32, #tpu.memory_space<hbm>>
      %dma_start3A_68 = tpu.memref_squeeze %dma_start3A_67 : memref<1x81x128xf32, #tpu.memory_space<hbm>> -> memref<81x128xf32, #tpu.memory_space<hbm>>
      tpu.enqueue_dma source(%dma_start3A_68 : memref<81x128xf32, #tpu.memory_space<hbm>>) target(%arg9 : memref<81x128xf32, #tpu.memory_space<vmem>>) target_semaphore(%run_scoped3A : memref<!tpu.dma_semaphore, #tpu.memory_space<semaphore_mem>>)
      %dma_wait3A = arith.constant 0 : i32
      %dma_wait3A_69 = arith.constant 0 : i32
      %dma_wait3A_70 = tpu.memref_slice %arg5[%add3A, %dma_wait3A, %dma_wait3A_69] : memref<32x81x128xf32, #tpu.memory_space<hbm>> -> memref<1x81x128xf32, #tpu.memory_space<hbm>>
      %dma_wait3A_71 = tpu.memref_squeeze %dma_wait3A_70 : memref<1x81x128xf32, #tpu.memory_space<hbm>> -> memref<81x128xf32, #tpu.memory_space<hbm>>
      %dma_wait3A_72 = arith.constant 0 : i32
      %dma_wait3A_73 = arith.constant 0 : i32
      %dma_wait3A_74 = tpu.memref_slice %arg5[%add3A, %dma_wait3A_72, %dma_wait3A_73] : memref<32x81x128xf32, #tpu.memory_space<hbm>> -> memref<1x81x128xf32, #tpu.memory_space<hbm>>
      %dma_wait3A_75 = tpu.memref_squeeze %dma_wait3A_74 : memref<1x81x128xf32, #tpu.memory_space<hbm>> -> memref<81x128xf32, #tpu.memory_space<hbm>>
      tpu.wait_dma2 semaphore(%run_scoped3A : memref<!tpu.dma_semaphore, #tpu.memory_space<semaphore_mem>>) src(%dma_wait3A_75 : memref<81x128xf32, #tpu.memory_space<hbm>>) dst(%arg9 : memref<81x128xf32, #tpu.memory_space<vmem>>)
      tpu.yield
    }) : () -> ()
    %scan3A = arith.constant 0 : i32
    %scan3A_1 = arith.constant 0 : i32
    %scan3A_2 = arith.constant 128 : i32
    %scan3A_3 = arith.addi %scan3A_1, %scan3A_2 : i32
    %scan3A_4 = arith.constant 1 : i32
    %scan3A_5 = scf.for %scan3A_62 = %scan3A_1 to %scan3A_3 step %scan3A_4 iter_args(%scan3A_63 = %scan3A) -> (i32)  : i32 {
      %broadcast_in_dim3A = arith.constant 0.000000e+00 : f32
      %broadcast_in_dim3A_64 = vector.broadcast %broadcast_in_dim3A : f32 to vector<16xf32>
      %swap3A = arith.index_cast %scan3A_62 : i32 to index
      %swap3A_65 = arith.constant 0 : index
      %swap3A_66 = tpu.vector_load %arg10[%swap3A, %swap3A_65] {strides = array<i32>} : memref<128x128xf32, #tpu.memory_space<vmem>>, vector<16xf32>,
      tpu.vector_store %arg10[%swap3A, %swap3A_65], %broadcast_in_dim3A_64 {strides = array<i32>} : memref<128x128xf32, #tpu.memory_space<vmem>>, vector<16xf32>,
      %broadcast_in_dim3A_67 = arith.constant 0.000000e+00 : f32
      %broadcast_in_dim3A_68 = vector.broadcast %broadcast_in_dim3A_67 : f32 to vector<16xf32>
      %swap3A_69 = arith.index_cast %scan3A_62 : i32 to index
      %swap3A_70 = arith.constant 16 : index
      %swap3A_71 = tpu.vector_load %arg10[%swap3A_69, %swap3A_70] {strides = array<i32>} : memref<128x128xf32, #tpu.memory_space<vmem>>, vector<16xf32>,
      tpu.vector_store %arg10[%swap3A_69, %swap3A_70], %broadcast_in_dim3A_68 {strides = array<i32>} : memref<128x128xf32, #tpu.memory_space<vmem>>, vector<16xf32>,
      %broadcast_in_dim3A_72 = arith.constant 0.000000e+00 : f32
      %broadcast_in_dim3A_73 = vector.broadcast %broadcast_in_dim3A_72 : f32 to vector<16xf32>
      %swap3A_74 = arith.index_cast %scan3A_62 : i32 to index
      %swap3A_75 = arith.constant 32 : index
      %swap3A_76 = tpu.vector_load %arg10[%swap3A_74, %swap3A_75] {strides = array<i32>} : memref<128x128xf32, #tpu.memory_space<vmem>>, vector<16xf32>,
      tpu.vector_store %arg10[%swap3A_74, %swap3A_75], %broadcast_in_dim3A_73 {strides = array<i32>} : memref<128x128xf32, #tpu.memory_space<vmem>>, vector<16xf32>,
      %broadcast_in_dim3A_77 = arith.constant 0.000000e+00 : f32
      %broadcast_in_dim3A_78 = vector.broadcast %broadcast_in_dim3A_77 : f32 to vector<16xf32>
      %swap3A_79 = arith.index_cast %scan3A_62 : i32 to index
      %swap3A_80 = arith.constant 48 : index
      %swap3A_81 = tpu.vector_load %arg10[%swap3A_79, %swap3A_80] {strides = array<i32>} : memref<128x128xf32, #tpu.memory_space<vmem>>, vector<16xf32>,
      tpu.vector_store %arg10[%swap3A_79, %swap3A_80], %broadcast_in_dim3A_78 {strides = array<i32>} : memref<128x128xf32, #tpu.memory_space<vmem>>, vector<16xf32>,
      %broadcast_in_dim3A_82 = arith.constant 0.000000e+00 : f32
      %broadcast_in_dim3A_83 = vector.broadcast %broadcast_in_dim3A_82 : f32 to vector<16xf32>
      %swap3A_84 = arith.index_cast %scan3A_62 : i32 to index
      %swap3A_85 = arith.constant 64 : index
      %swap3A_86 = tpu.vector_load %arg10[%swap3A_84, %swap3A_85] {strides = array<i32>} : memref<128x128xf32, #tpu.memory_space<vmem>>, vector<16xf32>,
      tpu.vector_store %arg10[%swap3A_84, %swap3A_85], %broadcast_in_dim3A_83 {strides = array<i32>} : memref<128x128xf32, #tpu.memory_space<vmem>>, vector<16xf32>,
      %broadcast_in_dim3A_87 = arith.constant 0.000000e+00 : f32
      %broadcast_in_dim3A_88 = vector.broadcast %broadcast_in_dim3A_87 : f32 to vector<16xf32>
      %swap3A_89 = arith.index_cast %scan3A_62 : i32 to index
      %swap3A_90 = arith.constant 80 : index
      %swap3A_91 = tpu.vector_load %arg10[%swap3A_89, %swap3A_90] {strides = array<i32>} : memref<128x128xf32, #tpu.memory_space<vmem>>, vector<16xf32>,
      tpu.vector_store %arg10[%swap3A_89, %swap3A_90], %broadcast_in_dim3A_88 {strides = array<i32>} : memref<128x128xf32, #tpu.memory_space<vmem>>, vector<16xf32>,
      %broadcast_in_dim3A_92 = arith.constant 0.000000e+00 : f32
      %broadcast_in_dim3A_93 = vector.broadcast %broadcast_in_dim3A_92 : f32 to vector<16xf32>
      %swap3A_94 = arith.index_cast %scan3A_62 : i32 to index
      %swap3A_95 = arith.constant 96 : index
      %swap3A_96 = tpu.vector_load %arg10[%swap3A_94, %swap3A_95] {strides = array<i32>} : memref<128x128xf32, #tpu.memory_space<vmem>>, vector<16xf32>,
      tpu.vector_store %arg10[%swap3A_94, %swap3A_95], %broadcast_in_dim3A_93 {strides = array<i32>} : memref<128x128xf32, #tpu.memory_space<vmem>>, vector<16xf32>,
      %broadcast_in_dim3A_97 = arith.constant 0.000000e+00 : f32
      %broadcast_in_dim3A_98 = vector.broadcast %broadcast_in_dim3A_97 : f32 to vector<16xf32>
      %swap3A_99 = arith.index_cast %scan3A_62 : i32 to index
      %swap3A_100 = arith.constant 112 : index
      %swap3A_101 = tpu.vector_load %arg10[%swap3A_99, %swap3A_100] {strides = array<i32>} : memref<128x128xf32, #tpu.memory_space<vmem>>, vector<16xf32>,
      tpu.vector_store %arg10[%swap3A_99, %swap3A_100], %broadcast_in_dim3A_98 {strides = array<i32>} : memref<128x128xf32, #tpu.memory_space<vmem>>, vector<16xf32>,
      %scan3A_102 = arith.constant 0 : i32
      scf.yield %scan3A_102 : i32
    }
    %scan3A_6 = arith.constant 128 : i32
    %mul3A_7 = arith.constant 640 : i32
    %mul3A_8 = arith.muli %arg1, %mul3A_7 : i32
    %lt3A = arith.constant 15 : i32
    %lt3A_9 = arith.cmpi slt, %arg1, %lt3A : i32
    %or3A = arith.constant true
    %or3A_10 = arith.ori %lt3A_9, %or3A : i1
    %convert_element_type3A = arith.extui %or3A_10 : i1 to i32
    %cond3A = arith.constant 0 : i32
    %cond3A_11 = arith.cmpi ne, %convert_element_type3A, %cond3A : i32
    scf.if %cond3A_11 {
      %add3A_62 = arith.constant 0 : i32
      %add3A_63 = arith.addi %mul3A_8, %add3A_62 : i32
      "tpu.region"() ({
        %run_scoped3A = tpu.sem_alloc : memref<!tpu.dma_semaphore, #tpu.memory_space<semaphore_mem>>
        %dma_start3A = arith.constant 0 : i32
        %dma_start3A_64 = tpu.memref_slice %arg11[%add3A_63, %dma_start3A] : memref<10000x128xf32, #tpu.memory_space<vmem_shared>> -> memref<128x128xf32, #tpu.memory_space<vmem_shared>>
        %dma_start3A_65 = arith.constant 0 : i32
        %dma_start3A_66 = tpu.memref_slice %arg11[%add3A_63, %dma_start3A_65] : memref<10000x128xf32, #tpu.memory_space<vmem_shared>> -> memref<128x128xf32, #tpu.memory_space<vmem_shared>>
        tpu.enqueue_dma source(%arg10 : memref<128x128xf32, #tpu.memory_space<vmem>>) target(%dma_start3A_66 : memref<128x128xf32, #tpu.memory_space<vmem_shared>>) target_semaphore(%run_scoped3A : memref<!tpu.dma_semaphore, #tpu.memory_space<semaphore_mem>>)
        %dma_wait3A = arith.constant 0 : i32
        %dma_wait3A_67 = tpu.memref_slice %arg11[%add3A_63, %dma_wait3A] : memref<10000x128xf32, #tpu.memory_space<vmem_shared>> -> memref<128x128xf32, #tpu.memory_space<vmem_shared>>
        %dma_wait3A_68 = arith.constant 0 : i32
        %dma_wait3A_69 = tpu.memref_slice %arg11[%add3A_63, %dma_wait3A_68] : memref<10000x128xf32, #tpu.memory_space<vmem_shared>> -> memref<128x128xf32, #tpu.memory_space<vmem_shared>>
        tpu.wait_dma2 semaphore(%run_scoped3A : memref<!tpu.dma_semaphore, #tpu.memory_space<semaphore_mem>>) src(%arg10 : memref<128x128xf32, #tpu.memory_space<vmem>>) dst(%dma_wait3A_69 : memref<128x128xf32, #tpu.memory_space<vmem_shared>>)
        tpu.yield
      }) : () -> ()
    } else {
    }
    %lt3A_12 = arith.constant 15 : i32
    %lt3A_13 = arith.cmpi slt, %arg1, %lt3A_12 : i32
    %or3A_14 = arith.constant true
    %or3A_15 = arith.ori %lt3A_13, %or3A_14 : i1
    %convert_element_type3A_16 = arith.extui %or3A_15 : i1 to i32
    %cond3A_17 = arith.constant 0 : i32
    %cond3A_18 = arith.cmpi ne, %convert_element_type3A_16, %cond3A_17 : i32
    scf.if %cond3A_18 {
      %add3A_62 = arith.constant 128 : i32
      %add3A_63 = arith.addi %mul3A_8, %add3A_62 : i32
      "tpu.region"() ({
        %run_scoped3A = tpu.sem_alloc : memref<!tpu.dma_semaphore, #tpu.memory_space<semaphore_mem>>
        %dma_start3A = arith.constant 0 : i32
        %dma_start3A_64 = tpu.memref_slice %arg11[%add3A_63, %dma_start3A] : memref<10000x128xf32, #tpu.memory_space<vmem_shared>> -> memref<128x128xf32, #tpu.memory_space<vmem_shared>>
        %dma_start3A_65 = arith.constant 0 : i32
        %dma_start3A_66 = tpu.memref_slice %arg11[%add3A_63, %dma_start3A_65] : memref<10000x128xf32, #tpu.memory_space<vmem_shared>> -> memref<128x128xf32, #tpu.memory_space<vmem_shared>>
        tpu.enqueue_dma source(%arg10 : memref<128x128xf32, #tpu.memory_space<vmem>>) target(%dma_start3A_66 : memref<128x128xf32, #tpu.memory_space<vmem_shared>>) target_semaphore(%run_scoped3A : memref<!tpu.dma_semaphore, #tpu.memory_space<semaphore_mem>>)
        %dma_wait3A = arith.constant 0 : i32
        %dma_wait3A_67 = tpu.memref_slice %arg11[%add3A_63, %dma_wait3A] : memref<10000x128xf32, #tpu.memory_space<vmem_shared>> -> memref<128x128xf32, #tpu.memory_space<vmem_shared>>
        %dma_wait3A_68 = arith.constant 0 : i32
        %dma_wait3A_69 = tpu.memref_slice %arg11[%add3A_63, %dma_wait3A_68] : memref<10000x128xf32, #tpu.memory_space<vmem_shared>> -> memref<128x128xf32, #tpu.memory_space<vmem_shared>>
        tpu.wait_dma2 semaphore(%run_scoped3A : memref<!tpu.dma_semaphore, #tpu.memory_space<semaphore_mem>>) src(%arg10 : memref<128x128xf32, #tpu.memory_space<vmem>>) dst(%dma_wait3A_69 : memref<128x128xf32, #tpu.memory_space<vmem_shared>>)
        tpu.yield
      }) : () -> ()
    } else {
    }
    %lt3A_19 = arith.constant 15 : i32
    %lt3A_20 = arith.cmpi slt, %arg1, %lt3A_19 : i32
    %or3A_21 = arith.constant true
    %or3A_22 = arith.ori %lt3A_20, %or3A_21 : i1
    %convert_element_type3A_23 = arith.extui %or3A_22 : i1 to i32
    %cond3A_24 = arith.constant 0 : i32
    %cond3A_25 = arith.cmpi ne, %convert_element_type3A_23, %cond3A_24 : i32
    scf.if %cond3A_25 {
      %add3A_62 = arith.constant 256 : i32
      %add3A_63 = arith.addi %mul3A_8, %add3A_62 : i32
      "tpu.region"() ({
        %run_scoped3A = tpu.sem_alloc : memref<!tpu.dma_semaphore, #tpu.memory_space<semaphore_mem>>
        %dma_start3A = arith.constant 0 : i32
        %dma_start3A_64 = tpu.memref_slice %arg11[%add3A_63, %dma_start3A] : memref<10000x128xf32, #tpu.memory_space<vmem_shared>> -> memref<128x128xf32, #tpu.memory_space<vmem_shared>>
        %dma_start3A_65 = arith.constant 0 : i32
        %dma_start3A_66 = tpu.memref_slice %arg11[%add3A_63, %dma_start3A_65] : memref<10000x128xf32, #tpu.memory_space<vmem_shared>> -> memref<128x128xf32, #tpu.memory_space<vmem_shared>>
        tpu.enqueue_dma source(%arg10 : memref<128x128xf32, #tpu.memory_space<vmem>>) target(%dma_start3A_66 : memref<128x128xf32, #tpu.memory_space<vmem_shared>>) target_semaphore(%run_scoped3A : memref<!tpu.dma_semaphore, #tpu.memory_space<semaphore_mem>>)
        %dma_wait3A = arith.constant 0 : i32
        %dma_wait3A_67 = tpu.memref_slice %arg11[%add3A_63, %dma_wait3A] : memref<10000x128xf32, #tpu.memory_space<vmem_shared>> -> memref<128x128xf32, #tpu.memory_space<vmem_shared>>
        %dma_wait3A_68 = arith.constant 0 : i32
        %dma_wait3A_69 = tpu.memref_slice %arg11[%add3A_63, %dma_wait3A_68] : memref<10000x128xf32, #tpu.memory_space<vmem_shared>> -> memref<128x128xf32, #tpu.memory_space<vmem_shared>>
        tpu.wait_dma2 semaphore(%run_scoped3A : memref<!tpu.dma_semaphore, #tpu.memory_space<semaphore_mem>>) src(%arg10 : memref<128x128xf32, #tpu.memory_space<vmem>>) dst(%dma_wait3A_69 : memref<128x128xf32, #tpu.memory_space<vmem_shared>>)
        tpu.yield
      }) : () -> ()
    } else {
    }
    %lt3A_26 = arith.constant 15 : i32
    %lt3A_27 = arith.cmpi slt, %arg1, %lt3A_26 : i32
    %or3A_28 = arith.constant false
    %or3A_29 = arith.ori %lt3A_27, %or3A_28 : i1
    %convert_element_type3A_30 = arith.extui %or3A_29 : i1 to i32
    %cond3A_31 = arith.constant 0 : i32
    %cond3A_32 = arith.cmpi ne, %convert_element_type3A_30, %cond3A_31 : i32
    scf.if %cond3A_32 {
      %add3A_62 = arith.constant 384 : i32
      %add3A_63 = arith.addi %mul3A_8, %add3A_62 : i32
      "tpu.region"() ({
        %run_scoped3A = tpu.sem_alloc : memref<!tpu.dma_semaphore, #tpu.memory_space<semaphore_mem>>
        %dma_start3A = arith.constant 0 : i32
        %dma_start3A_64 = tpu.memref_slice %arg11[%add3A_63, %dma_start3A] : memref<10000x128xf32, #tpu.memory_space<vmem_shared>> -> memref<128x128xf32, #tpu.memory_space<vmem_shared>>
        %dma_start3A_65 = arith.constant 0 : i32
        %dma_start3A_66 = tpu.memref_slice %arg11[%add3A_63, %dma_start3A_65] : memref<10000x128xf32, #tpu.memory_space<vmem_shared>> -> memref<128x128xf32, #tpu.memory_space<vmem_shared>>
        tpu.enqueue_dma source(%arg10 : memref<128x128xf32, #tpu.memory_space<vmem>>) target(%dma_start3A_66 : memref<128x128xf32, #tpu.memory_space<vmem_shared>>) target_semaphore(%run_scoped3A : memref<!tpu.dma_semaphore, #tpu.memory_space<semaphore_mem>>)
        %dma_wait3A = arith.constant 0 : i32
        %dma_wait3A_67 = tpu.memref_slice %arg11[%add3A_63, %dma_wait3A] : memref<10000x128xf32, #tpu.memory_space<vmem_shared>> -> memref<128x128xf32, #tpu.memory_space<vmem_shared>>
        %dma_wait3A_68 = arith.constant 0 : i32
        %dma_wait3A_69 = tpu.memref_slice %arg11[%add3A_63, %dma_wait3A_68] : memref<10000x128xf32, #tpu.memory_space<vmem_shared>> -> memref<128x128xf32, #tpu.memory_space<vmem_shared>>
        tpu.wait_dma2 semaphore(%run_scoped3A : memref<!tpu.dma_semaphore, #tpu.memory_space<semaphore_mem>>) src(%arg10 : memref<128x128xf32, #tpu.memory_space<vmem>>) dst(%dma_wait3A_69 : memref<128x128xf32, #tpu.memory_space<vmem_shared>>)
        tpu.yield
      }) : () -> ()
    } else {
    }
    %lt3A_33 = arith.constant 15 : i32
    %lt3A_34 = arith.cmpi slt, %arg1, %lt3A_33 : i32
    %or3A_35 = arith.constant false
    %or3A_36 = arith.ori %lt3A_34, %or3A_35 : i1
    %convert_element_type3A_37 = arith.extui %or3A_36 : i1 to i32
    %cond3A_38 = arith.constant 0 : i32
    %cond3A_39 = arith.cmpi ne, %convert_element_type3A_37, %cond3A_38 : i32
    scf.if %cond3A_39 {
      %add3A_62 = arith.constant 512 : i32
      %add3A_63 = arith.addi %mul3A_8, %add3A_62 : i32
      "tpu.region"() ({
        %run_scoped3A = tpu.sem_alloc : memref<!tpu.dma_semaphore, #tpu.memory_space<semaphore_mem>>
        %dma_start3A = arith.constant 0 : i32
        %dma_start3A_64 = tpu.memref_slice %arg11[%add3A_63, %dma_start3A] : memref<10000x128xf32, #tpu.memory_space<vmem_shared>> -> memref<128x128xf32, #tpu.memory_space<vmem_shared>>
        %dma_start3A_65 = arith.constant 0 : i32
        %dma_start3A_66 = tpu.memref_slice %arg11[%add3A_63, %dma_start3A_65] : memref<10000x128xf32, #tpu.memory_space<vmem_shared>> -> memref<128x128xf32, #tpu.memory_space<vmem_shared>>
        tpu.enqueue_dma source(%arg10 : memref<128x128xf32, #tpu.memory_space<vmem>>) target(%dma_start3A_66 : memref<128x128xf32, #tpu.memory_space<vmem_shared>>) target_semaphore(%run_scoped3A : memref<!tpu.dma_semaphore, #tpu.memory_space<semaphore_mem>>)
        %dma_wait3A = arith.constant 0 : i32
        %dma_wait3A_67 = tpu.memref_slice %arg11[%add3A_63, %dma_wait3A] : memref<10000x128xf32, #tpu.memory_space<vmem_shared>> -> memref<128x128xf32, #tpu.memory_space<vmem_shared>>
        %dma_wait3A_68 = arith.constant 0 : i32
        %dma_wait3A_69 = tpu.memref_slice %arg11[%add3A_63, %dma_wait3A_68] : memref<10000x128xf32, #tpu.memory_space<vmem_shared>> -> memref<128x128xf32, #tpu.memory_space<vmem_shared>>
        tpu.wait_dma2 semaphore(%run_scoped3A : memref<!tpu.dma_semaphore, #tpu.memory_space<semaphore_mem>>) src(%arg10 : memref<128x128xf32, #tpu.memory_space<vmem>>) dst(%dma_wait3A_69 : memref<128x128xf32, #tpu.memory_space<vmem_shared>>)
        tpu.yield
      }) : () -> ()
    } else {
    }
    %eq3A = arith.constant 15 : i32
    %eq3A_40 = arith.cmpi eq, %arg1, %eq3A : i32
    %convert_element_type3A_41 = arith.extui %eq3A_40 : i1 to i32
    %cond3A_42 = arith.constant 0 : i32
    %cond3A_43 = arith.cmpi ne, %convert_element_type3A_41, %cond3A_42 : i32
    scf.if %cond3A_43 {
      "tpu.region"() ({
        %run_scoped3A = tpu.sem_alloc : memref<!tpu.dma_semaphore, #tpu.memory_space<semaphore_mem>>
        %dma_start3A = arith.constant 0 : i32
        %dma_start3A_62 = arith.constant 0 : i32
        %dma_start3A_63 = tpu.memref_slice %arg10[%dma_start3A, %dma_start3A_62] : memref<128x128xf32, #tpu.memory_space<vmem>> -> memref<16x128xf32, #tpu.memory_space<vmem>>
        %dma_start3A_64 = arith.constant 9984 : i32
        %dma_start3A_65 = arith.constant 0 : i32
        %dma_start3A_66 = tpu.memref_slice %arg11[%dma_start3A_64, %dma_start3A_65] : memref<10000x128xf32, #tpu.memory_space<vmem_shared>> -> memref<16x128xf32, #tpu.memory_space<vmem_shared>>
        %dma_start3A_67 = arith.constant 9984 : i32
        %dma_start3A_68 = arith.constant 0 : i32
        %dma_start3A_69 = tpu.memref_slice %arg11[%dma_start3A_67, %dma_start3A_68] : memref<10000x128xf32, #tpu.memory_space<vmem_shared>> -> memref<16x128xf32, #tpu.memory_space<vmem_shared>>
        %dma_start3A_70 = arith.constant 0 : i32
        %dma_start3A_71 = arith.constant 0 : i32
        %dma_start3A_72 = tpu.memref_slice %arg10[%dma_start3A_70, %dma_start3A_71] : memref<128x128xf32, #tpu.memory_space<vmem>> -> memref<16x128xf32, #tpu.memory_space<vmem>>
        tpu.enqueue_dma source(%dma_start3A_72 : memref<16x128xf32, #tpu.memory_space<vmem>>) target(%dma_start3A_69 : memref<16x128xf32, #tpu.memory_space<vmem_shared>>) target_semaphore(%run_scoped3A : memref<!tpu.dma_semaphore, #tpu.memory_space<semaphore_mem>>)
        %dma_wait3A = arith.constant 0 : i32
        %dma_wait3A_73 = arith.constant 0 : i32
        %dma_wait3A_74 = tpu.memref_slice %arg10[%dma_wait3A, %dma_wait3A_73] : memref<128x128xf32, #tpu.memory_space<vmem>> -> memref<16x128xf32, #tpu.memory_space<vmem>>
        %dma_wait3A_75 = arith.constant 9984 : i32
        %dma_wait3A_76 = arith.constant 0 : i32
        %dma_wait3A_77 = tpu.memref_slice %arg11[%dma_wait3A_75, %dma_wait3A_76] : memref<10000x128xf32, #tpu.memory_space<vmem_shared>> -> memref<16x128xf32, #tpu.memory_space<vmem_shared>>
        %dma_wait3A_78 = arith.constant 9984 : i32
        %dma_wait3A_79 = arith.constant 0 : i32
        %dma_wait3A_80 = tpu.memref_slice %arg11[%dma_wait3A_78, %dma_wait3A_79] : memref<10000x128xf32, #tpu.memory_space<vmem_shared>> -> memref<16x128xf32, #tpu.memory_space<vmem_shared>>
        %dma_wait3A_81 = arith.constant 0 : i32
        %dma_wait3A_82 = arith.constant 0 : i32
        %dma_wait3A_83 = tpu.memref_slice %arg10[%dma_wait3A_81, %dma_wait3A_82] : memref<128x128xf32, #tpu.memory_space<vmem>> -> memref<16x128xf32, #tpu.memory_space<vmem>>
        tpu.wait_dma2 semaphore(%run_scoped3A : memref<!tpu.dma_semaphore, #tpu.memory_space<semaphore_mem>>) src(%dma_wait3A_83 : memref<16x128xf32, #tpu.memory_space<vmem>>) dst(%dma_wait3A_80 : memref<16x128xf32, #tpu.memory_space<vmem_shared>>)
        tpu.yield
      }) : () -> ()
    } else {
    }
    %barrier3A = arith.constant 0 : index
    tpu.barrier barrier_id(%barrier3A)
    %scan3A_44 = arith.constant 0 : i32
    %scan3A_45 = arith.constant 0 : i32
    %scan3A_46 = arith.constant 81 : i32
    %scan3A_47 = arith.addi %scan3A_45, %scan3A_46 : i32
    %scan3A_48 = arith.constant 1 : i32
    %scan3A_49 = scf.for %scan3A_62 = %scan3A_45 to %scan3A_47 step %scan3A_48 iter_args(%scan3A_63 = %scan3A_44) -> (i32)  : i32 {
      %dma_start3A = arith.constant 0 : i32
      %dma_start3A_64 = tpu.memref_slice %arg7[%scan3A_62, %dma_start3A] : memref<81x128xi32, #tpu.memory_space<vmem>> -> memref<1x128xi32, #tpu.memory_space<vmem>>
      %dma_start3A_65 = tpu.memref_squeeze %dma_start3A_64 : memref<1x128xi32, #tpu.memory_space<vmem>> -> memref<128xi32, #tpu.memory_space<vmem>>
      %dma_start3A_66 = arith.constant 0 : i32
      %dma_start3A_67 = arith.constant 0 : i32
      %dma_start3A_68 = tpu.memref_slice %arg2[%dma_start3A_66, %dma_start3A_67] : memref<10240x128xf32, #tpu.memory_space<hbm>> -> memref<10240x128xf32, #tpu.memory_space<hbm>>
      tpu.enqueue_indirect_dma source(%dma_start3A_68 : memref<10240x128xf32, #tpu.memory_space<hbm>>) target(%arg10 : memref<128x128xf32, #tpu.memory_space<vmem>>) offsets(%dma_start3A_65 : memref<128xi32, #tpu.memory_space<vmem>>) semaphore(%arg12 : memref<!tpu.dma_semaphore, #tpu.memory_space<semaphore_mem>>)
      %dma_wait3A = arith.constant 0 : i32
      %dma_wait3A_69 = tpu.memref_slice %arg7[%scan3A_62, %dma_wait3A] : memref<81x128xi32, #tpu.memory_space<vmem>> -> memref<1x128xi32, #tpu.memory_space<vmem>>
      %dma_wait3A_70 = tpu.memref_squeeze %dma_wait3A_69 : memref<1x128xi32, #tpu.memory_space<vmem>> -> memref<128xi32, #tpu.memory_space<vmem>>
      %dma_wait3A_71 = arith.constant 0 : i32
      %dma_wait3A_72 = arith.constant 0 : i32
      %dma_wait3A_73 = tpu.memref_slice %arg2[%dma_wait3A_71, %dma_wait3A_72] : memref<10240x128xf32, #tpu.memory_space<hbm>> -> memref<10240x128xf32, #tpu.memory_space<hbm>>
      tpu.wait_indirect_dma semaphore(%arg12 : memref<!tpu.dma_semaphore, #tpu.memory_space<semaphore_mem>>) src(%dma_wait3A_73 : memref<10240x128xf32, #tpu.memory_space<hbm>>) dst(%arg10 : memref<128x128xf32, #tpu.memory_space<vmem>>)
      %scan3A_74 = arith.constant 0 : i32
      %scan3A_75 = arith.constant 0 : i32
      %scan3A_76 = arith.constant 128 : i32
      %scan3A_77 = arith.addi %scan3A_75, %scan3A_76 : i32
      %scan3A_78 = arith.constant 1 : i32
      %scan3A_79 = scf.for %scan3A_82 = %scan3A_75 to %scan3A_77 step %scan3A_78 iter_args(%scan3A_83 = %scan3A_74) -> (i32)  : i32 {
        %broadcast_in_dim3A = vector.broadcast %scan3A_62 : i32 to vector<16xi32>
        %broadcast_in_dim3A_84 = vector.broadcast %scan3A_82 : i32 to vector<16xi32>
        %gather3A = tpu.vector_load_idx %arg9[%broadcast_in_dim3A, %broadcast_in_dim3A_84] : memref<81x128xf32, #tpu.memory_space<vmem>>[vector<16xi32>, vector<16xi32>], vector<16xf32>,
        %get3A = arith.index_cast %scan3A_82 : i32 to index
        %get3A_85 = arith.constant 0 : index
        %get3A_86 = tpu.vector_load %arg10[%get3A, %get3A_85] {strides = array<i32>} : memref<128x128xf32, #tpu.memory_space<vmem>>, vector<16xf32>,
        %mul3A_87 = arith.mulf %get3A_86, %gather3A : vector<16xf32>
        %swap3A = arith.index_cast %scan3A_82 : i32 to index
        %swap3A_88 = arith.constant 0 : index
        %swap3A_89 = tpu.vector_load %arg10[%swap3A, %swap3A_88] {strides = array<i32>} : memref<128x128xf32, #tpu.memory_space<vmem>>, vector<16xf32>,
        tpu.vector_store %arg10[%swap3A, %swap3A_88], %mul3A_87 {strides = array<i32>} : memref<128x128xf32, #tpu.memory_space<vmem>>, vector<16xf32>,
        %get3A_90 = arith.index_cast %scan3A_82 : i32 to index
        %get3A_91 = arith.constant 16 : index
        %get3A_92 = tpu.vector_load %arg10[%get3A_90, %get3A_91] {strides = array<i32>} : memref<128x128xf32, #tpu.memory_space<vmem>>, vector<16xf32>,
        %mul3A_93 = arith.mulf %get3A_92, %gather3A : vector<16xf32>
        %swap3A_94 = arith.index_cast %scan3A_82 : i32 to index
        %swap3A_95 = arith.constant 16 : index
        %swap3A_96 = tpu.vector_load %arg10[%swap3A_94, %swap3A_95] {strides = array<i32>} : memref<128x128xf32, #tpu.memory_space<vmem>>, vector<16xf32>,
        tpu.vector_store %arg10[%swap3A_94, %swap3A_95], %mul3A_93 {strides = array<i32>} : memref<128x128xf32, #tpu.memory_space<vmem>>, vector<16xf32>,
        %get3A_97 = arith.index_cast %scan3A_82 : i32 to index
        %get3A_98 = arith.constant 32 : index
        %get3A_99 = tpu.vector_load %arg10[%get3A_97, %get3A_98] {strides = array<i32>} : memref<128x128xf32, #tpu.memory_space<vmem>>, vector<16xf32>,
        %mul3A_100 = arith.mulf %get3A_99, %gather3A : vector<16xf32>
        %swap3A_101 = arith.index_cast %scan3A_82 : i32 to index
        %swap3A_102 = arith.constant 32 : index
        %swap3A_103 = tpu.vector_load %arg10[%swap3A_101, %swap3A_102] {strides = array<i32>} : memref<128x128xf32, #tpu.memory_space<vmem>>, vector<16xf32>,
        tpu.vector_store %arg10[%swap3A_101, %swap3A_102], %mul3A_100 {strides = array<i32>} : memref<128x128xf32, #tpu.memory_space<vmem>>, vector<16xf32>,
        %get3A_104 = arith.index_cast %scan3A_82 : i32 to index
        %get3A_105 = arith.constant 48 : index
        %get3A_106 = tpu.vector_load %arg10[%get3A_104, %get3A_105] {strides = array<i32>} : memref<128x128xf32, #tpu.memory_space<vmem>>, vector<16xf32>,
        %mul3A_107 = arith.mulf %get3A_106, %gather3A : vector<16xf32>
        %swap3A_108 = arith.index_cast %scan3A_82 : i32 to index
        %swap3A_109 = arith.constant 48 : index
        %swap3A_110 = tpu.vector_load %arg10[%swap3A_108, %swap3A_109] {strides = array<i32>} : memref<128x128xf32, #tpu.memory_space<vmem>>, vector<16xf32>,
        tpu.vector_store %arg10[%swap3A_108, %swap3A_109], %mul3A_107 {strides = array<i32>} : memref<128x128xf32, #tpu.memory_space<vmem>>, vector<16xf32>,
        %get3A_111 = arith.index_cast %scan3A_82 : i32 to index
        %get3A_112 = arith.constant 64 : index
        %get3A_113 = tpu.vector_load %arg10[%get3A_111, %get3A_112] {strides = array<i32>} : memref<128x128xf32, #tpu.memory_space<vmem>>, vector<16xf32>,
        %mul3A_114 = arith.mulf %get3A_113, %gather3A : vector<16xf32>
        %swap3A_115 = arith.index_cast %scan3A_82 : i32 to index
        %swap3A_116 = arith.constant 64 : index
        %swap3A_117 = tpu.vector_load %arg10[%swap3A_115, %swap3A_116] {strides = array<i32>} : memref<128x128xf32, #tpu.memory_space<vmem>>, vector<16xf32>,
        tpu.vector_store %arg10[%swap3A_115, %swap3A_116], %mul3A_114 {strides = array<i32>} : memref<128x128xf32, #tpu.memory_space<vmem>>, vector<16xf32>,
        %get3A_118 = arith.index_cast %scan3A_82 : i32 to index
        %get3A_119 = arith.constant 80 : index
        %get3A_120 = tpu.vector_load %arg10[%get3A_118, %get3A_119] {strides = array<i32>} : memref<128x128xf32, #tpu.memory_space<vmem>>, vector<16xf32>,
        %mul3A_121 = arith.mulf %get3A_120, %gather3A : vector<16xf32>
        %swap3A_122 = arith.index_cast %scan3A_82 : i32 to index
        %swap3A_123 = arith.constant 80 : index
        %swap3A_124 = tpu.vector_load %arg10[%swap3A_122, %swap3A_123] {strides = array<i32>} : memref<128x128xf32, #tpu.memory_space<vmem>>, vector<16xf32>,
        tpu.vector_store %arg10[%swap3A_122, %swap3A_123], %mul3A_121 {strides = array<i32>} : memref<128x128xf32, #tpu.memory_space<vmem>>, vector<16xf32>,
        %get3A_125 = arith.index_cast %scan3A_82 : i32 to index
        %get3A_126 = arith.constant 96 : index
        %get3A_127 = tpu.vector_load %arg10[%get3A_125, %get3A_126] {strides = array<i32>} : memref<128x128xf32, #tpu.memory_space<vmem>>, vector<16xf32>,
        %mul3A_128 = arith.mulf %get3A_127, %gather3A : vector<16xf32>
        %swap3A_129 = arith.index_cast %scan3A_82 : i32 to index
        %swap3A_130 = arith.constant 96 : index
        %swap3A_131 = tpu.vector_load %arg10[%swap3A_129, %swap3A_130] {strides = array<i32>} : memref<128x128xf32, #tpu.memory_space<vmem>>, vector<16xf32>,
        tpu.vector_store %arg10[%swap3A_129, %swap3A_130], %mul3A_128 {strides = array<i32>} : memref<128x128xf32, #tpu.memory_space<vmem>>, vector<16xf32>,
        %get3A_132 = arith.index_cast %scan3A_82 : i32 to index
        %get3A_133 = arith.constant 112 : index
        %get3A_134 = tpu.vector_load %arg10[%get3A_132, %get3A_133] {strides = array<i32>} : memref<128x128xf32, #tpu.memory_space<vmem>>, vector<16xf32>,
        %mul3A_135 = arith.mulf %get3A_134, %gather3A : vector<16xf32>
        %swap3A_136 = arith.index_cast %scan3A_82 : i32 to index
        %swap3A_137 = arith.constant 112 : index
        %swap3A_138 = tpu.vector_load %arg10[%swap3A_136, %swap3A_137] {strides = array<i32>} : memref<128x128xf32, #tpu.memory_space<vmem>>, vector<16xf32>,
        tpu.vector_store %arg10[%swap3A_136, %swap3A_137], %mul3A_135 {strides = array<i32>} : memref<128x128xf32, #tpu.memory_space<vmem>>, vector<16xf32>,
        %scan3A_139 = arith.constant 0 : i32
        scf.yield %scan3A_139 : i32
      }
      %scan3A_80 = arith.constant 128 : i32
      "tpu.region"() ({
        %run_scoped3A = tpu.sem_alloc : memref<!tpu.dma_semaphore, #tpu.memory_space<semaphore_mem>>
        %dma_start3A_82 = arith.constant 0 : i32
        %dma_start3A_83 = tpu.memref_slice %arg8[%scan3A_62, %dma_start3A_82] : memref<81x128xi32, #tpu.memory_space<vmem>> -> memref<1x128xi32, #tpu.memory_space<vmem>>
        %dma_start3A_84 = tpu.memref_squeeze %dma_start3A_83 : memref<1x128xi32, #tpu.memory_space<vmem>> -> memref<128xi32, #tpu.memory_space<vmem>>
        %dma_start3A_85 = arith.constant 0 : i32
        %dma_start3A_86 = arith.constant 0 : i32
        %dma_start3A_87 = tpu.memref_slice %arg11[%dma_start3A_85, %dma_start3A_86] : memref<10000x128xf32, #tpu.memory_space<vmem_shared>> -> memref<10000x128xf32, #tpu.memory_space<vmem_shared>>
        tpu.enqueue_indirect_dma source(%arg10 : memref<128x128xf32, #tpu.memory_space<vmem>>) target(%dma_start3A_87 : memref<10000x128xf32, #tpu.memory_space<vmem_shared>>) offsets(%dma_start3A_84 : memref<128xi32, #tpu.memory_space<vmem>>) semaphore(%run_scoped3A : memref<!tpu.dma_semaphore, #tpu.memory_space<semaphore_mem>>) {add = true}
        %dma_wait3A_88 = arith.constant 0 : i32
        %dma_wait3A_89 = tpu.memref_slice %arg8[%scan3A_62, %dma_wait3A_88] : memref<81x128xi32, #tpu.memory_space<vmem>> -> memref<1x128xi32, #tpu.memory_space<vmem>>
        %dma_wait3A_90 = tpu.memref_squeeze %dma_wait3A_89 : memref<1x128xi32, #tpu.memory_space<vmem>> -> memref<128xi32, #tpu.memory_space<vmem>>
        %dma_wait3A_91 = arith.constant 0 : i32
        %dma_wait3A_92 = arith.constant 0 : i32
        %dma_wait3A_93 = tpu.memref_slice %arg11[%dma_wait3A_91, %dma_wait3A_92] : memref<10000x128xf32, #tpu.memory_space<vmem_shared>> -> memref<10000x128xf32, #tpu.memory_space<vmem_shared>>
        tpu.wait_indirect_dma semaphore(%run_scoped3A : memref<!tpu.dma_semaphore, #tpu.memory_space<semaphore_mem>>) src(%arg10 : memref<128x128xf32, #tpu.memory_space<vmem>>) dst(%dma_wait3A_93 : memref<10000x128xf32, #tpu.memory_space<vmem_shared>>)
        tpu.yield
      }) : () -> ()
      %scan3A_81 = arith.constant 0 : i32
      scf.yield %scan3A_81 : i32
    }
    %scan3A_50 = arith.constant 81 : i32
    %barrier3A_51 = arith.constant 0 : index
    tpu.barrier barrier_id(%barrier3A_51)
    %lt3A_52 = arith.constant 15 : i32
    %lt3A_53 = arith.cmpi slt, %arg1, %lt3A_52 : i32
    %convert_element_type3A_54 = arith.extui %lt3A_53 : i1 to i32
    %cond3A_55 = arith.constant 0 : i32
    %cond3A_56 = arith.cmpi ne, %convert_element_type3A_54, %cond3A_55 : i32
    scf.if %cond3A_56 {
      "tpu.region"() ({
        %run_scoped3A = tpu.sem_alloc : memref<!tpu.dma_semaphore, #tpu.memory_space<semaphore_mem>>
        %dma_start3A = arith.constant 0 : i32
        %dma_start3A_62 = tpu.memref_slice %arg6[%arg0, %mul3A_8, %dma_start3A] : memref<2x10000x128xf32, #tpu.memory_space<hbm>> -> memref<1x640x128xf32, #tpu.memory_space<hbm>>
        %dma_start3A_63 = tpu.memref_squeeze %dma_start3A_62 : memref<1x640x128xf32, #tpu.memory_space<hbm>> -> memref<640x128xf32, #tpu.memory_space<hbm>>
        %dma_start3A_64 = arith.constant 0 : i32
        %dma_start3A_65 = tpu.memref_slice %arg11[%mul3A_8, %dma_start3A_64] : memref<10000x128xf32, #tpu.memory_space<vmem_shared>> -> memref<640x128xf32, #tpu.memory_space<vmem_shared>>
        tpu.enqueue_dma source(%dma_start3A_65 : memref<640x128xf32, #tpu.memory_space<vmem_shared>>) target(%dma_start3A_63 : memref<640x128xf32, #tpu.memory_space<hbm>>) target_semaphore(%run_scoped3A : memref<!tpu.dma_semaphore, #tpu.memory_space<semaphore_mem>>)
        %dma_wait3A = arith.constant 0 : i32
        %dma_wait3A_66 = tpu.memref_slice %arg6[%arg0, %mul3A_8, %dma_wait3A] : memref<2x10000x128xf32, #tpu.memory_space<hbm>> -> memref<1x640x128xf32, #tpu.memory_space<hbm>>
        %dma_wait3A_67 = tpu.memref_squeeze %dma_wait3A_66 : memref<1x640x128xf32, #tpu.memory_space<hbm>> -> memref<640x128xf32, #tpu.memory_space<hbm>>
        %dma_wait3A_68 = arith.constant 0 : i32
        %dma_wait3A_69 = tpu.memref_slice %arg11[%mul3A_8, %dma_wait3A_68] : memref<10000x128xf32, #tpu.memory_space<vmem_shared>> -> memref<640x128xf32, #tpu.memory_space<vmem_shared>>
        tpu.wait_dma2 semaphore(%run_scoped3A : memref<!tpu.dma_semaphore, #tpu.memory_space<semaphore_mem>>) src(%dma_wait3A_69 : memref<640x128xf32, #tpu.memory_space<vmem_shared>>) dst(%dma_wait3A_67 : memref<640x128xf32, #tpu.memory_space<hbm>>)
        tpu.yield
      }) : () -> ()
    } else {
    }
    %eq3A_57 = arith.constant 15 : i32
    %eq3A_58 = arith.cmpi eq, %arg1, %eq3A_57 : i32
    %convert_element_type3A_59 = arith.extui %eq3A_58 : i1 to i32
    %cond3A_60 = arith.constant 0 : i32
    %cond3A_61 = arith.cmpi ne, %convert_element_type3A_59, %cond3A_60 : i32
    scf.if %cond3A_61 {
      "tpu.region"() ({
        %run_scoped3A = tpu.sem_alloc : memref<!tpu.dma_semaphore, #tpu.memory_space<semaphore_mem>>
        %dma_start3A = arith.constant 9600 : i32
        %dma_start3A_62 = arith.constant 0 : i32
        %dma_start3A_63 = tpu.memref_slice %arg6[%arg0, %dma_start3A, %dma_start3A_62] : memref<2x10000x128xf32, #tpu.memory_space<hbm>> -> memref<1x400x128xf32, #tpu.memory_space<hbm>>
        %dma_start3A_64 = tpu.memref_squeeze %dma_start3A_63 : memref<1x400x128xf32, #tpu.memory_space<hbm>> -> memref<400x128xf32, #tpu.memory_space<hbm>>
        %dma_start3A_65 = arith.constant 9600 : i32
        %dma_start3A_66 = arith.constant 0 : i32
        %dma_start3A_67 = tpu.memref_slice %arg11[%dma_start3A_65, %dma_start3A_66] : memref<10000x128xf32, #tpu.memory_space<vmem_shared>> -> memref<400x128xf32, #tpu.memory_space<vmem_shared>>
        tpu.enqueue_dma source(%dma_start3A_67 : memref<400x128xf32, #tpu.memory_space<vmem_shared>>) target(%dma_start3A_64 : memref<400x128xf32, #tpu.memory_space<hbm>>) target_semaphore(%run_scoped3A : memref<!tpu.dma_semaphore, #tpu.memory_space<semaphore_mem>>)
        %dma_wait3A = arith.constant 9600 : i32
        %dma_wait3A_68 = arith.constant 0 : i32
        %dma_wait3A_69 = tpu.memref_slice %arg6[%arg0, %dma_wait3A, %dma_wait3A_68] : memref<2x10000x128xf32, #tpu.memory_space<hbm>> -> memref<1x400x128xf32, #tpu.memory_space<hbm>>
        %dma_wait3A_70 = tpu.memref_squeeze %dma_wait3A_69 : memref<1x400x128xf32, #tpu.memory_space<hbm>> -> memref<400x128xf32, #tpu.memory_space<hbm>>
        %dma_wait3A_71 = arith.constant 9600 : i32
        %dma_wait3A_72 = arith.constant 0 : i32
        %dma_wait3A_73 = tpu.memref_slice %arg11[%dma_wait3A_71, %dma_wait3A_72] : memref<10000x128xf32, #tpu.memory_space<vmem_shared>> -> memref<400x128xf32, #tpu.memory_space<vmem_shared>>
        tpu.wait_dma2 semaphore(%run_scoped3A : memref<!tpu.dma_semaphore, #tpu.memory_space<semaphore_mem>>) src(%dma_wait3A_73 : memref<400x128xf32, #tpu.memory_space<vmem_shared>>) dst(%dma_wait3A_70 : memref<400x128xf32, #tpu.memory_space<hbm>>)
        tpu.yield
      }) : () -> ()
    } else {
    }
    return
  }
}

#map = affine_map<(d0, d1) -> (0, 0)>
#map1 = affine_map<(d0, d1) -> (0, 0, 0)>
#map2 = affine_map<(d0, d1) -> (0)>
module attributes {stable_mosaic.version = 14 : i64} {
  func.func @_gat_scalar_sc(%arg0: i32, %arg1: i32, %arg2: memref<1x10240xf32, #tpu.memory_space<hbm>>, %arg3: memref<1x10240xf32, #tpu.memory_space<hbm>>, %arg4: memref<32x81x128xi32, #tpu.memory_space<hbm>>, %arg5: memref<32x81x128xi32, #tpu.memory_space<hbm>>, %arg6: memref<32x81x128xf32, #tpu.memory_space<hbm>>, %arg7: memref<327680xf32, #tpu.memory_space<hbm>>, %arg8: memref<81x128xi32, #tpu.memory_space<vmem>>, %arg9: memref<81x128xi32, #tpu.memory_space<vmem>>, %arg10: memref<10240xf32, #tpu.memory_space<vmem>>, %arg11: memref<10240xf32, #tpu.memory_space<vmem>>, %arg12: memref<10240xf32, #tpu.memory_space<vmem>>, %arg13: memref<81x128xf32, #tpu.memory_space<vmem>>) attributes {dimension_semantics = [#tpu.dimension_semantics<core_parallel>, #tpu.dimension_semantics<subcore_parallel>], iteration_bounds = array<i64: 2, 16>, scalar_prefetch = 0 : i64, scratch_operands = 6 : i64, tpu.core_type = #tpu.core_type<sc_vector_subcore>, window_params = [{transform_indices = #map}, {transform_indices = #map}, {transform_indices = #map1}, {transform_indices = #map1}, {transform_indices = #map1}, {transform_indices = #map2}]} {
    %mul3A = arith.constant 2 : i32
    %mul3A_0 = arith.muli %arg1, %mul3A : i32
    %add3A = arith.addi %mul3A_0, %arg0 : i32
    "tpu.region"() ({
      %run_scoped3A_36 = tpu.sem_alloc : memref<!tpu.dma_semaphore, #tpu.memory_space<semaphore_mem>>
      %dma_start3A = arith.constant 0 : i32
      %dma_start3A_37 = arith.constant 0 : i32
      %dma_start3A_38 = tpu.memref_slice %arg4[%add3A, %dma_start3A, %dma_start3A_37] : memref<32x81x128xi32, #tpu.memory_space<hbm>> -> memref<1x81x128xi32, #tpu.memory_space<hbm>>
      %dma_start3A_39 = tpu.memref_squeeze %dma_start3A_38 : memref<1x81x128xi32, #tpu.memory_space<hbm>> -> memref<81x128xi32, #tpu.memory_space<hbm>>
      %dma_start3A_40 = arith.constant 0 : i32
      %dma_start3A_41 = arith.constant 0 : i32
      %dma_start3A_42 = tpu.memref_slice %arg4[%add3A, %dma_start3A_40, %dma_start3A_41] : memref<32x81x128xi32, #tpu.memory_space<hbm>> -> memref<1x81x128xi32, #tpu.memory_space<hbm>>
      %dma_start3A_43 = tpu.memref_squeeze %dma_start3A_42 : memref<1x81x128xi32, #tpu.memory_space<hbm>> -> memref<81x128xi32, #tpu.memory_space<hbm>>
      tpu.enqueue_dma source(%dma_start3A_43 : memref<81x128xi32, #tpu.memory_space<hbm>>) target(%arg8 : memref<81x128xi32, #tpu.memory_space<vmem>>) target_semaphore(%run_scoped3A_36 : memref<!tpu.dma_semaphore, #tpu.memory_space<semaphore_mem>>)
      %dma_wait3A = arith.constant 0 : i32
      %dma_wait3A_44 = arith.constant 0 : i32
      %dma_wait3A_45 = tpu.memref_slice %arg4[%add3A, %dma_wait3A, %dma_wait3A_44] : memref<32x81x128xi32, #tpu.memory_space<hbm>> -> memref<1x81x128xi32, #tpu.memory_space<hbm>>
      %dma_wait3A_46 = tpu.memref_squeeze %dma_wait3A_45 : memref<1x81x128xi32, #tpu.memory_space<hbm>> -> memref<81x128xi32, #tpu.memory_space<hbm>>
      %dma_wait3A_47 = arith.constant 0 : i32
      %dma_wait3A_48 = arith.constant 0 : i32
      %dma_wait3A_49 = tpu.memref_slice %arg4[%add3A, %dma_wait3A_47, %dma_wait3A_48] : memref<32x81x128xi32, #tpu.memory_space<hbm>> -> memref<1x81x128xi32, #tpu.memory_space<hbm>>
      %dma_wait3A_50 = tpu.memref_squeeze %dma_wait3A_49 : memref<1x81x128xi32, #tpu.memory_space<hbm>> -> memref<81x128xi32, #tpu.memory_space<hbm>>
      tpu.wait_dma2 semaphore(%run_scoped3A_36 : memref<!tpu.dma_semaphore, #tpu.memory_space<semaphore_mem>>) src(%dma_wait3A_50 : memref<81x128xi32, #tpu.memory_space<hbm>>) dst(%arg8 : memref<81x128xi32, #tpu.memory_space<vmem>>)
      tpu.yield
    }) : () -> ()
    "tpu.region"() ({
      %run_scoped3A_36 = tpu.sem_alloc : memref<!tpu.dma_semaphore, #tpu.memory_space<semaphore_mem>>
      %dma_start3A = arith.constant 0 : i32
      %dma_start3A_37 = arith.constant 0 : i32
      %dma_start3A_38 = tpu.memref_slice %arg5[%add3A, %dma_start3A, %dma_start3A_37] : memref<32x81x128xi32, #tpu.memory_space<hbm>> -> memref<1x81x128xi32, #tpu.memory_space<hbm>>
      %dma_start3A_39 = tpu.memref_squeeze %dma_start3A_38 : memref<1x81x128xi32, #tpu.memory_space<hbm>> -> memref<81x128xi32, #tpu.memory_space<hbm>>
      %dma_start3A_40 = arith.constant 0 : i32
      %dma_start3A_41 = arith.constant 0 : i32
      %dma_start3A_42 = tpu.memref_slice %arg5[%add3A, %dma_start3A_40, %dma_start3A_41] : memref<32x81x128xi32, #tpu.memory_space<hbm>> -> memref<1x81x128xi32, #tpu.memory_space<hbm>>
      %dma_start3A_43 = tpu.memref_squeeze %dma_start3A_42 : memref<1x81x128xi32, #tpu.memory_space<hbm>> -> memref<81x128xi32, #tpu.memory_space<hbm>>
      tpu.enqueue_dma source(%dma_start3A_43 : memref<81x128xi32, #tpu.memory_space<hbm>>) target(%arg9 : memref<81x128xi32, #tpu.memory_space<vmem>>) target_semaphore(%run_scoped3A_36 : memref<!tpu.dma_semaphore, #tpu.memory_space<semaphore_mem>>)
      %dma_wait3A = arith.constant 0 : i32
      %dma_wait3A_44 = arith.constant 0 : i32
      %dma_wait3A_45 = tpu.memref_slice %arg5[%add3A, %dma_wait3A, %dma_wait3A_44] : memref<32x81x128xi32, #tpu.memory_space<hbm>> -> memref<1x81x128xi32, #tpu.memory_space<hbm>>
      %dma_wait3A_46 = tpu.memref_squeeze %dma_wait3A_45 : memref<1x81x128xi32, #tpu.memory_space<hbm>> -> memref<81x128xi32, #tpu.memory_space<hbm>>
      %dma_wait3A_47 = arith.constant 0 : i32
      %dma_wait3A_48 = arith.constant 0 : i32
      %dma_wait3A_49 = tpu.memref_slice %arg5[%add3A, %dma_wait3A_47, %dma_wait3A_48] : memref<32x81x128xi32, #tpu.memory_space<hbm>> -> memref<1x81x128xi32, #tpu.memory_space<hbm>>
      %dma_wait3A_50 = tpu.memref_squeeze %dma_wait3A_49 : memref<1x81x128xi32, #tpu.memory_space<hbm>> -> memref<81x128xi32, #tpu.memory_space<hbm>>
      tpu.wait_dma2 semaphore(%run_scoped3A_36 : memref<!tpu.dma_semaphore, #tpu.memory_space<semaphore_mem>>) src(%dma_wait3A_50 : memref<81x128xi32, #tpu.memory_space<hbm>>) dst(%arg9 : memref<81x128xi32, #tpu.memory_space<vmem>>)
      tpu.yield
    }) : () -> ()
    %run_scoped3A = arith.constant 0 : i32
    "tpu.region"() ({
      %run_scoped3A_36 = tpu.sem_alloc : memref<!tpu.dma_semaphore, #tpu.memory_space<semaphore_mem>>
      %dma_start3A = arith.constant 0 : i32
      %dma_start3A_37 = tpu.memref_slice %arg2[%run_scoped3A, %dma_start3A] : memref<1x10240xf32, #tpu.memory_space<hbm>> -> memref<1x10240xf32, #tpu.memory_space<hbm>>
      %dma_start3A_38 = tpu.memref_squeeze %dma_start3A_37 : memref<1x10240xf32, #tpu.memory_space<hbm>> -> memref<10240xf32, #tpu.memory_space<hbm>>
      %dma_start3A_39 = arith.constant 0 : i32
      %dma_start3A_40 = tpu.memref_slice %arg2[%run_scoped3A, %dma_start3A_39] : memref<1x10240xf32, #tpu.memory_space<hbm>> -> memref<1x10240xf32, #tpu.memory_space<hbm>>
      %dma_start3A_41 = tpu.memref_squeeze %dma_start3A_40 : memref<1x10240xf32, #tpu.memory_space<hbm>> -> memref<10240xf32, #tpu.memory_space<hbm>>
      tpu.enqueue_dma source(%dma_start3A_41 : memref<10240xf32, #tpu.memory_space<hbm>>) target(%arg10 : memref<10240xf32, #tpu.memory_space<vmem>>) target_semaphore(%run_scoped3A_36 : memref<!tpu.dma_semaphore, #tpu.memory_space<semaphore_mem>>)
      %dma_wait3A = arith.constant 0 : i32
      %dma_wait3A_42 = tpu.memref_slice %arg2[%run_scoped3A, %dma_wait3A] : memref<1x10240xf32, #tpu.memory_space<hbm>> -> memref<1x10240xf32, #tpu.memory_space<hbm>>
      %dma_wait3A_43 = tpu.memref_squeeze %dma_wait3A_42 : memref<1x10240xf32, #tpu.memory_space<hbm>> -> memref<10240xf32, #tpu.memory_space<hbm>>
      %dma_wait3A_44 = arith.constant 0 : i32
      %dma_wait3A_45 = tpu.memref_slice %arg2[%run_scoped3A, %dma_wait3A_44] : memref<1x10240xf32, #tpu.memory_space<hbm>> -> memref<1x10240xf32, #tpu.memory_space<hbm>>
      %dma_wait3A_46 = tpu.memref_squeeze %dma_wait3A_45 : memref<1x10240xf32, #tpu.memory_space<hbm>> -> memref<10240xf32, #tpu.memory_space<hbm>>
      tpu.wait_dma2 semaphore(%run_scoped3A_36 : memref<!tpu.dma_semaphore, #tpu.memory_space<semaphore_mem>>) src(%dma_wait3A_46 : memref<10240xf32, #tpu.memory_space<hbm>>) dst(%arg10 : memref<10240xf32, #tpu.memory_space<vmem>>)
      tpu.yield
    }) : () -> ()
    %run_scoped3A_1 = arith.constant 0 : i32
    "tpu.region"() ({
      %run_scoped3A_36 = tpu.sem_alloc : memref<!tpu.dma_semaphore, #tpu.memory_space<semaphore_mem>>
      %dma_start3A = arith.constant 0 : i32
      %dma_start3A_37 = tpu.memref_slice %arg3[%run_scoped3A_1, %dma_start3A] : memref<1x10240xf32, #tpu.memory_space<hbm>> -> memref<1x10240xf32, #tpu.memory_space<hbm>>
      %dma_start3A_38 = tpu.memref_squeeze %dma_start3A_37 : memref<1x10240xf32, #tpu.memory_space<hbm>> -> memref<10240xf32, #tpu.memory_space<hbm>>
      %dma_start3A_39 = arith.constant 0 : i32
      %dma_start3A_40 = tpu.memref_slice %arg3[%run_scoped3A_1, %dma_start3A_39] : memref<1x10240xf32, #tpu.memory_space<hbm>> -> memref<1x10240xf32, #tpu.memory_space<hbm>>
      %dma_start3A_41 = tpu.memref_squeeze %dma_start3A_40 : memref<1x10240xf32, #tpu.memory_space<hbm>> -> memref<10240xf32, #tpu.memory_space<hbm>>
      tpu.enqueue_dma source(%dma_start3A_41 : memref<10240xf32, #tpu.memory_space<hbm>>) target(%arg11 : memref<10240xf32, #tpu.memory_space<vmem>>) target_semaphore(%run_scoped3A_36 : memref<!tpu.dma_semaphore, #tpu.memory_space<semaphore_mem>>)
      %dma_wait3A = arith.constant 0 : i32
      %dma_wait3A_42 = tpu.memref_slice %arg3[%run_scoped3A_1, %dma_wait3A] : memref<1x10240xf32, #tpu.memory_space<hbm>> -> memref<1x10240xf32, #tpu.memory_space<hbm>>
      %dma_wait3A_43 = tpu.memref_squeeze %dma_wait3A_42 : memref<1x10240xf32, #tpu.memory_space<hbm>> -> memref<10240xf32, #tpu.memory_space<hbm>>
      %dma_wait3A_44 = arith.constant 0 : i32
      %dma_wait3A_45 = tpu.memref_slice %arg3[%run_scoped3A_1, %dma_wait3A_44] : memref<1x10240xf32, #tpu.memory_space<hbm>> -> memref<1x10240xf32, #tpu.memory_space<hbm>>
      %dma_wait3A_46 = tpu.memref_squeeze %dma_wait3A_45 : memref<1x10240xf32, #tpu.memory_space<hbm>> -> memref<10240xf32, #tpu.memory_space<hbm>>
      tpu.wait_dma2 semaphore(%run_scoped3A_36 : memref<!tpu.dma_semaphore, #tpu.memory_space<semaphore_mem>>) src(%dma_wait3A_46 : memref<10240xf32, #tpu.memory_space<hbm>>) dst(%arg11 : memref<10240xf32, #tpu.memory_space<vmem>>)
      tpu.yield
    }) : () -> ()
    %scan3A = arith.constant 0 : i32
    %scan3A_2 = arith.constant 0 : i32
    %scan3A_3 = arith.constant 640 : i32
    %scan3A_4 = arith.addi %scan3A_2, %scan3A_3 : i32
    %scan3A_5 = arith.constant 1 : i32
    %scan3A_6 = scf.for %scan3A_36 = %scan3A_2 to %scan3A_4 step %scan3A_5 iter_args(%scan3A_37 = %scan3A) -> (i32)  : i32 {
      %broadcast_in_dim3A_38 = arith.constant 0.000000e+00 : f32
      %broadcast_in_dim3A_39 = vector.broadcast %broadcast_in_dim3A_38 : f32 to vector<16xf32>
      %mul3A_40 = arith.constant 16 : i32
      %mul3A_41 = arith.muli %scan3A_36, %mul3A_40 : i32
      %swap3A = arith.index_cast %mul3A_41 : i32 to index
      %swap3A_42 = tpu.vector_load %arg12[%swap3A] {strides = array<i32>} : memref<10240xf32, #tpu.memory_space<vmem>>, vector<16xf32>,
      tpu.vector_store %arg12[%swap3A], %broadcast_in_dim3A_39 {strides = array<i32>} : memref<10240xf32, #tpu.memory_space<vmem>>, vector<16xf32>,
      %scan3A_43 = arith.constant 0 : i32
      scf.yield %scan3A_43 : i32
    }
    %scan3A_7 = arith.constant 640 : i32
    %broadcast_in_dim3A = arith.constant -3.000000e+38 : f32
    %broadcast_in_dim3A_8 = vector.broadcast %broadcast_in_dim3A : f32 to vector<16xf32>
    %scan3A_9 = arith.constant 0 : i32
    %scan3A_10 = arith.constant 640 : i32
    %scan3A_11 = arith.addi %scan3A_9, %scan3A_10 : i32
    %scan3A_12 = arith.constant 1 : i32
    %scan3A_13:2 = scf.for %scan3A_36 = %scan3A_9 to %scan3A_11 step %scan3A_12 iter_args(%scan3A_37 = %broadcast_in_dim3A_8, %scan3A_38 = %broadcast_in_dim3A_8) -> (vector<16xf32>, vector<16xf32>)  : i32 {
      %mul3A_39 = arith.constant 16 : i32
      %mul3A_40 = arith.muli %scan3A_36, %mul3A_39 : i32
      %get3A = arith.index_cast %mul3A_40 : i32 to index
      %get3A_41 = tpu.vector_load %arg10[%get3A] {strides = array<i32>} : memref<10240xf32, #tpu.memory_space<vmem>>, vector<16xf32>,
      %max3A_42 = arith.maximumf %scan3A_37, %get3A_41 : vector<16xf32>
      %mul3A_43 = arith.constant 16 : i32
      %mul3A_44 = arith.muli %scan3A_36, %mul3A_43 : i32
      %get3A_45 = arith.index_cast %mul3A_44 : i32 to index
      %get3A_46 = tpu.vector_load %arg11[%get3A_45] {strides = array<i32>} : memref<10240xf32, #tpu.memory_space<vmem>>, vector<16xf32>,
      %max3A_47 = arith.maximumf %scan3A_38, %get3A_46 : vector<16xf32>
      scf.yield %max3A_42, %max3A_47 : vector<16xf32>, vector<16xf32>
    }
    %scan3A_14 = arith.constant 640 : i32
    %reduce_max3A = arith.constant true
    %reduce_max3A_15 = vector.broadcast %reduce_max3A : i1 to vector<16xi1>
    %reduce_max3A_16 = tpu.scan <max>, %scan3A_13#0 masked %reduce_max3A_15 : vector<16xf32>, vector<16xi1> -> vector<16xf32>
    %reduce_max3A_17 = vector.extract %reduce_max3A_16[15] : f32 from vector<16xf32>
    %reduce_max3A_18 = arith.constant true
    %reduce_max3A_19 = vector.broadcast %reduce_max3A_18 : i1 to vector<16xi1>
    %reduce_max3A_20 = tpu.scan <max>, %scan3A_13#1 masked %reduce_max3A_19 : vector<16xf32>, vector<16xi1> -> vector<16xf32>
    %reduce_max3A_21 = vector.extract %reduce_max3A_20[15] : f32 from vector<16xf32>
    %add3A_22 = arith.addf %reduce_max3A_17, %reduce_max3A_21 : f32
    %mul3A_23 = arith.constant 2.000000e-01 : f32
    %mul3A_24 = arith.mulf %mul3A_23, %add3A_22 : f32
    %max3A = arith.maximumf %add3A_22, %mul3A_24 : f32
    %mul3A_25 = arith.constant 10368 : i32
    %mul3A_26 = arith.muli %add3A, %mul3A_25 : i32
    %scan3A_27 = arith.constant 0 : i32
    %scan3A_28 = arith.constant 0 : i32
    %scan3A_29 = arith.constant 81 : i32
    %scan3A_30 = arith.addi %scan3A_28, %scan3A_29 : i32
    %scan3A_31 = arith.constant 1 : i32
    %scan3A_32 = scf.for %scan3A_36 = %scan3A_28 to %scan3A_30 step %scan3A_31 iter_args(%scan3A_37 = %scan3A_27) -> (i32)  : i32 {
      %scan3A_38 = arith.constant 0 : i32
      %scan3A_39 = arith.constant 0 : i32
      %scan3A_40 = arith.constant 8 : i32
      %scan3A_41 = arith.addi %scan3A_39, %scan3A_40 : i32
      %scan3A_42 = arith.constant 1 : i32
      %scan3A_43 = scf.for %scan3A_46 = %scan3A_39 to %scan3A_41 step %scan3A_42 iter_args(%scan3A_47 = %scan3A_38) -> (i32)  : i32 {
        %mul3A_48 = arith.constant 16 : i32
        %mul3A_49 = arith.muli %scan3A_46, %mul3A_48 : i32
        %get3A = arith.index_cast %scan3A_36 : i32 to index
        %get3A_50 = arith.index_cast %mul3A_49 : i32 to index
        %get3A_51 = tpu.vector_load %arg8[%get3A, %get3A_50] {strides = array<i32>} : memref<81x128xi32, #tpu.memory_space<vmem>>, vector<16xi32>,
        %mul3A_52 = arith.constant 16 : i32
        %mul3A_53 = arith.muli %scan3A_46, %mul3A_52 : i32
        %get3A_54 = arith.index_cast %scan3A_36 : i32 to index
        %get3A_55 = arith.index_cast %mul3A_53 : i32 to index
        %get3A_56 = tpu.vector_load %arg9[%get3A_54, %get3A_55] {strides = array<i32>} : memref<81x128xi32, #tpu.memory_space<vmem>>, vector<16xi32>,
        %gather3A = tpu.vector_load_idx %arg10[%get3A_51] : memref<10240xf32, #tpu.memory_space<vmem>>[vector<16xi32>], vector<16xf32>,
        %gather3A_57 = tpu.vector_load_idx %arg11[%get3A_56] : memref<10240xf32, #tpu.memory_space<vmem>>[vector<16xi32>], vector<16xf32>,
        %add3A_58 = arith.addf %gather3A, %gather3A_57 : vector<16xf32>
        %ge3A = arith.constant 0.000000e+00 : f32
        %ge3A_59 = vector.broadcast %ge3A : f32 to vector<16xf32>
        %ge3A_60 = arith.cmpf oge, %add3A_58, %ge3A_59 : vector<16xf32>
        %mul3A_61 = arith.constant 2.000000e-01 : f32
        %mul3A_62 = vector.broadcast %mul3A_61 : f32 to vector<16xf32>
        %mul3A_63 = arith.mulf %mul3A_62, %add3A_58 : vector<16xf32>
        %select_n3A = arith.select %ge3A_60, %add3A_58, %mul3A_63 : vector<16xi1>, vector<16xf32>
        %sub3A = vector.broadcast %max3A : f32 to vector<16xf32>
        %sub3A_64 = arith.subf %select_n3A, %sub3A : vector<16xf32>
        %exp3A = math.exp %sub3A_64 : vector<16xf32>
        %mul3A_65 = arith.constant 128 : i32
        %mul3A_66 = arith.muli %scan3A_36, %mul3A_65 : i32
        %add3A_67 = arith.addi %mul3A_26, %mul3A_66 : i32
        %mul3A_68 = arith.constant 16 : i32
        %mul3A_69 = arith.muli %scan3A_46, %mul3A_68 : i32
        %add3A_70 = arith.addi %add3A_67, %mul3A_69 : i32
        %iota3A = tpu.iota {dimensions = array<i32: 0>} : vector<16xi32>
        %add3A_71 = vector.broadcast %add3A_70 : i32 to vector<16xi32>
        %add3A_72 = arith.addi %add3A_71, %iota3A : vector<16xi32>
        %lt3A = arith.constant 330000 : i32
        %lt3A_73 = vector.broadcast %lt3A : i32 to vector<16xi32>
        %lt3A_74 = arith.cmpi slt, %add3A_72, %lt3A_73 : vector<16xi32>
        %jit3A = arith.constant 0.000000e+00 : f32
        %broadcast_in_dim3A_75 = vector.broadcast %jit3A : f32 to vector<16xf32>
        %select_n3A_76 = arith.select %lt3A_74, %exp3A, %broadcast_in_dim3A_75 : vector<16xi1>, vector<16xf32>
        %mul3A_77 = arith.constant 16 : i32
        %mul3A_78 = arith.muli %scan3A_46, %mul3A_77 : i32
        %swap3A = arith.index_cast %scan3A_36 : i32 to index
        %swap3A_79 = arith.index_cast %mul3A_78 : i32 to index
        %swap3A_80 = tpu.vector_load %arg13[%swap3A, %swap3A_79] {strides = array<i32>} : memref<81x128xf32, #tpu.memory_space<vmem>>, vector<16xf32>,
        tpu.vector_store %arg13[%swap3A, %swap3A_79], %select_n3A_76 {strides = array<i32>} : memref<81x128xf32, #tpu.memory_space<vmem>>, vector<16xf32>,
        tpu.vector_store_idx %arg12[%get3A_56], %select_n3A_76 {add = true} : memref<10240xf32, #tpu.memory_space<vmem>>[vector<16xi32>], vector<16xf32>,
        %scan3A_81 = arith.constant 0 : i32
        scf.yield %scan3A_81 : i32
      }
      %scan3A_44 = arith.constant 8 : i32
      %scan3A_45 = arith.constant 0 : i32
      scf.yield %scan3A_45 : i32
    }
    %scan3A_33 = arith.constant 81 : i32
    "tpu.region"() ({
      %run_scoped3A_36 = tpu.sem_alloc : memref<!tpu.dma_semaphore, #tpu.memory_space<semaphore_mem>>
      %dma_start3A = arith.constant 0 : i32
      %dma_start3A_37 = arith.constant 0 : i32
      %dma_start3A_38 = tpu.memref_slice %arg6[%add3A, %dma_start3A, %dma_start3A_37] : memref<32x81x128xf32, #tpu.memory_space<hbm>> -> memref<1x81x128xf32, #tpu.memory_space<hbm>>
      %dma_start3A_39 = tpu.memref_squeeze %dma_start3A_38 : memref<1x81x128xf32, #tpu.memory_space<hbm>> -> memref<81x128xf32, #tpu.memory_space<hbm>>
      %dma_start3A_40 = arith.constant 0 : i32
      %dma_start3A_41 = arith.constant 0 : i32
      %dma_start3A_42 = tpu.memref_slice %arg6[%add3A, %dma_start3A_40, %dma_start3A_41] : memref<32x81x128xf32, #tpu.memory_space<hbm>> -> memref<1x81x128xf32, #tpu.memory_space<hbm>>
      %dma_start3A_43 = tpu.memref_squeeze %dma_start3A_42 : memref<1x81x128xf32, #tpu.memory_space<hbm>> -> memref<81x128xf32, #tpu.memory_space<hbm>>
      tpu.enqueue_dma source(%arg13 : memref<81x128xf32, #tpu.memory_space<vmem>>) target(%dma_start3A_43 : memref<81x128xf32, #tpu.memory_space<hbm>>) target_semaphore(%run_scoped3A_36 : memref<!tpu.dma_semaphore, #tpu.memory_space<semaphore_mem>>)
      %dma_wait3A = arith.constant 0 : i32
      %dma_wait3A_44 = arith.constant 0 : i32
      %dma_wait3A_45 = tpu.memref_slice %arg6[%add3A, %dma_wait3A, %dma_wait3A_44] : memref<32x81x128xf32, #tpu.memory_space<hbm>> -> memref<1x81x128xf32, #tpu.memory_space<hbm>>
      %dma_wait3A_46 = tpu.memref_squeeze %dma_wait3A_45 : memref<1x81x128xf32, #tpu.memory_space<hbm>> -> memref<81x128xf32, #tpu.memory_space<hbm>>
      %dma_wait3A_47 = arith.constant 0 : i32
      %dma_wait3A_48 = arith.constant 0 : i32
      %dma_wait3A_49 = tpu.memref_slice %arg6[%add3A, %dma_wait3A_47, %dma_wait3A_48] : memref<32x81x128xf32, #tpu.memory_space<hbm>> -> memref<1x81x128xf32, #tpu.memory_space<hbm>>
      %dma_wait3A_50 = tpu.memref_squeeze %dma_wait3A_49 : memref<1x81x128xf32, #tpu.memory_space<hbm>> -> memref<81x128xf32, #tpu.memory_space<hbm>>
      tpu.wait_dma2 semaphore(%run_scoped3A_36 : memref<!tpu.dma_semaphore, #tpu.memory_space<semaphore_mem>>) src(%arg13 : memref<81x128xf32, #tpu.memory_space<vmem>>) dst(%dma_wait3A_50 : memref<81x128xf32, #tpu.memory_space<hbm>>)
      tpu.yield
    }) : () -> ()
    %mul3A_34 = arith.constant 10240 : i32
    %mul3A_35 = arith.muli %add3A, %mul3A_34 : i32
    "tpu.region"() ({
      %run_scoped3A_36 = tpu.sem_alloc : memref<!tpu.dma_semaphore, #tpu.memory_space<semaphore_mem>>
      %dma_start3A = tpu.memref_slice %arg7[%mul3A_35] : memref<327680xf32, #tpu.memory_space<hbm>> -> memref<10240xf32, #tpu.memory_space<hbm>>
      %dma_start3A_37 = tpu.memref_slice %arg7[%mul3A_35] : memref<327680xf32, #tpu.memory_space<hbm>> -> memref<10240xf32, #tpu.memory_space<hbm>>
      tpu.enqueue_dma source(%arg12 : memref<10240xf32, #tpu.memory_space<vmem>>) target(%dma_start3A_37 : memref<10240xf32, #tpu.memory_space<hbm>>) target_semaphore(%run_scoped3A_36 : memref<!tpu.dma_semaphore, #tpu.memory_space<semaphore_mem>>)
      %dma_wait3A = tpu.memref_slice %arg7[%mul3A_35] : memref<327680xf32, #tpu.memory_space<hbm>> -> memref<10240xf32, #tpu.memory_space<hbm>>
      %dma_wait3A_38 = tpu.memref_slice %arg7[%mul3A_35] : memref<327680xf32, #tpu.memory_space<hbm>> -> memref<10240xf32, #tpu.memory_space<hbm>>
      tpu.wait_dma2 semaphore(%run_scoped3A_36 : memref<!tpu.dma_semaphore, #tpu.memory_space<semaphore_mem>>) src(%arg12 : memref<10240xf32, #tpu.memory_space<vmem>>) dst(%dma_wait3A_38 : memref<10240xf32, #tpu.memory_space<hbm>>)
      tpu.yield
    }) : () -> ()
    return
  }
}

#map = affine_map<(d0, d1) -> (0, 0)>
#map1 = affine_map<(d0, d1) -> (0, 0, 0)>
module attributes {stable_mosaic.version = 14 : i64} {
  func.func @_gat_rows_sc(%arg0: i32, %arg1: i32, %arg2: memref<10240x128xf32, #tpu.memory_space<hbm>>, %arg3: memref<32x81x128xi32, #tpu.memory_space<hbm>>, %arg4: memref<32x81x128xi32, #tpu.memory_space<hbm>>, %arg5: memref<32x81x128xf32, #tpu.memory_space<hbm>>, %arg6: memref<2x10000x128xf32, #tpu.memory_space<hbm>>, %arg7: memref<81x128xi32, #tpu.memory_space<vmem>>, %arg8: memref<81x128xi32, #tpu.memory_space<vmem>>, %arg9: memref<81x128xf32, #tpu.memory_space<vmem>>, %arg10: memref<128x128xf32, #tpu.memory_space<vmem>>, %arg11: memref<10000x128xf32, #tpu.memory_space<vmem_shared>>, %arg12: memref<!tpu.dma_semaphore, #tpu.memory_space<semaphore_mem>>) attributes {dimension_semantics = [#tpu.dimension_semantics<core_parallel>, #tpu.dimension_semantics<subcore_parallel>], iteration_bounds = array<i64: 2, 16>, scalar_prefetch = 0 : i64, scratch_operands = 6 : i64, tpu.core_type = #tpu.core_type<sc_vector_subcore>, window_params = [{transform_indices = #map}, {transform_indices = #map1}, {transform_indices = #map1}, {transform_indices = #map1}, {transform_indices = #map1}]} {
    %mul3A = arith.constant 2 : i32
    %mul3A_0 = arith.muli %arg1, %mul3A : i32
    %add3A = arith.addi %mul3A_0, %arg0 : i32
    "tpu.region"() ({
      %run_scoped3A = tpu.sem_alloc : memref<!tpu.dma_semaphore, #tpu.memory_space<semaphore_mem>>
      %dma_start3A = arith.constant 0 : i32
      %dma_start3A_62 = arith.constant 0 : i32
      %dma_start3A_63 = tpu.memref_slice %arg3[%add3A, %dma_start3A, %dma_start3A_62] : memref<32x81x128xi32, #tpu.memory_space<hbm>> -> memref<1x81x128xi32, #tpu.memory_space<hbm>>
      %dma_start3A_64 = tpu.memref_squeeze %dma_start3A_63 : memref<1x81x128xi32, #tpu.memory_space<hbm>> -> memref<81x128xi32, #tpu.memory_space<hbm>>
      %dma_start3A_65 = arith.constant 0 : i32
      %dma_start3A_66 = arith.constant 0 : i32
      %dma_start3A_67 = tpu.memref_slice %arg3[%add3A, %dma_start3A_65, %dma_start3A_66] : memref<32x81x128xi32, #tpu.memory_space<hbm>> -> memref<1x81x128xi32, #tpu.memory_space<hbm>>
      %dma_start3A_68 = tpu.memref_squeeze %dma_start3A_67 : memref<1x81x128xi32, #tpu.memory_space<hbm>> -> memref<81x128xi32, #tpu.memory_space<hbm>>
      tpu.enqueue_dma source(%dma_start3A_68 : memref<81x128xi32, #tpu.memory_space<hbm>>) target(%arg7 : memref<81x128xi32, #tpu.memory_space<vmem>>) target_semaphore(%run_scoped3A : memref<!tpu.dma_semaphore, #tpu.memory_space<semaphore_mem>>)
      %dma_wait3A = arith.constant 0 : i32
      %dma_wait3A_69 = arith.constant 0 : i32
      %dma_wait3A_70 = tpu.memref_slice %arg3[%add3A, %dma_wait3A, %dma_wait3A_69] : memref<32x81x128xi32, #tpu.memory_space<hbm>> -> memref<1x81x128xi32, #tpu.memory_space<hbm>>
      %dma_wait3A_71 = tpu.memref_squeeze %dma_wait3A_70 : memref<1x81x128xi32, #tpu.memory_space<hbm>> -> memref<81x128xi32, #tpu.memory_space<hbm>>
      %dma_wait3A_72 = arith.constant 0 : i32
      %dma_wait3A_73 = arith.constant 0 : i32
      %dma_wait3A_74 = tpu.memref_slice %arg3[%add3A, %dma_wait3A_72, %dma_wait3A_73] : memref<32x81x128xi32, #tpu.memory_space<hbm>> -> memref<1x81x128xi32, #tpu.memory_space<hbm>>
      %dma_wait3A_75 = tpu.memref_squeeze %dma_wait3A_74 : memref<1x81x128xi32, #tpu.memory_space<hbm>> -> memref<81x128xi32, #tpu.memory_space<hbm>>
      tpu.wait_dma2 semaphore(%run_scoped3A : memref<!tpu.dma_semaphore, #tpu.memory_space<semaphore_mem>>) src(%dma_wait3A_75 : memref<81x128xi32, #tpu.memory_space<hbm>>) dst(%arg7 : memref<81x128xi32, #tpu.memory_space<vmem>>)
      tpu.yield
    }) : () -> ()
    "tpu.region"() ({
      %run_scoped3A = tpu.sem_alloc : memref<!tpu.dma_semaphore, #tpu.memory_space<semaphore_mem>>
      %dma_start3A = arith.constant 0 : i32
      %dma_start3A_62 = arith.constant 0 : i32
      %dma_start3A_63 = tpu.memref_slice %arg4[%add3A, %dma_start3A, %dma_start3A_62] : memref<32x81x128xi32, #tpu.memory_space<hbm>> -> memref<1x81x128xi32, #tpu.memory_space<hbm>>
      %dma_start3A_64 = tpu.memref_squeeze %dma_start3A_63 : memref<1x81x128xi32, #tpu.memory_space<hbm>> -> memref<81x128xi32, #tpu.memory_space<hbm>>
      %dma_start3A_65 = arith.constant 0 : i32
      %dma_start3A_66 = arith.constant 0 : i32
      %dma_start3A_67 = tpu.memref_slice %arg4[%add3A, %dma_start3A_65, %dma_start3A_66] : memref<32x81x128xi32, #tpu.memory_space<hbm>> -> memref<1x81x128xi32, #tpu.memory_space<hbm>>
      %dma_start3A_68 = tpu.memref_squeeze %dma_start3A_67 : memref<1x81x128xi32, #tpu.memory_space<hbm>> -> memref<81x128xi32, #tpu.memory_space<hbm>>
      tpu.enqueue_dma source(%dma_start3A_68 : memref<81x128xi32, #tpu.memory_space<hbm>>) target(%arg8 : memref<81x128xi32, #tpu.memory_space<vmem>>) target_semaphore(%run_scoped3A : memref<!tpu.dma_semaphore, #tpu.memory_space<semaphore_mem>>)
      %dma_wait3A = arith.constant 0 : i32
      %dma_wait3A_69 = arith.constant 0 : i32
      %dma_wait3A_70 = tpu.memref_slice %arg4[%add3A, %dma_wait3A, %dma_wait3A_69] : memref<32x81x128xi32, #tpu.memory_space<hbm>> -> memref<1x81x128xi32, #tpu.memory_space<hbm>>
      %dma_wait3A_71 = tpu.memref_squeeze %dma_wait3A_70 : memref<1x81x128xi32, #tpu.memory_space<hbm>> -> memref<81x128xi32, #tpu.memory_space<hbm>>
      %dma_wait3A_72 = arith.constant 0 : i32
      %dma_wait3A_73 = arith.constant 0 : i32
      %dma_wait3A_74 = tpu.memref_slice %arg4[%add3A, %dma_wait3A_72, %dma_wait3A_73] : memref<32x81x128xi32, #tpu.memory_space<hbm>> -> memref<1x81x128xi32, #tpu.memory_space<hbm>>
      %dma_wait3A_75 = tpu.memref_squeeze %dma_wait3A_74 : memref<1x81x128xi32, #tpu.memory_space<hbm>> -> memref<81x128xi32, #tpu.memory_space<hbm>>
      tpu.wait_dma2 semaphore(%run_scoped3A : memref<!tpu.dma_semaphore, #tpu.memory_space<semaphore_mem>>) src(%dma_wait3A_75 : memref<81x128xi32, #tpu.memory_space<hbm>>) dst(%arg8 : memref<81x128xi32, #tpu.memory_space<vmem>>)
      tpu.yield
    }) : () -> ()
    "tpu.region"() ({
      %run_scoped3A = tpu.sem_alloc : memref<!tpu.dma_semaphore, #tpu.memory_space<semaphore_mem>>
      %dma_start3A = arith.constant 0 : i32
      %dma_start3A_62 = arith.constant 0 : i32
      %dma_start3A_63 = tpu.memref_slice %arg5[%add3A, %dma_start3A, %dma_start3A_62] : memref<32x81x128xf32, #tpu.memory_space<hbm>> -> memref<1x81x128xf32, #tpu.memory_space<hbm>>
      %dma_start3A_64 = tpu.memref_squeeze %dma_start3A_63 : memref<1x81x128xf32, #tpu.memory_space<hbm>> -> memref<81x128xf32, #tpu.memory_space<hbm>>
      %dma_start3A_65 = arith.constant 0 : i32
      %dma_start3A_66 = arith.constant 0 : i32
      %dma_start3A_67 = tpu.memref_slice %arg5[%add3A, %dma_start3A_65, %dma_start3A_66] : memref<32x81x128xf32, #tpu.memory_space<hbm>> -> memref<1x81x128xf32, #tpu.memory_space<hbm>>
      %dma_start3A_68 = tpu.memref_squeeze %dma_start3A_67 : memref<1x81x128xf32, #tpu.memory_space<hbm>> -> memref<81x128xf32, #tpu.memory_space<hbm>>
      tpu.enqueue_dma source(%dma_start3A_68 : memref<81x128xf32, #tpu.memory_space<hbm>>) target(%arg9 : memref<81x128xf32, #tpu.memory_space<vmem>>) target_semaphore(%run_scoped3A : memref<!tpu.dma_semaphore, #tpu.memory_space<semaphore_mem>>)
      %dma_wait3A = arith.constant 0 : i32
      %dma_wait3A_69 = arith.constant 0 : i32
      %dma_wait3A_70 = tpu.memref_slice %arg5[%add3A, %dma_wait3A, %dma_wait3A_69] : memref<32x81x128xf32, #tpu.memory_space<hbm>> -> memref<1x81x128xf32, #tpu.memory_space<hbm>>
      %dma_wait3A_71 = tpu.memref_squeeze %dma_wait3A_70 : memref<1x81x128xf32, #tpu.memory_space<hbm>> -> memref<81x128xf32, #tpu.memory_space<hbm>>
      %dma_wait3A_72 = arith.constant 0 : i32
      %dma_wait3A_73 = arith.constant 0 : i32
      %dma_wait3A_74 = tpu.memref_slice %arg5[%add3A, %dma_wait3A_72, %dma_wait3A_73] : memref<32x81x128xf32, #tpu.memory_space<hbm>> -> memref<1x81x128xf32, #tpu.memory_space<hbm>>
      %dma_wait3A_75 = tpu.memref_squeeze %dma_wait3A_74 : memref<1x81x128xf32, #tpu.memory_space<hbm>> -> memref<81x128xf32, #tpu.memory_space<hbm>>
      tpu.wait_dma2 semaphore(%run_scoped3A : memref<!tpu.dma_semaphore, #tpu.memory_space<semaphore_mem>>) src(%dma_wait3A_75 : memref<81x128xf32, #tpu.memory_space<hbm>>) dst(%arg9 : memref<81x128xf32, #tpu.memory_space<vmem>>)
      tpu.yield
    }) : () -> ()
    %scan3A = arith.constant 0 : i32
    %scan3A_1 = arith.constant 0 : i32
    %scan3A_2 = arith.constant 128 : i32
    %scan3A_3 = arith.addi %scan3A_1, %scan3A_2 : i32
    %scan3A_4 = arith.constant 1 : i32
    %scan3A_5 = scf.for %scan3A_62 = %scan3A_1 to %scan3A_3 step %scan3A_4 iter_args(%scan3A_63 = %scan3A) -> (i32)  : i32 {
      %broadcast_in_dim3A = arith.constant 0.000000e+00 : f32
      %broadcast_in_dim3A_64 = vector.broadcast %broadcast_in_dim3A : f32 to vector<16xf32>
      %swap3A = arith.index_cast %scan3A_62 : i32 to index
      %swap3A_65 = arith.constant 0 : index
      %swap3A_66 = tpu.vector_load %arg10[%swap3A, %swap3A_65] {strides = array<i32>} : memref<128x128xf32, #tpu.memory_space<vmem>>, vector<16xf32>,
      tpu.vector_store %arg10[%swap3A, %swap3A_65], %broadcast_in_dim3A_64 {strides = array<i32>} : memref<128x128xf32, #tpu.memory_space<vmem>>, vector<16xf32>,
      %broadcast_in_dim3A_67 = arith.constant 0.000000e+00 : f32
      %broadcast_in_dim3A_68 = vector.broadcast %broadcast_in_dim3A_67 : f32 to vector<16xf32>
      %swap3A_69 = arith.index_cast %scan3A_62 : i32 to index
      %swap3A_70 = arith.constant 16 : index
      %swap3A_71 = tpu.vector_load %arg10[%swap3A_69, %swap3A_70] {strides = array<i32>} : memref<128x128xf32, #tpu.memory_space<vmem>>, vector<16xf32>,
      tpu.vector_store %arg10[%swap3A_69, %swap3A_70], %broadcast_in_dim3A_68 {strides = array<i32>} : memref<128x128xf32, #tpu.memory_space<vmem>>, vector<16xf32>,
      %broadcast_in_dim3A_72 = arith.constant 0.000000e+00 : f32
      %broadcast_in_dim3A_73 = vector.broadcast %broadcast_in_dim3A_72 : f32 to vector<16xf32>
      %swap3A_74 = arith.index_cast %scan3A_62 : i32 to index
      %swap3A_75 = arith.constant 32 : index
      %swap3A_76 = tpu.vector_load %arg10[%swap3A_74, %swap3A_75] {strides = array<i32>} : memref<128x128xf32, #tpu.memory_space<vmem>>, vector<16xf32>,
      tpu.vector_store %arg10[%swap3A_74, %swap3A_75], %broadcast_in_dim3A_73 {strides = array<i32>} : memref<128x128xf32, #tpu.memory_space<vmem>>, vector<16xf32>,
      %broadcast_in_dim3A_77 = arith.constant 0.000000e+00 : f32
      %broadcast_in_dim3A_78 = vector.broadcast %broadcast_in_dim3A_77 : f32 to vector<16xf32>
      %swap3A_79 = arith.index_cast %scan3A_62 : i32 to index
      %swap3A_80 = arith.constant 48 : index
      %swap3A_81 = tpu.vector_load %arg10[%swap3A_79, %swap3A_80] {strides = array<i32>} : memref<128x128xf32, #tpu.memory_space<vmem>>, vector<16xf32>,
      tpu.vector_store %arg10[%swap3A_79, %swap3A_80], %broadcast_in_dim3A_78 {strides = array<i32>} : memref<128x128xf32, #tpu.memory_space<vmem>>, vector<16xf32>,
      %broadcast_in_dim3A_82 = arith.constant 0.000000e+00 : f32
      %broadcast_in_dim3A_83 = vector.broadcast %broadcast_in_dim3A_82 : f32 to vector<16xf32>
      %swap3A_84 = arith.index_cast %scan3A_62 : i32 to index
      %swap3A_85 = arith.constant 64 : index
      %swap3A_86 = tpu.vector_load %arg10[%swap3A_84, %swap3A_85] {strides = array<i32>} : memref<128x128xf32, #tpu.memory_space<vmem>>, vector<16xf32>,
      tpu.vector_store %arg10[%swap3A_84, %swap3A_85], %broadcast_in_dim3A_83 {strides = array<i32>} : memref<128x128xf32, #tpu.memory_space<vmem>>, vector<16xf32>,
      %broadcast_in_dim3A_87 = arith.constant 0.000000e+00 : f32
      %broadcast_in_dim3A_88 = vector.broadcast %broadcast_in_dim3A_87 : f32 to vector<16xf32>
      %swap3A_89 = arith.index_cast %scan3A_62 : i32 to index
      %swap3A_90 = arith.constant 80 : index
      %swap3A_91 = tpu.vector_load %arg10[%swap3A_89, %swap3A_90] {strides = array<i32>} : memref<128x128xf32, #tpu.memory_space<vmem>>, vector<16xf32>,
      tpu.vector_store %arg10[%swap3A_89, %swap3A_90], %broadcast_in_dim3A_88 {strides = array<i32>} : memref<128x128xf32, #tpu.memory_space<vmem>>, vector<16xf32>,
      %broadcast_in_dim3A_92 = arith.constant 0.000000e+00 : f32
      %broadcast_in_dim3A_93 = vector.broadcast %broadcast_in_dim3A_92 : f32 to vector<16xf32>
      %swap3A_94 = arith.index_cast %scan3A_62 : i32 to index
      %swap3A_95 = arith.constant 96 : index
      %swap3A_96 = tpu.vector_load %arg10[%swap3A_94, %swap3A_95] {strides = array<i32>} : memref<128x128xf32, #tpu.memory_space<vmem>>, vector<16xf32>,
      tpu.vector_store %arg10[%swap3A_94, %swap3A_95], %broadcast_in_dim3A_93 {strides = array<i32>} : memref<128x128xf32, #tpu.memory_space<vmem>>, vector<16xf32>,
      %broadcast_in_dim3A_97 = arith.constant 0.000000e+00 : f32
      %broadcast_in_dim3A_98 = vector.broadcast %broadcast_in_dim3A_97 : f32 to vector<16xf32>
      %swap3A_99 = arith.index_cast %scan3A_62 : i32 to index
      %swap3A_100 = arith.constant 112 : index
      %swap3A_101 = tpu.vector_load %arg10[%swap3A_99, %swap3A_100] {strides = array<i32>} : memref<128x128xf32, #tpu.memory_space<vmem>>, vector<16xf32>,
      tpu.vector_store %arg10[%swap3A_99, %swap3A_100], %broadcast_in_dim3A_98 {strides = array<i32>} : memref<128x128xf32, #tpu.memory_space<vmem>>, vector<16xf32>,
      %scan3A_102 = arith.constant 0 : i32
      scf.yield %scan3A_102 : i32
    }
    %scan3A_6 = arith.constant 128 : i32
    %mul3A_7 = arith.constant 640 : i32
    %mul3A_8 = arith.muli %arg1, %mul3A_7 : i32
    %lt3A = arith.constant 15 : i32
    %lt3A_9 = arith.cmpi slt, %arg1, %lt3A : i32
    %or3A = arith.constant true
    %or3A_10 = arith.ori %lt3A_9, %or3A : i1
    %convert_element_type3A = arith.extui %or3A_10 : i1 to i32
    %cond3A = arith.constant 0 : i32
    %cond3A_11 = arith.cmpi ne, %convert_element_type3A, %cond3A : i32
    scf.if %cond3A_11 {
      %add3A_62 = arith.constant 0 : i32
      %add3A_63 = arith.addi %mul3A_8, %add3A_62 : i32
      "tpu.region"() ({
        %run_scoped3A = tpu.sem_alloc : memref<!tpu.dma_semaphore, #tpu.memory_space<semaphore_mem>>
        %dma_start3A = arith.constant 0 : i32
        %dma_start3A_64 = tpu.memref_slice %arg11[%add3A_63, %dma_start3A] : memref<10000x128xf32, #tpu.memory_space<vmem_shared>> -> memref<128x128xf32, #tpu.memory_space<vmem_shared>>
        %dma_start3A_65 = arith.constant 0 : i32
        %dma_start3A_66 = tpu.memref_slice %arg11[%add3A_63, %dma_start3A_65] : memref<10000x128xf32, #tpu.memory_space<vmem_shared>> -> memref<128x128xf32, #tpu.memory_space<vmem_shared>>
        tpu.enqueue_dma source(%arg10 : memref<128x128xf32, #tpu.memory_space<vmem>>) target(%dma_start3A_66 : memref<128x128xf32, #tpu.memory_space<vmem_shared>>) target_semaphore(%run_scoped3A : memref<!tpu.dma_semaphore, #tpu.memory_space<semaphore_mem>>)
        %dma_wait3A = arith.constant 0 : i32
        %dma_wait3A_67 = tpu.memref_slice %arg11[%add3A_63, %dma_wait3A] : memref<10000x128xf32, #tpu.memory_space<vmem_shared>> -> memref<128x128xf32, #tpu.memory_space<vmem_shared>>
        %dma_wait3A_68 = arith.constant 0 : i32
        %dma_wait3A_69 = tpu.memref_slice %arg11[%add3A_63, %dma_wait3A_68] : memref<10000x128xf32, #tpu.memory_space<vmem_shared>> -> memref<128x128xf32, #tpu.memory_space<vmem_shared>>
        tpu.wait_dma2 semaphore(%run_scoped3A : memref<!tpu.dma_semaphore, #tpu.memory_space<semaphore_mem>>) src(%arg10 : memref<128x128xf32, #tpu.memory_space<vmem>>) dst(%dma_wait3A_69 : memref<128x128xf32, #tpu.memory_space<vmem_shared>>)
        tpu.yield
      }) : () -> ()
    } else {
    }
    %lt3A_12 = arith.constant 15 : i32
    %lt3A_13 = arith.cmpi slt, %arg1, %lt3A_12 : i32
    %or3A_14 = arith.constant true
    %or3A_15 = arith.ori %lt3A_13, %or3A_14 : i1
    %convert_element_type3A_16 = arith.extui %or3A_15 : i1 to i32
    %cond3A_17 = arith.constant 0 : i32
    %cond3A_18 = arith.cmpi ne, %convert_element_type3A_16, %cond3A_17 : i32
    scf.if %cond3A_18 {
      %add3A_62 = arith.constant 128 : i32
      %add3A_63 = arith.addi %mul3A_8, %add3A_62 : i32
      "tpu.region"() ({
        %run_scoped3A = tpu.sem_alloc : memref<!tpu.dma_semaphore, #tpu.memory_space<semaphore_mem>>
        %dma_start3A = arith.constant 0 : i32
        %dma_start3A_64 = tpu.memref_slice %arg11[%add3A_63, %dma_start3A] : memref<10000x128xf32, #tpu.memory_space<vmem_shared>> -> memref<128x128xf32, #tpu.memory_space<vmem_shared>>
        %dma_start3A_65 = arith.constant 0 : i32
        %dma_start3A_66 = tpu.memref_slice %arg11[%add3A_63, %dma_start3A_65] : memref<10000x128xf32, #tpu.memory_space<vmem_shared>> -> memref<128x128xf32, #tpu.memory_space<vmem_shared>>
        tpu.enqueue_dma source(%arg10 : memref<128x128xf32, #tpu.memory_space<vmem>>) target(%dma_start3A_66 : memref<128x128xf32, #tpu.memory_space<vmem_shared>>) target_semaphore(%run_scoped3A : memref<!tpu.dma_semaphore, #tpu.memory_space<semaphore_mem>>)
        %dma_wait3A = arith.constant 0 : i32
        %dma_wait3A_67 = tpu.memref_slice %arg11[%add3A_63, %dma_wait3A] : memref<10000x128xf32, #tpu.memory_space<vmem_shared>> -> memref<128x128xf32, #tpu.memory_space<vmem_shared>>
        %dma_wait3A_68 = arith.constant 0 : i32
        %dma_wait3A_69 = tpu.memref_slice %arg11[%add3A_63, %dma_wait3A_68] : memref<10000x128xf32, #tpu.memory_space<vmem_shared>> -> memref<128x128xf32, #tpu.memory_space<vmem_shared>>
        tpu.wait_dma2 semaphore(%run_scoped3A : memref<!tpu.dma_semaphore, #tpu.memory_space<semaphore_mem>>) src(%arg10 : memref<128x128xf32, #tpu.memory_space<vmem>>) dst(%dma_wait3A_69 : memref<128x128xf32, #tpu.memory_space<vmem_shared>>)
        tpu.yield
      }) : () -> ()
    } else {
    }
    %lt3A_19 = arith.constant 15 : i32
    %lt3A_20 = arith.cmpi slt, %arg1, %lt3A_19 : i32
    %or3A_21 = arith.constant true
    %or3A_22 = arith.ori %lt3A_20, %or3A_21 : i1
    %convert_element_type3A_23 = arith.extui %or3A_22 : i1 to i32
    %cond3A_24 = arith.constant 0 : i32
    %cond3A_25 = arith.cmpi ne, %convert_element_type3A_23, %cond3A_24 : i32
    scf.if %cond3A_25 {
      %add3A_62 = arith.constant 256 : i32
      %add3A_63 = arith.addi %mul3A_8, %add3A_62 : i32
      "tpu.region"() ({
        %run_scoped3A = tpu.sem_alloc : memref<!tpu.dma_semaphore, #tpu.memory_space<semaphore_mem>>
        %dma_start3A = arith.constant 0 : i32
        %dma_start3A_64 = tpu.memref_slice %arg11[%add3A_63, %dma_start3A] : memref<10000x128xf32, #tpu.memory_space<vmem_shared>> -> memref<128x128xf32, #tpu.memory_space<vmem_shared>>
        %dma_start3A_65 = arith.constant 0 : i32
        %dma_start3A_66 = tpu.memref_slice %arg11[%add3A_63, %dma_start3A_65] : memref<10000x128xf32, #tpu.memory_space<vmem_shared>> -> memref<128x128xf32, #tpu.memory_space<vmem_shared>>
        tpu.enqueue_dma source(%arg10 : memref<128x128xf32, #tpu.memory_space<vmem>>) target(%dma_start3A_66 : memref<128x128xf32, #tpu.memory_space<vmem_shared>>) target_semaphore(%run_scoped3A : memref<!tpu.dma_semaphore, #tpu.memory_space<semaphore_mem>>)
        %dma_wait3A = arith.constant 0 : i32
        %dma_wait3A_67 = tpu.memref_slice %arg11[%add3A_63, %dma_wait3A] : memref<10000x128xf32, #tpu.memory_space<vmem_shared>> -> memref<128x128xf32, #tpu.memory_space<vmem_shared>>
        %dma_wait3A_68 = arith.constant 0 : i32
        %dma_wait3A_69 = tpu.memref_slice %arg11[%add3A_63, %dma_wait3A_68] : memref<10000x128xf32, #tpu.memory_space<vmem_shared>> -> memref<128x128xf32, #tpu.memory_space<vmem_shared>>
        tpu.wait_dma2 semaphore(%run_scoped3A : memref<!tpu.dma_semaphore, #tpu.memory_space<semaphore_mem>>) src(%arg10 : memref<128x128xf32, #tpu.memory_space<vmem>>) dst(%dma_wait3A_69 : memref<128x128xf32, #tpu.memory_space<vmem_shared>>)
        tpu.yield
      }) : () -> ()
    } else {
    }
    %lt3A_26 = arith.constant 15 : i32
    %lt3A_27 = arith.cmpi slt, %arg1, %lt3A_26 : i32
    %or3A_28 = arith.constant false
    %or3A_29 = arith.ori %lt3A_27, %or3A_28 : i1
    %convert_element_type3A_30 = arith.extui %or3A_29 : i1 to i32
    %cond3A_31 = arith.constant 0 : i32
    %cond3A_32 = arith.cmpi ne, %convert_element_type3A_30, %cond3A_31 : i32
    scf.if %cond3A_32 {
      %add3A_62 = arith.constant 384 : i32
      %add3A_63 = arith.addi %mul3A_8, %add3A_62 : i32
      "tpu.region"() ({
        %run_scoped3A = tpu.sem_alloc : memref<!tpu.dma_semaphore, #tpu.memory_space<semaphore_mem>>
        %dma_start3A = arith.constant 0 : i32
        %dma_start3A_64 = tpu.memref_slice %arg11[%add3A_63, %dma_start3A] : memref<10000x128xf32, #tpu.memory_space<vmem_shared>> -> memref<128x128xf32, #tpu.memory_space<vmem_shared>>
        %dma_start3A_65 = arith.constant 0 : i32
        %dma_start3A_66 = tpu.memref_slice %arg11[%add3A_63, %dma_start3A_65] : memref<10000x128xf32, #tpu.memory_space<vmem_shared>> -> memref<128x128xf32, #tpu.memory_space<vmem_shared>>
        tpu.enqueue_dma source(%arg10 : memref<128x128xf32, #tpu.memory_space<vmem>>) target(%dma_start3A_66 : memref<128x128xf32, #tpu.memory_space<vmem_shared>>) target_semaphore(%run_scoped3A : memref<!tpu.dma_semaphore, #tpu.memory_space<semaphore_mem>>)
        %dma_wait3A = arith.constant 0 : i32
        %dma_wait3A_67 = tpu.memref_slice %arg11[%add3A_63, %dma_wait3A] : memref<10000x128xf32, #tpu.memory_space<vmem_shared>> -> memref<128x128xf32, #tpu.memory_space<vmem_shared>>
        %dma_wait3A_68 = arith.constant 0 : i32
        %dma_wait3A_69 = tpu.memref_slice %arg11[%add3A_63, %dma_wait3A_68] : memref<10000x128xf32, #tpu.memory_space<vmem_shared>> -> memref<128x128xf32, #tpu.memory_space<vmem_shared>>
        tpu.wait_dma2 semaphore(%run_scoped3A : memref<!tpu.dma_semaphore, #tpu.memory_space<semaphore_mem>>) src(%arg10 : memref<128x128xf32, #tpu.memory_space<vmem>>) dst(%dma_wait3A_69 : memref<128x128xf32, #tpu.memory_space<vmem_shared>>)
        tpu.yield
      }) : () -> ()
    } else {
    }
    %lt3A_33 = arith.constant 15 : i32
    %lt3A_34 = arith.cmpi slt, %arg1, %lt3A_33 : i32
    %or3A_35 = arith.constant false
    %or3A_36 = arith.ori %lt3A_34, %or3A_35 : i1
    %convert_element_type3A_37 = arith.extui %or3A_36 : i1 to i32
    %cond3A_38 = arith.constant 0 : i32
    %cond3A_39 = arith.cmpi ne, %convert_element_type3A_37, %cond3A_38 : i32
    scf.if %cond3A_39 {
      %add3A_62 = arith.constant 512 : i32
      %add3A_63 = arith.addi %mul3A_8, %add3A_62 : i32
      "tpu.region"() ({
        %run_scoped3A = tpu.sem_alloc : memref<!tpu.dma_semaphore, #tpu.memory_space<semaphore_mem>>
        %dma_start3A = arith.constant 0 : i32
        %dma_start3A_64 = tpu.memref_slice %arg11[%add3A_63, %dma_start3A] : memref<10000x128xf32, #tpu.memory_space<vmem_shared>> -> memref<128x128xf32, #tpu.memory_space<vmem_shared>>
        %dma_start3A_65 = arith.constant 0 : i32
        %dma_start3A_66 = tpu.memref_slice %arg11[%add3A_63, %dma_start3A_65] : memref<10000x128xf32, #tpu.memory_space<vmem_shared>> -> memref<128x128xf32, #tpu.memory_space<vmem_shared>>
        tpu.enqueue_dma source(%arg10 : memref<128x128xf32, #tpu.memory_space<vmem>>) target(%dma_start3A_66 : memref<128x128xf32, #tpu.memory_space<vmem_shared>>) target_semaphore(%run_scoped3A : memref<!tpu.dma_semaphore, #tpu.memory_space<semaphore_mem>>)
        %dma_wait3A = arith.constant 0 : i32
        %dma_wait3A_67 = tpu.memref_slice %arg11[%add3A_63, %dma_wait3A] : memref<10000x128xf32, #tpu.memory_space<vmem_shared>> -> memref<128x128xf32, #tpu.memory_space<vmem_shared>>
        %dma_wait3A_68 = arith.constant 0 : i32
        %dma_wait3A_69 = tpu.memref_slice %arg11[%add3A_63, %dma_wait3A_68] : memref<10000x128xf32, #tpu.memory_space<vmem_shared>> -> memref<128x128xf32, #tpu.memory_space<vmem_shared>>
        tpu.wait_dma2 semaphore(%run_scoped3A : memref<!tpu.dma_semaphore, #tpu.memory_space<semaphore_mem>>) src(%arg10 : memref<128x128xf32, #tpu.memory_space<vmem>>) dst(%dma_wait3A_69 : memref<128x128xf32, #tpu.memory_space<vmem_shared>>)
        tpu.yield
      }) : () -> ()
    } else {
    }
    %eq3A = arith.constant 15 : i32
    %eq3A_40 = arith.cmpi eq, %arg1, %eq3A : i32
    %convert_element_type3A_41 = arith.extui %eq3A_40 : i1 to i32
    %cond3A_42 = arith.constant 0 : i32
    %cond3A_43 = arith.cmpi ne, %convert_element_type3A_41, %cond3A_42 : i32
    scf.if %cond3A_43 {
      "tpu.region"() ({
        %run_scoped3A = tpu.sem_alloc : memref<!tpu.dma_semaphore, #tpu.memory_space<semaphore_mem>>
        %dma_start3A = arith.constant 0 : i32
        %dma_start3A_62 = arith.constant 0 : i32
        %dma_start3A_63 = tpu.memref_slice %arg10[%dma_start3A, %dma_start3A_62] : memref<128x128xf32, #tpu.memory_space<vmem>> -> memref<16x128xf32, #tpu.memory_space<vmem>>
        %dma_start3A_64 = arith.constant 9984 : i32
        %dma_start3A_65 = arith.constant 0 : i32
        %dma_start3A_66 = tpu.memref_slice %arg11[%dma_start3A_64, %dma_start3A_65] : memref<10000x128xf32, #tpu.memory_space<vmem_shared>> -> memref<16x128xf32, #tpu.memory_space<vmem_shared>>
        %dma_start3A_67 = arith.constant 9984 : i32
        %dma_start3A_68 = arith.constant 0 : i32
        %dma_start3A_69 = tpu.memref_slice %arg11[%dma_start3A_67, %dma_start3A_68] : memref<10000x128xf32, #tpu.memory_space<vmem_shared>> -> memref<16x128xf32, #tpu.memory_space<vmem_shared>>
        %dma_start3A_70 = arith.constant 0 : i32
        %dma_start3A_71 = arith.constant 0 : i32
        %dma_start3A_72 = tpu.memref_slice %arg10[%dma_start3A_70, %dma_start3A_71] : memref<128x128xf32, #tpu.memory_space<vmem>> -> memref<16x128xf32, #tpu.memory_space<vmem>>
        tpu.enqueue_dma source(%dma_start3A_72 : memref<16x128xf32, #tpu.memory_space<vmem>>) target(%dma_start3A_69 : memref<16x128xf32, #tpu.memory_space<vmem_shared>>) target_semaphore(%run_scoped3A : memref<!tpu.dma_semaphore, #tpu.memory_space<semaphore_mem>>)
        %dma_wait3A = arith.constant 0 : i32
        %dma_wait3A_73 = arith.constant 0 : i32
        %dma_wait3A_74 = tpu.memref_slice %arg10[%dma_wait3A, %dma_wait3A_73] : memref<128x128xf32, #tpu.memory_space<vmem>> -> memref<16x128xf32, #tpu.memory_space<vmem>>
        %dma_wait3A_75 = arith.constant 9984 : i32
        %dma_wait3A_76 = arith.constant 0 : i32
        %dma_wait3A_77 = tpu.memref_slice %arg11[%dma_wait3A_75, %dma_wait3A_76] : memref<10000x128xf32, #tpu.memory_space<vmem_shared>> -> memref<16x128xf32, #tpu.memory_space<vmem_shared>>
        %dma_wait3A_78 = arith.constant 9984 : i32
        %dma_wait3A_79 = arith.constant 0 : i32
        %dma_wait3A_80 = tpu.memref_slice %arg11[%dma_wait3A_78, %dma_wait3A_79] : memref<10000x128xf32, #tpu.memory_space<vmem_shared>> -> memref<16x128xf32, #tpu.memory_space<vmem_shared>>
        %dma_wait3A_81 = arith.constant 0 : i32
        %dma_wait3A_82 = arith.constant 0 : i32
        %dma_wait3A_83 = tpu.memref_slice %arg10[%dma_wait3A_81, %dma_wait3A_82] : memref<128x128xf32, #tpu.memory_space<vmem>> -> memref<16x128xf32, #tpu.memory_space<vmem>>
        tpu.wait_dma2 semaphore(%run_scoped3A : memref<!tpu.dma_semaphore, #tpu.memory_space<semaphore_mem>>) src(%dma_wait3A_83 : memref<16x128xf32, #tpu.memory_space<vmem>>) dst(%dma_wait3A_80 : memref<16x128xf32, #tpu.memory_space<vmem_shared>>)
        tpu.yield
      }) : () -> ()
    } else {
    }
    %barrier3A = arith.constant 0 : index
    tpu.barrier barrier_id(%barrier3A)
    %scan3A_44 = arith.constant 0 : i32
    %scan3A_45 = arith.constant 0 : i32
    %scan3A_46 = arith.constant 81 : i32
    %scan3A_47 = arith.addi %scan3A_45, %scan3A_46 : i32
    %scan3A_48 = arith.constant 1 : i32
    %scan3A_49 = scf.for %scan3A_62 = %scan3A_45 to %scan3A_47 step %scan3A_48 iter_args(%scan3A_63 = %scan3A_44) -> (i32)  : i32 {
      %dma_start3A = arith.constant 0 : i32
      %dma_start3A_64 = tpu.memref_slice %arg7[%scan3A_62, %dma_start3A] : memref<81x128xi32, #tpu.memory_space<vmem>> -> memref<1x128xi32, #tpu.memory_space<vmem>>
      %dma_start3A_65 = tpu.memref_squeeze %dma_start3A_64 : memref<1x128xi32, #tpu.memory_space<vmem>> -> memref<128xi32, #tpu.memory_space<vmem>>
      %dma_start3A_66 = arith.constant 0 : i32
      %dma_start3A_67 = arith.constant 0 : i32
      %dma_start3A_68 = tpu.memref_slice %arg2[%dma_start3A_66, %dma_start3A_67] : memref<10240x128xf32, #tpu.memory_space<hbm>> -> memref<10240x128xf32, #tpu.memory_space<hbm>>
      tpu.enqueue_indirect_dma source(%dma_start3A_68 : memref<10240x128xf32, #tpu.memory_space<hbm>>) target(%arg10 : memref<128x128xf32, #tpu.memory_space<vmem>>) offsets(%dma_start3A_65 : memref<128xi32, #tpu.memory_space<vmem>>) semaphore(%arg12 : memref<!tpu.dma_semaphore, #tpu.memory_space<semaphore_mem>>)
      %dma_wait3A = arith.constant 0 : i32
      %dma_wait3A_69 = tpu.memref_slice %arg7[%scan3A_62, %dma_wait3A] : memref<81x128xi32, #tpu.memory_space<vmem>> -> memref<1x128xi32, #tpu.memory_space<vmem>>
      %dma_wait3A_70 = tpu.memref_squeeze %dma_wait3A_69 : memref<1x128xi32, #tpu.memory_space<vmem>> -> memref<128xi32, #tpu.memory_space<vmem>>
      %dma_wait3A_71 = arith.constant 0 : i32
      %dma_wait3A_72 = arith.constant 0 : i32
      %dma_wait3A_73 = tpu.memref_slice %arg2[%dma_wait3A_71, %dma_wait3A_72] : memref<10240x128xf32, #tpu.memory_space<hbm>> -> memref<10240x128xf32, #tpu.memory_space<hbm>>
      tpu.wait_indirect_dma semaphore(%arg12 : memref<!tpu.dma_semaphore, #tpu.memory_space<semaphore_mem>>) src(%dma_wait3A_73 : memref<10240x128xf32, #tpu.memory_space<hbm>>) dst(%arg10 : memref<128x128xf32, #tpu.memory_space<vmem>>)
      %scan3A_74 = arith.constant 0 : i32
      %scan3A_75 = arith.constant 0 : i32
      %scan3A_76 = arith.constant 128 : i32
      %scan3A_77 = arith.addi %scan3A_75, %scan3A_76 : i32
      %scan3A_78 = arith.constant 1 : i32
      %scan3A_79 = scf.for %scan3A_82 = %scan3A_75 to %scan3A_77 step %scan3A_78 iter_args(%scan3A_83 = %scan3A_74) -> (i32)  : i32 {
        %broadcast_in_dim3A = vector.broadcast %scan3A_62 : i32 to vector<16xi32>
        %broadcast_in_dim3A_84 = vector.broadcast %scan3A_82 : i32 to vector<16xi32>
        %gather3A = tpu.vector_load_idx %arg9[%broadcast_in_dim3A, %broadcast_in_dim3A_84] : memref<81x128xf32, #tpu.memory_space<vmem>>[vector<16xi32>, vector<16xi32>], vector<16xf32>,
        %get3A = arith.index_cast %scan3A_82 : i32 to index
        %get3A_85 = arith.constant 0 : index
        %get3A_86 = tpu.vector_load %arg10[%get3A, %get3A_85] {strides = array<i32>} : memref<128x128xf32, #tpu.memory_space<vmem>>, vector<16xf32>,
        %mul3A_87 = arith.mulf %get3A_86, %gather3A : vector<16xf32>
        %swap3A = arith.index_cast %scan3A_82 : i32 to index
        %swap3A_88 = arith.constant 0 : index
        %swap3A_89 = tpu.vector_load %arg10[%swap3A, %swap3A_88] {strides = array<i32>} : memref<128x128xf32, #tpu.memory_space<vmem>>, vector<16xf32>,
        tpu.vector_store %arg10[%swap3A, %swap3A_88], %mul3A_87 {strides = array<i32>} : memref<128x128xf32, #tpu.memory_space<vmem>>, vector<16xf32>,
        %get3A_90 = arith.index_cast %scan3A_82 : i32 to index
        %get3A_91 = arith.constant 16 : index
        %get3A_92 = tpu.vector_load %arg10[%get3A_90, %get3A_91] {strides = array<i32>} : memref<128x128xf32, #tpu.memory_space<vmem>>, vector<16xf32>,
        %mul3A_93 = arith.mulf %get3A_92, %gather3A : vector<16xf32>
        %swap3A_94 = arith.index_cast %scan3A_82 : i32 to index
        %swap3A_95 = arith.constant 16 : index
        %swap3A_96 = tpu.vector_load %arg10[%swap3A_94, %swap3A_95] {strides = array<i32>} : memref<128x128xf32, #tpu.memory_space<vmem>>, vector<16xf32>,
        tpu.vector_store %arg10[%swap3A_94, %swap3A_95], %mul3A_93 {strides = array<i32>} : memref<128x128xf32, #tpu.memory_space<vmem>>, vector<16xf32>,
        %get3A_97 = arith.index_cast %scan3A_82 : i32 to index
        %get3A_98 = arith.constant 32 : index
        %get3A_99 = tpu.vector_load %arg10[%get3A_97, %get3A_98] {strides = array<i32>} : memref<128x128xf32, #tpu.memory_space<vmem>>, vector<16xf32>,
        %mul3A_100 = arith.mulf %get3A_99, %gather3A : vector<16xf32>
        %swap3A_101 = arith.index_cast %scan3A_82 : i32 to index
        %swap3A_102 = arith.constant 32 : index
        %swap3A_103 = tpu.vector_load %arg10[%swap3A_101, %swap3A_102] {strides = array<i32>} : memref<128x128xf32, #tpu.memory_space<vmem>>, vector<16xf32>,
        tpu.vector_store %arg10[%swap3A_101, %swap3A_102], %mul3A_100 {strides = array<i32>} : memref<128x128xf32, #tpu.memory_space<vmem>>, vector<16xf32>,
        %get3A_104 = arith.index_cast %scan3A_82 : i32 to index
        %get3A_105 = arith.constant 48 : index
        %get3A_106 = tpu.vector_load %arg10[%get3A_104, %get3A_105] {strides = array<i32>} : memref<128x128xf32, #tpu.memory_space<vmem>>, vector<16xf32>,
        %mul3A_107 = arith.mulf %get3A_106, %gather3A : vector<16xf32>
        %swap3A_108 = arith.index_cast %scan3A_82 : i32 to index
        %swap3A_109 = arith.constant 48 : index
        %swap3A_110 = tpu.vector_load %arg10[%swap3A_108, %swap3A_109] {strides = array<i32>} : memref<128x128xf32, #tpu.memory_space<vmem>>, vector<16xf32>,
        tpu.vector_store %arg10[%swap3A_108, %swap3A_109], %mul3A_107 {strides = array<i32>} : memref<128x128xf32, #tpu.memory_space<vmem>>, vector<16xf32>,
        %get3A_111 = arith.index_cast %scan3A_82 : i32 to index
        %get3A_112 = arith.constant 64 : index
        %get3A_113 = tpu.vector_load %arg10[%get3A_111, %get3A_112] {strides = array<i32>} : memref<128x128xf32, #tpu.memory_space<vmem>>, vector<16xf32>,
        %mul3A_114 = arith.mulf %get3A_113, %gather3A : vector<16xf32>
        %swap3A_115 = arith.index_cast %scan3A_82 : i32 to index
        %swap3A_116 = arith.constant 64 : index
        %swap3A_117 = tpu.vector_load %arg10[%swap3A_115, %swap3A_116] {strides = array<i32>} : memref<128x128xf32, #tpu.memory_space<vmem>>, vector<16xf32>,
        tpu.vector_store %arg10[%swap3A_115, %swap3A_116], %mul3A_114 {strides = array<i32>} : memref<128x128xf32, #tpu.memory_space<vmem>>, vector<16xf32>,
        %get3A_118 = arith.index_cast %scan3A_82 : i32 to index
        %get3A_119 = arith.constant 80 : index
        %get3A_120 = tpu.vector_load %arg10[%get3A_118, %get3A_119] {strides = array<i32>} : memref<128x128xf32, #tpu.memory_space<vmem>>, vector<16xf32>,
        %mul3A_121 = arith.mulf %get3A_120, %gather3A : vector<16xf32>
        %swap3A_122 = arith.index_cast %scan3A_82 : i32 to index
        %swap3A_123 = arith.constant 80 : index
        %swap3A_124 = tpu.vector_load %arg10[%swap3A_122, %swap3A_123] {strides = array<i32>} : memref<128x128xf32, #tpu.memory_space<vmem>>, vector<16xf32>,
        tpu.vector_store %arg10[%swap3A_122, %swap3A_123], %mul3A_121 {strides = array<i32>} : memref<128x128xf32, #tpu.memory_space<vmem>>, vector<16xf32>,
        %get3A_125 = arith.index_cast %scan3A_82 : i32 to index
        %get3A_126 = arith.constant 96 : index
        %get3A_127 = tpu.vector_load %arg10[%get3A_125, %get3A_126] {strides = array<i32>} : memref<128x128xf32, #tpu.memory_space<vmem>>, vector<16xf32>,
        %mul3A_128 = arith.mulf %get3A_127, %gather3A : vector<16xf32>
        %swap3A_129 = arith.index_cast %scan3A_82 : i32 to index
        %swap3A_130 = arith.constant 96 : index
        %swap3A_131 = tpu.vector_load %arg10[%swap3A_129, %swap3A_130] {strides = array<i32>} : memref<128x128xf32, #tpu.memory_space<vmem>>, vector<16xf32>,
        tpu.vector_store %arg10[%swap3A_129, %swap3A_130], %mul3A_128 {strides = array<i32>} : memref<128x128xf32, #tpu.memory_space<vmem>>, vector<16xf32>,
        %get3A_132 = arith.index_cast %scan3A_82 : i32 to index
        %get3A_133 = arith.constant 112 : index
        %get3A_134 = tpu.vector_load %arg10[%get3A_132, %get3A_133] {strides = array<i32>} : memref<128x128xf32, #tpu.memory_space<vmem>>, vector<16xf32>,
        %mul3A_135 = arith.mulf %get3A_134, %gather3A : vector<16xf32>
        %swap3A_136 = arith.index_cast %scan3A_82 : i32 to index
        %swap3A_137 = arith.constant 112 : index
        %swap3A_138 = tpu.vector_load %arg10[%swap3A_136, %swap3A_137] {strides = array<i32>} : memref<128x128xf32, #tpu.memory_space<vmem>>, vector<16xf32>,
        tpu.vector_store %arg10[%swap3A_136, %swap3A_137], %mul3A_135 {strides = array<i32>} : memref<128x128xf32, #tpu.memory_space<vmem>>, vector<16xf32>,
        %scan3A_139 = arith.constant 0 : i32
        scf.yield %scan3A_139 : i32
      }
      %scan3A_80 = arith.constant 128 : i32
      "tpu.region"() ({
        %run_scoped3A = tpu.sem_alloc : memref<!tpu.dma_semaphore, #tpu.memory_space<semaphore_mem>>
        %dma_start3A_82 = arith.constant 0 : i32
        %dma_start3A_83 = tpu.memref_slice %arg8[%scan3A_62, %dma_start3A_82] : memref<81x128xi32, #tpu.memory_space<vmem>> -> memref<1x128xi32, #tpu.memory_space<vmem>>
        %dma_start3A_84 = tpu.memref_squeeze %dma_start3A_83 : memref<1x128xi32, #tpu.memory_space<vmem>> -> memref<128xi32, #tpu.memory_space<vmem>>
        %dma_start3A_85 = arith.constant 0 : i32
        %dma_start3A_86 = arith.constant 0 : i32
        %dma_start3A_87 = tpu.memref_slice %arg11[%dma_start3A_85, %dma_start3A_86] : memref<10000x128xf32, #tpu.memory_space<vmem_shared>> -> memref<10000x128xf32, #tpu.memory_space<vmem_shared>>
        tpu.enqueue_indirect_dma source(%arg10 : memref<128x128xf32, #tpu.memory_space<vmem>>) target(%dma_start3A_87 : memref<10000x128xf32, #tpu.memory_space<vmem_shared>>) offsets(%dma_start3A_84 : memref<128xi32, #tpu.memory_space<vmem>>) semaphore(%run_scoped3A : memref<!tpu.dma_semaphore, #tpu.memory_space<semaphore_mem>>) {add = true}
        %dma_wait3A_88 = arith.constant 0 : i32
        %dma_wait3A_89 = tpu.memref_slice %arg8[%scan3A_62, %dma_wait3A_88] : memref<81x128xi32, #tpu.memory_space<vmem>> -> memref<1x128xi32, #tpu.memory_space<vmem>>
        %dma_wait3A_90 = tpu.memref_squeeze %dma_wait3A_89 : memref<1x128xi32, #tpu.memory_space<vmem>> -> memref<128xi32, #tpu.memory_space<vmem>>
        %dma_wait3A_91 = arith.constant 0 : i32
        %dma_wait3A_92 = arith.constant 0 : i32
        %dma_wait3A_93 = tpu.memref_slice %arg11[%dma_wait3A_91, %dma_wait3A_92] : memref<10000x128xf32, #tpu.memory_space<vmem_shared>> -> memref<10000x128xf32, #tpu.memory_space<vmem_shared>>
        tpu.wait_indirect_dma semaphore(%run_scoped3A : memref<!tpu.dma_semaphore, #tpu.memory_space<semaphore_mem>>) src(%arg10 : memref<128x128xf32, #tpu.memory_space<vmem>>) dst(%dma_wait3A_93 : memref<10000x128xf32, #tpu.memory_space<vmem_shared>>)
        tpu.yield
      }) : () -> ()
      %scan3A_81 = arith.constant 0 : i32
      scf.yield %scan3A_81 : i32
    }
    %scan3A_50 = arith.constant 81 : i32
    %barrier3A_51 = arith.constant 0 : index
    tpu.barrier barrier_id(%barrier3A_51)
    %lt3A_52 = arith.constant 15 : i32
    %lt3A_53 = arith.cmpi slt, %arg1, %lt3A_52 : i32
    %convert_element_type3A_54 = arith.extui %lt3A_53 : i1 to i32
    %cond3A_55 = arith.constant 0 : i32
    %cond3A_56 = arith.cmpi ne, %convert_element_type3A_54, %cond3A_55 : i32
    scf.if %cond3A_56 {
      "tpu.region"() ({
        %run_scoped3A = tpu.sem_alloc : memref<!tpu.dma_semaphore, #tpu.memory_space<semaphore_mem>>
        %dma_start3A = arith.constant 0 : i32
        %dma_start3A_62 = tpu.memref_slice %arg6[%arg0, %mul3A_8, %dma_start3A] : memref<2x10000x128xf32, #tpu.memory_space<hbm>> -> memref<1x640x128xf32, #tpu.memory_space<hbm>>
        %dma_start3A_63 = tpu.memref_squeeze %dma_start3A_62 : memref<1x640x128xf32, #tpu.memory_space<hbm>> -> memref<640x128xf32, #tpu.memory_space<hbm>>
        %dma_start3A_64 = arith.constant 0 : i32
        %dma_start3A_65 = tpu.memref_slice %arg11[%mul3A_8, %dma_start3A_64] : memref<10000x128xf32, #tpu.memory_space<vmem_shared>> -> memref<640x128xf32, #tpu.memory_space<vmem_shared>>
        tpu.enqueue_dma source(%dma_start3A_65 : memref<640x128xf32, #tpu.memory_space<vmem_shared>>) target(%dma_start3A_63 : memref<640x128xf32, #tpu.memory_space<hbm>>) target_semaphore(%run_scoped3A : memref<!tpu.dma_semaphore, #tpu.memory_space<semaphore_mem>>)
        %dma_wait3A = arith.constant 0 : i32
        %dma_wait3A_66 = tpu.memref_slice %arg6[%arg0, %mul3A_8, %dma_wait3A] : memref<2x10000x128xf32, #tpu.memory_space<hbm>> -> memref<1x640x128xf32, #tpu.memory_space<hbm>>
        %dma_wait3A_67 = tpu.memref_squeeze %dma_wait3A_66 : memref<1x640x128xf32, #tpu.memory_space<hbm>> -> memref<640x128xf32, #tpu.memory_space<hbm>>
        %dma_wait3A_68 = arith.constant 0 : i32
        %dma_wait3A_69 = tpu.memref_slice %arg11[%mul3A_8, %dma_wait3A_68] : memref<10000x128xf32, #tpu.memory_space<vmem_shared>> -> memref<640x128xf32, #tpu.memory_space<vmem_shared>>
        tpu.wait_dma2 semaphore(%run_scoped3A : memref<!tpu.dma_semaphore, #tpu.memory_space<semaphore_mem>>) src(%dma_wait3A_69 : memref<640x128xf32, #tpu.memory_space<vmem_shared>>) dst(%dma_wait3A_67 : memref<640x128xf32, #tpu.memory_space<hbm>>)
        tpu.yield
      }) : () -> ()
    } else {
    }
    %eq3A_57 = arith.constant 15 : i32
    %eq3A_58 = arith.cmpi eq, %arg1, %eq3A_57 : i32
    %convert_element_type3A_59 = arith.extui %eq3A_58 : i1 to i32
    %cond3A_60 = arith.constant 0 : i32
    %cond3A_61 = arith.cmpi ne, %convert_element_type3A_59, %cond3A_60 : i32
    scf.if %cond3A_61 {
      "tpu.region"() ({
        %run_scoped3A = tpu.sem_alloc : memref<!tpu.dma_semaphore, #tpu.memory_space<semaphore_mem>>
        %dma_start3A = arith.constant 9600 : i32
        %dma_start3A_62 = arith.constant 0 : i32
        %dma_start3A_63 = tpu.memref_slice %arg6[%arg0, %dma_start3A, %dma_start3A_62] : memref<2x10000x128xf32, #tpu.memory_space<hbm>> -> memref<1x400x128xf32, #tpu.memory_space<hbm>>
        %dma_start3A_64 = tpu.memref_squeeze %dma_start3A_63 : memref<1x400x128xf32, #tpu.memory_space<hbm>> -> memref<400x128xf32, #tpu.memory_space<hbm>>
        %dma_start3A_65 = arith.constant 9600 : i32
        %dma_start3A_66 = arith.constant 0 : i32
        %dma_start3A_67 = tpu.memref_slice %arg11[%dma_start3A_65, %dma_start3A_66] : memref<10000x128xf32, #tpu.memory_space<vmem_shared>> -> memref<400x128xf32, #tpu.memory_space<vmem_shared>>
        tpu.enqueue_dma source(%dma_start3A_67 : memref<400x128xf32, #tpu.memory_space<vmem_shared>>) target(%dma_start3A_64 : memref<400x128xf32, #tpu.memory_space<hbm>>) target_semaphore(%run_scoped3A : memref<!tpu.dma_semaphore, #tpu.memory_space<semaphore_mem>>)
        %dma_wait3A = arith.constant 9600 : i32
        %dma_wait3A_68 = arith.constant 0 : i32
        %dma_wait3A_69 = tpu.memref_slice %arg6[%arg0, %dma_wait3A, %dma_wait3A_68] : memref<2x10000x128xf32, #tpu.memory_space<hbm>> -> memref<1x400x128xf32, #tpu.memory_space<hbm>>
        %dma_wait3A_70 = tpu.memref_squeeze %dma_wait3A_69 : memref<1x400x128xf32, #tpu.memory_space<hbm>> -> memref<400x128xf32, #tpu.memory_space<hbm>>
        %dma_wait3A_71 = arith.constant 9600 : i32
        %dma_wait3A_72 = arith.constant 0 : i32
        %dma_wait3A_73 = tpu.memref_slice %arg11[%dma_wait3A_71, %dma_wait3A_72] : memref<10000x128xf32, #tpu.memory_space<vmem_shared>> -> memref<400x128xf32, #tpu.memory_space<vmem_shared>>
        tpu.wait_dma2 semaphore(%run_scoped3A : memref<!tpu.dma_semaphore, #tpu.memory_space<semaphore_mem>>) src(%dma_wait3A_73 : memref<400x128xf32, #tpu.memory_space<vmem_shared>>) dst(%dma_wait3A_70 : memref<400x128xf32, #tpu.memory_space<hbm>>)
        tpu.yield
      }) : () -> ()
    } else {
    }
    return
  }
}

#map = affine_map<(d0, d1) -> (0, 0)>
#map1 = affine_map<(d0, d1) -> (0, 0, 0)>
#map2 = affine_map<(d0, d1) -> (0)>
module attributes {stable_mosaic.version = 14 : i64} {
  func.func @_gat_scalar_sc(%arg0: i32, %arg1: i32, %arg2: memref<1x10240xf32, #tpu.memory_space<hbm>>, %arg3: memref<1x10240xf32, #tpu.memory_space<hbm>>, %arg4: memref<32x81x128xi32, #tpu.memory_space<hbm>>, %arg5: memref<32x81x128xi32, #tpu.memory_space<hbm>>, %arg6: memref<32x81x128xf32, #tpu.memory_space<hbm>>, %arg7: memref<327680xf32, #tpu.memory_space<hbm>>, %arg8: memref<81x128xi32, #tpu.memory_space<vmem>>, %arg9: memref<81x128xi32, #tpu.memory_space<vmem>>, %arg10: memref<10240xf32, #tpu.memory_space<vmem>>, %arg11: memref<10240xf32, #tpu.memory_space<vmem>>, %arg12: memref<10240xf32, #tpu.memory_space<vmem>>, %arg13: memref<81x128xf32, #tpu.memory_space<vmem>>) attributes {dimension_semantics = [#tpu.dimension_semantics<core_parallel>, #tpu.dimension_semantics<subcore_parallel>], iteration_bounds = array<i64: 2, 16>, scalar_prefetch = 0 : i64, scratch_operands = 6 : i64, tpu.core_type = #tpu.core_type<sc_vector_subcore>, window_params = [{transform_indices = #map}, {transform_indices = #map}, {transform_indices = #map1}, {transform_indices = #map1}, {transform_indices = #map1}, {transform_indices = #map2}]} {
    %mul3A = arith.constant 2 : i32
    %mul3A_0 = arith.muli %arg1, %mul3A : i32
    %add3A = arith.addi %mul3A_0, %arg0 : i32
    "tpu.region"() ({
      %run_scoped3A_36 = tpu.sem_alloc : memref<!tpu.dma_semaphore, #tpu.memory_space<semaphore_mem>>
      %dma_start3A = arith.constant 0 : i32
      %dma_start3A_37 = arith.constant 0 : i32
      %dma_start3A_38 = tpu.memref_slice %arg4[%add3A, %dma_start3A, %dma_start3A_37] : memref<32x81x128xi32, #tpu.memory_space<hbm>> -> memref<1x81x128xi32, #tpu.memory_space<hbm>>
      %dma_start3A_39 = tpu.memref_squeeze %dma_start3A_38 : memref<1x81x128xi32, #tpu.memory_space<hbm>> -> memref<81x128xi32, #tpu.memory_space<hbm>>
      %dma_start3A_40 = arith.constant 0 : i32
      %dma_start3A_41 = arith.constant 0 : i32
      %dma_start3A_42 = tpu.memref_slice %arg4[%add3A, %dma_start3A_40, %dma_start3A_41] : memref<32x81x128xi32, #tpu.memory_space<hbm>> -> memref<1x81x128xi32, #tpu.memory_space<hbm>>
      %dma_start3A_43 = tpu.memref_squeeze %dma_start3A_42 : memref<1x81x128xi32, #tpu.memory_space<hbm>> -> memref<81x128xi32, #tpu.memory_space<hbm>>
      tpu.enqueue_dma source(%dma_start3A_43 : memref<81x128xi32, #tpu.memory_space<hbm>>) target(%arg8 : memref<81x128xi32, #tpu.memory_space<vmem>>) target_semaphore(%run_scoped3A_36 : memref<!tpu.dma_semaphore, #tpu.memory_space<semaphore_mem>>)
      %dma_wait3A = arith.constant 0 : i32
      %dma_wait3A_44 = arith.constant 0 : i32
      %dma_wait3A_45 = tpu.memref_slice %arg4[%add3A, %dma_wait3A, %dma_wait3A_44] : memref<32x81x128xi32, #tpu.memory_space<hbm>> -> memref<1x81x128xi32, #tpu.memory_space<hbm>>
      %dma_wait3A_46 = tpu.memref_squeeze %dma_wait3A_45 : memref<1x81x128xi32, #tpu.memory_space<hbm>> -> memref<81x128xi32, #tpu.memory_space<hbm>>
      %dma_wait3A_47 = arith.constant 0 : i32
      %dma_wait3A_48 = arith.constant 0 : i32
      %dma_wait3A_49 = tpu.memref_slice %arg4[%add3A, %dma_wait3A_47, %dma_wait3A_48] : memref<32x81x128xi32, #tpu.memory_space<hbm>> -> memref<1x81x128xi32, #tpu.memory_space<hbm>>
      %dma_wait3A_50 = tpu.memref_squeeze %dma_wait3A_49 : memref<1x81x128xi32, #tpu.memory_space<hbm>> -> memref<81x128xi32, #tpu.memory_space<hbm>>
      tpu.wait_dma2 semaphore(%run_scoped3A_36 : memref<!tpu.dma_semaphore, #tpu.memory_space<semaphore_mem>>) src(%dma_wait3A_50 : memref<81x128xi32, #tpu.memory_space<hbm>>) dst(%arg8 : memref<81x128xi32, #tpu.memory_space<vmem>>)
      tpu.yield
    }) : () -> ()
    "tpu.region"() ({
      %run_scoped3A_36 = tpu.sem_alloc : memref<!tpu.dma_semaphore, #tpu.memory_space<semaphore_mem>>
      %dma_start3A = arith.constant 0 : i32
      %dma_start3A_37 = arith.constant 0 : i32
      %dma_start3A_38 = tpu.memref_slice %arg5[%add3A, %dma_start3A, %dma_start3A_37] : memref<32x81x128xi32, #tpu.memory_space<hbm>> -> memref<1x81x128xi32, #tpu.memory_space<hbm>>
      %dma_start3A_39 = tpu.memref_squeeze %dma_start3A_38 : memref<1x81x128xi32, #tpu.memory_space<hbm>> -> memref<81x128xi32, #tpu.memory_space<hbm>>
      %dma_start3A_40 = arith.constant 0 : i32
      %dma_start3A_41 = arith.constant 0 : i32
      %dma_start3A_42 = tpu.memref_slice %arg5[%add3A, %dma_start3A_40, %dma_start3A_41] : memref<32x81x128xi32, #tpu.memory_space<hbm>> -> memref<1x81x128xi32, #tpu.memory_space<hbm>>
      %dma_start3A_43 = tpu.memref_squeeze %dma_start3A_42 : memref<1x81x128xi32, #tpu.memory_space<hbm>> -> memref<81x128xi32, #tpu.memory_space<hbm>>
      tpu.enqueue_dma source(%dma_start3A_43 : memref<81x128xi32, #tpu.memory_space<hbm>>) target(%arg9 : memref<81x128xi32, #tpu.memory_space<vmem>>) target_semaphore(%run_scoped3A_36 : memref<!tpu.dma_semaphore, #tpu.memory_space<semaphore_mem>>)
      %dma_wait3A = arith.constant 0 : i32
      %dma_wait3A_44 = arith.constant 0 : i32
      %dma_wait3A_45 = tpu.memref_slice %arg5[%add3A, %dma_wait3A, %dma_wait3A_44] : memref<32x81x128xi32, #tpu.memory_space<hbm>> -> memref<1x81x128xi32, #tpu.memory_space<hbm>>
      %dma_wait3A_46 = tpu.memref_squeeze %dma_wait3A_45 : memref<1x81x128xi32, #tpu.memory_space<hbm>> -> memref<81x128xi32, #tpu.memory_space<hbm>>
      %dma_wait3A_47 = arith.constant 0 : i32
      %dma_wait3A_48 = arith.constant 0 : i32
      %dma_wait3A_49 = tpu.memref_slice %arg5[%add3A, %dma_wait3A_47, %dma_wait3A_48] : memref<32x81x128xi32, #tpu.memory_space<hbm>> -> memref<1x81x128xi32, #tpu.memory_space<hbm>>
      %dma_wait3A_50 = tpu.memref_squeeze %dma_wait3A_49 : memref<1x81x128xi32, #tpu.memory_space<hbm>> -> memref<81x128xi32, #tpu.memory_space<hbm>>
      tpu.wait_dma2 semaphore(%run_scoped3A_36 : memref<!tpu.dma_semaphore, #tpu.memory_space<semaphore_mem>>) src(%dma_wait3A_50 : memref<81x128xi32, #tpu.memory_space<hbm>>) dst(%arg9 : memref<81x128xi32, #tpu.memory_space<vmem>>)
      tpu.yield
    }) : () -> ()
    %run_scoped3A = arith.constant 0 : i32
    "tpu.region"() ({
      %run_scoped3A_36 = tpu.sem_alloc : memref<!tpu.dma_semaphore, #tpu.memory_space<semaphore_mem>>
      %dma_start3A = arith.constant 0 : i32
      %dma_start3A_37 = tpu.memref_slice %arg2[%run_scoped3A, %dma_start3A] : memref<1x10240xf32, #tpu.memory_space<hbm>> -> memref<1x10240xf32, #tpu.memory_space<hbm>>
      %dma_start3A_38 = tpu.memref_squeeze %dma_start3A_37 : memref<1x10240xf32, #tpu.memory_space<hbm>> -> memref<10240xf32, #tpu.memory_space<hbm>>
      %dma_start3A_39 = arith.constant 0 : i32
      %dma_start3A_40 = tpu.memref_slice %arg2[%run_scoped3A, %dma_start3A_39] : memref<1x10240xf32, #tpu.memory_space<hbm>> -> memref<1x10240xf32, #tpu.memory_space<hbm>>
      %dma_start3A_41 = tpu.memref_squeeze %dma_start3A_40 : memref<1x10240xf32, #tpu.memory_space<hbm>> -> memref<10240xf32, #tpu.memory_space<hbm>>
      tpu.enqueue_dma source(%dma_start3A_41 : memref<10240xf32, #tpu.memory_space<hbm>>) target(%arg10 : memref<10240xf32, #tpu.memory_space<vmem>>) target_semaphore(%run_scoped3A_36 : memref<!tpu.dma_semaphore, #tpu.memory_space<semaphore_mem>>)
      %dma_wait3A = arith.constant 0 : i32
      %dma_wait3A_42 = tpu.memref_slice %arg2[%run_scoped3A, %dma_wait3A] : memref<1x10240xf32, #tpu.memory_space<hbm>> -> memref<1x10240xf32, #tpu.memory_space<hbm>>
      %dma_wait3A_43 = tpu.memref_squeeze %dma_wait3A_42 : memref<1x10240xf32, #tpu.memory_space<hbm>> -> memref<10240xf32, #tpu.memory_space<hbm>>
      %dma_wait3A_44 = arith.constant 0 : i32
      %dma_wait3A_45 = tpu.memref_slice %arg2[%run_scoped3A, %dma_wait3A_44] : memref<1x10240xf32, #tpu.memory_space<hbm>> -> memref<1x10240xf32, #tpu.memory_space<hbm>>
      %dma_wait3A_46 = tpu.memref_squeeze %dma_wait3A_45 : memref<1x10240xf32, #tpu.memory_space<hbm>> -> memref<10240xf32, #tpu.memory_space<hbm>>
      tpu.wait_dma2 semaphore(%run_scoped3A_36 : memref<!tpu.dma_semaphore, #tpu.memory_space<semaphore_mem>>) src(%dma_wait3A_46 : memref<10240xf32, #tpu.memory_space<hbm>>) dst(%arg10 : memref<10240xf32, #tpu.memory_space<vmem>>)
      tpu.yield
    }) : () -> ()
    %run_scoped3A_1 = arith.constant 0 : i32
    "tpu.region"() ({
      %run_scoped3A_36 = tpu.sem_alloc : memref<!tpu.dma_semaphore, #tpu.memory_space<semaphore_mem>>
      %dma_start3A = arith.constant 0 : i32
      %dma_start3A_37 = tpu.memref_slice %arg3[%run_scoped3A_1, %dma_start3A] : memref<1x10240xf32, #tpu.memory_space<hbm>> -> memref<1x10240xf32, #tpu.memory_space<hbm>>
      %dma_start3A_38 = tpu.memref_squeeze %dma_start3A_37 : memref<1x10240xf32, #tpu.memory_space<hbm>> -> memref<10240xf32, #tpu.memory_space<hbm>>
      %dma_start3A_39 = arith.constant 0 : i32
      %dma_start3A_40 = tpu.memref_slice %arg3[%run_scoped3A_1, %dma_start3A_39] : memref<1x10240xf32, #tpu.memory_space<hbm>> -> memref<1x10240xf32, #tpu.memory_space<hbm>>
      %dma_start3A_41 = tpu.memref_squeeze %dma_start3A_40 : memref<1x10240xf32, #tpu.memory_space<hbm>> -> memref<10240xf32, #tpu.memory_space<hbm>>
      tpu.enqueue_dma source(%dma_start3A_41 : memref<10240xf32, #tpu.memory_space<hbm>>) target(%arg11 : memref<10240xf32, #tpu.memory_space<vmem>>) target_semaphore(%run_scoped3A_36 : memref<!tpu.dma_semaphore, #tpu.memory_space<semaphore_mem>>)
      %dma_wait3A = arith.constant 0 : i32
      %dma_wait3A_42 = tpu.memref_slice %arg3[%run_scoped3A_1, %dma_wait3A] : memref<1x10240xf32, #tpu.memory_space<hbm>> -> memref<1x10240xf32, #tpu.memory_space<hbm>>
      %dma_wait3A_43 = tpu.memref_squeeze %dma_wait3A_42 : memref<1x10240xf32, #tpu.memory_space<hbm>> -> memref<10240xf32, #tpu.memory_space<hbm>>
      %dma_wait3A_44 = arith.constant 0 : i32
      %dma_wait3A_45 = tpu.memref_slice %arg3[%run_scoped3A_1, %dma_wait3A_44] : memref<1x10240xf32, #tpu.memory_space<hbm>> -> memref<1x10240xf32, #tpu.memory_space<hbm>>
      %dma_wait3A_46 = tpu.memref_squeeze %dma_wait3A_45 : memref<1x10240xf32, #tpu.memory_space<hbm>> -> memref<10240xf32, #tpu.memory_space<hbm>>
      tpu.wait_dma2 semaphore(%run_scoped3A_36 : memref<!tpu.dma_semaphore, #tpu.memory_space<semaphore_mem>>) src(%dma_wait3A_46 : memref<10240xf32, #tpu.memory_space<hbm>>) dst(%arg11 : memref<10240xf32, #tpu.memory_space<vmem>>)
      tpu.yield
    }) : () -> ()
    %scan3A = arith.constant 0 : i32
    %scan3A_2 = arith.constant 0 : i32
    %scan3A_3 = arith.constant 640 : i32
    %scan3A_4 = arith.addi %scan3A_2, %scan3A_3 : i32
    %scan3A_5 = arith.constant 1 : i32
    %scan3A_6 = scf.for %scan3A_36 = %scan3A_2 to %scan3A_4 step %scan3A_5 iter_args(%scan3A_37 = %scan3A) -> (i32)  : i32 {
      %broadcast_in_dim3A_38 = arith.constant 0.000000e+00 : f32
      %broadcast_in_dim3A_39 = vector.broadcast %broadcast_in_dim3A_38 : f32 to vector<16xf32>
      %mul3A_40 = arith.constant 16 : i32
      %mul3A_41 = arith.muli %scan3A_36, %mul3A_40 : i32
      %swap3A = arith.index_cast %mul3A_41 : i32 to index
      %swap3A_42 = tpu.vector_load %arg12[%swap3A] {strides = array<i32>} : memref<10240xf32, #tpu.memory_space<vmem>>, vector<16xf32>,
      tpu.vector_store %arg12[%swap3A], %broadcast_in_dim3A_39 {strides = array<i32>} : memref<10240xf32, #tpu.memory_space<vmem>>, vector<16xf32>,
      %scan3A_43 = arith.constant 0 : i32
      scf.yield %scan3A_43 : i32
    }
    %scan3A_7 = arith.constant 640 : i32
    %broadcast_in_dim3A = arith.constant -3.000000e+38 : f32
    %broadcast_in_dim3A_8 = vector.broadcast %broadcast_in_dim3A : f32 to vector<16xf32>
    %scan3A_9 = arith.constant 0 : i32
    %scan3A_10 = arith.constant 640 : i32
    %scan3A_11 = arith.addi %scan3A_9, %scan3A_10 : i32
    %scan3A_12 = arith.constant 1 : i32
    %scan3A_13:2 = scf.for %scan3A_36 = %scan3A_9 to %scan3A_11 step %scan3A_12 iter_args(%scan3A_37 = %broadcast_in_dim3A_8, %scan3A_38 = %broadcast_in_dim3A_8) -> (vector<16xf32>, vector<16xf32>)  : i32 {
      %mul3A_39 = arith.constant 16 : i32
      %mul3A_40 = arith.muli %scan3A_36, %mul3A_39 : i32
      %get3A = arith.index_cast %mul3A_40 : i32 to index
      %get3A_41 = tpu.vector_load %arg10[%get3A] {strides = array<i32>} : memref<10240xf32, #tpu.memory_space<vmem>>, vector<16xf32>,
      %max3A_42 = arith.maximumf %scan3A_37, %get3A_41 : vector<16xf32>
      %mul3A_43 = arith.constant 16 : i32
      %mul3A_44 = arith.muli %scan3A_36, %mul3A_43 : i32
      %get3A_45 = arith.index_cast %mul3A_44 : i32 to index
      %get3A_46 = tpu.vector_load %arg11[%get3A_45] {strides = array<i32>} : memref<10240xf32, #tpu.memory_space<vmem>>, vector<16xf32>,
      %max3A_47 = arith.maximumf %scan3A_38, %get3A_46 : vector<16xf32>
      scf.yield %max3A_42, %max3A_47 : vector<16xf32>, vector<16xf32>
    }
    %scan3A_14 = arith.constant 640 : i32
    %reduce_max3A = arith.constant true
    %reduce_max3A_15 = vector.broadcast %reduce_max3A : i1 to vector<16xi1>
    %reduce_max3A_16 = tpu.scan <max>, %scan3A_13#0 masked %reduce_max3A_15 : vector<16xf32>, vector<16xi1> -> vector<16xf32>
    %reduce_max3A_17 = vector.extract %reduce_max3A_16[15] : f32 from vector<16xf32>
    %reduce_max3A_18 = arith.constant true
    %reduce_max3A_19 = vector.broadcast %reduce_max3A_18 : i1 to vector<16xi1>
    %reduce_max3A_20 = tpu.scan <max>, %scan3A_13#1 masked %reduce_max3A_19 : vector<16xf32>, vector<16xi1> -> vector<16xf32>
    %reduce_max3A_21 = vector.extract %reduce_max3A_20[15] : f32 from vector<16xf32>
    %add3A_22 = arith.addf %reduce_max3A_17, %reduce_max3A_21 : f32
    %mul3A_23 = arith.constant 2.000000e-01 : f32
    %mul3A_24 = arith.mulf %mul3A_23, %add3A_22 : f32
    %max3A = arith.maximumf %add3A_22, %mul3A_24 : f32
    %mul3A_25 = arith.constant 10368 : i32
    %mul3A_26 = arith.muli %add3A, %mul3A_25 : i32
    %scan3A_27 = arith.constant 0 : i32
    %scan3A_28 = arith.constant 0 : i32
    %scan3A_29 = arith.constant 81 : i32
    %scan3A_30 = arith.addi %scan3A_28, %scan3A_29 : i32
    %scan3A_31 = arith.constant 1 : i32
    %scan3A_32 = scf.for %scan3A_36 = %scan3A_28 to %scan3A_30 step %scan3A_31 iter_args(%scan3A_37 = %scan3A_27) -> (i32)  : i32 {
      %scan3A_38 = arith.constant 0 : i32
      %scan3A_39 = arith.constant 0 : i32
      %scan3A_40 = arith.constant 8 : i32
      %scan3A_41 = arith.addi %scan3A_39, %scan3A_40 : i32
      %scan3A_42 = arith.constant 1 : i32
      %scan3A_43 = scf.for %scan3A_46 = %scan3A_39 to %scan3A_41 step %scan3A_42 iter_args(%scan3A_47 = %scan3A_38) -> (i32)  : i32 {
        %mul3A_48 = arith.constant 16 : i32
        %mul3A_49 = arith.muli %scan3A_46, %mul3A_48 : i32
        %get3A = arith.index_cast %scan3A_36 : i32 to index
        %get3A_50 = arith.index_cast %mul3A_49 : i32 to index
        %get3A_51 = tpu.vector_load %arg8[%get3A, %get3A_50] {strides = array<i32>} : memref<81x128xi32, #tpu.memory_space<vmem>>, vector<16xi32>,
        %mul3A_52 = arith.constant 16 : i32
        %mul3A_53 = arith.muli %scan3A_46, %mul3A_52 : i32
        %get3A_54 = arith.index_cast %scan3A_36 : i32 to index
        %get3A_55 = arith.index_cast %mul3A_53 : i32 to index
        %get3A_56 = tpu.vector_load %arg9[%get3A_54, %get3A_55] {strides = array<i32>} : memref<81x128xi32, #tpu.memory_space<vmem>>, vector<16xi32>,
        %gather3A = tpu.vector_load_idx %arg10[%get3A_51] : memref<10240xf32, #tpu.memory_space<vmem>>[vector<16xi32>], vector<16xf32>,
        %gather3A_57 = tpu.vector_load_idx %arg11[%get3A_56] : memref<10240xf32, #tpu.memory_space<vmem>>[vector<16xi32>], vector<16xf32>,
        %add3A_58 = arith.addf %gather3A, %gather3A_57 : vector<16xf32>
        %ge3A = arith.constant 0.000000e+00 : f32
        %ge3A_59 = vector.broadcast %ge3A : f32 to vector<16xf32>
        %ge3A_60 = arith.cmpf oge, %add3A_58, %ge3A_59 : vector<16xf32>
        %mul3A_61 = arith.constant 2.000000e-01 : f32
        %mul3A_62 = vector.broadcast %mul3A_61 : f32 to vector<16xf32>
        %mul3A_63 = arith.mulf %mul3A_62, %add3A_58 : vector<16xf32>
        %select_n3A = arith.select %ge3A_60, %add3A_58, %mul3A_63 : vector<16xi1>, vector<16xf32>
        %sub3A = vector.broadcast %max3A : f32 to vector<16xf32>
        %sub3A_64 = arith.subf %select_n3A, %sub3A : vector<16xf32>
        %exp3A = math.exp %sub3A_64 : vector<16xf32>
        %mul3A_65 = arith.constant 128 : i32
        %mul3A_66 = arith.muli %scan3A_36, %mul3A_65 : i32
        %add3A_67 = arith.addi %mul3A_26, %mul3A_66 : i32
        %mul3A_68 = arith.constant 16 : i32
        %mul3A_69 = arith.muli %scan3A_46, %mul3A_68 : i32
        %add3A_70 = arith.addi %add3A_67, %mul3A_69 : i32
        %iota3A = tpu.iota {dimensions = array<i32: 0>} : vector<16xi32>
        %add3A_71 = vector.broadcast %add3A_70 : i32 to vector<16xi32>
        %add3A_72 = arith.addi %add3A_71, %iota3A : vector<16xi32>
        %lt3A = arith.constant 330000 : i32
        %lt3A_73 = vector.broadcast %lt3A : i32 to vector<16xi32>
        %lt3A_74 = arith.cmpi slt, %add3A_72, %lt3A_73 : vector<16xi32>
        %jit3A = arith.constant 0.000000e+00 : f32
        %broadcast_in_dim3A_75 = vector.broadcast %jit3A : f32 to vector<16xf32>
        %select_n3A_76 = arith.select %lt3A_74, %exp3A, %broadcast_in_dim3A_75 : vector<16xi1>, vector<16xf32>
        %mul3A_77 = arith.constant 16 : i32
        %mul3A_78 = arith.muli %scan3A_46, %mul3A_77 : i32
        %swap3A = arith.index_cast %scan3A_36 : i32 to index
        %swap3A_79 = arith.index_cast %mul3A_78 : i32 to index
        %swap3A_80 = tpu.vector_load %arg13[%swap3A, %swap3A_79] {strides = array<i32>} : memref<81x128xf32, #tpu.memory_space<vmem>>, vector<16xf32>,
        tpu.vector_store %arg13[%swap3A, %swap3A_79], %select_n3A_76 {strides = array<i32>} : memref<81x128xf32, #tpu.memory_space<vmem>>, vector<16xf32>,
        tpu.vector_store_idx %arg12[%get3A_56], %select_n3A_76 {add = true} : memref<10240xf32, #tpu.memory_space<vmem>>[vector<16xi32>], vector<16xf32>,
        %scan3A_81 = arith.constant 0 : i32
        scf.yield %scan3A_81 : i32
      }
      %scan3A_44 = arith.constant 8 : i32
      %scan3A_45 = arith.constant 0 : i32
      scf.yield %scan3A_45 : i32
    }
    %scan3A_33 = arith.constant 81 : i32
    "tpu.region"() ({
      %run_scoped3A_36 = tpu.sem_alloc : memref<!tpu.dma_semaphore, #tpu.memory_space<semaphore_mem>>
      %dma_start3A = arith.constant 0 : i32
      %dma_start3A_37 = arith.constant 0 : i32
      %dma_start3A_38 = tpu.memref_slice %arg6[%add3A, %dma_start3A, %dma_start3A_37] : memref<32x81x128xf32, #tpu.memory_space<hbm>> -> memref<1x81x128xf32, #tpu.memory_space<hbm>>
      %dma_start3A_39 = tpu.memref_squeeze %dma_start3A_38 : memref<1x81x128xf32, #tpu.memory_space<hbm>> -> memref<81x128xf32, #tpu.memory_space<hbm>>
      %dma_start3A_40 = arith.constant 0 : i32
      %dma_start3A_41 = arith.constant 0 : i32
      %dma_start3A_42 = tpu.memref_slice %arg6[%add3A, %dma_start3A_40, %dma_start3A_41] : memref<32x81x128xf32, #tpu.memory_space<hbm>> -> memref<1x81x128xf32, #tpu.memory_space<hbm>>
      %dma_start3A_43 = tpu.memref_squeeze %dma_start3A_42 : memref<1x81x128xf32, #tpu.memory_space<hbm>> -> memref<81x128xf32, #tpu.memory_space<hbm>>
      tpu.enqueue_dma source(%arg13 : memref<81x128xf32, #tpu.memory_space<vmem>>) target(%dma_start3A_43 : memref<81x128xf32, #tpu.memory_space<hbm>>) target_semaphore(%run_scoped3A_36 : memref<!tpu.dma_semaphore, #tpu.memory_space<semaphore_mem>>)
      %dma_wait3A = arith.constant 0 : i32
      %dma_wait3A_44 = arith.constant 0 : i32
      %dma_wait3A_45 = tpu.memref_slice %arg6[%add3A, %dma_wait3A, %dma_wait3A_44] : memref<32x81x128xf32, #tpu.memory_space<hbm>> -> memref<1x81x128xf32, #tpu.memory_space<hbm>>
      %dma_wait3A_46 = tpu.memref_squeeze %dma_wait3A_45 : memref<1x81x128xf32, #tpu.memory_space<hbm>> -> memref<81x128xf32, #tpu.memory_space<hbm>>
      %dma_wait3A_47 = arith.constant 0 : i32
      %dma_wait3A_48 = arith.constant 0 : i32
      %dma_wait3A_49 = tpu.memref_slice %arg6[%add3A, %dma_wait3A_47, %dma_wait3A_48] : memref<32x81x128xf32, #tpu.memory_space<hbm>> -> memref<1x81x128xf32, #tpu.memory_space<hbm>>
      %dma_wait3A_50 = tpu.memref_squeeze %dma_wait3A_49 : memref<1x81x128xf32, #tpu.memory_space<hbm>> -> memref<81x128xf32, #tpu.memory_space<hbm>>
      tpu.wait_dma2 semaphore(%run_scoped3A_36 : memref<!tpu.dma_semaphore, #tpu.memory_space<semaphore_mem>>) src(%arg13 : memref<81x128xf32, #tpu.memory_space<vmem>>) dst(%dma_wait3A_50 : memref<81x128xf32, #tpu.memory_space<hbm>>)
      tpu.yield
    }) : () -> ()
    %mul3A_34 = arith.constant 10240 : i32
    %mul3A_35 = arith.muli %add3A, %mul3A_34 : i32
    "tpu.region"() ({
      %run_scoped3A_36 = tpu.sem_alloc : memref<!tpu.dma_semaphore, #tpu.memory_space<semaphore_mem>>
      %dma_start3A = tpu.memref_slice %arg7[%mul3A_35] : memref<327680xf32, #tpu.memory_space<hbm>> -> memref<10240xf32, #tpu.memory_space<hbm>>
      %dma_start3A_37 = tpu.memref_slice %arg7[%mul3A_35] : memref<327680xf32, #tpu.memory_space<hbm>> -> memref<10240xf32, #tpu.memory_space<hbm>>
      tpu.enqueue_dma source(%arg12 : memref<10240xf32, #tpu.memory_space<vmem>>) target(%dma_start3A_37 : memref<10240xf32, #tpu.memory_space<hbm>>) target_semaphore(%run_scoped3A_36 : memref<!tpu.dma_semaphore, #tpu.memory_space<semaphore_mem>>)
      %dma_wait3A = tpu.memref_slice %arg7[%mul3A_35] : memref<327680xf32, #tpu.memory_space<hbm>> -> memref<10240xf32, #tpu.memory_space<hbm>>
      %dma_wait3A_38 = tpu.memref_slice %arg7[%mul3A_35] : memref<327680xf32, #tpu.memory_space<hbm>> -> memref<10240xf32, #tpu.memory_space<hbm>>
      tpu.wait_dma2 semaphore(%run_scoped3A_36 : memref<!tpu.dma_semaphore, #tpu.memory_space<semaphore_mem>>) src(%arg12 : memref<10240xf32, #tpu.memory_space<vmem>>) dst(%dma_wait3A_38 : memref<10240xf32, #tpu.memory_space<hbm>>)
      tpu.yield
    }) : () -> ()
    return
  }
}

#map = affine_map<(d0, d1) -> (0, 0)>
#map1 = affine_map<(d0, d1) -> (0, 0, 0)>
#map2 = affine_map<(d0, d1) -> (0)>
module attributes {stable_mosaic.version = 14 : i64} {
  func.func @_gat_scalar_sc(%arg0: i32, %arg1: i32, %arg2: memref<1x10240xf32, #tpu.memory_space<hbm>>, %arg3: memref<1x10240xf32, #tpu.memory_space<hbm>>, %arg4: memref<32x81x128xi32, #tpu.memory_space<hbm>>, %arg5: memref<32x81x128xi32, #tpu.memory_space<hbm>>, %arg6: memref<32x81x128xf32, #tpu.memory_space<hbm>>, %arg7: memref<327680xf32, #tpu.memory_space<hbm>>, %arg8: memref<81x128xi32, #tpu.memory_space<vmem>>, %arg9: memref<81x128xi32, #tpu.memory_space<vmem>>, %arg10: memref<10240xf32, #tpu.memory_space<vmem>>, %arg11: memref<10240xf32, #tpu.memory_space<vmem>>, %arg12: memref<10240xf32, #tpu.memory_space<vmem>>, %arg13: memref<81x128xf32, #tpu.memory_space<vmem>>) attributes {dimension_semantics = [#tpu.dimension_semantics<core_parallel>, #tpu.dimension_semantics<subcore_parallel>], iteration_bounds = array<i64: 2, 16>, scalar_prefetch = 0 : i64, scratch_operands = 6 : i64, tpu.core_type = #tpu.core_type<sc_vector_subcore>, window_params = [{transform_indices = #map}, {transform_indices = #map}, {transform_indices = #map1}, {transform_indices = #map1}, {transform_indices = #map1}, {transform_indices = #map2}]} {
    %mul3A = arith.constant 2 : i32
    %mul3A_0 = arith.muli %arg1, %mul3A : i32
    %add3A = arith.addi %mul3A_0, %arg0 : i32
    "tpu.region"() ({
      %run_scoped3A_36 = tpu.sem_alloc : memref<!tpu.dma_semaphore, #tpu.memory_space<semaphore_mem>>
      %dma_start3A = arith.constant 0 : i32
      %dma_start3A_37 = arith.constant 0 : i32
      %dma_start3A_38 = tpu.memref_slice %arg4[%add3A, %dma_start3A, %dma_start3A_37] : memref<32x81x128xi32, #tpu.memory_space<hbm>> -> memref<1x81x128xi32, #tpu.memory_space<hbm>>
      %dma_start3A_39 = tpu.memref_squeeze %dma_start3A_38 : memref<1x81x128xi32, #tpu.memory_space<hbm>> -> memref<81x128xi32, #tpu.memory_space<hbm>>
      %dma_start3A_40 = arith.constant 0 : i32
      %dma_start3A_41 = arith.constant 0 : i32
      %dma_start3A_42 = tpu.memref_slice %arg4[%add3A, %dma_start3A_40, %dma_start3A_41] : memref<32x81x128xi32, #tpu.memory_space<hbm>> -> memref<1x81x128xi32, #tpu.memory_space<hbm>>
      %dma_start3A_43 = tpu.memref_squeeze %dma_start3A_42 : memref<1x81x128xi32, #tpu.memory_space<hbm>> -> memref<81x128xi32, #tpu.memory_space<hbm>>
      tpu.enqueue_dma source(%dma_start3A_43 : memref<81x128xi32, #tpu.memory_space<hbm>>) target(%arg8 : memref<81x128xi32, #tpu.memory_space<vmem>>) target_semaphore(%run_scoped3A_36 : memref<!tpu.dma_semaphore, #tpu.memory_space<semaphore_mem>>)
      %dma_wait3A = arith.constant 0 : i32
      %dma_wait3A_44 = arith.constant 0 : i32
      %dma_wait3A_45 = tpu.memref_slice %arg4[%add3A, %dma_wait3A, %dma_wait3A_44] : memref<32x81x128xi32, #tpu.memory_space<hbm>> -> memref<1x81x128xi32, #tpu.memory_space<hbm>>
      %dma_wait3A_46 = tpu.memref_squeeze %dma_wait3A_45 : memref<1x81x128xi32, #tpu.memory_space<hbm>> -> memref<81x128xi32, #tpu.memory_space<hbm>>
      %dma_wait3A_47 = arith.constant 0 : i32
      %dma_wait3A_48 = arith.constant 0 : i32
      %dma_wait3A_49 = tpu.memref_slice %arg4[%add3A, %dma_wait3A_47, %dma_wait3A_48] : memref<32x81x128xi32, #tpu.memory_space<hbm>> -> memref<1x81x128xi32, #tpu.memory_space<hbm>>
      %dma_wait3A_50 = tpu.memref_squeeze %dma_wait3A_49 : memref<1x81x128xi32, #tpu.memory_space<hbm>> -> memref<81x128xi32, #tpu.memory_space<hbm>>
      tpu.wait_dma2 semaphore(%run_scoped3A_36 : memref<!tpu.dma_semaphore, #tpu.memory_space<semaphore_mem>>) src(%dma_wait3A_50 : memref<81x128xi32, #tpu.memory_space<hbm>>) dst(%arg8 : memref<81x128xi32, #tpu.memory_space<vmem>>)
      tpu.yield
    }) : () -> ()
    "tpu.region"() ({
      %run_scoped3A_36 = tpu.sem_alloc : memref<!tpu.dma_semaphore, #tpu.memory_space<semaphore_mem>>
      %dma_start3A = arith.constant 0 : i32
      %dma_start3A_37 = arith.constant 0 : i32
      %dma_start3A_38 = tpu.memref_slice %arg5[%add3A, %dma_start3A, %dma_start3A_37] : memref<32x81x128xi32, #tpu.memory_space<hbm>> -> memref<1x81x128xi32, #tpu.memory_space<hbm>>
      %dma_start3A_39 = tpu.memref_squeeze %dma_start3A_38 : memref<1x81x128xi32, #tpu.memory_space<hbm>> -> memref<81x128xi32, #tpu.memory_space<hbm>>
      %dma_start3A_40 = arith.constant 0 : i32
      %dma_start3A_41 = arith.constant 0 : i32
      %dma_start3A_42 = tpu.memref_slice %arg5[%add3A, %dma_start3A_40, %dma_start3A_41] : memref<32x81x128xi32, #tpu.memory_space<hbm>> -> memref<1x81x128xi32, #tpu.memory_space<hbm>>
      %dma_start3A_43 = tpu.memref_squeeze %dma_start3A_42 : memref<1x81x128xi32, #tpu.memory_space<hbm>> -> memref<81x128xi32, #tpu.memory_space<hbm>>
      tpu.enqueue_dma source(%dma_start3A_43 : memref<81x128xi32, #tpu.memory_space<hbm>>) target(%arg9 : memref<81x128xi32, #tpu.memory_space<vmem>>) target_semaphore(%run_scoped3A_36 : memref<!tpu.dma_semaphore, #tpu.memory_space<semaphore_mem>>)
      %dma_wait3A = arith.constant 0 : i32
      %dma_wait3A_44 = arith.constant 0 : i32
      %dma_wait3A_45 = tpu.memref_slice %arg5[%add3A, %dma_wait3A, %dma_wait3A_44] : memref<32x81x128xi32, #tpu.memory_space<hbm>> -> memref<1x81x128xi32, #tpu.memory_space<hbm>>
      %dma_wait3A_46 = tpu.memref_squeeze %dma_wait3A_45 : memref<1x81x128xi32, #tpu.memory_space<hbm>> -> memref<81x128xi32, #tpu.memory_space<hbm>>
      %dma_wait3A_47 = arith.constant 0 : i32
      %dma_wait3A_48 = arith.constant 0 : i32
      %dma_wait3A_49 = tpu.memref_slice %arg5[%add3A, %dma_wait3A_47, %dma_wait3A_48] : memref<32x81x128xi32, #tpu.memory_space<hbm>> -> memref<1x81x128xi32, #tpu.memory_space<hbm>>
      %dma_wait3A_50 = tpu.memref_squeeze %dma_wait3A_49 : memref<1x81x128xi32, #tpu.memory_space<hbm>> -> memref<81x128xi32, #tpu.memory_space<hbm>>
      tpu.wait_dma2 semaphore(%run_scoped3A_36 : memref<!tpu.dma_semaphore, #tpu.memory_space<semaphore_mem>>) src(%dma_wait3A_50 : memref<81x128xi32, #tpu.memory_space<hbm>>) dst(%arg9 : memref<81x128xi32, #tpu.memory_space<vmem>>)
      tpu.yield
    }) : () -> ()
    %run_scoped3A = arith.constant 0 : i32
    "tpu.region"() ({
      %run_scoped3A_36 = tpu.sem_alloc : memref<!tpu.dma_semaphore, #tpu.memory_space<semaphore_mem>>
      %dma_start3A = arith.constant 0 : i32
      %dma_start3A_37 = tpu.memref_slice %arg2[%run_scoped3A, %dma_start3A] : memref<1x10240xf32, #tpu.memory_space<hbm>> -> memref<1x10240xf32, #tpu.memory_space<hbm>>
      %dma_start3A_38 = tpu.memref_squeeze %dma_start3A_37 : memref<1x10240xf32, #tpu.memory_space<hbm>> -> memref<10240xf32, #tpu.memory_space<hbm>>
      %dma_start3A_39 = arith.constant 0 : i32
      %dma_start3A_40 = tpu.memref_slice %arg2[%run_scoped3A, %dma_start3A_39] : memref<1x10240xf32, #tpu.memory_space<hbm>> -> memref<1x10240xf32, #tpu.memory_space<hbm>>
      %dma_start3A_41 = tpu.memref_squeeze %dma_start3A_40 : memref<1x10240xf32, #tpu.memory_space<hbm>> -> memref<10240xf32, #tpu.memory_space<hbm>>
      tpu.enqueue_dma source(%dma_start3A_41 : memref<10240xf32, #tpu.memory_space<hbm>>) target(%arg10 : memref<10240xf32, #tpu.memory_space<vmem>>) target_semaphore(%run_scoped3A_36 : memref<!tpu.dma_semaphore, #tpu.memory_space<semaphore_mem>>)
      %dma_wait3A = arith.constant 0 : i32
      %dma_wait3A_42 = tpu.memref_slice %arg2[%run_scoped3A, %dma_wait3A] : memref<1x10240xf32, #tpu.memory_space<hbm>> -> memref<1x10240xf32, #tpu.memory_space<hbm>>
      %dma_wait3A_43 = tpu.memref_squeeze %dma_wait3A_42 : memref<1x10240xf32, #tpu.memory_space<hbm>> -> memref<10240xf32, #tpu.memory_space<hbm>>
      %dma_wait3A_44 = arith.constant 0 : i32
      %dma_wait3A_45 = tpu.memref_slice %arg2[%run_scoped3A, %dma_wait3A_44] : memref<1x10240xf32, #tpu.memory_space<hbm>> -> memref<1x10240xf32, #tpu.memory_space<hbm>>
      %dma_wait3A_46 = tpu.memref_squeeze %dma_wait3A_45 : memref<1x10240xf32, #tpu.memory_space<hbm>> -> memref<10240xf32, #tpu.memory_space<hbm>>
      tpu.wait_dma2 semaphore(%run_scoped3A_36 : memref<!tpu.dma_semaphore, #tpu.memory_space<semaphore_mem>>) src(%dma_wait3A_46 : memref<10240xf32, #tpu.memory_space<hbm>>) dst(%arg10 : memref<10240xf32, #tpu.memory_space<vmem>>)
      tpu.yield
    }) : () -> ()
    %run_scoped3A_1 = arith.constant 0 : i32
    "tpu.region"() ({
      %run_scoped3A_36 = tpu.sem_alloc : memref<!tpu.dma_semaphore, #tpu.memory_space<semaphore_mem>>
      %dma_start3A = arith.constant 0 : i32
      %dma_start3A_37 = tpu.memref_slice %arg3[%run_scoped3A_1, %dma_start3A] : memref<1x10240xf32, #tpu.memory_space<hbm>> -> memref<1x10240xf32, #tpu.memory_space<hbm>>
      %dma_start3A_38 = tpu.memref_squeeze %dma_start3A_37 : memref<1x10240xf32, #tpu.memory_space<hbm>> -> memref<10240xf32, #tpu.memory_space<hbm>>
      %dma_start3A_39 = arith.constant 0 : i32
      %dma_start3A_40 = tpu.memref_slice %arg3[%run_scoped3A_1, %dma_start3A_39] : memref<1x10240xf32, #tpu.memory_space<hbm>> -> memref<1x10240xf32, #tpu.memory_space<hbm>>
      %dma_start3A_41 = tpu.memref_squeeze %dma_start3A_40 : memref<1x10240xf32, #tpu.memory_space<hbm>> -> memref<10240xf32, #tpu.memory_space<hbm>>
      tpu.enqueue_dma source(%dma_start3A_41 : memref<10240xf32, #tpu.memory_space<hbm>>) target(%arg11 : memref<10240xf32, #tpu.memory_space<vmem>>) target_semaphore(%run_scoped3A_36 : memref<!tpu.dma_semaphore, #tpu.memory_space<semaphore_mem>>)
      %dma_wait3A = arith.constant 0 : i32
      %dma_wait3A_42 = tpu.memref_slice %arg3[%run_scoped3A_1, %dma_wait3A] : memref<1x10240xf32, #tpu.memory_space<hbm>> -> memref<1x10240xf32, #tpu.memory_space<hbm>>
      %dma_wait3A_43 = tpu.memref_squeeze %dma_wait3A_42 : memref<1x10240xf32, #tpu.memory_space<hbm>> -> memref<10240xf32, #tpu.memory_space<hbm>>
      %dma_wait3A_44 = arith.constant 0 : i32
      %dma_wait3A_45 = tpu.memref_slice %arg3[%run_scoped3A_1, %dma_wait3A_44] : memref<1x10240xf32, #tpu.memory_space<hbm>> -> memref<1x10240xf32, #tpu.memory_space<hbm>>
      %dma_wait3A_46 = tpu.memref_squeeze %dma_wait3A_45 : memref<1x10240xf32, #tpu.memory_space<hbm>> -> memref<10240xf32, #tpu.memory_space<hbm>>
      tpu.wait_dma2 semaphore(%run_scoped3A_36 : memref<!tpu.dma_semaphore, #tpu.memory_space<semaphore_mem>>) src(%dma_wait3A_46 : memref<10240xf32, #tpu.memory_space<hbm>>) dst(%arg11 : memref<10240xf32, #tpu.memory_space<vmem>>)
      tpu.yield
    }) : () -> ()
    %scan3A = arith.constant 0 : i32
    %scan3A_2 = arith.constant 0 : i32
    %scan3A_3 = arith.constant 640 : i32
    %scan3A_4 = arith.addi %scan3A_2, %scan3A_3 : i32
    %scan3A_5 = arith.constant 1 : i32
    %scan3A_6 = scf.for %scan3A_36 = %scan3A_2 to %scan3A_4 step %scan3A_5 iter_args(%scan3A_37 = %scan3A) -> (i32)  : i32 {
      %broadcast_in_dim3A_38 = arith.constant 0.000000e+00 : f32
      %broadcast_in_dim3A_39 = vector.broadcast %broadcast_in_dim3A_38 : f32 to vector<16xf32>
      %mul3A_40 = arith.constant 16 : i32
      %mul3A_41 = arith.muli %scan3A_36, %mul3A_40 : i32
      %swap3A = arith.index_cast %mul3A_41 : i32 to index
      %swap3A_42 = tpu.vector_load %arg12[%swap3A] {strides = array<i32>} : memref<10240xf32, #tpu.memory_space<vmem>>, vector<16xf32>,
      tpu.vector_store %arg12[%swap3A], %broadcast_in_dim3A_39 {strides = array<i32>} : memref<10240xf32, #tpu.memory_space<vmem>>, vector<16xf32>,
      %scan3A_43 = arith.constant 0 : i32
      scf.yield %scan3A_43 : i32
    }
    %scan3A_7 = arith.constant 640 : i32
    %broadcast_in_dim3A = arith.constant -3.000000e+38 : f32
    %broadcast_in_dim3A_8 = vector.broadcast %broadcast_in_dim3A : f32 to vector<16xf32>
    %scan3A_9 = arith.constant 0 : i32
    %scan3A_10 = arith.constant 640 : i32
    %scan3A_11 = arith.addi %scan3A_9, %scan3A_10 : i32
    %scan3A_12 = arith.constant 1 : i32
    %scan3A_13:2 = scf.for %scan3A_36 = %scan3A_9 to %scan3A_11 step %scan3A_12 iter_args(%scan3A_37 = %broadcast_in_dim3A_8, %scan3A_38 = %broadcast_in_dim3A_8) -> (vector<16xf32>, vector<16xf32>)  : i32 {
      %mul3A_39 = arith.constant 16 : i32
      %mul3A_40 = arith.muli %scan3A_36, %mul3A_39 : i32
      %get3A = arith.index_cast %mul3A_40 : i32 to index
      %get3A_41 = tpu.vector_load %arg10[%get3A] {strides = array<i32>} : memref<10240xf32, #tpu.memory_space<vmem>>, vector<16xf32>,
      %max3A_42 = arith.maximumf %scan3A_37, %get3A_41 : vector<16xf32>
      %mul3A_43 = arith.constant 16 : i32
      %mul3A_44 = arith.muli %scan3A_36, %mul3A_43 : i32
      %get3A_45 = arith.index_cast %mul3A_44 : i32 to index
      %get3A_46 = tpu.vector_load %arg11[%get3A_45] {strides = array<i32>} : memref<10240xf32, #tpu.memory_space<vmem>>, vector<16xf32>,
      %max3A_47 = arith.maximumf %scan3A_38, %get3A_46 : vector<16xf32>
      scf.yield %max3A_42, %max3A_47 : vector<16xf32>, vector<16xf32>
    }
    %scan3A_14 = arith.constant 640 : i32
    %reduce_max3A = arith.constant true
    %reduce_max3A_15 = vector.broadcast %reduce_max3A : i1 to vector<16xi1>
    %reduce_max3A_16 = tpu.scan <max>, %scan3A_13#0 masked %reduce_max3A_15 : vector<16xf32>, vector<16xi1> -> vector<16xf32>
    %reduce_max3A_17 = vector.extract %reduce_max3A_16[15] : f32 from vector<16xf32>
    %reduce_max3A_18 = arith.constant true
    %reduce_max3A_19 = vector.broadcast %reduce_max3A_18 : i1 to vector<16xi1>
    %reduce_max3A_20 = tpu.scan <max>, %scan3A_13#1 masked %reduce_max3A_19 : vector<16xf32>, vector<16xi1> -> vector<16xf32>
    %reduce_max3A_21 = vector.extract %reduce_max3A_20[15] : f32 from vector<16xf32>
    %add3A_22 = arith.addf %reduce_max3A_17, %reduce_max3A_21 : f32
    %mul3A_23 = arith.constant 2.000000e-01 : f32
    %mul3A_24 = arith.mulf %mul3A_23, %add3A_22 : f32
    %max3A = arith.maximumf %add3A_22, %mul3A_24 : f32
    %mul3A_25 = arith.constant 10368 : i32
    %mul3A_26 = arith.muli %add3A, %mul3A_25 : i32
    %scan3A_27 = arith.constant 0 : i32
    %scan3A_28 = arith.constant 0 : i32
    %scan3A_29 = arith.constant 81 : i32
    %scan3A_30 = arith.addi %scan3A_28, %scan3A_29 : i32
    %scan3A_31 = arith.constant 1 : i32
    %scan3A_32 = scf.for %scan3A_36 = %scan3A_28 to %scan3A_30 step %scan3A_31 iter_args(%scan3A_37 = %scan3A_27) -> (i32)  : i32 {
      %scan3A_38 = arith.constant 0 : i32
      %scan3A_39 = arith.constant 0 : i32
      %scan3A_40 = arith.constant 8 : i32
      %scan3A_41 = arith.addi %scan3A_39, %scan3A_40 : i32
      %scan3A_42 = arith.constant 1 : i32
      %scan3A_43 = scf.for %scan3A_46 = %scan3A_39 to %scan3A_41 step %scan3A_42 iter_args(%scan3A_47 = %scan3A_38) -> (i32)  : i32 {
        %mul3A_48 = arith.constant 16 : i32
        %mul3A_49 = arith.muli %scan3A_46, %mul3A_48 : i32
        %get3A = arith.index_cast %scan3A_36 : i32 to index
        %get3A_50 = arith.index_cast %mul3A_49 : i32 to index
        %get3A_51 = tpu.vector_load %arg8[%get3A, %get3A_50] {strides = array<i32>} : memref<81x128xi32, #tpu.memory_space<vmem>>, vector<16xi32>,
        %mul3A_52 = arith.constant 16 : i32
        %mul3A_53 = arith.muli %scan3A_46, %mul3A_52 : i32
        %get3A_54 = arith.index_cast %scan3A_36 : i32 to index
        %get3A_55 = arith.index_cast %mul3A_53 : i32 to index
        %get3A_56 = tpu.vector_load %arg9[%get3A_54, %get3A_55] {strides = array<i32>} : memref<81x128xi32, #tpu.memory_space<vmem>>, vector<16xi32>,
        %gather3A = tpu.vector_load_idx %arg10[%get3A_51] : memref<10240xf32, #tpu.memory_space<vmem>>[vector<16xi32>], vector<16xf32>,
        %gather3A_57 = tpu.vector_load_idx %arg11[%get3A_56] : memref<10240xf32, #tpu.memory_space<vmem>>[vector<16xi32>], vector<16xf32>,
        %add3A_58 = arith.addf %gather3A, %gather3A_57 : vector<16xf32>
        %ge3A = arith.constant 0.000000e+00 : f32
        %ge3A_59 = vector.broadcast %ge3A : f32 to vector<16xf32>
        %ge3A_60 = arith.cmpf oge, %add3A_58, %ge3A_59 : vector<16xf32>
        %mul3A_61 = arith.constant 2.000000e-01 : f32
        %mul3A_62 = vector.broadcast %mul3A_61 : f32 to vector<16xf32>
        %mul3A_63 = arith.mulf %mul3A_62, %add3A_58 : vector<16xf32>
        %select_n3A = arith.select %ge3A_60, %add3A_58, %mul3A_63 : vector<16xi1>, vector<16xf32>
        %sub3A = vector.broadcast %max3A : f32 to vector<16xf32>
        %sub3A_64 = arith.subf %select_n3A, %sub3A : vector<16xf32>
        %exp3A = math.exp %sub3A_64 : vector<16xf32>
        %mul3A_65 = arith.constant 128 : i32
        %mul3A_66 = arith.muli %scan3A_36, %mul3A_65 : i32
        %add3A_67 = arith.addi %mul3A_26, %mul3A_66 : i32
        %mul3A_68 = arith.constant 16 : i32
        %mul3A_69 = arith.muli %scan3A_46, %mul3A_68 : i32
        %add3A_70 = arith.addi %add3A_67, %mul3A_69 : i32
        %iota3A = tpu.iota {dimensions = array<i32: 0>} : vector<16xi32>
        %add3A_71 = vector.broadcast %add3A_70 : i32 to vector<16xi32>
        %add3A_72 = arith.addi %add3A_71, %iota3A : vector<16xi32>
        %lt3A = arith.constant 330000 : i32
        %lt3A_73 = vector.broadcast %lt3A : i32 to vector<16xi32>
        %lt3A_74 = arith.cmpi slt, %add3A_72, %lt3A_73 : vector<16xi32>
        %jit3A = arith.constant 0.000000e+00 : f32
        %broadcast_in_dim3A_75 = vector.broadcast %jit3A : f32 to vector<16xf32>
        %select_n3A_76 = arith.select %lt3A_74, %exp3A, %broadcast_in_dim3A_75 : vector<16xi1>, vector<16xf32>
        %mul3A_77 = arith.constant 16 : i32
        %mul3A_78 = arith.muli %scan3A_46, %mul3A_77 : i32
        %swap3A = arith.index_cast %scan3A_36 : i32 to index
        %swap3A_79 = arith.index_cast %mul3A_78 : i32 to index
        %swap3A_80 = tpu.vector_load %arg13[%swap3A, %swap3A_79] {strides = array<i32>} : memref<81x128xf32, #tpu.memory_space<vmem>>, vector<16xf32>,
        tpu.vector_store %arg13[%swap3A, %swap3A_79], %select_n3A_76 {strides = array<i32>} : memref<81x128xf32, #tpu.memory_space<vmem>>, vector<16xf32>,
        tpu.vector_store_idx %arg12[%get3A_56], %select_n3A_76 {add = true} : memref<10240xf32, #tpu.memory_space<vmem>>[vector<16xi32>], vector<16xf32>,
        %scan3A_81 = arith.constant 0 : i32
        scf.yield %scan3A_81 : i32
      }
      %scan3A_44 = arith.constant 8 : i32
      %scan3A_45 = arith.constant 0 : i32
      scf.yield %scan3A_45 : i32
    }
    %scan3A_33 = arith.constant 81 : i32
    "tpu.region"() ({
      %run_scoped3A_36 = tpu.sem_alloc : memref<!tpu.dma_semaphore, #tpu.memory_space<semaphore_mem>>
      %dma_start3A = arith.constant 0 : i32
      %dma_start3A_37 = arith.constant 0 : i32
      %dma_start3A_38 = tpu.memref_slice %arg6[%add3A, %dma_start3A, %dma_start3A_37] : memref<32x81x128xf32, #tpu.memory_space<hbm>> -> memref<1x81x128xf32, #tpu.memory_space<hbm>>
      %dma_start3A_39 = tpu.memref_squeeze %dma_start3A_38 : memref<1x81x128xf32, #tpu.memory_space<hbm>> -> memref<81x128xf32, #tpu.memory_space<hbm>>
      %dma_start3A_40 = arith.constant 0 : i32
      %dma_start3A_41 = arith.constant 0 : i32
      %dma_start3A_42 = tpu.memref_slice %arg6[%add3A, %dma_start3A_40, %dma_start3A_41] : memref<32x81x128xf32, #tpu.memory_space<hbm>> -> memref<1x81x128xf32, #tpu.memory_space<hbm>>
      %dma_start3A_43 = tpu.memref_squeeze %dma_start3A_42 : memref<1x81x128xf32, #tpu.memory_space<hbm>> -> memref<81x128xf32, #tpu.memory_space<hbm>>
      tpu.enqueue_dma source(%arg13 : memref<81x128xf32, #tpu.memory_space<vmem>>) target(%dma_start3A_43 : memref<81x128xf32, #tpu.memory_space<hbm>>) target_semaphore(%run_scoped3A_36 : memref<!tpu.dma_semaphore, #tpu.memory_space<semaphore_mem>>)
      %dma_wait3A = arith.constant 0 : i32
      %dma_wait3A_44 = arith.constant 0 : i32
      %dma_wait3A_45 = tpu.memref_slice %arg6[%add3A, %dma_wait3A, %dma_wait3A_44] : memref<32x81x128xf32, #tpu.memory_space<hbm>> -> memref<1x81x128xf32, #tpu.memory_space<hbm>>
      %dma_wait3A_46 = tpu.memref_squeeze %dma_wait3A_45 : memref<1x81x128xf32, #tpu.memory_space<hbm>> -> memref<81x128xf32, #tpu.memory_space<hbm>>
      %dma_wait3A_47 = arith.constant 0 : i32
      %dma_wait3A_48 = arith.constant 0 : i32
      %dma_wait3A_49 = tpu.memref_slice %arg6[%add3A, %dma_wait3A_47, %dma_wait3A_48] : memref<32x81x128xf32, #tpu.memory_space<hbm>> -> memref<1x81x128xf32, #tpu.memory_space<hbm>>
      %dma_wait3A_50 = tpu.memref_squeeze %dma_wait3A_49 : memref<1x81x128xf32, #tpu.memory_space<hbm>> -> memref<81x128xf32, #tpu.memory_space<hbm>>
      tpu.wait_dma2 semaphore(%run_scoped3A_36 : memref<!tpu.dma_semaphore, #tpu.memory_space<semaphore_mem>>) src(%arg13 : memref<81x128xf32, #tpu.memory_space<vmem>>) dst(%dma_wait3A_50 : memref<81x128xf32, #tpu.memory_space<hbm>>)
      tpu.yield
    }) : () -> ()
    %mul3A_34 = arith.constant 10240 : i32
    %mul3A_35 = arith.muli %add3A, %mul3A_34 : i32
    "tpu.region"() ({
      %run_scoped3A_36 = tpu.sem_alloc : memref<!tpu.dma_semaphore, #tpu.memory_space<semaphore_mem>>
      %dma_start3A = tpu.memref_slice %arg7[%mul3A_35] : memref<327680xf32, #tpu.memory_space<hbm>> -> memref<10240xf32, #tpu.memory_space<hbm>>
      %dma_start3A_37 = tpu.memref_slice %arg7[%mul3A_35] : memref<327680xf32, #tpu.memory_space<hbm>> -> memref<10240xf32, #tpu.memory_space<hbm>>
      tpu.enqueue_dma source(%arg12 : memref<10240xf32, #tpu.memory_space<vmem>>) target(%dma_start3A_37 : memref<10240xf32, #tpu.memory_space<hbm>>) target_semaphore(%run_scoped3A_36 : memref<!tpu.dma_semaphore, #tpu.memory_space<semaphore_mem>>)
      %dma_wait3A = tpu.memref_slice %arg7[%mul3A_35] : memref<327680xf32, #tpu.memory_space<hbm>> -> memref<10240xf32, #tpu.memory_space<hbm>>
      %dma_wait3A_38 = tpu.memref_slice %arg7[%mul3A_35] : memref<327680xf32, #tpu.memory_space<hbm>> -> memref<10240xf32, #tpu.memory_space<hbm>>
      tpu.wait_dma2 semaphore(%run_scoped3A_36 : memref<!tpu.dma_semaphore, #tpu.memory_space<semaphore_mem>>) src(%arg12 : memref<10240xf32, #tpu.memory_space<vmem>>) dst(%dma_wait3A_38 : memref<10240xf32, #tpu.memory_space<hbm>>)
      tpu.yield
    }) : () -> ()
    return
  }
}

#map = affine_map<(d0, d1) -> (0, 0)>
#map1 = affine_map<(d0, d1) -> (0, 0, 0)>
module attributes {stable_mosaic.version = 14 : i64} {
  func.func @_gat_rows_sc(%arg0: i32, %arg1: i32, %arg2: memref<10240x128xf32, #tpu.memory_space<hbm>>, %arg3: memref<32x81x128xi32, #tpu.memory_space<hbm>>, %arg4: memref<32x81x128xi32, #tpu.memory_space<hbm>>, %arg5: memref<32x81x128xf32, #tpu.memory_space<hbm>>, %arg6: memref<2x10000x128xf32, #tpu.memory_space<hbm>>, %arg7: memref<81x128xi32, #tpu.memory_space<vmem>>, %arg8: memref<81x128xi32, #tpu.memory_space<vmem>>, %arg9: memref<81x128xf32, #tpu.memory_space<vmem>>, %arg10: memref<128x128xf32, #tpu.memory_space<vmem>>, %arg11: memref<10000x128xf32, #tpu.memory_space<vmem_shared>>, %arg12: memref<!tpu.dma_semaphore, #tpu.memory_space<semaphore_mem>>) attributes {dimension_semantics = [#tpu.dimension_semantics<core_parallel>, #tpu.dimension_semantics<subcore_parallel>], iteration_bounds = array<i64: 2, 16>, scalar_prefetch = 0 : i64, scratch_operands = 6 : i64, tpu.core_type = #tpu.core_type<sc_vector_subcore>, window_params = [{transform_indices = #map}, {transform_indices = #map1}, {transform_indices = #map1}, {transform_indices = #map1}, {transform_indices = #map1}]} {
    %mul3A = arith.constant 2 : i32
    %mul3A_0 = arith.muli %arg1, %mul3A : i32
    %add3A = arith.addi %mul3A_0, %arg0 : i32
    "tpu.region"() ({
      %run_scoped3A = tpu.sem_alloc : memref<!tpu.dma_semaphore, #tpu.memory_space<semaphore_mem>>
      %dma_start3A = arith.constant 0 : i32
      %dma_start3A_62 = arith.constant 0 : i32
      %dma_start3A_63 = tpu.memref_slice %arg3[%add3A, %dma_start3A, %dma_start3A_62] : memref<32x81x128xi32, #tpu.memory_space<hbm>> -> memref<1x81x128xi32, #tpu.memory_space<hbm>>
      %dma_start3A_64 = tpu.memref_squeeze %dma_start3A_63 : memref<1x81x128xi32, #tpu.memory_space<hbm>> -> memref<81x128xi32, #tpu.memory_space<hbm>>
      %dma_start3A_65 = arith.constant 0 : i32
      %dma_start3A_66 = arith.constant 0 : i32
      %dma_start3A_67 = tpu.memref_slice %arg3[%add3A, %dma_start3A_65, %dma_start3A_66] : memref<32x81x128xi32, #tpu.memory_space<hbm>> -> memref<1x81x128xi32, #tpu.memory_space<hbm>>
      %dma_start3A_68 = tpu.memref_squeeze %dma_start3A_67 : memref<1x81x128xi32, #tpu.memory_space<hbm>> -> memref<81x128xi32, #tpu.memory_space<hbm>>
      tpu.enqueue_dma source(%dma_start3A_68 : memref<81x128xi32, #tpu.memory_space<hbm>>) target(%arg7 : memref<81x128xi32, #tpu.memory_space<vmem>>) target_semaphore(%run_scoped3A : memref<!tpu.dma_semaphore, #tpu.memory_space<semaphore_mem>>)
      %dma_wait3A = arith.constant 0 : i32
      %dma_wait3A_69 = arith.constant 0 : i32
      %dma_wait3A_70 = tpu.memref_slice %arg3[%add3A, %dma_wait3A, %dma_wait3A_69] : memref<32x81x128xi32, #tpu.memory_space<hbm>> -> memref<1x81x128xi32, #tpu.memory_space<hbm>>
      %dma_wait3A_71 = tpu.memref_squeeze %dma_wait3A_70 : memref<1x81x128xi32, #tpu.memory_space<hbm>> -> memref<81x128xi32, #tpu.memory_space<hbm>>
      %dma_wait3A_72 = arith.constant 0 : i32
      %dma_wait3A_73 = arith.constant 0 : i32
      %dma_wait3A_74 = tpu.memref_slice %arg3[%add3A, %dma_wait3A_72, %dma_wait3A_73] : memref<32x81x128xi32, #tpu.memory_space<hbm>> -> memref<1x81x128xi32, #tpu.memory_space<hbm>>
      %dma_wait3A_75 = tpu.memref_squeeze %dma_wait3A_74 : memref<1x81x128xi32, #tpu.memory_space<hbm>> -> memref<81x128xi32, #tpu.memory_space<hbm>>
      tpu.wait_dma2 semaphore(%run_scoped3A : memref<!tpu.dma_semaphore, #tpu.memory_space<semaphore_mem>>) src(%dma_wait3A_75 : memref<81x128xi32, #tpu.memory_space<hbm>>) dst(%arg7 : memref<81x128xi32, #tpu.memory_space<vmem>>)
      tpu.yield
    }) : () -> ()
    "tpu.region"() ({
      %run_scoped3A = tpu.sem_alloc : memref<!tpu.dma_semaphore, #tpu.memory_space<semaphore_mem>>
      %dma_start3A = arith.constant 0 : i32
      %dma_start3A_62 = arith.constant 0 : i32
      %dma_start3A_63 = tpu.memref_slice %arg4[%add3A, %dma_start3A, %dma_start3A_62] : memref<32x81x128xi32, #tpu.memory_space<hbm>> -> memref<1x81x128xi32, #tpu.memory_space<hbm>>
      %dma_start3A_64 = tpu.memref_squeeze %dma_start3A_63 : memref<1x81x128xi32, #tpu.memory_space<hbm>> -> memref<81x128xi32, #tpu.memory_space<hbm>>
      %dma_start3A_65 = arith.constant 0 : i32
      %dma_start3A_66 = arith.constant 0 : i32
      %dma_start3A_67 = tpu.memref_slice %arg4[%add3A, %dma_start3A_65, %dma_start3A_66] : memref<32x81x128xi32, #tpu.memory_space<hbm>> -> memref<1x81x128xi32, #tpu.memory_space<hbm>>
      %dma_start3A_68 = tpu.memref_squeeze %dma_start3A_67 : memref<1x81x128xi32, #tpu.memory_space<hbm>> -> memref<81x128xi32, #tpu.memory_space<hbm>>
      tpu.enqueue_dma source(%dma_start3A_68 : memref<81x128xi32, #tpu.memory_space<hbm>>) target(%arg8 : memref<81x128xi32, #tpu.memory_space<vmem>>) target_semaphore(%run_scoped3A : memref<!tpu.dma_semaphore, #tpu.memory_space<semaphore_mem>>)
      %dma_wait3A = arith.constant 0 : i32
      %dma_wait3A_69 = arith.constant 0 : i32
      %dma_wait3A_70 = tpu.memref_slice %arg4[%add3A, %dma_wait3A, %dma_wait3A_69] : memref<32x81x128xi32, #tpu.memory_space<hbm>> -> memref<1x81x128xi32, #tpu.memory_space<hbm>>
      %dma_wait3A_71 = tpu.memref_squeeze %dma_wait3A_70 : memref<1x81x128xi32, #tpu.memory_space<hbm>> -> memref<81x128xi32, #tpu.memory_space<hbm>>
      %dma_wait3A_72 = arith.constant 0 : i32
      %dma_wait3A_73 = arith.constant 0 : i32
      %dma_wait3A_74 = tpu.memref_slice %arg4[%add3A, %dma_wait3A_72, %dma_wait3A_73] : memref<32x81x128xi32, #tpu.memory_space<hbm>> -> memref<1x81x128xi32, #tpu.memory_space<hbm>>
      %dma_wait3A_75 = tpu.memref_squeeze %dma_wait3A_74 : memref<1x81x128xi32, #tpu.memory_space<hbm>> -> memref<81x128xi32, #tpu.memory_space<hbm>>
      tpu.wait_dma2 semaphore(%run_scoped3A : memref<!tpu.dma_semaphore, #tpu.memory_space<semaphore_mem>>) src(%dma_wait3A_75 : memref<81x128xi32, #tpu.memory_space<hbm>>) dst(%arg8 : memref<81x128xi32, #tpu.memory_space<vmem>>)
      tpu.yield
    }) : () -> ()
    "tpu.region"() ({
      %run_scoped3A = tpu.sem_alloc : memref<!tpu.dma_semaphore, #tpu.memory_space<semaphore_mem>>
      %dma_start3A = arith.constant 0 : i32
      %dma_start3A_62 = arith.constant 0 : i32
      %dma_start3A_63 = tpu.memref_slice %arg5[%add3A, %dma_start3A, %dma_start3A_62] : memref<32x81x128xf32, #tpu.memory_space<hbm>> -> memref<1x81x128xf32, #tpu.memory_space<hbm>>
      %dma_start3A_64 = tpu.memref_squeeze %dma_start3A_63 : memref<1x81x128xf32, #tpu.memory_space<hbm>> -> memref<81x128xf32, #tpu.memory_space<hbm>>
      %dma_start3A_65 = arith.constant 0 : i32
      %dma_start3A_66 = arith.constant 0 : i32
      %dma_start3A_67 = tpu.memref_slice %arg5[%add3A, %dma_start3A_65, %dma_start3A_66] : memref<32x81x128xf32, #tpu.memory_space<hbm>> -> memref<1x81x128xf32, #tpu.memory_space<hbm>>
      %dma_start3A_68 = tpu.memref_squeeze %dma_start3A_67 : memref<1x81x128xf32, #tpu.memory_space<hbm>> -> memref<81x128xf32, #tpu.memory_space<hbm>>
      tpu.enqueue_dma source(%dma_start3A_68 : memref<81x128xf32, #tpu.memory_space<hbm>>) target(%arg9 : memref<81x128xf32, #tpu.memory_space<vmem>>) target_semaphore(%run_scoped3A : memref<!tpu.dma_semaphore, #tpu.memory_space<semaphore_mem>>)
      %dma_wait3A = arith.constant 0 : i32
      %dma_wait3A_69 = arith.constant 0 : i32
      %dma_wait3A_70 = tpu.memref_slice %arg5[%add3A, %dma_wait3A, %dma_wait3A_69] : memref<32x81x128xf32, #tpu.memory_space<hbm>> -> memref<1x81x128xf32, #tpu.memory_space<hbm>>
      %dma_wait3A_71 = tpu.memref_squeeze %dma_wait3A_70 : memref<1x81x128xf32, #tpu.memory_space<hbm>> -> memref<81x128xf32, #tpu.memory_space<hbm>>
      %dma_wait3A_72 = arith.constant 0 : i32
      %dma_wait3A_73 = arith.constant 0 : i32
      %dma_wait3A_74 = tpu.memref_slice %arg5[%add3A, %dma_wait3A_72, %dma_wait3A_73] : memref<32x81x128xf32, #tpu.memory_space<hbm>> -> memref<1x81x128xf32, #tpu.memory_space<hbm>>
      %dma_wait3A_75 = tpu.memref_squeeze %dma_wait3A_74 : memref<1x81x128xf32, #tpu.memory_space<hbm>> -> memref<81x128xf32, #tpu.memory_space<hbm>>
      tpu.wait_dma2 semaphore(%run_scoped3A : memref<!tpu.dma_semaphore, #tpu.memory_space<semaphore_mem>>) src(%dma_wait3A_75 : memref<81x128xf32, #tpu.memory_space<hbm>>) dst(%arg9 : memref<81x128xf32, #tpu.memory_space<vmem>>)
      tpu.yield
    }) : () -> ()
    %scan3A = arith.constant 0 : i32
    %scan3A_1 = arith.constant 0 : i32
    %scan3A_2 = arith.constant 128 : i32
    %scan3A_3 = arith.addi %scan3A_1, %scan3A_2 : i32
    %scan3A_4 = arith.constant 1 : i32
    %scan3A_5 = scf.for %scan3A_62 = %scan3A_1 to %scan3A_3 step %scan3A_4 iter_args(%scan3A_63 = %scan3A) -> (i32)  : i32 {
      %broadcast_in_dim3A = arith.constant 0.000000e+00 : f32
      %broadcast_in_dim3A_64 = vector.broadcast %broadcast_in_dim3A : f32 to vector<16xf32>
      %swap3A = arith.index_cast %scan3A_62 : i32 to index
      %swap3A_65 = arith.constant 0 : index
      %swap3A_66 = tpu.vector_load %arg10[%swap3A, %swap3A_65] {strides = array<i32>} : memref<128x128xf32, #tpu.memory_space<vmem>>, vector<16xf32>,
      tpu.vector_store %arg10[%swap3A, %swap3A_65], %broadcast_in_dim3A_64 {strides = array<i32>} : memref<128x128xf32, #tpu.memory_space<vmem>>, vector<16xf32>,
      %broadcast_in_dim3A_67 = arith.constant 0.000000e+00 : f32
      %broadcast_in_dim3A_68 = vector.broadcast %broadcast_in_dim3A_67 : f32 to vector<16xf32>
      %swap3A_69 = arith.index_cast %scan3A_62 : i32 to index
      %swap3A_70 = arith.constant 16 : index
      %swap3A_71 = tpu.vector_load %arg10[%swap3A_69, %swap3A_70] {strides = array<i32>} : memref<128x128xf32, #tpu.memory_space<vmem>>, vector<16xf32>,
      tpu.vector_store %arg10[%swap3A_69, %swap3A_70], %broadcast_in_dim3A_68 {strides = array<i32>} : memref<128x128xf32, #tpu.memory_space<vmem>>, vector<16xf32>,
      %broadcast_in_dim3A_72 = arith.constant 0.000000e+00 : f32
      %broadcast_in_dim3A_73 = vector.broadcast %broadcast_in_dim3A_72 : f32 to vector<16xf32>
      %swap3A_74 = arith.index_cast %scan3A_62 : i32 to index
      %swap3A_75 = arith.constant 32 : index
      %swap3A_76 = tpu.vector_load %arg10[%swap3A_74, %swap3A_75] {strides = array<i32>} : memref<128x128xf32, #tpu.memory_space<vmem>>, vector<16xf32>,
      tpu.vector_store %arg10[%swap3A_74, %swap3A_75], %broadcast_in_dim3A_73 {strides = array<i32>} : memref<128x128xf32, #tpu.memory_space<vmem>>, vector<16xf32>,
      %broadcast_in_dim3A_77 = arith.constant 0.000000e+00 : f32
      %broadcast_in_dim3A_78 = vector.broadcast %broadcast_in_dim3A_77 : f32 to vector<16xf32>
      %swap3A_79 = arith.index_cast %scan3A_62 : i32 to index
      %swap3A_80 = arith.constant 48 : index
      %swap3A_81 = tpu.vector_load %arg10[%swap3A_79, %swap3A_80] {strides = array<i32>} : memref<128x128xf32, #tpu.memory_space<vmem>>, vector<16xf32>,
      tpu.vector_store %arg10[%swap3A_79, %swap3A_80], %broadcast_in_dim3A_78 {strides = array<i32>} : memref<128x128xf32, #tpu.memory_space<vmem>>, vector<16xf32>,
      %broadcast_in_dim3A_82 = arith.constant 0.000000e+00 : f32
      %broadcast_in_dim3A_83 = vector.broadcast %broadcast_in_dim3A_82 : f32 to vector<16xf32>
      %swap3A_84 = arith.index_cast %scan3A_62 : i32 to index
      %swap3A_85 = arith.constant 64 : index
      %swap3A_86 = tpu.vector_load %arg10[%swap3A_84, %swap3A_85] {strides = array<i32>} : memref<128x128xf32, #tpu.memory_space<vmem>>, vector<16xf32>,
      tpu.vector_store %arg10[%swap3A_84, %swap3A_85], %broadcast_in_dim3A_83 {strides = array<i32>} : memref<128x128xf32, #tpu.memory_space<vmem>>, vector<16xf32>,
      %broadcast_in_dim3A_87 = arith.constant 0.000000e+00 : f32
      %broadcast_in_dim3A_88 = vector.broadcast %broadcast_in_dim3A_87 : f32 to vector<16xf32>
      %swap3A_89 = arith.index_cast %scan3A_62 : i32 to index
      %swap3A_90 = arith.constant 80 : index
      %swap3A_91 = tpu.vector_load %arg10[%swap3A_89, %swap3A_90] {strides = array<i32>} : memref<128x128xf32, #tpu.memory_space<vmem>>, vector<16xf32>,
      tpu.vector_store %arg10[%swap3A_89, %swap3A_90], %broadcast_in_dim3A_88 {strides = array<i32>} : memref<128x128xf32, #tpu.memory_space<vmem>>, vector<16xf32>,
      %broadcast_in_dim3A_92 = arith.constant 0.000000e+00 : f32
      %broadcast_in_dim3A_93 = vector.broadcast %broadcast_in_dim3A_92 : f32 to vector<16xf32>
      %swap3A_94 = arith.index_cast %scan3A_62 : i32 to index
      %swap3A_95 = arith.constant 96 : index
      %swap3A_96 = tpu.vector_load %arg10[%swap3A_94, %swap3A_95] {strides = array<i32>} : memref<128x128xf32, #tpu.memory_space<vmem>>, vector<16xf32>,
      tpu.vector_store %arg10[%swap3A_94, %swap3A_95], %broadcast_in_dim3A_93 {strides = array<i32>} : memref<128x128xf32, #tpu.memory_space<vmem>>, vector<16xf32>,
      %broadcast_in_dim3A_97 = arith.constant 0.000000e+00 : f32
      %broadcast_in_dim3A_98 = vector.broadcast %broadcast_in_dim3A_97 : f32 to vector<16xf32>
      %swap3A_99 = arith.index_cast %scan3A_62 : i32 to index
      %swap3A_100 = arith.constant 112 : index
      %swap3A_101 = tpu.vector_load %arg10[%swap3A_99, %swap3A_100] {strides = array<i32>} : memref<128x128xf32, #tpu.memory_space<vmem>>, vector<16xf32>,
      tpu.vector_store %arg10[%swap3A_99, %swap3A_100], %broadcast_in_dim3A_98 {strides = array<i32>} : memref<128x128xf32, #tpu.memory_space<vmem>>, vector<16xf32>,
      %scan3A_102 = arith.constant 0 : i32
      scf.yield %scan3A_102 : i32
    }
    %scan3A_6 = arith.constant 128 : i32
    %mul3A_7 = arith.constant 640 : i32
    %mul3A_8 = arith.muli %arg1, %mul3A_7 : i32
    %lt3A = arith.constant 15 : i32
    %lt3A_9 = arith.cmpi slt, %arg1, %lt3A : i32
    %or3A = arith.constant true
    %or3A_10 = arith.ori %lt3A_9, %or3A : i1
    %convert_element_type3A = arith.extui %or3A_10 : i1 to i32
    %cond3A = arith.constant 0 : i32
    %cond3A_11 = arith.cmpi ne, %convert_element_type3A, %cond3A : i32
    scf.if %cond3A_11 {
      %add3A_62 = arith.constant 0 : i32
      %add3A_63 = arith.addi %mul3A_8, %add3A_62 : i32
      "tpu.region"() ({
        %run_scoped3A = tpu.sem_alloc : memref<!tpu.dma_semaphore, #tpu.memory_space<semaphore_mem>>
        %dma_start3A = arith.constant 0 : i32
        %dma_start3A_64 = tpu.memref_slice %arg11[%add3A_63, %dma_start3A] : memref<10000x128xf32, #tpu.memory_space<vmem_shared>> -> memref<128x128xf32, #tpu.memory_space<vmem_shared>>
        %dma_start3A_65 = arith.constant 0 : i32
        %dma_start3A_66 = tpu.memref_slice %arg11[%add3A_63, %dma_start3A_65] : memref<10000x128xf32, #tpu.memory_space<vmem_shared>> -> memref<128x128xf32, #tpu.memory_space<vmem_shared>>
        tpu.enqueue_dma source(%arg10 : memref<128x128xf32, #tpu.memory_space<vmem>>) target(%dma_start3A_66 : memref<128x128xf32, #tpu.memory_space<vmem_shared>>) target_semaphore(%run_scoped3A : memref<!tpu.dma_semaphore, #tpu.memory_space<semaphore_mem>>)
        %dma_wait3A = arith.constant 0 : i32
        %dma_wait3A_67 = tpu.memref_slice %arg11[%add3A_63, %dma_wait3A] : memref<10000x128xf32, #tpu.memory_space<vmem_shared>> -> memref<128x128xf32, #tpu.memory_space<vmem_shared>>
        %dma_wait3A_68 = arith.constant 0 : i32
        %dma_wait3A_69 = tpu.memref_slice %arg11[%add3A_63, %dma_wait3A_68] : memref<10000x128xf32, #tpu.memory_space<vmem_shared>> -> memref<128x128xf32, #tpu.memory_space<vmem_shared>>
        tpu.wait_dma2 semaphore(%run_scoped3A : memref<!tpu.dma_semaphore, #tpu.memory_space<semaphore_mem>>) src(%arg10 : memref<128x128xf32, #tpu.memory_space<vmem>>) dst(%dma_wait3A_69 : memref<128x128xf32, #tpu.memory_space<vmem_shared>>)
        tpu.yield
      }) : () -> ()
    } else {
    }
    %lt3A_12 = arith.constant 15 : i32
    %lt3A_13 = arith.cmpi slt, %arg1, %lt3A_12 : i32
    %or3A_14 = arith.constant true
    %or3A_15 = arith.ori %lt3A_13, %or3A_14 : i1
    %convert_element_type3A_16 = arith.extui %or3A_15 : i1 to i32
    %cond3A_17 = arith.constant 0 : i32
    %cond3A_18 = arith.cmpi ne, %convert_element_type3A_16, %cond3A_17 : i32
    scf.if %cond3A_18 {
      %add3A_62 = arith.constant 128 : i32
      %add3A_63 = arith.addi %mul3A_8, %add3A_62 : i32
      "tpu.region"() ({
        %run_scoped3A = tpu.sem_alloc : memref<!tpu.dma_semaphore, #tpu.memory_space<semaphore_mem>>
        %dma_start3A = arith.constant 0 : i32
        %dma_start3A_64 = tpu.memref_slice %arg11[%add3A_63, %dma_start3A] : memref<10000x128xf32, #tpu.memory_space<vmem_shared>> -> memref<128x128xf32, #tpu.memory_space<vmem_shared>>
        %dma_start3A_65 = arith.constant 0 : i32
        %dma_start3A_66 = tpu.memref_slice %arg11[%add3A_63, %dma_start3A_65] : memref<10000x128xf32, #tpu.memory_space<vmem_shared>> -> memref<128x128xf32, #tpu.memory_space<vmem_shared>>
        tpu.enqueue_dma source(%arg10 : memref<128x128xf32, #tpu.memory_space<vmem>>) target(%dma_start3A_66 : memref<128x128xf32, #tpu.memory_space<vmem_shared>>) target_semaphore(%run_scoped3A : memref<!tpu.dma_semaphore, #tpu.memory_space<semaphore_mem>>)
        %dma_wait3A = arith.constant 0 : i32
        %dma_wait3A_67 = tpu.memref_slice %arg11[%add3A_63, %dma_wait3A] : memref<10000x128xf32, #tpu.memory_space<vmem_shared>> -> memref<128x128xf32, #tpu.memory_space<vmem_shared>>
        %dma_wait3A_68 = arith.constant 0 : i32
        %dma_wait3A_69 = tpu.memref_slice %arg11[%add3A_63, %dma_wait3A_68] : memref<10000x128xf32, #tpu.memory_space<vmem_shared>> -> memref<128x128xf32, #tpu.memory_space<vmem_shared>>
        tpu.wait_dma2 semaphore(%run_scoped3A : memref<!tpu.dma_semaphore, #tpu.memory_space<semaphore_mem>>) src(%arg10 : memref<128x128xf32, #tpu.memory_space<vmem>>) dst(%dma_wait3A_69 : memref<128x128xf32, #tpu.memory_space<vmem_shared>>)
        tpu.yield
      }) : () -> ()
    } else {
    }
    %lt3A_19 = arith.constant 15 : i32
    %lt3A_20 = arith.cmpi slt, %arg1, %lt3A_19 : i32
    %or3A_21 = arith.constant true
    %or3A_22 = arith.ori %lt3A_20, %or3A_21 : i1
    %convert_element_type3A_23 = arith.extui %or3A_22 : i1 to i32
    %cond3A_24 = arith.constant 0 : i32
    %cond3A_25 = arith.cmpi ne, %convert_element_type3A_23, %cond3A_24 : i32
    scf.if %cond3A_25 {
      %add3A_62 = arith.constant 256 : i32
      %add3A_63 = arith.addi %mul3A_8, %add3A_62 : i32
      "tpu.region"() ({
        %run_scoped3A = tpu.sem_alloc : memref<!tpu.dma_semaphore, #tpu.memory_space<semaphore_mem>>
        %dma_start3A = arith.constant 0 : i32
        %dma_start3A_64 = tpu.memref_slice %arg11[%add3A_63, %dma_start3A] : memref<10000x128xf32, #tpu.memory_space<vmem_shared>> -> memref<128x128xf32, #tpu.memory_space<vmem_shared>>
        %dma_start3A_65 = arith.constant 0 : i32
        %dma_start3A_66 = tpu.memref_slice %arg11[%add3A_63, %dma_start3A_65] : memref<10000x128xf32, #tpu.memory_space<vmem_shared>> -> memref<128x128xf32, #tpu.memory_space<vmem_shared>>
        tpu.enqueue_dma source(%arg10 : memref<128x128xf32, #tpu.memory_space<vmem>>) target(%dma_start3A_66 : memref<128x128xf32, #tpu.memory_space<vmem_shared>>) target_semaphore(%run_scoped3A : memref<!tpu.dma_semaphore, #tpu.memory_space<semaphore_mem>>)
        %dma_wait3A = arith.constant 0 : i32
        %dma_wait3A_67 = tpu.memref_slice %arg11[%add3A_63, %dma_wait3A] : memref<10000x128xf32, #tpu.memory_space<vmem_shared>> -> memref<128x128xf32, #tpu.memory_space<vmem_shared>>
        %dma_wait3A_68 = arith.constant 0 : i32
        %dma_wait3A_69 = tpu.memref_slice %arg11[%add3A_63, %dma_wait3A_68] : memref<10000x128xf32, #tpu.memory_space<vmem_shared>> -> memref<128x128xf32, #tpu.memory_space<vmem_shared>>
        tpu.wait_dma2 semaphore(%run_scoped3A : memref<!tpu.dma_semaphore, #tpu.memory_space<semaphore_mem>>) src(%arg10 : memref<128x128xf32, #tpu.memory_space<vmem>>) dst(%dma_wait3A_69 : memref<128x128xf32, #tpu.memory_space<vmem_shared>>)
        tpu.yield
      }) : () -> ()
    } else {
    }
    %lt3A_26 = arith.constant 15 : i32
    %lt3A_27 = arith.cmpi slt, %arg1, %lt3A_26 : i32
    %or3A_28 = arith.constant false
    %or3A_29 = arith.ori %lt3A_27, %or3A_28 : i1
    %convert_element_type3A_30 = arith.extui %or3A_29 : i1 to i32
    %cond3A_31 = arith.constant 0 : i32
    %cond3A_32 = arith.cmpi ne, %convert_element_type3A_30, %cond3A_31 : i32
    scf.if %cond3A_32 {
      %add3A_62 = arith.constant 384 : i32
      %add3A_63 = arith.addi %mul3A_8, %add3A_62 : i32
      "tpu.region"() ({
        %run_scoped3A = tpu.sem_alloc : memref<!tpu.dma_semaphore, #tpu.memory_space<semaphore_mem>>
        %dma_start3A = arith.constant 0 : i32
        %dma_start3A_64 = tpu.memref_slice %arg11[%add3A_63, %dma_start3A] : memref<10000x128xf32, #tpu.memory_space<vmem_shared>> -> memref<128x128xf32, #tpu.memory_space<vmem_shared>>
        %dma_start3A_65 = arith.constant 0 : i32
        %dma_start3A_66 = tpu.memref_slice %arg11[%add3A_63, %dma_start3A_65] : memref<10000x128xf32, #tpu.memory_space<vmem_shared>> -> memref<128x128xf32, #tpu.memory_space<vmem_shared>>
        tpu.enqueue_dma source(%arg10 : memref<128x128xf32, #tpu.memory_space<vmem>>) target(%dma_start3A_66 : memref<128x128xf32, #tpu.memory_space<vmem_shared>>) target_semaphore(%run_scoped3A : memref<!tpu.dma_semaphore, #tpu.memory_space<semaphore_mem>>)
        %dma_wait3A = arith.constant 0 : i32
        %dma_wait3A_67 = tpu.memref_slice %arg11[%add3A_63, %dma_wait3A] : memref<10000x128xf32, #tpu.memory_space<vmem_shared>> -> memref<128x128xf32, #tpu.memory_space<vmem_shared>>
        %dma_wait3A_68 = arith.constant 0 : i32
        %dma_wait3A_69 = tpu.memref_slice %arg11[%add3A_63, %dma_wait3A_68] : memref<10000x128xf32, #tpu.memory_space<vmem_shared>> -> memref<128x128xf32, #tpu.memory_space<vmem_shared>>
        tpu.wait_dma2 semaphore(%run_scoped3A : memref<!tpu.dma_semaphore, #tpu.memory_space<semaphore_mem>>) src(%arg10 : memref<128x128xf32, #tpu.memory_space<vmem>>) dst(%dma_wait3A_69 : memref<128x128xf32, #tpu.memory_space<vmem_shared>>)
        tpu.yield
      }) : () -> ()
    } else {
    }
    %lt3A_33 = arith.constant 15 : i32
    %lt3A_34 = arith.cmpi slt, %arg1, %lt3A_33 : i32
    %or3A_35 = arith.constant false
    %or3A_36 = arith.ori %lt3A_34, %or3A_35 : i1
    %convert_element_type3A_37 = arith.extui %or3A_36 : i1 to i32
    %cond3A_38 = arith.constant 0 : i32
    %cond3A_39 = arith.cmpi ne, %convert_element_type3A_37, %cond3A_38 : i32
    scf.if %cond3A_39 {
      %add3A_62 = arith.constant 512 : i32
      %add3A_63 = arith.addi %mul3A_8, %add3A_62 : i32
      "tpu.region"() ({
        %run_scoped3A = tpu.sem_alloc : memref<!tpu.dma_semaphore, #tpu.memory_space<semaphore_mem>>
        %dma_start3A = arith.constant 0 : i32
        %dma_start3A_64 = tpu.memref_slice %arg11[%add3A_63, %dma_start3A] : memref<10000x128xf32, #tpu.memory_space<vmem_shared>> -> memref<128x128xf32, #tpu.memory_space<vmem_shared>>
        %dma_start3A_65 = arith.constant 0 : i32
        %dma_start3A_66 = tpu.memref_slice %arg11[%add3A_63, %dma_start3A_65] : memref<10000x128xf32, #tpu.memory_space<vmem_shared>> -> memref<128x128xf32, #tpu.memory_space<vmem_shared>>
        tpu.enqueue_dma source(%arg10 : memref<128x128xf32, #tpu.memory_space<vmem>>) target(%dma_start3A_66 : memref<128x128xf32, #tpu.memory_space<vmem_shared>>) target_semaphore(%run_scoped3A : memref<!tpu.dma_semaphore, #tpu.memory_space<semaphore_mem>>)
        %dma_wait3A = arith.constant 0 : i32
        %dma_wait3A_67 = tpu.memref_slice %arg11[%add3A_63, %dma_wait3A] : memref<10000x128xf32, #tpu.memory_space<vmem_shared>> -> memref<128x128xf32, #tpu.memory_space<vmem_shared>>
        %dma_wait3A_68 = arith.constant 0 : i32
        %dma_wait3A_69 = tpu.memref_slice %arg11[%add3A_63, %dma_wait3A_68] : memref<10000x128xf32, #tpu.memory_space<vmem_shared>> -> memref<128x128xf32, #tpu.memory_space<vmem_shared>>
        tpu.wait_dma2 semaphore(%run_scoped3A : memref<!tpu.dma_semaphore, #tpu.memory_space<semaphore_mem>>) src(%arg10 : memref<128x128xf32, #tpu.memory_space<vmem>>) dst(%dma_wait3A_69 : memref<128x128xf32, #tpu.memory_space<vmem_shared>>)
        tpu.yield
      }) : () -> ()
    } else {
    }
    %eq3A = arith.constant 15 : i32
    %eq3A_40 = arith.cmpi eq, %arg1, %eq3A : i32
    %convert_element_type3A_41 = arith.extui %eq3A_40 : i1 to i32
    %cond3A_42 = arith.constant 0 : i32
    %cond3A_43 = arith.cmpi ne, %convert_element_type3A_41, %cond3A_42 : i32
    scf.if %cond3A_43 {
      "tpu.region"() ({
        %run_scoped3A = tpu.sem_alloc : memref<!tpu.dma_semaphore, #tpu.memory_space<semaphore_mem>>
        %dma_start3A = arith.constant 0 : i32
        %dma_start3A_62 = arith.constant 0 : i32
        %dma_start3A_63 = tpu.memref_slice %arg10[%dma_start3A, %dma_start3A_62] : memref<128x128xf32, #tpu.memory_space<vmem>> -> memref<16x128xf32, #tpu.memory_space<vmem>>
        %dma_start3A_64 = arith.constant 9984 : i32
        %dma_start3A_65 = arith.constant 0 : i32
        %dma_start3A_66 = tpu.memref_slice %arg11[%dma_start3A_64, %dma_start3A_65] : memref<10000x128xf32, #tpu.memory_space<vmem_shared>> -> memref<16x128xf32, #tpu.memory_space<vmem_shared>>
        %dma_start3A_67 = arith.constant 9984 : i32
        %dma_start3A_68 = arith.constant 0 : i32
        %dma_start3A_69 = tpu.memref_slice %arg11[%dma_start3A_67, %dma_start3A_68] : memref<10000x128xf32, #tpu.memory_space<vmem_shared>> -> memref<16x128xf32, #tpu.memory_space<vmem_shared>>
        %dma_start3A_70 = arith.constant 0 : i32
        %dma_start3A_71 = arith.constant 0 : i32
        %dma_start3A_72 = tpu.memref_slice %arg10[%dma_start3A_70, %dma_start3A_71] : memref<128x128xf32, #tpu.memory_space<vmem>> -> memref<16x128xf32, #tpu.memory_space<vmem>>
        tpu.enqueue_dma source(%dma_start3A_72 : memref<16x128xf32, #tpu.memory_space<vmem>>) target(%dma_start3A_69 : memref<16x128xf32, #tpu.memory_space<vmem_shared>>) target_semaphore(%run_scoped3A : memref<!tpu.dma_semaphore, #tpu.memory_space<semaphore_mem>>)
        %dma_wait3A = arith.constant 0 : i32
        %dma_wait3A_73 = arith.constant 0 : i32
        %dma_wait3A_74 = tpu.memref_slice %arg10[%dma_wait3A, %dma_wait3A_73] : memref<128x128xf32, #tpu.memory_space<vmem>> -> memref<16x128xf32, #tpu.memory_space<vmem>>
        %dma_wait3A_75 = arith.constant 9984 : i32
        %dma_wait3A_76 = arith.constant 0 : i32
        %dma_wait3A_77 = tpu.memref_slice %arg11[%dma_wait3A_75, %dma_wait3A_76] : memref<10000x128xf32, #tpu.memory_space<vmem_shared>> -> memref<16x128xf32, #tpu.memory_space<vmem_shared>>
        %dma_wait3A_78 = arith.constant 9984 : i32
        %dma_wait3A_79 = arith.constant 0 : i32
        %dma_wait3A_80 = tpu.memref_slice %arg11[%dma_wait3A_78, %dma_wait3A_79] : memref<10000x128xf32, #tpu.memory_space<vmem_shared>> -> memref<16x128xf32, #tpu.memory_space<vmem_shared>>
        %dma_wait3A_81 = arith.constant 0 : i32
        %dma_wait3A_82 = arith.constant 0 : i32
        %dma_wait3A_83 = tpu.memref_slice %arg10[%dma_wait3A_81, %dma_wait3A_82] : memref<128x128xf32, #tpu.memory_space<vmem>> -> memref<16x128xf32, #tpu.memory_space<vmem>>
        tpu.wait_dma2 semaphore(%run_scoped3A : memref<!tpu.dma_semaphore, #tpu.memory_space<semaphore_mem>>) src(%dma_wait3A_83 : memref<16x128xf32, #tpu.memory_space<vmem>>) dst(%dma_wait3A_80 : memref<16x128xf32, #tpu.memory_space<vmem_shared>>)
        tpu.yield
      }) : () -> ()
    } else {
    }
    %barrier3A = arith.constant 0 : index
    tpu.barrier barrier_id(%barrier3A)
    %scan3A_44 = arith.constant 0 : i32
    %scan3A_45 = arith.constant 0 : i32
    %scan3A_46 = arith.constant 81 : i32
    %scan3A_47 = arith.addi %scan3A_45, %scan3A_46 : i32
    %scan3A_48 = arith.constant 1 : i32
    %scan3A_49 = scf.for %scan3A_62 = %scan3A_45 to %scan3A_47 step %scan3A_48 iter_args(%scan3A_63 = %scan3A_44) -> (i32)  : i32 {
      %dma_start3A = arith.constant 0 : i32
      %dma_start3A_64 = tpu.memref_slice %arg7[%scan3A_62, %dma_start3A] : memref<81x128xi32, #tpu.memory_space<vmem>> -> memref<1x128xi32, #tpu.memory_space<vmem>>
      %dma_start3A_65 = tpu.memref_squeeze %dma_start3A_64 : memref<1x128xi32, #tpu.memory_space<vmem>> -> memref<128xi32, #tpu.memory_space<vmem>>
      %dma_start3A_66 = arith.constant 0 : i32
      %dma_start3A_67 = arith.constant 0 : i32
      %dma_start3A_68 = tpu.memref_slice %arg2[%dma_start3A_66, %dma_start3A_67] : memref<10240x128xf32, #tpu.memory_space<hbm>> -> memref<10240x128xf32, #tpu.memory_space<hbm>>
      tpu.enqueue_indirect_dma source(%dma_start3A_68 : memref<10240x128xf32, #tpu.memory_space<hbm>>) target(%arg10 : memref<128x128xf32, #tpu.memory_space<vmem>>) offsets(%dma_start3A_65 : memref<128xi32, #tpu.memory_space<vmem>>) semaphore(%arg12 : memref<!tpu.dma_semaphore, #tpu.memory_space<semaphore_mem>>)
      %dma_wait3A = arith.constant 0 : i32
      %dma_wait3A_69 = tpu.memref_slice %arg7[%scan3A_62, %dma_wait3A] : memref<81x128xi32, #tpu.memory_space<vmem>> -> memref<1x128xi32, #tpu.memory_space<vmem>>
      %dma_wait3A_70 = tpu.memref_squeeze %dma_wait3A_69 : memref<1x128xi32, #tpu.memory_space<vmem>> -> memref<128xi32, #tpu.memory_space<vmem>>
      %dma_wait3A_71 = arith.constant 0 : i32
      %dma_wait3A_72 = arith.constant 0 : i32
      %dma_wait3A_73 = tpu.memref_slice %arg2[%dma_wait3A_71, %dma_wait3A_72] : memref<10240x128xf32, #tpu.memory_space<hbm>> -> memref<10240x128xf32, #tpu.memory_space<hbm>>
      tpu.wait_indirect_dma semaphore(%arg12 : memref<!tpu.dma_semaphore, #tpu.memory_space<semaphore_mem>>) src(%dma_wait3A_73 : memref<10240x128xf32, #tpu.memory_space<hbm>>) dst(%arg10 : memref<128x128xf32, #tpu.memory_space<vmem>>)
      %scan3A_74 = arith.constant 0 : i32
      %scan3A_75 = arith.constant 0 : i32
      %scan3A_76 = arith.constant 128 : i32
      %scan3A_77 = arith.addi %scan3A_75, %scan3A_76 : i32
      %scan3A_78 = arith.constant 1 : i32
      %scan3A_79 = scf.for %scan3A_82 = %scan3A_75 to %scan3A_77 step %scan3A_78 iter_args(%scan3A_83 = %scan3A_74) -> (i32)  : i32 {
        %broadcast_in_dim3A = vector.broadcast %scan3A_62 : i32 to vector<16xi32>
        %broadcast_in_dim3A_84 = vector.broadcast %scan3A_82 : i32 to vector<16xi32>
        %gather3A = tpu.vector_load_idx %arg9[%broadcast_in_dim3A, %broadcast_in_dim3A_84] : memref<81x128xf32, #tpu.memory_space<vmem>>[vector<16xi32>, vector<16xi32>], vector<16xf32>,
        %get3A = arith.index_cast %scan3A_82 : i32 to index
        %get3A_85 = arith.constant 0 : index
        %get3A_86 = tpu.vector_load %arg10[%get3A, %get3A_85] {strides = array<i32>} : memref<128x128xf32, #tpu.memory_space<vmem>>, vector<16xf32>,
        %mul3A_87 = arith.mulf %get3A_86, %gather3A : vector<16xf32>
        %swap3A = arith.index_cast %scan3A_82 : i32 to index
        %swap3A_88 = arith.constant 0 : index
        %swap3A_89 = tpu.vector_load %arg10[%swap3A, %swap3A_88] {strides = array<i32>} : memref<128x128xf32, #tpu.memory_space<vmem>>, vector<16xf32>,
        tpu.vector_store %arg10[%swap3A, %swap3A_88], %mul3A_87 {strides = array<i32>} : memref<128x128xf32, #tpu.memory_space<vmem>>, vector<16xf32>,
        %get3A_90 = arith.index_cast %scan3A_82 : i32 to index
        %get3A_91 = arith.constant 16 : index
        %get3A_92 = tpu.vector_load %arg10[%get3A_90, %get3A_91] {strides = array<i32>} : memref<128x128xf32, #tpu.memory_space<vmem>>, vector<16xf32>,
        %mul3A_93 = arith.mulf %get3A_92, %gather3A : vector<16xf32>
        %swap3A_94 = arith.index_cast %scan3A_82 : i32 to index
        %swap3A_95 = arith.constant 16 : index
        %swap3A_96 = tpu.vector_load %arg10[%swap3A_94, %swap3A_95] {strides = array<i32>} : memref<128x128xf32, #tpu.memory_space<vmem>>, vector<16xf32>,
        tpu.vector_store %arg10[%swap3A_94, %swap3A_95], %mul3A_93 {strides = array<i32>} : memref<128x128xf32, #tpu.memory_space<vmem>>, vector<16xf32>,
        %get3A_97 = arith.index_cast %scan3A_82 : i32 to index
        %get3A_98 = arith.constant 32 : index
        %get3A_99 = tpu.vector_load %arg10[%get3A_97, %get3A_98] {strides = array<i32>} : memref<128x128xf32, #tpu.memory_space<vmem>>, vector<16xf32>,
        %mul3A_100 = arith.mulf %get3A_99, %gather3A : vector<16xf32>
        %swap3A_101 = arith.index_cast %scan3A_82 : i32 to index
        %swap3A_102 = arith.constant 32 : index
        %swap3A_103 = tpu.vector_load %arg10[%swap3A_101, %swap3A_102] {strides = array<i32>} : memref<128x128xf32, #tpu.memory_space<vmem>>, vector<16xf32>,
        tpu.vector_store %arg10[%swap3A_101, %swap3A_102], %mul3A_100 {strides = array<i32>} : memref<128x128xf32, #tpu.memory_space<vmem>>, vector<16xf32>,
        %get3A_104 = arith.index_cast %scan3A_82 : i32 to index
        %get3A_105 = arith.constant 48 : index
        %get3A_106 = tpu.vector_load %arg10[%get3A_104, %get3A_105] {strides = array<i32>} : memref<128x128xf32, #tpu.memory_space<vmem>>, vector<16xf32>,
        %mul3A_107 = arith.mulf %get3A_106, %gather3A : vector<16xf32>
        %swap3A_108 = arith.index_cast %scan3A_82 : i32 to index
        %swap3A_109 = arith.constant 48 : index
        %swap3A_110 = tpu.vector_load %arg10[%swap3A_108, %swap3A_109] {strides = array<i32>} : memref<128x128xf32, #tpu.memory_space<vmem>>, vector<16xf32>,
        tpu.vector_store %arg10[%swap3A_108, %swap3A_109], %mul3A_107 {strides = array<i32>} : memref<128x128xf32, #tpu.memory_space<vmem>>, vector<16xf32>,
        %get3A_111 = arith.index_cast %scan3A_82 : i32 to index
        %get3A_112 = arith.constant 64 : index
        %get3A_113 = tpu.vector_load %arg10[%get3A_111, %get3A_112] {strides = array<i32>} : memref<128x128xf32, #tpu.memory_space<vmem>>, vector<16xf32>,
        %mul3A_114 = arith.mulf %get3A_113, %gather3A : vector<16xf32>
        %swap3A_115 = arith.index_cast %scan3A_82 : i32 to index
        %swap3A_116 = arith.constant 64 : index
        %swap3A_117 = tpu.vector_load %arg10[%swap3A_115, %swap3A_116] {strides = array<i32>} : memref<128x128xf32, #tpu.memory_space<vmem>>, vector<16xf32>,
        tpu.vector_store %arg10[%swap3A_115, %swap3A_116], %mul3A_114 {strides = array<i32>} : memref<128x128xf32, #tpu.memory_space<vmem>>, vector<16xf32>,
        %get3A_118 = arith.index_cast %scan3A_82 : i32 to index
        %get3A_119 = arith.constant 80 : index
        %get3A_120 = tpu.vector_load %arg10[%get3A_118, %get3A_119] {strides = array<i32>} : memref<128x128xf32, #tpu.memory_space<vmem>>, vector<16xf32>,
        %mul3A_121 = arith.mulf %get3A_120, %gather3A : vector<16xf32>
        %swap3A_122 = arith.index_cast %scan3A_82 : i32 to index
        %swap3A_123 = arith.constant 80 : index
        %swap3A_124 = tpu.vector_load %arg10[%swap3A_122, %swap3A_123] {strides = array<i32>} : memref<128x128xf32, #tpu.memory_space<vmem>>, vector<16xf32>,
        tpu.vector_store %arg10[%swap3A_122, %swap3A_123], %mul3A_121 {strides = array<i32>} : memref<128x128xf32, #tpu.memory_space<vmem>>, vector<16xf32>,
        %get3A_125 = arith.index_cast %scan3A_82 : i32 to index
        %get3A_126 = arith.constant 96 : index
        %get3A_127 = tpu.vector_load %arg10[%get3A_125, %get3A_126] {strides = array<i32>} : memref<128x128xf32, #tpu.memory_space<vmem>>, vector<16xf32>,
        %mul3A_128 = arith.mulf %get3A_127, %gather3A : vector<16xf32>
        %swap3A_129 = arith.index_cast %scan3A_82 : i32 to index
        %swap3A_130 = arith.constant 96 : index
        %swap3A_131 = tpu.vector_load %arg10[%swap3A_129, %swap3A_130] {strides = array<i32>} : memref<128x128xf32, #tpu.memory_space<vmem>>, vector<16xf32>,
        tpu.vector_store %arg10[%swap3A_129, %swap3A_130], %mul3A_128 {strides = array<i32>} : memref<128x128xf32, #tpu.memory_space<vmem>>, vector<16xf32>,
        %get3A_132 = arith.index_cast %scan3A_82 : i32 to index
        %get3A_133 = arith.constant 112 : index
        %get3A_134 = tpu.vector_load %arg10[%get3A_132, %get3A_133] {strides = array<i32>} : memref<128x128xf32, #tpu.memory_space<vmem>>, vector<16xf32>,
        %mul3A_135 = arith.mulf %get3A_134, %gather3A : vector<16xf32>
        %swap3A_136 = arith.index_cast %scan3A_82 : i32 to index
        %swap3A_137 = arith.constant 112 : index
        %swap3A_138 = tpu.vector_load %arg10[%swap3A_136, %swap3A_137] {strides = array<i32>} : memref<128x128xf32, #tpu.memory_space<vmem>>, vector<16xf32>,
        tpu.vector_store %arg10[%swap3A_136, %swap3A_137], %mul3A_135 {strides = array<i32>} : memref<128x128xf32, #tpu.memory_space<vmem>>, vector<16xf32>,
        %scan3A_139 = arith.constant 0 : i32
        scf.yield %scan3A_139 : i32
      }
      %scan3A_80 = arith.constant 128 : i32
      "tpu.region"() ({
        %run_scoped3A = tpu.sem_alloc : memref<!tpu.dma_semaphore, #tpu.memory_space<semaphore_mem>>
        %dma_start3A_82 = arith.constant 0 : i32
        %dma_start3A_83 = tpu.memref_slice %arg8[%scan3A_62, %dma_start3A_82] : memref<81x128xi32, #tpu.memory_space<vmem>> -> memref<1x128xi32, #tpu.memory_space<vmem>>
        %dma_start3A_84 = tpu.memref_squeeze %dma_start3A_83 : memref<1x128xi32, #tpu.memory_space<vmem>> -> memref<128xi32, #tpu.memory_space<vmem>>
        %dma_start3A_85 = arith.constant 0 : i32
        %dma_start3A_86 = arith.constant 0 : i32
        %dma_start3A_87 = tpu.memref_slice %arg11[%dma_start3A_85, %dma_start3A_86] : memref<10000x128xf32, #tpu.memory_space<vmem_shared>> -> memref<10000x128xf32, #tpu.memory_space<vmem_shared>>
        tpu.enqueue_indirect_dma source(%arg10 : memref<128x128xf32, #tpu.memory_space<vmem>>) target(%dma_start3A_87 : memref<10000x128xf32, #tpu.memory_space<vmem_shared>>) offsets(%dma_start3A_84 : memref<128xi32, #tpu.memory_space<vmem>>) semaphore(%run_scoped3A : memref<!tpu.dma_semaphore, #tpu.memory_space<semaphore_mem>>) {add = true}
        %dma_wait3A_88 = arith.constant 0 : i32
        %dma_wait3A_89 = tpu.memref_slice %arg8[%scan3A_62, %dma_wait3A_88] : memref<81x128xi32, #tpu.memory_space<vmem>> -> memref<1x128xi32, #tpu.memory_space<vmem>>
        %dma_wait3A_90 = tpu.memref_squeeze %dma_wait3A_89 : memref<1x128xi32, #tpu.memory_space<vmem>> -> memref<128xi32, #tpu.memory_space<vmem>>
        %dma_wait3A_91 = arith.constant 0 : i32
        %dma_wait3A_92 = arith.constant 0 : i32
        %dma_wait3A_93 = tpu.memref_slice %arg11[%dma_wait3A_91, %dma_wait3A_92] : memref<10000x128xf32, #tpu.memory_space<vmem_shared>> -> memref<10000x128xf32, #tpu.memory_space<vmem_shared>>
        tpu.wait_indirect_dma semaphore(%run_scoped3A : memref<!tpu.dma_semaphore, #tpu.memory_space<semaphore_mem>>) src(%arg10 : memref<128x128xf32, #tpu.memory_space<vmem>>) dst(%dma_wait3A_93 : memref<10000x128xf32, #tpu.memory_space<vmem_shared>>)
        tpu.yield
      }) : () -> ()
      %scan3A_81 = arith.constant 0 : i32
      scf.yield %scan3A_81 : i32
    }
    %scan3A_50 = arith.constant 81 : i32
    %barrier3A_51 = arith.constant 0 : index
    tpu.barrier barrier_id(%barrier3A_51)
    %lt3A_52 = arith.constant 15 : i32
    %lt3A_53 = arith.cmpi slt, %arg1, %lt3A_52 : i32
    %convert_element_type3A_54 = arith.extui %lt3A_53 : i1 to i32
    %cond3A_55 = arith.constant 0 : i32
    %cond3A_56 = arith.cmpi ne, %convert_element_type3A_54, %cond3A_55 : i32
    scf.if %cond3A_56 {
      "tpu.region"() ({
        %run_scoped3A = tpu.sem_alloc : memref<!tpu.dma_semaphore, #tpu.memory_space<semaphore_mem>>
        %dma_start3A = arith.constant 0 : i32
        %dma_start3A_62 = tpu.memref_slice %arg6[%arg0, %mul3A_8, %dma_start3A] : memref<2x10000x128xf32, #tpu.memory_space<hbm>> -> memref<1x640x128xf32, #tpu.memory_space<hbm>>
        %dma_start3A_63 = tpu.memref_squeeze %dma_start3A_62 : memref<1x640x128xf32, #tpu.memory_space<hbm>> -> memref<640x128xf32, #tpu.memory_space<hbm>>
        %dma_start3A_64 = arith.constant 0 : i32
        %dma_start3A_65 = tpu.memref_slice %arg11[%mul3A_8, %dma_start3A_64] : memref<10000x128xf32, #tpu.memory_space<vmem_shared>> -> memref<640x128xf32, #tpu.memory_space<vmem_shared>>
        tpu.enqueue_dma source(%dma_start3A_65 : memref<640x128xf32, #tpu.memory_space<vmem_shared>>) target(%dma_start3A_63 : memref<640x128xf32, #tpu.memory_space<hbm>>) target_semaphore(%run_scoped3A : memref<!tpu.dma_semaphore, #tpu.memory_space<semaphore_mem>>)
        %dma_wait3A = arith.constant 0 : i32
        %dma_wait3A_66 = tpu.memref_slice %arg6[%arg0, %mul3A_8, %dma_wait3A] : memref<2x10000x128xf32, #tpu.memory_space<hbm>> -> memref<1x640x128xf32, #tpu.memory_space<hbm>>
        %dma_wait3A_67 = tpu.memref_squeeze %dma_wait3A_66 : memref<1x640x128xf32, #tpu.memory_space<hbm>> -> memref<640x128xf32, #tpu.memory_space<hbm>>
        %dma_wait3A_68 = arith.constant 0 : i32
        %dma_wait3A_69 = tpu.memref_slice %arg11[%mul3A_8, %dma_wait3A_68] : memref<10000x128xf32, #tpu.memory_space<vmem_shared>> -> memref<640x128xf32, #tpu.memory_space<vmem_shared>>
        tpu.wait_dma2 semaphore(%run_scoped3A : memref<!tpu.dma_semaphore, #tpu.memory_space<semaphore_mem>>) src(%dma_wait3A_69 : memref<640x128xf32, #tpu.memory_space<vmem_shared>>) dst(%dma_wait3A_67 : memref<640x128xf32, #tpu.memory_space<hbm>>)
        tpu.yield
      }) : () -> ()
    } else {
    }
    %eq3A_57 = arith.constant 15 : i32
    %eq3A_58 = arith.cmpi eq, %arg1, %eq3A_57 : i32
    %convert_element_type3A_59 = arith.extui %eq3A_58 : i1 to i32
    %cond3A_60 = arith.constant 0 : i32
    %cond3A_61 = arith.cmpi ne, %convert_element_type3A_59, %cond3A_60 : i32
    scf.if %cond3A_61 {
      "tpu.region"() ({
        %run_scoped3A = tpu.sem_alloc : memref<!tpu.dma_semaphore, #tpu.memory_space<semaphore_mem>>
        %dma_start3A = arith.constant 9600 : i32
        %dma_start3A_62 = arith.constant 0 : i32
        %dma_start3A_63 = tpu.memref_slice %arg6[%arg0, %dma_start3A, %dma_start3A_62] : memref<2x10000x128xf32, #tpu.memory_space<hbm>> -> memref<1x400x128xf32, #tpu.memory_space<hbm>>
        %dma_start3A_64 = tpu.memref_squeeze %dma_start3A_63 : memref<1x400x128xf32, #tpu.memory_space<hbm>> -> memref<400x128xf32, #tpu.memory_space<hbm>>
        %dma_start3A_65 = arith.constant 9600 : i32
        %dma_start3A_66 = arith.constant 0 : i32
        %dma_start3A_67 = tpu.memref_slice %arg11[%dma_start3A_65, %dma_start3A_66] : memref<10000x128xf32, #tpu.memory_space<vmem_shared>> -> memref<400x128xf32, #tpu.memory_space<vmem_shared>>
        tpu.enqueue_dma source(%dma_start3A_67 : memref<400x128xf32, #tpu.memory_space<vmem_shared>>) target(%dma_start3A_64 : memref<400x128xf32, #tpu.memory_space<hbm>>) target_semaphore(%run_scoped3A : memref<!tpu.dma_semaphore, #tpu.memory_space<semaphore_mem>>)
        %dma_wait3A = arith.constant 9600 : i32
        %dma_wait3A_68 = arith.constant 0 : i32
        %dma_wait3A_69 = tpu.memref_slice %arg6[%arg0, %dma_wait3A, %dma_wait3A_68] : memref<2x10000x128xf32, #tpu.memory_space<hbm>> -> memref<1x400x128xf32, #tpu.memory_space<hbm>>
        %dma_wait3A_70 = tpu.memref_squeeze %dma_wait3A_69 : memref<1x400x128xf32, #tpu.memory_space<hbm>> -> memref<400x128xf32, #tpu.memory_space<hbm>>
        %dma_wait3A_71 = arith.constant 9600 : i32
        %dma_wait3A_72 = arith.constant 0 : i32
        %dma_wait3A_73 = tpu.memref_slice %arg11[%dma_wait3A_71, %dma_wait3A_72] : memref<10000x128xf32, #tpu.memory_space<vmem_shared>> -> memref<400x128xf32, #tpu.memory_space<vmem_shared>>
        tpu.wait_dma2 semaphore(%run_scoped3A : memref<!tpu.dma_semaphore, #tpu.memory_space<semaphore_mem>>) src(%dma_wait3A_73 : memref<400x128xf32, #tpu.memory_space<vmem_shared>>) dst(%dma_wait3A_70 : memref<400x128xf32, #tpu.memory_space<hbm>>)
        tpu.yield
      }) : () -> ()
    } else {
    }
    return
  }
}

#map = affine_map<(d0, d1) -> (0, 0)>
#map1 = affine_map<(d0, d1) -> (0, 0, 0)>
#map2 = affine_map<(d0, d1) -> (0)>
module attributes {stable_mosaic.version = 14 : i64} {
  func.func @_gat_scalar_sc(%arg0: i32, %arg1: i32, %arg2: memref<1x10240xf32, #tpu.memory_space<hbm>>, %arg3: memref<1x10240xf32, #tpu.memory_space<hbm>>, %arg4: memref<32x81x128xi32, #tpu.memory_space<hbm>>, %arg5: memref<32x81x128xi32, #tpu.memory_space<hbm>>, %arg6: memref<32x81x128xf32, #tpu.memory_space<hbm>>, %arg7: memref<327680xf32, #tpu.memory_space<hbm>>, %arg8: memref<81x128xi32, #tpu.memory_space<vmem>>, %arg9: memref<81x128xi32, #tpu.memory_space<vmem>>, %arg10: memref<10240xf32, #tpu.memory_space<vmem>>, %arg11: memref<10240xf32, #tpu.memory_space<vmem>>, %arg12: memref<10240xf32, #tpu.memory_space<vmem>>, %arg13: memref<81x128xf32, #tpu.memory_space<vmem>>) attributes {dimension_semantics = [#tpu.dimension_semantics<core_parallel>, #tpu.dimension_semantics<subcore_parallel>], iteration_bounds = array<i64: 2, 16>, scalar_prefetch = 0 : i64, scratch_operands = 6 : i64, tpu.core_type = #tpu.core_type<sc_vector_subcore>, window_params = [{transform_indices = #map}, {transform_indices = #map}, {transform_indices = #map1}, {transform_indices = #map1}, {transform_indices = #map1}, {transform_indices = #map2}]} {
    %mul3A = arith.constant 2 : i32
    %mul3A_0 = arith.muli %arg1, %mul3A : i32
    %add3A = arith.addi %mul3A_0, %arg0 : i32
    "tpu.region"() ({
      %run_scoped3A_36 = tpu.sem_alloc : memref<!tpu.dma_semaphore, #tpu.memory_space<semaphore_mem>>
      %dma_start3A = arith.constant 0 : i32
      %dma_start3A_37 = arith.constant 0 : i32
      %dma_start3A_38 = tpu.memref_slice %arg4[%add3A, %dma_start3A, %dma_start3A_37] : memref<32x81x128xi32, #tpu.memory_space<hbm>> -> memref<1x81x128xi32, #tpu.memory_space<hbm>>
      %dma_start3A_39 = tpu.memref_squeeze %dma_start3A_38 : memref<1x81x128xi32, #tpu.memory_space<hbm>> -> memref<81x128xi32, #tpu.memory_space<hbm>>
      %dma_start3A_40 = arith.constant 0 : i32
      %dma_start3A_41 = arith.constant 0 : i32
      %dma_start3A_42 = tpu.memref_slice %arg4[%add3A, %dma_start3A_40, %dma_start3A_41] : memref<32x81x128xi32, #tpu.memory_space<hbm>> -> memref<1x81x128xi32, #tpu.memory_space<hbm>>
      %dma_start3A_43 = tpu.memref_squeeze %dma_start3A_42 : memref<1x81x128xi32, #tpu.memory_space<hbm>> -> memref<81x128xi32, #tpu.memory_space<hbm>>
      tpu.enqueue_dma source(%dma_start3A_43 : memref<81x128xi32, #tpu.memory_space<hbm>>) target(%arg8 : memref<81x128xi32, #tpu.memory_space<vmem>>) target_semaphore(%run_scoped3A_36 : memref<!tpu.dma_semaphore, #tpu.memory_space<semaphore_mem>>)
      %dma_wait3A = arith.constant 0 : i32
      %dma_wait3A_44 = arith.constant 0 : i32
      %dma_wait3A_45 = tpu.memref_slice %arg4[%add3A, %dma_wait3A, %dma_wait3A_44] : memref<32x81x128xi32, #tpu.memory_space<hbm>> -> memref<1x81x128xi32, #tpu.memory_space<hbm>>
      %dma_wait3A_46 = tpu.memref_squeeze %dma_wait3A_45 : memref<1x81x128xi32, #tpu.memory_space<hbm>> -> memref<81x128xi32, #tpu.memory_space<hbm>>
      %dma_wait3A_47 = arith.constant 0 : i32
      %dma_wait3A_48 = arith.constant 0 : i32
      %dma_wait3A_49 = tpu.memref_slice %arg4[%add3A, %dma_wait3A_47, %dma_wait3A_48] : memref<32x81x128xi32, #tpu.memory_space<hbm>> -> memref<1x81x128xi32, #tpu.memory_space<hbm>>
      %dma_wait3A_50 = tpu.memref_squeeze %dma_wait3A_49 : memref<1x81x128xi32, #tpu.memory_space<hbm>> -> memref<81x128xi32, #tpu.memory_space<hbm>>
      tpu.wait_dma2 semaphore(%run_scoped3A_36 : memref<!tpu.dma_semaphore, #tpu.memory_space<semaphore_mem>>) src(%dma_wait3A_50 : memref<81x128xi32, #tpu.memory_space<hbm>>) dst(%arg8 : memref<81x128xi32, #tpu.memory_space<vmem>>)
      tpu.yield
    }) : () -> ()
    "tpu.region"() ({
      %run_scoped3A_36 = tpu.sem_alloc : memref<!tpu.dma_semaphore, #tpu.memory_space<semaphore_mem>>
      %dma_start3A = arith.constant 0 : i32
      %dma_start3A_37 = arith.constant 0 : i32
      %dma_start3A_38 = tpu.memref_slice %arg5[%add3A, %dma_start3A, %dma_start3A_37] : memref<32x81x128xi32, #tpu.memory_space<hbm>> -> memref<1x81x128xi32, #tpu.memory_space<hbm>>
      %dma_start3A_39 = tpu.memref_squeeze %dma_start3A_38 : memref<1x81x128xi32, #tpu.memory_space<hbm>> -> memref<81x128xi32, #tpu.memory_space<hbm>>
      %dma_start3A_40 = arith.constant 0 : i32
      %dma_start3A_41 = arith.constant 0 : i32
      %dma_start3A_42 = tpu.memref_slice %arg5[%add3A, %dma_start3A_40, %dma_start3A_41] : memref<32x81x128xi32, #tpu.memory_space<hbm>> -> memref<1x81x128xi32, #tpu.memory_space<hbm>>
      %dma_start3A_43 = tpu.memref_squeeze %dma_start3A_42 : memref<1x81x128xi32, #tpu.memory_space<hbm>> -> memref<81x128xi32, #tpu.memory_space<hbm>>
      tpu.enqueue_dma source(%dma_start3A_43 : memref<81x128xi32, #tpu.memory_space<hbm>>) target(%arg9 : memref<81x128xi32, #tpu.memory_space<vmem>>) target_semaphore(%run_scoped3A_36 : memref<!tpu.dma_semaphore, #tpu.memory_space<semaphore_mem>>)
      %dma_wait3A = arith.constant 0 : i32
      %dma_wait3A_44 = arith.constant 0 : i32
      %dma_wait3A_45 = tpu.memref_slice %arg5[%add3A, %dma_wait3A, %dma_wait3A_44] : memref<32x81x128xi32, #tpu.memory_space<hbm>> -> memref<1x81x128xi32, #tpu.memory_space<hbm>>
      %dma_wait3A_46 = tpu.memref_squeeze %dma_wait3A_45 : memref<1x81x128xi32, #tpu.memory_space<hbm>> -> memref<81x128xi32, #tpu.memory_space<hbm>>
      %dma_wait3A_47 = arith.constant 0 : i32
      %dma_wait3A_48 = arith.constant 0 : i32
      %dma_wait3A_49 = tpu.memref_slice %arg5[%add3A, %dma_wait3A_47, %dma_wait3A_48] : memref<32x81x128xi32, #tpu.memory_space<hbm>> -> memref<1x81x128xi32, #tpu.memory_space<hbm>>
      %dma_wait3A_50 = tpu.memref_squeeze %dma_wait3A_49 : memref<1x81x128xi32, #tpu.memory_space<hbm>> -> memref<81x128xi32, #tpu.memory_space<hbm>>
      tpu.wait_dma2 semaphore(%run_scoped3A_36 : memref<!tpu.dma_semaphore, #tpu.memory_space<semaphore_mem>>) src(%dma_wait3A_50 : memref<81x128xi32, #tpu.memory_space<hbm>>) dst(%arg9 : memref<81x128xi32, #tpu.memory_space<vmem>>)
      tpu.yield
    }) : () -> ()
    %run_scoped3A = arith.constant 0 : i32
    "tpu.region"() ({
      %run_scoped3A_36 = tpu.sem_alloc : memref<!tpu.dma_semaphore, #tpu.memory_space<semaphore_mem>>
      %dma_start3A = arith.constant 0 : i32
      %dma_start3A_37 = tpu.memref_slice %arg2[%run_scoped3A, %dma_start3A] : memref<1x10240xf32, #tpu.memory_space<hbm>> -> memref<1x10240xf32, #tpu.memory_space<hbm>>
      %dma_start3A_38 = tpu.memref_squeeze %dma_start3A_37 : memref<1x10240xf32, #tpu.memory_space<hbm>> -> memref<10240xf32, #tpu.memory_space<hbm>>
      %dma_start3A_39 = arith.constant 0 : i32
      %dma_start3A_40 = tpu.memref_slice %arg2[%run_scoped3A, %dma_start3A_39] : memref<1x10240xf32, #tpu.memory_space<hbm>> -> memref<1x10240xf32, #tpu.memory_space<hbm>>
      %dma_start3A_41 = tpu.memref_squeeze %dma_start3A_40 : memref<1x10240xf32, #tpu.memory_space<hbm>> -> memref<10240xf32, #tpu.memory_space<hbm>>
      tpu.enqueue_dma source(%dma_start3A_41 : memref<10240xf32, #tpu.memory_space<hbm>>) target(%arg10 : memref<10240xf32, #tpu.memory_space<vmem>>) target_semaphore(%run_scoped3A_36 : memref<!tpu.dma_semaphore, #tpu.memory_space<semaphore_mem>>)
      %dma_wait3A = arith.constant 0 : i32
      %dma_wait3A_42 = tpu.memref_slice %arg2[%run_scoped3A, %dma_wait3A] : memref<1x10240xf32, #tpu.memory_space<hbm>> -> memref<1x10240xf32, #tpu.memory_space<hbm>>
      %dma_wait3A_43 = tpu.memref_squeeze %dma_wait3A_42 : memref<1x10240xf32, #tpu.memory_space<hbm>> -> memref<10240xf32, #tpu.memory_space<hbm>>
      %dma_wait3A_44 = arith.constant 0 : i32
      %dma_wait3A_45 = tpu.memref_slice %arg2[%run_scoped3A, %dma_wait3A_44] : memref<1x10240xf32, #tpu.memory_space<hbm>> -> memref<1x10240xf32, #tpu.memory_space<hbm>>
      %dma_wait3A_46 = tpu.memref_squeeze %dma_wait3A_45 : memref<1x10240xf32, #tpu.memory_space<hbm>> -> memref<10240xf32, #tpu.memory_space<hbm>>
      tpu.wait_dma2 semaphore(%run_scoped3A_36 : memref<!tpu.dma_semaphore, #tpu.memory_space<semaphore_mem>>) src(%dma_wait3A_46 : memref<10240xf32, #tpu.memory_space<hbm>>) dst(%arg10 : memref<10240xf32, #tpu.memory_space<vmem>>)
      tpu.yield
    }) : () -> ()
    %run_scoped3A_1 = arith.constant 0 : i32
    "tpu.region"() ({
      %run_scoped3A_36 = tpu.sem_alloc : memref<!tpu.dma_semaphore, #tpu.memory_space<semaphore_mem>>
      %dma_start3A = arith.constant 0 : i32
      %dma_start3A_37 = tpu.memref_slice %arg3[%run_scoped3A_1, %dma_start3A] : memref<1x10240xf32, #tpu.memory_space<hbm>> -> memref<1x10240xf32, #tpu.memory_space<hbm>>
      %dma_start3A_38 = tpu.memref_squeeze %dma_start3A_37 : memref<1x10240xf32, #tpu.memory_space<hbm>> -> memref<10240xf32, #tpu.memory_space<hbm>>
      %dma_start3A_39 = arith.constant 0 : i32
      %dma_start3A_40 = tpu.memref_slice %arg3[%run_scoped3A_1, %dma_start3A_39] : memref<1x10240xf32, #tpu.memory_space<hbm>> -> memref<1x10240xf32, #tpu.memory_space<hbm>>
      %dma_start3A_41 = tpu.memref_squeeze %dma_start3A_40 : memref<1x10240xf32, #tpu.memory_space<hbm>> -> memref<10240xf32, #tpu.memory_space<hbm>>
      tpu.enqueue_dma source(%dma_start3A_41 : memref<10240xf32, #tpu.memory_space<hbm>>) target(%arg11 : memref<10240xf32, #tpu.memory_space<vmem>>) target_semaphore(%run_scoped3A_36 : memref<!tpu.dma_semaphore, #tpu.memory_space<semaphore_mem>>)
      %dma_wait3A = arith.constant 0 : i32
      %dma_wait3A_42 = tpu.memref_slice %arg3[%run_scoped3A_1, %dma_wait3A] : memref<1x10240xf32, #tpu.memory_space<hbm>> -> memref<1x10240xf32, #tpu.memory_space<hbm>>
      %dma_wait3A_43 = tpu.memref_squeeze %dma_wait3A_42 : memref<1x10240xf32, #tpu.memory_space<hbm>> -> memref<10240xf32, #tpu.memory_space<hbm>>
      %dma_wait3A_44 = arith.constant 0 : i32
      %dma_wait3A_45 = tpu.memref_slice %arg3[%run_scoped3A_1, %dma_wait3A_44] : memref<1x10240xf32, #tpu.memory_space<hbm>> -> memref<1x10240xf32, #tpu.memory_space<hbm>>
      %dma_wait3A_46 = tpu.memref_squeeze %dma_wait3A_45 : memref<1x10240xf32, #tpu.memory_space<hbm>> -> memref<10240xf32, #tpu.memory_space<hbm>>
      tpu.wait_dma2 semaphore(%run_scoped3A_36 : memref<!tpu.dma_semaphore, #tpu.memory_space<semaphore_mem>>) src(%dma_wait3A_46 : memref<10240xf32, #tpu.memory_space<hbm>>) dst(%arg11 : memref<10240xf32, #tpu.memory_space<vmem>>)
      tpu.yield
    }) : () -> ()
    %scan3A = arith.constant 0 : i32
    %scan3A_2 = arith.constant 0 : i32
    %scan3A_3 = arith.constant 640 : i32
    %scan3A_4 = arith.addi %scan3A_2, %scan3A_3 : i32
    %scan3A_5 = arith.constant 1 : i32
    %scan3A_6 = scf.for %scan3A_36 = %scan3A_2 to %scan3A_4 step %scan3A_5 iter_args(%scan3A_37 = %scan3A) -> (i32)  : i32 {
      %broadcast_in_dim3A_38 = arith.constant 0.000000e+00 : f32
      %broadcast_in_dim3A_39 = vector.broadcast %broadcast_in_dim3A_38 : f32 to vector<16xf32>
      %mul3A_40 = arith.constant 16 : i32
      %mul3A_41 = arith.muli %scan3A_36, %mul3A_40 : i32
      %swap3A = arith.index_cast %mul3A_41 : i32 to index
      %swap3A_42 = tpu.vector_load %arg12[%swap3A] {strides = array<i32>} : memref<10240xf32, #tpu.memory_space<vmem>>, vector<16xf32>,
      tpu.vector_store %arg12[%swap3A], %broadcast_in_dim3A_39 {strides = array<i32>} : memref<10240xf32, #tpu.memory_space<vmem>>, vector<16xf32>,
      %scan3A_43 = arith.constant 0 : i32
      scf.yield %scan3A_43 : i32
    }
    %scan3A_7 = arith.constant 640 : i32
    %broadcast_in_dim3A = arith.constant -3.000000e+38 : f32
    %broadcast_in_dim3A_8 = vector.broadcast %broadcast_in_dim3A : f32 to vector<16xf32>
    %scan3A_9 = arith.constant 0 : i32
    %scan3A_10 = arith.constant 640 : i32
    %scan3A_11 = arith.addi %scan3A_9, %scan3A_10 : i32
    %scan3A_12 = arith.constant 1 : i32
    %scan3A_13:2 = scf.for %scan3A_36 = %scan3A_9 to %scan3A_11 step %scan3A_12 iter_args(%scan3A_37 = %broadcast_in_dim3A_8, %scan3A_38 = %broadcast_in_dim3A_8) -> (vector<16xf32>, vector<16xf32>)  : i32 {
      %mul3A_39 = arith.constant 16 : i32
      %mul3A_40 = arith.muli %scan3A_36, %mul3A_39 : i32
      %get3A = arith.index_cast %mul3A_40 : i32 to index
      %get3A_41 = tpu.vector_load %arg10[%get3A] {strides = array<i32>} : memref<10240xf32, #tpu.memory_space<vmem>>, vector<16xf32>,
      %max3A_42 = arith.maximumf %scan3A_37, %get3A_41 : vector<16xf32>
      %mul3A_43 = arith.constant 16 : i32
      %mul3A_44 = arith.muli %scan3A_36, %mul3A_43 : i32
      %get3A_45 = arith.index_cast %mul3A_44 : i32 to index
      %get3A_46 = tpu.vector_load %arg11[%get3A_45] {strides = array<i32>} : memref<10240xf32, #tpu.memory_space<vmem>>, vector<16xf32>,
      %max3A_47 = arith.maximumf %scan3A_38, %get3A_46 : vector<16xf32>
      scf.yield %max3A_42, %max3A_47 : vector<16xf32>, vector<16xf32>
    }
    %scan3A_14 = arith.constant 640 : i32
    %reduce_max3A = arith.constant true
    %reduce_max3A_15 = vector.broadcast %reduce_max3A : i1 to vector<16xi1>
    %reduce_max3A_16 = tpu.scan <max>, %scan3A_13#0 masked %reduce_max3A_15 : vector<16xf32>, vector<16xi1> -> vector<16xf32>
    %reduce_max3A_17 = vector.extract %reduce_max3A_16[15] : f32 from vector<16xf32>
    %reduce_max3A_18 = arith.constant true
    %reduce_max3A_19 = vector.broadcast %reduce_max3A_18 : i1 to vector<16xi1>
    %reduce_max3A_20 = tpu.scan <max>, %scan3A_13#1 masked %reduce_max3A_19 : vector<16xf32>, vector<16xi1> -> vector<16xf32>
    %reduce_max3A_21 = vector.extract %reduce_max3A_20[15] : f32 from vector<16xf32>
    %add3A_22 = arith.addf %reduce_max3A_17, %reduce_max3A_21 : f32
    %mul3A_23 = arith.constant 2.000000e-01 : f32
    %mul3A_24 = arith.mulf %mul3A_23, %add3A_22 : f32
    %max3A = arith.maximumf %add3A_22, %mul3A_24 : f32
    %mul3A_25 = arith.constant 10368 : i32
    %mul3A_26 = arith.muli %add3A, %mul3A_25 : i32
    %scan3A_27 = arith.constant 0 : i32
    %scan3A_28 = arith.constant 0 : i32
    %scan3A_29 = arith.constant 81 : i32
    %scan3A_30 = arith.addi %scan3A_28, %scan3A_29 : i32
    %scan3A_31 = arith.constant 1 : i32
    %scan3A_32 = scf.for %scan3A_36 = %scan3A_28 to %scan3A_30 step %scan3A_31 iter_args(%scan3A_37 = %scan3A_27) -> (i32)  : i32 {
      %scan3A_38 = arith.constant 0 : i32
      %scan3A_39 = arith.constant 0 : i32
      %scan3A_40 = arith.constant 8 : i32
      %scan3A_41 = arith.addi %scan3A_39, %scan3A_40 : i32
      %scan3A_42 = arith.constant 1 : i32
      %scan3A_43 = scf.for %scan3A_46 = %scan3A_39 to %scan3A_41 step %scan3A_42 iter_args(%scan3A_47 = %scan3A_38) -> (i32)  : i32 {
        %mul3A_48 = arith.constant 16 : i32
        %mul3A_49 = arith.muli %scan3A_46, %mul3A_48 : i32
        %get3A = arith.index_cast %scan3A_36 : i32 to index
        %get3A_50 = arith.index_cast %mul3A_49 : i32 to index
        %get3A_51 = tpu.vector_load %arg8[%get3A, %get3A_50] {strides = array<i32>} : memref<81x128xi32, #tpu.memory_space<vmem>>, vector<16xi32>,
        %mul3A_52 = arith.constant 16 : i32
        %mul3A_53 = arith.muli %scan3A_46, %mul3A_52 : i32
        %get3A_54 = arith.index_cast %scan3A_36 : i32 to index
        %get3A_55 = arith.index_cast %mul3A_53 : i32 to index
        %get3A_56 = tpu.vector_load %arg9[%get3A_54, %get3A_55] {strides = array<i32>} : memref<81x128xi32, #tpu.memory_space<vmem>>, vector<16xi32>,
        %gather3A = tpu.vector_load_idx %arg10[%get3A_51] : memref<10240xf32, #tpu.memory_space<vmem>>[vector<16xi32>], vector<16xf32>,
        %gather3A_57 = tpu.vector_load_idx %arg11[%get3A_56] : memref<10240xf32, #tpu.memory_space<vmem>>[vector<16xi32>], vector<16xf32>,
        %add3A_58 = arith.addf %gather3A, %gather3A_57 : vector<16xf32>
        %ge3A = arith.constant 0.000000e+00 : f32
        %ge3A_59 = vector.broadcast %ge3A : f32 to vector<16xf32>
        %ge3A_60 = arith.cmpf oge, %add3A_58, %ge3A_59 : vector<16xf32>
        %mul3A_61 = arith.constant 2.000000e-01 : f32
        %mul3A_62 = vector.broadcast %mul3A_61 : f32 to vector<16xf32>
        %mul3A_63 = arith.mulf %mul3A_62, %add3A_58 : vector<16xf32>
        %select_n3A = arith.select %ge3A_60, %add3A_58, %mul3A_63 : vector<16xi1>, vector<16xf32>
        %sub3A = vector.broadcast %max3A : f32 to vector<16xf32>
        %sub3A_64 = arith.subf %select_n3A, %sub3A : vector<16xf32>
        %exp3A = math.exp %sub3A_64 : vector<16xf32>
        %mul3A_65 = arith.constant 128 : i32
        %mul3A_66 = arith.muli %scan3A_36, %mul3A_65 : i32
        %add3A_67 = arith.addi %mul3A_26, %mul3A_66 : i32
        %mul3A_68 = arith.constant 16 : i32
        %mul3A_69 = arith.muli %scan3A_46, %mul3A_68 : i32
        %add3A_70 = arith.addi %add3A_67, %mul3A_69 : i32
        %iota3A = tpu.iota {dimensions = array<i32: 0>} : vector<16xi32>
        %add3A_71 = vector.broadcast %add3A_70 : i32 to vector<16xi32>
        %add3A_72 = arith.addi %add3A_71, %iota3A : vector<16xi32>
        %lt3A = arith.constant 330000 : i32
        %lt3A_73 = vector.broadcast %lt3A : i32 to vector<16xi32>
        %lt3A_74 = arith.cmpi slt, %add3A_72, %lt3A_73 : vector<16xi32>
        %jit3A = arith.constant 0.000000e+00 : f32
        %broadcast_in_dim3A_75 = vector.broadcast %jit3A : f32 to vector<16xf32>
        %select_n3A_76 = arith.select %lt3A_74, %exp3A, %broadcast_in_dim3A_75 : vector<16xi1>, vector<16xf32>
        %mul3A_77 = arith.constant 16 : i32
        %mul3A_78 = arith.muli %scan3A_46, %mul3A_77 : i32
        %swap3A = arith.index_cast %scan3A_36 : i32 to index
        %swap3A_79 = arith.index_cast %mul3A_78 : i32 to index
        %swap3A_80 = tpu.vector_load %arg13[%swap3A, %swap3A_79] {strides = array<i32>} : memref<81x128xf32, #tpu.memory_space<vmem>>, vector<16xf32>,
        tpu.vector_store %arg13[%swap3A, %swap3A_79], %select_n3A_76 {strides = array<i32>} : memref<81x128xf32, #tpu.memory_space<vmem>>, vector<16xf32>,
        tpu.vector_store_idx %arg12[%get3A_56], %select_n3A_76 {add = true} : memref<10240xf32, #tpu.memory_space<vmem>>[vector<16xi32>], vector<16xf32>,
        %scan3A_81 = arith.constant 0 : i32
        scf.yield %scan3A_81 : i32
      }
      %scan3A_44 = arith.constant 8 : i32
      %scan3A_45 = arith.constant 0 : i32
      scf.yield %scan3A_45 : i32
    }
    %scan3A_33 = arith.constant 81 : i32
    "tpu.region"() ({
      %run_scoped3A_36 = tpu.sem_alloc : memref<!tpu.dma_semaphore, #tpu.memory_space<semaphore_mem>>
      %dma_start3A = arith.constant 0 : i32
      %dma_start3A_37 = arith.constant 0 : i32
      %dma_start3A_38 = tpu.memref_slice %arg6[%add3A, %dma_start3A, %dma_start3A_37] : memref<32x81x128xf32, #tpu.memory_space<hbm>> -> memref<1x81x128xf32, #tpu.memory_space<hbm>>
      %dma_start3A_39 = tpu.memref_squeeze %dma_start3A_38 : memref<1x81x128xf32, #tpu.memory_space<hbm>> -> memref<81x128xf32, #tpu.memory_space<hbm>>
      %dma_start3A_40 = arith.constant 0 : i32
      %dma_start3A_41 = arith.constant 0 : i32
      %dma_start3A_42 = tpu.memref_slice %arg6[%add3A, %dma_start3A_40, %dma_start3A_41] : memref<32x81x128xf32, #tpu.memory_space<hbm>> -> memref<1x81x128xf32, #tpu.memory_space<hbm>>
      %dma_start3A_43 = tpu.memref_squeeze %dma_start3A_42 : memref<1x81x128xf32, #tpu.memory_space<hbm>> -> memref<81x128xf32, #tpu.memory_space<hbm>>
      tpu.enqueue_dma source(%arg13 : memref<81x128xf32, #tpu.memory_space<vmem>>) target(%dma_start3A_43 : memref<81x128xf32, #tpu.memory_space<hbm>>) target_semaphore(%run_scoped3A_36 : memref<!tpu.dma_semaphore, #tpu.memory_space<semaphore_mem>>)
      %dma_wait3A = arith.constant 0 : i32
      %dma_wait3A_44 = arith.constant 0 : i32
      %dma_wait3A_45 = tpu.memref_slice %arg6[%add3A, %dma_wait3A, %dma_wait3A_44] : memref<32x81x128xf32, #tpu.memory_space<hbm>> -> memref<1x81x128xf32, #tpu.memory_space<hbm>>
      %dma_wait3A_46 = tpu.memref_squeeze %dma_wait3A_45 : memref<1x81x128xf32, #tpu.memory_space<hbm>> -> memref<81x128xf32, #tpu.memory_space<hbm>>
      %dma_wait3A_47 = arith.constant 0 : i32
      %dma_wait3A_48 = arith.constant 0 : i32
      %dma_wait3A_49 = tpu.memref_slice %arg6[%add3A, %dma_wait3A_47, %dma_wait3A_48] : memref<32x81x128xf32, #tpu.memory_space<hbm>> -> memref<1x81x128xf32, #tpu.memory_space<hbm>>
      %dma_wait3A_50 = tpu.memref_squeeze %dma_wait3A_49 : memref<1x81x128xf32, #tpu.memory_space<hbm>> -> memref<81x128xf32, #tpu.memory_space<hbm>>
      tpu.wait_dma2 semaphore(%run_scoped3A_36 : memref<!tpu.dma_semaphore, #tpu.memory_space<semaphore_mem>>) src(%arg13 : memref<81x128xf32, #tpu.memory_space<vmem>>) dst(%dma_wait3A_50 : memref<81x128xf32, #tpu.memory_space<hbm>>)
      tpu.yield
    }) : () -> ()
    %mul3A_34 = arith.constant 10240 : i32
    %mul3A_35 = arith.muli %add3A, %mul3A_34 : i32
    "tpu.region"() ({
      %run_scoped3A_36 = tpu.sem_alloc : memref<!tpu.dma_semaphore, #tpu.memory_space<semaphore_mem>>
      %dma_start3A = tpu.memref_slice %arg7[%mul3A_35] : memref<327680xf32, #tpu.memory_space<hbm>> -> memref<10240xf32, #tpu.memory_space<hbm>>
      %dma_start3A_37 = tpu.memref_slice %arg7[%mul3A_35] : memref<327680xf32, #tpu.memory_space<hbm>> -> memref<10240xf32, #tpu.memory_space<hbm>>
      tpu.enqueue_dma source(%arg12 : memref<10240xf32, #tpu.memory_space<vmem>>) target(%dma_start3A_37 : memref<10240xf32, #tpu.memory_space<hbm>>) target_semaphore(%run_scoped3A_36 : memref<!tpu.dma_semaphore, #tpu.memory_space<semaphore_mem>>)
      %dma_wait3A = tpu.memref_slice %arg7[%mul3A_35] : memref<327680xf32, #tpu.memory_space<hbm>> -> memref<10240xf32, #tpu.memory_space<hbm>>
      %dma_wait3A_38 = tpu.memref_slice %arg7[%mul3A_35] : memref<327680xf32, #tpu.memory_space<hbm>> -> memref<10240xf32, #tpu.memory_space<hbm>>
      tpu.wait_dma2 semaphore(%run_scoped3A_36 : memref<!tpu.dma_semaphore, #tpu.memory_space<semaphore_mem>>) src(%arg12 : memref<10240xf32, #tpu.memory_space<vmem>>) dst(%dma_wait3A_38 : memref<10240xf32, #tpu.memory_space<hbm>>)
      tpu.yield
    }) : () -> ()
    return
  }
}

#map = affine_map<(d0, d1) -> (0, 0)>
#map1 = affine_map<(d0, d1) -> (0, 0, 0)>
module attributes {stable_mosaic.version = 14 : i64} {
  func.func @_gat_rows_sc(%arg0: i32, %arg1: i32, %arg2: memref<10240x128xf32, #tpu.memory_space<hbm>>, %arg3: memref<32x81x128xi32, #tpu.memory_space<hbm>>, %arg4: memref<32x81x128xi32, #tpu.memory_space<hbm>>, %arg5: memref<32x81x128xf32, #tpu.memory_space<hbm>>, %arg6: memref<2x10000x128xf32, #tpu.memory_space<hbm>>, %arg7: memref<81x128xi32, #tpu.memory_space<vmem>>, %arg8: memref<81x128xi32, #tpu.memory_space<vmem>>, %arg9: memref<81x128xf32, #tpu.memory_space<vmem>>, %arg10: memref<128x128xf32, #tpu.memory_space<vmem>>, %arg11: memref<10000x128xf32, #tpu.memory_space<vmem_shared>>, %arg12: memref<!tpu.dma_semaphore, #tpu.memory_space<semaphore_mem>>) attributes {dimension_semantics = [#tpu.dimension_semantics<core_parallel>, #tpu.dimension_semantics<subcore_parallel>], iteration_bounds = array<i64: 2, 16>, scalar_prefetch = 0 : i64, scratch_operands = 6 : i64, tpu.core_type = #tpu.core_type<sc_vector_subcore>, window_params = [{transform_indices = #map}, {transform_indices = #map1}, {transform_indices = #map1}, {transform_indices = #map1}, {transform_indices = #map1}]} {
    %mul3A = arith.constant 2 : i32
    %mul3A_0 = arith.muli %arg1, %mul3A : i32
    %add3A = arith.addi %mul3A_0, %arg0 : i32
    "tpu.region"() ({
      %run_scoped3A = tpu.sem_alloc : memref<!tpu.dma_semaphore, #tpu.memory_space<semaphore_mem>>
      %dma_start3A = arith.constant 0 : i32
      %dma_start3A_62 = arith.constant 0 : i32
      %dma_start3A_63 = tpu.memref_slice %arg3[%add3A, %dma_start3A, %dma_start3A_62] : memref<32x81x128xi32, #tpu.memory_space<hbm>> -> memref<1x81x128xi32, #tpu.memory_space<hbm>>
      %dma_start3A_64 = tpu.memref_squeeze %dma_start3A_63 : memref<1x81x128xi32, #tpu.memory_space<hbm>> -> memref<81x128xi32, #tpu.memory_space<hbm>>
      %dma_start3A_65 = arith.constant 0 : i32
      %dma_start3A_66 = arith.constant 0 : i32
      %dma_start3A_67 = tpu.memref_slice %arg3[%add3A, %dma_start3A_65, %dma_start3A_66] : memref<32x81x128xi32, #tpu.memory_space<hbm>> -> memref<1x81x128xi32, #tpu.memory_space<hbm>>
      %dma_start3A_68 = tpu.memref_squeeze %dma_start3A_67 : memref<1x81x128xi32, #tpu.memory_space<hbm>> -> memref<81x128xi32, #tpu.memory_space<hbm>>
      tpu.enqueue_dma source(%dma_start3A_68 : memref<81x128xi32, #tpu.memory_space<hbm>>) target(%arg7 : memref<81x128xi32, #tpu.memory_space<vmem>>) target_semaphore(%run_scoped3A : memref<!tpu.dma_semaphore, #tpu.memory_space<semaphore_mem>>)
      %dma_wait3A = arith.constant 0 : i32
      %dma_wait3A_69 = arith.constant 0 : i32
      %dma_wait3A_70 = tpu.memref_slice %arg3[%add3A, %dma_wait3A, %dma_wait3A_69] : memref<32x81x128xi32, #tpu.memory_space<hbm>> -> memref<1x81x128xi32, #tpu.memory_space<hbm>>
      %dma_wait3A_71 = tpu.memref_squeeze %dma_wait3A_70 : memref<1x81x128xi32, #tpu.memory_space<hbm>> -> memref<81x128xi32, #tpu.memory_space<hbm>>
      %dma_wait3A_72 = arith.constant 0 : i32
      %dma_wait3A_73 = arith.constant 0 : i32
      %dma_wait3A_74 = tpu.memref_slice %arg3[%add3A, %dma_wait3A_72, %dma_wait3A_73] : memref<32x81x128xi32, #tpu.memory_space<hbm>> -> memref<1x81x128xi32, #tpu.memory_space<hbm>>
      %dma_wait3A_75 = tpu.memref_squeeze %dma_wait3A_74 : memref<1x81x128xi32, #tpu.memory_space<hbm>> -> memref<81x128xi32, #tpu.memory_space<hbm>>
      tpu.wait_dma2 semaphore(%run_scoped3A : memref<!tpu.dma_semaphore, #tpu.memory_space<semaphore_mem>>) src(%dma_wait3A_75 : memref<81x128xi32, #tpu.memory_space<hbm>>) dst(%arg7 : memref<81x128xi32, #tpu.memory_space<vmem>>)
      tpu.yield
    }) : () -> ()
    "tpu.region"() ({
      %run_scoped3A = tpu.sem_alloc : memref<!tpu.dma_semaphore, #tpu.memory_space<semaphore_mem>>
      %dma_start3A = arith.constant 0 : i32
      %dma_start3A_62 = arith.constant 0 : i32
      %dma_start3A_63 = tpu.memref_slice %arg4[%add3A, %dma_start3A, %dma_start3A_62] : memref<32x81x128xi32, #tpu.memory_space<hbm>> -> memref<1x81x128xi32, #tpu.memory_space<hbm>>
      %dma_start3A_64 = tpu.memref_squeeze %dma_start3A_63 : memref<1x81x128xi32, #tpu.memory_space<hbm>> -> memref<81x128xi32, #tpu.memory_space<hbm>>
      %dma_start3A_65 = arith.constant 0 : i32
      %dma_start3A_66 = arith.constant 0 : i32
      %dma_start3A_67 = tpu.memref_slice %arg4[%add3A, %dma_start3A_65, %dma_start3A_66] : memref<32x81x128xi32, #tpu.memory_space<hbm>> -> memref<1x81x128xi32, #tpu.memory_space<hbm>>
      %dma_start3A_68 = tpu.memref_squeeze %dma_start3A_67 : memref<1x81x128xi32, #tpu.memory_space<hbm>> -> memref<81x128xi32, #tpu.memory_space<hbm>>
      tpu.enqueue_dma source(%dma_start3A_68 : memref<81x128xi32, #tpu.memory_space<hbm>>) target(%arg8 : memref<81x128xi32, #tpu.memory_space<vmem>>) target_semaphore(%run_scoped3A : memref<!tpu.dma_semaphore, #tpu.memory_space<semaphore_mem>>)
      %dma_wait3A = arith.constant 0 : i32
      %dma_wait3A_69 = arith.constant 0 : i32
      %dma_wait3A_70 = tpu.memref_slice %arg4[%add3A, %dma_wait3A, %dma_wait3A_69] : memref<32x81x128xi32, #tpu.memory_space<hbm>> -> memref<1x81x128xi32, #tpu.memory_space<hbm>>
      %dma_wait3A_71 = tpu.memref_squeeze %dma_wait3A_70 : memref<1x81x128xi32, #tpu.memory_space<hbm>> -> memref<81x128xi32, #tpu.memory_space<hbm>>
      %dma_wait3A_72 = arith.constant 0 : i32
      %dma_wait3A_73 = arith.constant 0 : i32
      %dma_wait3A_74 = tpu.memref_slice %arg4[%add3A, %dma_wait3A_72, %dma_wait3A_73] : memref<32x81x128xi32, #tpu.memory_space<hbm>> -> memref<1x81x128xi32, #tpu.memory_space<hbm>>
      %dma_wait3A_75 = tpu.memref_squeeze %dma_wait3A_74 : memref<1x81x128xi32, #tpu.memory_space<hbm>> -> memref<81x128xi32, #tpu.memory_space<hbm>>
      tpu.wait_dma2 semaphore(%run_scoped3A : memref<!tpu.dma_semaphore, #tpu.memory_space<semaphore_mem>>) src(%dma_wait3A_75 : memref<81x128xi32, #tpu.memory_space<hbm>>) dst(%arg8 : memref<81x128xi32, #tpu.memory_space<vmem>>)
      tpu.yield
    }) : () -> ()
    "tpu.region"() ({
      %run_scoped3A = tpu.sem_alloc : memref<!tpu.dma_semaphore, #tpu.memory_space<semaphore_mem>>
      %dma_start3A = arith.constant 0 : i32
      %dma_start3A_62 = arith.constant 0 : i32
      %dma_start3A_63 = tpu.memref_slice %arg5[%add3A, %dma_start3A, %dma_start3A_62] : memref<32x81x128xf32, #tpu.memory_space<hbm>> -> memref<1x81x128xf32, #tpu.memory_space<hbm>>
      %dma_start3A_64 = tpu.memref_squeeze %dma_start3A_63 : memref<1x81x128xf32, #tpu.memory_space<hbm>> -> memref<81x128xf32, #tpu.memory_space<hbm>>
      %dma_start3A_65 = arith.constant 0 : i32
      %dma_start3A_66 = arith.constant 0 : i32
      %dma_start3A_67 = tpu.memref_slice %arg5[%add3A, %dma_start3A_65, %dma_start3A_66] : memref<32x81x128xf32, #tpu.memory_space<hbm>> -> memref<1x81x128xf32, #tpu.memory_space<hbm>>
      %dma_start3A_68 = tpu.memref_squeeze %dma_start3A_67 : memref<1x81x128xf32, #tpu.memory_space<hbm>> -> memref<81x128xf32, #tpu.memory_space<hbm>>
      tpu.enqueue_dma source(%dma_start3A_68 : memref<81x128xf32, #tpu.memory_space<hbm>>) target(%arg9 : memref<81x128xf32, #tpu.memory_space<vmem>>) target_semaphore(%run_scoped3A : memref<!tpu.dma_semaphore, #tpu.memory_space<semaphore_mem>>)
      %dma_wait3A = arith.constant 0 : i32
      %dma_wait3A_69 = arith.constant 0 : i32
      %dma_wait3A_70 = tpu.memref_slice %arg5[%add3A, %dma_wait3A, %dma_wait3A_69] : memref<32x81x128xf32, #tpu.memory_space<hbm>> -> memref<1x81x128xf32, #tpu.memory_space<hbm>>
      %dma_wait3A_71 = tpu.memref_squeeze %dma_wait3A_70 : memref<1x81x128xf32, #tpu.memory_space<hbm>> -> memref<81x128xf32, #tpu.memory_space<hbm>>
      %dma_wait3A_72 = arith.constant 0 : i32
      %dma_wait3A_73 = arith.constant 0 : i32
      %dma_wait3A_74 = tpu.memref_slice %arg5[%add3A, %dma_wait3A_72, %dma_wait3A_73] : memref<32x81x128xf32, #tpu.memory_space<hbm>> -> memref<1x81x128xf32, #tpu.memory_space<hbm>>
      %dma_wait3A_75 = tpu.memref_squeeze %dma_wait3A_74 : memref<1x81x128xf32, #tpu.memory_space<hbm>> -> memref<81x128xf32, #tpu.memory_space<hbm>>
      tpu.wait_dma2 semaphore(%run_scoped3A : memref<!tpu.dma_semaphore, #tpu.memory_space<semaphore_mem>>) src(%dma_wait3A_75 : memref<81x128xf32, #tpu.memory_space<hbm>>) dst(%arg9 : memref<81x128xf32, #tpu.memory_space<vmem>>)
      tpu.yield
    }) : () -> ()
    %scan3A = arith.constant 0 : i32
    %scan3A_1 = arith.constant 0 : i32
    %scan3A_2 = arith.constant 128 : i32
    %scan3A_3 = arith.addi %scan3A_1, %scan3A_2 : i32
    %scan3A_4 = arith.constant 1 : i32
    %scan3A_5 = scf.for %scan3A_62 = %scan3A_1 to %scan3A_3 step %scan3A_4 iter_args(%scan3A_63 = %scan3A) -> (i32)  : i32 {
      %broadcast_in_dim3A = arith.constant 0.000000e+00 : f32
      %broadcast_in_dim3A_64 = vector.broadcast %broadcast_in_dim3A : f32 to vector<16xf32>
      %swap3A = arith.index_cast %scan3A_62 : i32 to index
      %swap3A_65 = arith.constant 0 : index
      %swap3A_66 = tpu.vector_load %arg10[%swap3A, %swap3A_65] {strides = array<i32>} : memref<128x128xf32, #tpu.memory_space<vmem>>, vector<16xf32>,
      tpu.vector_store %arg10[%swap3A, %swap3A_65], %broadcast_in_dim3A_64 {strides = array<i32>} : memref<128x128xf32, #tpu.memory_space<vmem>>, vector<16xf32>,
      %broadcast_in_dim3A_67 = arith.constant 0.000000e+00 : f32
      %broadcast_in_dim3A_68 = vector.broadcast %broadcast_in_dim3A_67 : f32 to vector<16xf32>
      %swap3A_69 = arith.index_cast %scan3A_62 : i32 to index
      %swap3A_70 = arith.constant 16 : index
      %swap3A_71 = tpu.vector_load %arg10[%swap3A_69, %swap3A_70] {strides = array<i32>} : memref<128x128xf32, #tpu.memory_space<vmem>>, vector<16xf32>,
      tpu.vector_store %arg10[%swap3A_69, %swap3A_70], %broadcast_in_dim3A_68 {strides = array<i32>} : memref<128x128xf32, #tpu.memory_space<vmem>>, vector<16xf32>,
      %broadcast_in_dim3A_72 = arith.constant 0.000000e+00 : f32
      %broadcast_in_dim3A_73 = vector.broadcast %broadcast_in_dim3A_72 : f32 to vector<16xf32>
      %swap3A_74 = arith.index_cast %scan3A_62 : i32 to index
      %swap3A_75 = arith.constant 32 : index
      %swap3A_76 = tpu.vector_load %arg10[%swap3A_74, %swap3A_75] {strides = array<i32>} : memref<128x128xf32, #tpu.memory_space<vmem>>, vector<16xf32>,
      tpu.vector_store %arg10[%swap3A_74, %swap3A_75], %broadcast_in_dim3A_73 {strides = array<i32>} : memref<128x128xf32, #tpu.memory_space<vmem>>, vector<16xf32>,
      %broadcast_in_dim3A_77 = arith.constant 0.000000e+00 : f32
      %broadcast_in_dim3A_78 = vector.broadcast %broadcast_in_dim3A_77 : f32 to vector<16xf32>
      %swap3A_79 = arith.index_cast %scan3A_62 : i32 to index
      %swap3A_80 = arith.constant 48 : index
      %swap3A_81 = tpu.vector_load %arg10[%swap3A_79, %swap3A_80] {strides = array<i32>} : memref<128x128xf32, #tpu.memory_space<vmem>>, vector<16xf32>,
      tpu.vector_store %arg10[%swap3A_79, %swap3A_80], %broadcast_in_dim3A_78 {strides = array<i32>} : memref<128x128xf32, #tpu.memory_space<vmem>>, vector<16xf32>,
      %broadcast_in_dim3A_82 = arith.constant 0.000000e+00 : f32
      %broadcast_in_dim3A_83 = vector.broadcast %broadcast_in_dim3A_82 : f32 to vector<16xf32>
      %swap3A_84 = arith.index_cast %scan3A_62 : i32 to index
      %swap3A_85 = arith.constant 64 : index
      %swap3A_86 = tpu.vector_load %arg10[%swap3A_84, %swap3A_85] {strides = array<i32>} : memref<128x128xf32, #tpu.memory_space<vmem>>, vector<16xf32>,
      tpu.vector_store %arg10[%swap3A_84, %swap3A_85], %broadcast_in_dim3A_83 {strides = array<i32>} : memref<128x128xf32, #tpu.memory_space<vmem>>, vector<16xf32>,
      %broadcast_in_dim3A_87 = arith.constant 0.000000e+00 : f32
      %broadcast_in_dim3A_88 = vector.broadcast %broadcast_in_dim3A_87 : f32 to vector<16xf32>
      %swap3A_89 = arith.index_cast %scan3A_62 : i32 to index
      %swap3A_90 = arith.constant 80 : index
      %swap3A_91 = tpu.vector_load %arg10[%swap3A_89, %swap3A_90] {strides = array<i32>} : memref<128x128xf32, #tpu.memory_space<vmem>>, vector<16xf32>,
      tpu.vector_store %arg10[%swap3A_89, %swap3A_90], %broadcast_in_dim3A_88 {strides = array<i32>} : memref<128x128xf32, #tpu.memory_space<vmem>>, vector<16xf32>,
      %broadcast_in_dim3A_92 = arith.constant 0.000000e+00 : f32
      %broadcast_in_dim3A_93 = vector.broadcast %broadcast_in_dim3A_92 : f32 to vector<16xf32>
      %swap3A_94 = arith.index_cast %scan3A_62 : i32 to index
      %swap3A_95 = arith.constant 96 : index
      %swap3A_96 = tpu.vector_load %arg10[%swap3A_94, %swap3A_95] {strides = array<i32>} : memref<128x128xf32, #tpu.memory_space<vmem>>, vector<16xf32>,
      tpu.vector_store %arg10[%swap3A_94, %swap3A_95], %broadcast_in_dim3A_93 {strides = array<i32>} : memref<128x128xf32, #tpu.memory_space<vmem>>, vector<16xf32>,
      %broadcast_in_dim3A_97 = arith.constant 0.000000e+00 : f32
      %broadcast_in_dim3A_98 = vector.broadcast %broadcast_in_dim3A_97 : f32 to vector<16xf32>
      %swap3A_99 = arith.index_cast %scan3A_62 : i32 to index
      %swap3A_100 = arith.constant 112 : index
      %swap3A_101 = tpu.vector_load %arg10[%swap3A_99, %swap3A_100] {strides = array<i32>} : memref<128x128xf32, #tpu.memory_space<vmem>>, vector<16xf32>,
      tpu.vector_store %arg10[%swap3A_99, %swap3A_100], %broadcast_in_dim3A_98 {strides = array<i32>} : memref<128x128xf32, #tpu.memory_space<vmem>>, vector<16xf32>,
      %scan3A_102 = arith.constant 0 : i32
      scf.yield %scan3A_102 : i32
    }
    %scan3A_6 = arith.constant 128 : i32
    %mul3A_7 = arith.constant 640 : i32
    %mul3A_8 = arith.muli %arg1, %mul3A_7 : i32
    %lt3A = arith.constant 15 : i32
    %lt3A_9 = arith.cmpi slt, %arg1, %lt3A : i32
    %or3A = arith.constant true
    %or3A_10 = arith.ori %lt3A_9, %or3A : i1
    %convert_element_type3A = arith.extui %or3A_10 : i1 to i32
    %cond3A = arith.constant 0 : i32
    %cond3A_11 = arith.cmpi ne, %convert_element_type3A, %cond3A : i32
    scf.if %cond3A_11 {
      %add3A_62 = arith.constant 0 : i32
      %add3A_63 = arith.addi %mul3A_8, %add3A_62 : i32
      "tpu.region"() ({
        %run_scoped3A = tpu.sem_alloc : memref<!tpu.dma_semaphore, #tpu.memory_space<semaphore_mem>>
        %dma_start3A = arith.constant 0 : i32
        %dma_start3A_64 = tpu.memref_slice %arg11[%add3A_63, %dma_start3A] : memref<10000x128xf32, #tpu.memory_space<vmem_shared>> -> memref<128x128xf32, #tpu.memory_space<vmem_shared>>
        %dma_start3A_65 = arith.constant 0 : i32
        %dma_start3A_66 = tpu.memref_slice %arg11[%add3A_63, %dma_start3A_65] : memref<10000x128xf32, #tpu.memory_space<vmem_shared>> -> memref<128x128xf32, #tpu.memory_space<vmem_shared>>
        tpu.enqueue_dma source(%arg10 : memref<128x128xf32, #tpu.memory_space<vmem>>) target(%dma_start3A_66 : memref<128x128xf32, #tpu.memory_space<vmem_shared>>) target_semaphore(%run_scoped3A : memref<!tpu.dma_semaphore, #tpu.memory_space<semaphore_mem>>)
        %dma_wait3A = arith.constant 0 : i32
        %dma_wait3A_67 = tpu.memref_slice %arg11[%add3A_63, %dma_wait3A] : memref<10000x128xf32, #tpu.memory_space<vmem_shared>> -> memref<128x128xf32, #tpu.memory_space<vmem_shared>>
        %dma_wait3A_68 = arith.constant 0 : i32
        %dma_wait3A_69 = tpu.memref_slice %arg11[%add3A_63, %dma_wait3A_68] : memref<10000x128xf32, #tpu.memory_space<vmem_shared>> -> memref<128x128xf32, #tpu.memory_space<vmem_shared>>
        tpu.wait_dma2 semaphore(%run_scoped3A : memref<!tpu.dma_semaphore, #tpu.memory_space<semaphore_mem>>) src(%arg10 : memref<128x128xf32, #tpu.memory_space<vmem>>) dst(%dma_wait3A_69 : memref<128x128xf32, #tpu.memory_space<vmem_shared>>)
        tpu.yield
      }) : () -> ()
    } else {
    }
    %lt3A_12 = arith.constant 15 : i32
    %lt3A_13 = arith.cmpi slt, %arg1, %lt3A_12 : i32
    %or3A_14 = arith.constant true
    %or3A_15 = arith.ori %lt3A_13, %or3A_14 : i1
    %convert_element_type3A_16 = arith.extui %or3A_15 : i1 to i32
    %cond3A_17 = arith.constant 0 : i32
    %cond3A_18 = arith.cmpi ne, %convert_element_type3A_16, %cond3A_17 : i32
    scf.if %cond3A_18 {
      %add3A_62 = arith.constant 128 : i32
      %add3A_63 = arith.addi %mul3A_8, %add3A_62 : i32
      "tpu.region"() ({
        %run_scoped3A = tpu.sem_alloc : memref<!tpu.dma_semaphore, #tpu.memory_space<semaphore_mem>>
        %dma_start3A = arith.constant 0 : i32
        %dma_start3A_64 = tpu.memref_slice %arg11[%add3A_63, %dma_start3A] : memref<10000x128xf32, #tpu.memory_space<vmem_shared>> -> memref<128x128xf32, #tpu.memory_space<vmem_shared>>
        %dma_start3A_65 = arith.constant 0 : i32
        %dma_start3A_66 = tpu.memref_slice %arg11[%add3A_63, %dma_start3A_65] : memref<10000x128xf32, #tpu.memory_space<vmem_shared>> -> memref<128x128xf32, #tpu.memory_space<vmem_shared>>
        tpu.enqueue_dma source(%arg10 : memref<128x128xf32, #tpu.memory_space<vmem>>) target(%dma_start3A_66 : memref<128x128xf32, #tpu.memory_space<vmem_shared>>) target_semaphore(%run_scoped3A : memref<!tpu.dma_semaphore, #tpu.memory_space<semaphore_mem>>)
        %dma_wait3A = arith.constant 0 : i32
        %dma_wait3A_67 = tpu.memref_slice %arg11[%add3A_63, %dma_wait3A] : memref<10000x128xf32, #tpu.memory_space<vmem_shared>> -> memref<128x128xf32, #tpu.memory_space<vmem_shared>>
        %dma_wait3A_68 = arith.constant 0 : i32
        %dma_wait3A_69 = tpu.memref_slice %arg11[%add3A_63, %dma_wait3A_68] : memref<10000x128xf32, #tpu.memory_space<vmem_shared>> -> memref<128x128xf32, #tpu.memory_space<vmem_shared>>
        tpu.wait_dma2 semaphore(%run_scoped3A : memref<!tpu.dma_semaphore, #tpu.memory_space<semaphore_mem>>) src(%arg10 : memref<128x128xf32, #tpu.memory_space<vmem>>) dst(%dma_wait3A_69 : memref<128x128xf32, #tpu.memory_space<vmem_shared>>)
        tpu.yield
      }) : () -> ()
    } else {
    }
    %lt3A_19 = arith.constant 15 : i32
    %lt3A_20 = arith.cmpi slt, %arg1, %lt3A_19 : i32
    %or3A_21 = arith.constant true
    %or3A_22 = arith.ori %lt3A_20, %or3A_21 : i1
    %convert_element_type3A_23 = arith.extui %or3A_22 : i1 to i32
    %cond3A_24 = arith.constant 0 : i32
    %cond3A_25 = arith.cmpi ne, %convert_element_type3A_23, %cond3A_24 : i32
    scf.if %cond3A_25 {
      %add3A_62 = arith.constant 256 : i32
      %add3A_63 = arith.addi %mul3A_8, %add3A_62 : i32
      "tpu.region"() ({
        %run_scoped3A = tpu.sem_alloc : memref<!tpu.dma_semaphore, #tpu.memory_space<semaphore_mem>>
        %dma_start3A = arith.constant 0 : i32
        %dma_start3A_64 = tpu.memref_slice %arg11[%add3A_63, %dma_start3A] : memref<10000x128xf32, #tpu.memory_space<vmem_shared>> -> memref<128x128xf32, #tpu.memory_space<vmem_shared>>
        %dma_start3A_65 = arith.constant 0 : i32
        %dma_start3A_66 = tpu.memref_slice %arg11[%add3A_63, %dma_start3A_65] : memref<10000x128xf32, #tpu.memory_space<vmem_shared>> -> memref<128x128xf32, #tpu.memory_space<vmem_shared>>
        tpu.enqueue_dma source(%arg10 : memref<128x128xf32, #tpu.memory_space<vmem>>) target(%dma_start3A_66 : memref<128x128xf32, #tpu.memory_space<vmem_shared>>) target_semaphore(%run_scoped3A : memref<!tpu.dma_semaphore, #tpu.memory_space<semaphore_mem>>)
        %dma_wait3A = arith.constant 0 : i32
        %dma_wait3A_67 = tpu.memref_slice %arg11[%add3A_63, %dma_wait3A] : memref<10000x128xf32, #tpu.memory_space<vmem_shared>> -> memref<128x128xf32, #tpu.memory_space<vmem_shared>>
        %dma_wait3A_68 = arith.constant 0 : i32
        %dma_wait3A_69 = tpu.memref_slice %arg11[%add3A_63, %dma_wait3A_68] : memref<10000x128xf32, #tpu.memory_space<vmem_shared>> -> memref<128x128xf32, #tpu.memory_space<vmem_shared>>
        tpu.wait_dma2 semaphore(%run_scoped3A : memref<!tpu.dma_semaphore, #tpu.memory_space<semaphore_mem>>) src(%arg10 : memref<128x128xf32, #tpu.memory_space<vmem>>) dst(%dma_wait3A_69 : memref<128x128xf32, #tpu.memory_space<vmem_shared>>)
        tpu.yield
      }) : () -> ()
    } else {
    }
    %lt3A_26 = arith.constant 15 : i32
    %lt3A_27 = arith.cmpi slt, %arg1, %lt3A_26 : i32
    %or3A_28 = arith.constant false
    %or3A_29 = arith.ori %lt3A_27, %or3A_28 : i1
    %convert_element_type3A_30 = arith.extui %or3A_29 : i1 to i32
    %cond3A_31 = arith.constant 0 : i32
    %cond3A_32 = arith.cmpi ne, %convert_element_type3A_30, %cond3A_31 : i32
    scf.if %cond3A_32 {
      %add3A_62 = arith.constant 384 : i32
      %add3A_63 = arith.addi %mul3A_8, %add3A_62 : i32
      "tpu.region"() ({
        %run_scoped3A = tpu.sem_alloc : memref<!tpu.dma_semaphore, #tpu.memory_space<semaphore_mem>>
        %dma_start3A = arith.constant 0 : i32
        %dma_start3A_64 = tpu.memref_slice %arg11[%add3A_63, %dma_start3A] : memref<10000x128xf32, #tpu.memory_space<vmem_shared>> -> memref<128x128xf32, #tpu.memory_space<vmem_shared>>
        %dma_start3A_65 = arith.constant 0 : i32
        %dma_start3A_66 = tpu.memref_slice %arg11[%add3A_63, %dma_start3A_65] : memref<10000x128xf32, #tpu.memory_space<vmem_shared>> -> memref<128x128xf32, #tpu.memory_space<vmem_shared>>
        tpu.enqueue_dma source(%arg10 : memref<128x128xf32, #tpu.memory_space<vmem>>) target(%dma_start3A_66 : memref<128x128xf32, #tpu.memory_space<vmem_shared>>) target_semaphore(%run_scoped3A : memref<!tpu.dma_semaphore, #tpu.memory_space<semaphore_mem>>)
        %dma_wait3A = arith.constant 0 : i32
        %dma_wait3A_67 = tpu.memref_slice %arg11[%add3A_63, %dma_wait3A] : memref<10000x128xf32, #tpu.memory_space<vmem_shared>> -> memref<128x128xf32, #tpu.memory_space<vmem_shared>>
        %dma_wait3A_68 = arith.constant 0 : i32
        %dma_wait3A_69 = tpu.memref_slice %arg11[%add3A_63, %dma_wait3A_68] : memref<10000x128xf32, #tpu.memory_space<vmem_shared>> -> memref<128x128xf32, #tpu.memory_space<vmem_shared>>
        tpu.wait_dma2 semaphore(%run_scoped3A : memref<!tpu.dma_semaphore, #tpu.memory_space<semaphore_mem>>) src(%arg10 : memref<128x128xf32, #tpu.memory_space<vmem>>) dst(%dma_wait3A_69 : memref<128x128xf32, #tpu.memory_space<vmem_shared>>)
        tpu.yield
      }) : () -> ()
    } else {
    }
    %lt3A_33 = arith.constant 15 : i32
    %lt3A_34 = arith.cmpi slt, %arg1, %lt3A_33 : i32
    %or3A_35 = arith.constant false
    %or3A_36 = arith.ori %lt3A_34, %or3A_35 : i1
    %convert_element_type3A_37 = arith.extui %or3A_36 : i1 to i32
    %cond3A_38 = arith.constant 0 : i32
    %cond3A_39 = arith.cmpi ne, %convert_element_type3A_37, %cond3A_38 : i32
    scf.if %cond3A_39 {
      %add3A_62 = arith.constant 512 : i32
      %add3A_63 = arith.addi %mul3A_8, %add3A_62 : i32
      "tpu.region"() ({
        %run_scoped3A = tpu.sem_alloc : memref<!tpu.dma_semaphore, #tpu.memory_space<semaphore_mem>>
        %dma_start3A = arith.constant 0 : i32
        %dma_start3A_64 = tpu.memref_slice %arg11[%add3A_63, %dma_start3A] : memref<10000x128xf32, #tpu.memory_space<vmem_shared>> -> memref<128x128xf32, #tpu.memory_space<vmem_shared>>
        %dma_start3A_65 = arith.constant 0 : i32
        %dma_start3A_66 = tpu.memref_slice %arg11[%add3A_63, %dma_start3A_65] : memref<10000x128xf32, #tpu.memory_space<vmem_shared>> -> memref<128x128xf32, #tpu.memory_space<vmem_shared>>
        tpu.enqueue_dma source(%arg10 : memref<128x128xf32, #tpu.memory_space<vmem>>) target(%dma_start3A_66 : memref<128x128xf32, #tpu.memory_space<vmem_shared>>) target_semaphore(%run_scoped3A : memref<!tpu.dma_semaphore, #tpu.memory_space<semaphore_mem>>)
        %dma_wait3A = arith.constant 0 : i32
        %dma_wait3A_67 = tpu.memref_slice %arg11[%add3A_63, %dma_wait3A] : memref<10000x128xf32, #tpu.memory_space<vmem_shared>> -> memref<128x128xf32, #tpu.memory_space<vmem_shared>>
        %dma_wait3A_68 = arith.constant 0 : i32
        %dma_wait3A_69 = tpu.memref_slice %arg11[%add3A_63, %dma_wait3A_68] : memref<10000x128xf32, #tpu.memory_space<vmem_shared>> -> memref<128x128xf32, #tpu.memory_space<vmem_shared>>
        tpu.wait_dma2 semaphore(%run_scoped3A : memref<!tpu.dma_semaphore, #tpu.memory_space<semaphore_mem>>) src(%arg10 : memref<128x128xf32, #tpu.memory_space<vmem>>) dst(%dma_wait3A_69 : memref<128x128xf32, #tpu.memory_space<vmem_shared>>)
        tpu.yield
      }) : () -> ()
    } else {
    }
    %eq3A = arith.constant 15 : i32
    %eq3A_40 = arith.cmpi eq, %arg1, %eq3A : i32
    %convert_element_type3A_41 = arith.extui %eq3A_40 : i1 to i32
    %cond3A_42 = arith.constant 0 : i32
    %cond3A_43 = arith.cmpi ne, %convert_element_type3A_41, %cond3A_42 : i32
    scf.if %cond3A_43 {
      "tpu.region"() ({
        %run_scoped3A = tpu.sem_alloc : memref<!tpu.dma_semaphore, #tpu.memory_space<semaphore_mem>>
        %dma_start3A = arith.constant 0 : i32
        %dma_start3A_62 = arith.constant 0 : i32
        %dma_start3A_63 = tpu.memref_slice %arg10[%dma_start3A, %dma_start3A_62] : memref<128x128xf32, #tpu.memory_space<vmem>> -> memref<16x128xf32, #tpu.memory_space<vmem>>
        %dma_start3A_64 = arith.constant 9984 : i32
        %dma_start3A_65 = arith.constant 0 : i32
        %dma_start3A_66 = tpu.memref_slice %arg11[%dma_start3A_64, %dma_start3A_65] : memref<10000x128xf32, #tpu.memory_space<vmem_shared>> -> memref<16x128xf32, #tpu.memory_space<vmem_shared>>
        %dma_start3A_67 = arith.constant 9984 : i32
        %dma_start3A_68 = arith.constant 0 : i32
        %dma_start3A_69 = tpu.memref_slice %arg11[%dma_start3A_67, %dma_start3A_68] : memref<10000x128xf32, #tpu.memory_space<vmem_shared>> -> memref<16x128xf32, #tpu.memory_space<vmem_shared>>
        %dma_start3A_70 = arith.constant 0 : i32
        %dma_start3A_71 = arith.constant 0 : i32
        %dma_start3A_72 = tpu.memref_slice %arg10[%dma_start3A_70, %dma_start3A_71] : memref<128x128xf32, #tpu.memory_space<vmem>> -> memref<16x128xf32, #tpu.memory_space<vmem>>
        tpu.enqueue_dma source(%dma_start3A_72 : memref<16x128xf32, #tpu.memory_space<vmem>>) target(%dma_start3A_69 : memref<16x128xf32, #tpu.memory_space<vmem_shared>>) target_semaphore(%run_scoped3A : memref<!tpu.dma_semaphore, #tpu.memory_space<semaphore_mem>>)
        %dma_wait3A = arith.constant 0 : i32
        %dma_wait3A_73 = arith.constant 0 : i32
        %dma_wait3A_74 = tpu.memref_slice %arg10[%dma_wait3A, %dma_wait3A_73] : memref<128x128xf32, #tpu.memory_space<vmem>> -> memref<16x128xf32, #tpu.memory_space<vmem>>
        %dma_wait3A_75 = arith.constant 9984 : i32
        %dma_wait3A_76 = arith.constant 0 : i32
        %dma_wait3A_77 = tpu.memref_slice %arg11[%dma_wait3A_75, %dma_wait3A_76] : memref<10000x128xf32, #tpu.memory_space<vmem_shared>> -> memref<16x128xf32, #tpu.memory_space<vmem_shared>>
        %dma_wait3A_78 = arith.constant 9984 : i32
        %dma_wait3A_79 = arith.constant 0 : i32
        %dma_wait3A_80 = tpu.memref_slice %arg11[%dma_wait3A_78, %dma_wait3A_79] : memref<10000x128xf32, #tpu.memory_space<vmem_shared>> -> memref<16x128xf32, #tpu.memory_space<vmem_shared>>
        %dma_wait3A_81 = arith.constant 0 : i32
        %dma_wait3A_82 = arith.constant 0 : i32
        %dma_wait3A_83 = tpu.memref_slice %arg10[%dma_wait3A_81, %dma_wait3A_82] : memref<128x128xf32, #tpu.memory_space<vmem>> -> memref<16x128xf32, #tpu.memory_space<vmem>>
        tpu.wait_dma2 semaphore(%run_scoped3A : memref<!tpu.dma_semaphore, #tpu.memory_space<semaphore_mem>>) src(%dma_wait3A_83 : memref<16x128xf32, #tpu.memory_space<vmem>>) dst(%dma_wait3A_80 : memref<16x128xf32, #tpu.memory_space<vmem_shared>>)
        tpu.yield
      }) : () -> ()
    } else {
    }
    %barrier3A = arith.constant 0 : index
    tpu.barrier barrier_id(%barrier3A)
    %scan3A_44 = arith.constant 0 : i32
    %scan3A_45 = arith.constant 0 : i32
    %scan3A_46 = arith.constant 81 : i32
    %scan3A_47 = arith.addi %scan3A_45, %scan3A_46 : i32
    %scan3A_48 = arith.constant 1 : i32
    %scan3A_49 = scf.for %scan3A_62 = %scan3A_45 to %scan3A_47 step %scan3A_48 iter_args(%scan3A_63 = %scan3A_44) -> (i32)  : i32 {
      %dma_start3A = arith.constant 0 : i32
      %dma_start3A_64 = tpu.memref_slice %arg7[%scan3A_62, %dma_start3A] : memref<81x128xi32, #tpu.memory_space<vmem>> -> memref<1x128xi32, #tpu.memory_space<vmem>>
      %dma_start3A_65 = tpu.memref_squeeze %dma_start3A_64 : memref<1x128xi32, #tpu.memory_space<vmem>> -> memref<128xi32, #tpu.memory_space<vmem>>
      %dma_start3A_66 = arith.constant 0 : i32
      %dma_start3A_67 = arith.constant 0 : i32
      %dma_start3A_68 = tpu.memref_slice %arg2[%dma_start3A_66, %dma_start3A_67] : memref<10240x128xf32, #tpu.memory_space<hbm>> -> memref<10240x128xf32, #tpu.memory_space<hbm>>
      tpu.enqueue_indirect_dma source(%dma_start3A_68 : memref<10240x128xf32, #tpu.memory_space<hbm>>) target(%arg10 : memref<128x128xf32, #tpu.memory_space<vmem>>) offsets(%dma_start3A_65 : memref<128xi32, #tpu.memory_space<vmem>>) semaphore(%arg12 : memref<!tpu.dma_semaphore, #tpu.memory_space<semaphore_mem>>)
      %dma_wait3A = arith.constant 0 : i32
      %dma_wait3A_69 = tpu.memref_slice %arg7[%scan3A_62, %dma_wait3A] : memref<81x128xi32, #tpu.memory_space<vmem>> -> memref<1x128xi32, #tpu.memory_space<vmem>>
      %dma_wait3A_70 = tpu.memref_squeeze %dma_wait3A_69 : memref<1x128xi32, #tpu.memory_space<vmem>> -> memref<128xi32, #tpu.memory_space<vmem>>
      %dma_wait3A_71 = arith.constant 0 : i32
      %dma_wait3A_72 = arith.constant 0 : i32
      %dma_wait3A_73 = tpu.memref_slice %arg2[%dma_wait3A_71, %dma_wait3A_72] : memref<10240x128xf32, #tpu.memory_space<hbm>> -> memref<10240x128xf32, #tpu.memory_space<hbm>>
      tpu.wait_indirect_dma semaphore(%arg12 : memref<!tpu.dma_semaphore, #tpu.memory_space<semaphore_mem>>) src(%dma_wait3A_73 : memref<10240x128xf32, #tpu.memory_space<hbm>>) dst(%arg10 : memref<128x128xf32, #tpu.memory_space<vmem>>)
      %scan3A_74 = arith.constant 0 : i32
      %scan3A_75 = arith.constant 0 : i32
      %scan3A_76 = arith.constant 128 : i32
      %scan3A_77 = arith.addi %scan3A_75, %scan3A_76 : i32
      %scan3A_78 = arith.constant 1 : i32
      %scan3A_79 = scf.for %scan3A_82 = %scan3A_75 to %scan3A_77 step %scan3A_78 iter_args(%scan3A_83 = %scan3A_74) -> (i32)  : i32 {
        %broadcast_in_dim3A = vector.broadcast %scan3A_62 : i32 to vector<16xi32>
        %broadcast_in_dim3A_84 = vector.broadcast %scan3A_82 : i32 to vector<16xi32>
        %gather3A = tpu.vector_load_idx %arg9[%broadcast_in_dim3A, %broadcast_in_dim3A_84] : memref<81x128xf32, #tpu.memory_space<vmem>>[vector<16xi32>, vector<16xi32>], vector<16xf32>,
        %get3A = arith.index_cast %scan3A_82 : i32 to index
        %get3A_85 = arith.constant 0 : index
        %get3A_86 = tpu.vector_load %arg10[%get3A, %get3A_85] {strides = array<i32>} : memref<128x128xf32, #tpu.memory_space<vmem>>, vector<16xf32>,
        %mul3A_87 = arith.mulf %get3A_86, %gather3A : vector<16xf32>
        %swap3A = arith.index_cast %scan3A_82 : i32 to index
        %swap3A_88 = arith.constant 0 : index
        %swap3A_89 = tpu.vector_load %arg10[%swap3A, %swap3A_88] {strides = array<i32>} : memref<128x128xf32, #tpu.memory_space<vmem>>, vector<16xf32>,
        tpu.vector_store %arg10[%swap3A, %swap3A_88], %mul3A_87 {strides = array<i32>} : memref<128x128xf32, #tpu.memory_space<vmem>>, vector<16xf32>,
        %get3A_90 = arith.index_cast %scan3A_82 : i32 to index
        %get3A_91 = arith.constant 16 : index
        %get3A_92 = tpu.vector_load %arg10[%get3A_90, %get3A_91] {strides = array<i32>} : memref<128x128xf32, #tpu.memory_space<vmem>>, vector<16xf32>,
        %mul3A_93 = arith.mulf %get3A_92, %gather3A : vector<16xf32>
        %swap3A_94 = arith.index_cast %scan3A_82 : i32 to index
        %swap3A_95 = arith.constant 16 : index
        %swap3A_96 = tpu.vector_load %arg10[%swap3A_94, %swap3A_95] {strides = array<i32>} : memref<128x128xf32, #tpu.memory_space<vmem>>, vector<16xf32>,
        tpu.vector_store %arg10[%swap3A_94, %swap3A_95], %mul3A_93 {strides = array<i32>} : memref<128x128xf32, #tpu.memory_space<vmem>>, vector<16xf32>,
        %get3A_97 = arith.index_cast %scan3A_82 : i32 to index
        %get3A_98 = arith.constant 32 : index
        %get3A_99 = tpu.vector_load %arg10[%get3A_97, %get3A_98] {strides = array<i32>} : memref<128x128xf32, #tpu.memory_space<vmem>>, vector<16xf32>,
        %mul3A_100 = arith.mulf %get3A_99, %gather3A : vector<16xf32>
        %swap3A_101 = arith.index_cast %scan3A_82 : i32 to index
        %swap3A_102 = arith.constant 32 : index
        %swap3A_103 = tpu.vector_load %arg10[%swap3A_101, %swap3A_102] {strides = array<i32>} : memref<128x128xf32, #tpu.memory_space<vmem>>, vector<16xf32>,
        tpu.vector_store %arg10[%swap3A_101, %swap3A_102], %mul3A_100 {strides = array<i32>} : memref<128x128xf32, #tpu.memory_space<vmem>>, vector<16xf32>,
        %get3A_104 = arith.index_cast %scan3A_82 : i32 to index
        %get3A_105 = arith.constant 48 : index
        %get3A_106 = tpu.vector_load %arg10[%get3A_104, %get3A_105] {strides = array<i32>} : memref<128x128xf32, #tpu.memory_space<vmem>>, vector<16xf32>,
        %mul3A_107 = arith.mulf %get3A_106, %gather3A : vector<16xf32>
        %swap3A_108 = arith.index_cast %scan3A_82 : i32 to index
        %swap3A_109 = arith.constant 48 : index
        %swap3A_110 = tpu.vector_load %arg10[%swap3A_108, %swap3A_109] {strides = array<i32>} : memref<128x128xf32, #tpu.memory_space<vmem>>, vector<16xf32>,
        tpu.vector_store %arg10[%swap3A_108, %swap3A_109], %mul3A_107 {strides = array<i32>} : memref<128x128xf32, #tpu.memory_space<vmem>>, vector<16xf32>,
        %get3A_111 = arith.index_cast %scan3A_82 : i32 to index
        %get3A_112 = arith.constant 64 : index
        %get3A_113 = tpu.vector_load %arg10[%get3A_111, %get3A_112] {strides = array<i32>} : memref<128x128xf32, #tpu.memory_space<vmem>>, vector<16xf32>,
        %mul3A_114 = arith.mulf %get3A_113, %gather3A : vector<16xf32>
        %swap3A_115 = arith.index_cast %scan3A_82 : i32 to index
        %swap3A_116 = arith.constant 64 : index
        %swap3A_117 = tpu.vector_load %arg10[%swap3A_115, %swap3A_116] {strides = array<i32>} : memref<128x128xf32, #tpu.memory_space<vmem>>, vector<16xf32>,
        tpu.vector_store %arg10[%swap3A_115, %swap3A_116], %mul3A_114 {strides = array<i32>} : memref<128x128xf32, #tpu.memory_space<vmem>>, vector<16xf32>,
        %get3A_118 = arith.index_cast %scan3A_82 : i32 to index
        %get3A_119 = arith.constant 80 : index
        %get3A_120 = tpu.vector_load %arg10[%get3A_118, %get3A_119] {strides = array<i32>} : memref<128x128xf32, #tpu.memory_space<vmem>>, vector<16xf32>,
        %mul3A_121 = arith.mulf %get3A_120, %gather3A : vector<16xf32>
        %swap3A_122 = arith.index_cast %scan3A_82 : i32 to index
        %swap3A_123 = arith.constant 80 : index
        %swap3A_124 = tpu.vector_load %arg10[%swap3A_122, %swap3A_123] {strides = array<i32>} : memref<128x128xf32, #tpu.memory_space<vmem>>, vector<16xf32>,
        tpu.vector_store %arg10[%swap3A_122, %swap3A_123], %mul3A_121 {strides = array<i32>} : memref<128x128xf32, #tpu.memory_space<vmem>>, vector<16xf32>,
        %get3A_125 = arith.index_cast %scan3A_82 : i32 to index
        %get3A_126 = arith.constant 96 : index
        %get3A_127 = tpu.vector_load %arg10[%get3A_125, %get3A_126] {strides = array<i32>} : memref<128x128xf32, #tpu.memory_space<vmem>>, vector<16xf32>,
        %mul3A_128 = arith.mulf %get3A_127, %gather3A : vector<16xf32>
        %swap3A_129 = arith.index_cast %scan3A_82 : i32 to index
        %swap3A_130 = arith.constant 96 : index
        %swap3A_131 = tpu.vector_load %arg10[%swap3A_129, %swap3A_130] {strides = array<i32>} : memref<128x128xf32, #tpu.memory_space<vmem>>, vector<16xf32>,
        tpu.vector_store %arg10[%swap3A_129, %swap3A_130], %mul3A_128 {strides = array<i32>} : memref<128x128xf32, #tpu.memory_space<vmem>>, vector<16xf32>,
        %get3A_132 = arith.index_cast %scan3A_82 : i32 to index
        %get3A_133 = arith.constant 112 : index
        %get3A_134 = tpu.vector_load %arg10[%get3A_132, %get3A_133] {strides = array<i32>} : memref<128x128xf32, #tpu.memory_space<vmem>>, vector<16xf32>,
        %mul3A_135 = arith.mulf %get3A_134, %gather3A : vector<16xf32>
        %swap3A_136 = arith.index_cast %scan3A_82 : i32 to index
        %swap3A_137 = arith.constant 112 : index
        %swap3A_138 = tpu.vector_load %arg10[%swap3A_136, %swap3A_137] {strides = array<i32>} : memref<128x128xf32, #tpu.memory_space<vmem>>, vector<16xf32>,
        tpu.vector_store %arg10[%swap3A_136, %swap3A_137], %mul3A_135 {strides = array<i32>} : memref<128x128xf32, #tpu.memory_space<vmem>>, vector<16xf32>,
        %scan3A_139 = arith.constant 0 : i32
        scf.yield %scan3A_139 : i32
      }
      %scan3A_80 = arith.constant 128 : i32
      "tpu.region"() ({
        %run_scoped3A = tpu.sem_alloc : memref<!tpu.dma_semaphore, #tpu.memory_space<semaphore_mem>>
        %dma_start3A_82 = arith.constant 0 : i32
        %dma_start3A_83 = tpu.memref_slice %arg8[%scan3A_62, %dma_start3A_82] : memref<81x128xi32, #tpu.memory_space<vmem>> -> memref<1x128xi32, #tpu.memory_space<vmem>>
        %dma_start3A_84 = tpu.memref_squeeze %dma_start3A_83 : memref<1x128xi32, #tpu.memory_space<vmem>> -> memref<128xi32, #tpu.memory_space<vmem>>
        %dma_start3A_85 = arith.constant 0 : i32
        %dma_start3A_86 = arith.constant 0 : i32
        %dma_start3A_87 = tpu.memref_slice %arg11[%dma_start3A_85, %dma_start3A_86] : memref<10000x128xf32, #tpu.memory_space<vmem_shared>> -> memref<10000x128xf32, #tpu.memory_space<vmem_shared>>
        tpu.enqueue_indirect_dma source(%arg10 : memref<128x128xf32, #tpu.memory_space<vmem>>) target(%dma_start3A_87 : memref<10000x128xf32, #tpu.memory_space<vmem_shared>>) offsets(%dma_start3A_84 : memref<128xi32, #tpu.memory_space<vmem>>) semaphore(%run_scoped3A : memref<!tpu.dma_semaphore, #tpu.memory_space<semaphore_mem>>) {add = true}
        %dma_wait3A_88 = arith.constant 0 : i32
        %dma_wait3A_89 = tpu.memref_slice %arg8[%scan3A_62, %dma_wait3A_88] : memref<81x128xi32, #tpu.memory_space<vmem>> -> memref<1x128xi32, #tpu.memory_space<vmem>>
        %dma_wait3A_90 = tpu.memref_squeeze %dma_wait3A_89 : memref<1x128xi32, #tpu.memory_space<vmem>> -> memref<128xi32, #tpu.memory_space<vmem>>
        %dma_wait3A_91 = arith.constant 0 : i32
        %dma_wait3A_92 = arith.constant 0 : i32
        %dma_wait3A_93 = tpu.memref_slice %arg11[%dma_wait3A_91, %dma_wait3A_92] : memref<10000x128xf32, #tpu.memory_space<vmem_shared>> -> memref<10000x128xf32, #tpu.memory_space<vmem_shared>>
        tpu.wait_indirect_dma semaphore(%run_scoped3A : memref<!tpu.dma_semaphore, #tpu.memory_space<semaphore_mem>>) src(%arg10 : memref<128x128xf32, #tpu.memory_space<vmem>>) dst(%dma_wait3A_93 : memref<10000x128xf32, #tpu.memory_space<vmem_shared>>)
        tpu.yield
      }) : () -> ()
      %scan3A_81 = arith.constant 0 : i32
      scf.yield %scan3A_81 : i32
    }
    %scan3A_50 = arith.constant 81 : i32
    %barrier3A_51 = arith.constant 0 : index
    tpu.barrier barrier_id(%barrier3A_51)
    %lt3A_52 = arith.constant 15 : i32
    %lt3A_53 = arith.cmpi slt, %arg1, %lt3A_52 : i32
    %convert_element_type3A_54 = arith.extui %lt3A_53 : i1 to i32
    %cond3A_55 = arith.constant 0 : i32
    %cond3A_56 = arith.cmpi ne, %convert_element_type3A_54, %cond3A_55 : i32
    scf.if %cond3A_56 {
      "tpu.region"() ({
        %run_scoped3A = tpu.sem_alloc : memref<!tpu.dma_semaphore, #tpu.memory_space<semaphore_mem>>
        %dma_start3A = arith.constant 0 : i32
        %dma_start3A_62 = tpu.memref_slice %arg6[%arg0, %mul3A_8, %dma_start3A] : memref<2x10000x128xf32, #tpu.memory_space<hbm>> -> memref<1x640x128xf32, #tpu.memory_space<hbm>>
        %dma_start3A_63 = tpu.memref_squeeze %dma_start3A_62 : memref<1x640x128xf32, #tpu.memory_space<hbm>> -> memref<640x128xf32, #tpu.memory_space<hbm>>
        %dma_start3A_64 = arith.constant 0 : i32
        %dma_start3A_65 = tpu.memref_slice %arg11[%mul3A_8, %dma_start3A_64] : memref<10000x128xf32, #tpu.memory_space<vmem_shared>> -> memref<640x128xf32, #tpu.memory_space<vmem_shared>>
        tpu.enqueue_dma source(%dma_start3A_65 : memref<640x128xf32, #tpu.memory_space<vmem_shared>>) target(%dma_start3A_63 : memref<640x128xf32, #tpu.memory_space<hbm>>) target_semaphore(%run_scoped3A : memref<!tpu.dma_semaphore, #tpu.memory_space<semaphore_mem>>)
        %dma_wait3A = arith.constant 0 : i32
        %dma_wait3A_66 = tpu.memref_slice %arg6[%arg0, %mul3A_8, %dma_wait3A] : memref<2x10000x128xf32, #tpu.memory_space<hbm>> -> memref<1x640x128xf32, #tpu.memory_space<hbm>>
        %dma_wait3A_67 = tpu.memref_squeeze %dma_wait3A_66 : memref<1x640x128xf32, #tpu.memory_space<hbm>> -> memref<640x128xf32, #tpu.memory_space<hbm>>
        %dma_wait3A_68 = arith.constant 0 : i32
        %dma_wait3A_69 = tpu.memref_slice %arg11[%mul3A_8, %dma_wait3A_68] : memref<10000x128xf32, #tpu.memory_space<vmem_shared>> -> memref<640x128xf32, #tpu.memory_space<vmem_shared>>
        tpu.wait_dma2 semaphore(%run_scoped3A : memref<!tpu.dma_semaphore, #tpu.memory_space<semaphore_mem>>) src(%dma_wait3A_69 : memref<640x128xf32, #tpu.memory_space<vmem_shared>>) dst(%dma_wait3A_67 : memref<640x128xf32, #tpu.memory_space<hbm>>)
        tpu.yield
      }) : () -> ()
    } else {
    }
    %eq3A_57 = arith.constant 15 : i32
    %eq3A_58 = arith.cmpi eq, %arg1, %eq3A_57 : i32
    %convert_element_type3A_59 = arith.extui %eq3A_58 : i1 to i32
    %cond3A_60 = arith.constant 0 : i32
    %cond3A_61 = arith.cmpi ne, %convert_element_type3A_59, %cond3A_60 : i32
    scf.if %cond3A_61 {
      "tpu.region"() ({
        %run_scoped3A = tpu.sem_alloc : memref<!tpu.dma_semaphore, #tpu.memory_space<semaphore_mem>>
        %dma_start3A = arith.constant 9600 : i32
        %dma_start3A_62 = arith.constant 0 : i32
        %dma_start3A_63 = tpu.memref_slice %arg6[%arg0, %dma_start3A, %dma_start3A_62] : memref<2x10000x128xf32, #tpu.memory_space<hbm>> -> memref<1x400x128xf32, #tpu.memory_space<hbm>>
        %dma_start3A_64 = tpu.memref_squeeze %dma_start3A_63 : memref<1x400x128xf32, #tpu.memory_space<hbm>> -> memref<400x128xf32, #tpu.memory_space<hbm>>
        %dma_start3A_65 = arith.constant 9600 : i32
        %dma_start3A_66 = arith.constant 0 : i32
        %dma_start3A_67 = tpu.memref_slice %arg11[%dma_start3A_65, %dma_start3A_66] : memref<10000x128xf32, #tpu.memory_space<vmem_shared>> -> memref<400x128xf32, #tpu.memory_space<vmem_shared>>
        tpu.enqueue_dma source(%dma_start3A_67 : memref<400x128xf32, #tpu.memory_space<vmem_shared>>) target(%dma_start3A_64 : memref<400x128xf32, #tpu.memory_space<hbm>>) target_semaphore(%run_scoped3A : memref<!tpu.dma_semaphore, #tpu.memory_space<semaphore_mem>>)
        %dma_wait3A = arith.constant 9600 : i32
        %dma_wait3A_68 = arith.constant 0 : i32
        %dma_wait3A_69 = tpu.memref_slice %arg6[%arg0, %dma_wait3A, %dma_wait3A_68] : memref<2x10000x128xf32, #tpu.memory_space<hbm>> -> memref<1x400x128xf32, #tpu.memory_space<hbm>>
        %dma_wait3A_70 = tpu.memref_squeeze %dma_wait3A_69 : memref<1x400x128xf32, #tpu.memory_space<hbm>> -> memref<400x128xf32, #tpu.memory_space<hbm>>
        %dma_wait3A_71 = arith.constant 9600 : i32
        %dma_wait3A_72 = arith.constant 0 : i32
        %dma_wait3A_73 = tpu.memref_slice %arg11[%dma_wait3A_71, %dma_wait3A_72] : memref<10000x128xf32, #tpu.memory_space<vmem_shared>> -> memref<400x128xf32, #tpu.memory_space<vmem_shared>>
        tpu.wait_dma2 semaphore(%run_scoped3A : memref<!tpu.dma_semaphore, #tpu.memory_space<semaphore_mem>>) src(%dma_wait3A_73 : memref<400x128xf32, #tpu.memory_space<vmem_shared>>) dst(%dma_wait3A_70 : memref<400x128xf32, #tpu.memory_space<hbm>>)
        tpu.yield
      }) : () -> ()
    } else {
    }
    return
  }
}

module attributes {stable_mosaic.version = 14 : i64} {
  func.func @_pre_body(%arg0: memref<10240x128xf32, #tpu.memory_space<vmem>>, %arg1: memref<128x128xf32, #tpu.memory_space<vmem>>, %arg2: memref<1x128xf32, #tpu.memory_space<vmem>>, %arg3: memref<1x128xf32, #tpu.memory_space<vmem>>, %arg4: memref<10240x128xf32, #tpu.memory_space<vmem>>, %arg5: memref<1x10240xf32, #tpu.memory_space<vmem>>, %arg6: memref<1x10240xf32, #tpu.memory_space<vmem>>) attributes {dimension_semantics = [], scalar_prefetch = 0 : i64, scratch_operands = 0 : i64, tpu.core_type = #tpu.core_type<tc>} {
    %get3A = arith.constant 0 : index
    %get3A_0 = arith.constant 0 : index
    %get3A_1 = vector.load %arg0[%get3A, %get3A_0] : memref<10240x128xf32, #tpu.memory_space<vmem>>, vector<10240x128xf32>
    %get3A_2 = arith.constant 0 : index
    %get3A_3 = arith.constant 0 : index
    %get3A_4 = vector.load %arg1[%get3A_2, %get3A_3] : memref<128x128xf32, #tpu.memory_space<vmem>>, vector<128x128xf32>
    %transpose3A = tpu.transpose %get3A_4, [1, 0] : vector<128x128xf32> -> vector<128x128xf32>
    %dot_general3A = arith.constant dense<0.000000e+00> : vector<10240x128xf32>
    %dot_general3A_5 = tpu.matmul %get3A_1, %transpose3A, %dot_general3A {dimension_numbers = #tpu.dot_dimension_numbers<[1], [0], [0], [1], [0, 0, 1, 1], [], []>, transpose_lhs_hint = false} : vector<10240x128xf32>, vector<128x128xf32>, vector<10240x128xf32> -> vector<10240x128xf32>
    %swap3A = arith.constant 0 : index
    %swap3A_6 = arith.constant 0 : index
    %swap3A_7 = vector.load %arg4[%swap3A, %swap3A_6] : memref<10240x128xf32, #tpu.memory_space<vmem>>, vector<10240x128xf32>
    tpu.vector_store %arg4[%swap3A, %swap3A_6], %dot_general3A_5 {strides = array<i32>} : memref<10240x128xf32, #tpu.memory_space<vmem>>, vector<10240x128xf32>,
    %get3A_8 = arith.constant 0 : index
    %get3A_9 = arith.constant 0 : index
    %get3A_10 = vector.load %arg2[%get3A_8, %get3A_9] : memref<1x128xf32, #tpu.memory_space<vmem>>, vector<1x128xf32>
    %mul3A = vector.broadcast %get3A_10 : vector<1x128xf32> to vector<10240x128xf32>
    %mul3A_11 = arith.mulf %dot_general3A_5, %mul3A : vector<10240x128xf32>
    %reduce_sum3A = arith.constant dense<0.000000e+00> : vector<10240xf32>
    %reduce_sum3A_12 = vector.multi_reduction <add>, %mul3A_11, %reduce_sum3A [1] : vector<10240x128xf32> to vector<10240xf32>
    %reshape3A = vector.shape_cast %reduce_sum3A_12 : vector<10240xf32> to vector<1x10240xf32>
    %swap3A_13 = arith.constant 0 : index
    %swap3A_14 = arith.constant 0 : index
    %swap3A_15 = vector.load %arg5[%swap3A_13, %swap3A_14] : memref<1x10240xf32, #tpu.memory_space<vmem>>, vector<1x10240xf32>
    tpu.vector_store %arg5[%swap3A_13, %swap3A_14], %reshape3A {strides = array<i32>} : memref<1x10240xf32, #tpu.memory_space<vmem>>, vector<1x10240xf32>,
    %get3A_16 = arith.constant 0 : index
    %get3A_17 = arith.constant 0 : index
    %get3A_18 = vector.load %arg3[%get3A_16, %get3A_17] : memref<1x128xf32, #tpu.memory_space<vmem>>, vector<1x128xf32>
    %mul3A_19 = vector.broadcast %get3A_18 : vector<1x128xf32> to vector<10240x128xf32>
    %mul3A_20 = arith.mulf %dot_general3A_5, %mul3A_19 : vector<10240x128xf32>
    %reduce_sum3A_21 = arith.constant dense<0.000000e+00> : vector<10240xf32>
    %reduce_sum3A_22 = vector.multi_reduction <add>, %mul3A_20, %reduce_sum3A_21 [1] : vector<10240x128xf32> to vector<10240xf32>
    %reshape3A_23 = vector.shape_cast %reduce_sum3A_22 : vector<10240xf32> to vector<1x10240xf32>
    %swap3A_24 = arith.constant 0 : index
    %swap3A_25 = arith.constant 0 : index
    %swap3A_26 = vector.load %arg6[%swap3A_24, %swap3A_25] : memref<1x10240xf32, #tpu.memory_space<vmem>>, vector<1x10240xf32>
    tpu.vector_store %arg6[%swap3A_24, %swap3A_25], %reshape3A_23 {strides = array<i32>} : memref<1x10240xf32, #tpu.memory_space<vmem>>, vector<1x10240xf32>,
    return
  }
}

module attributes {stable_mosaic.version = 14 : i64} {
  func.func @_lambda_(%arg0: memref<2x10000x128xf32, #tpu.memory_space<vmem>>, %arg1: memref<327680xf32, #tpu.memory_space<vmem>>, %arg2: memref<1x128xf32, #tpu.memory_space<vmem>>, %arg3: memref<1x128xf32, #tpu.memory_space<vmem>>, %arg4: memref<1x128xf32, #tpu.memory_space<vmem>>, %arg5: memref<10240x128xf32, #tpu.memory_space<vmem>>) attributes {dimension_semantics = [], scalar_prefetch = 0 : i64, scratch_operands = 0 : i64, tpu.core_type = #tpu.core_type<tc>} {
    %get3A = arith.constant 0 : index
    %get3A_0 = arith.constant 0 : index
    %get3A_1 = arith.constant 0 : index
    %get3A_2 = vector.load %arg0[%get3A, %get3A_0, %get3A_1] : memref<2x10000x128xf32, #tpu.memory_space<vmem>>, vector<1x10000x128xf32>
    %get3A_3 = vector.shape_cast %get3A_2 : vector<1x10000x128xf32> to vector<10000x128xf32>
    %get3A_4 = arith.constant 1 : index
    %get3A_5 = arith.constant 0 : index
    %get3A_6 = arith.constant 0 : index
    %get3A_7 = vector.load %arg0[%get3A_4, %get3A_5, %get3A_6] : memref<2x10000x128xf32, #tpu.memory_space<vmem>>, vector<1x10000x128xf32>
    %get3A_8 = vector.shape_cast %get3A_7 : vector<1x10000x128xf32> to vector<10000x128xf32>
    %add3A = arith.addf %get3A_3, %get3A_8 : vector<10000x128xf32>
    %get3A_9 = arith.constant 0 : index
    %get3A_10 = vector.load %arg1[%get3A_9] : memref<327680xf32, #tpu.memory_space<vmem>>, vector<327680xf32>
    %reshape3A = vector.shape_cast %get3A_10 : vector<327680xf32> to vector<32x10240xf32>
    %reduce_sum3A = arith.constant dense<0.000000e+00> : vector<10240xf32>
    %reduce_sum3A_11 = vector.multi_reduction <add>, %reshape3A, %reduce_sum3A [0] : vector<32x10240xf32> to vector<10240xf32>
    %slice3A = vector.extract_strided_slice %reduce_sum3A_11 {offsets = [0], sizes = [10000], strides = [1]} : vector<10240xf32> to vector<10000xf32>
    %reshape3A_12 = vector.shape_cast %slice3A : vector<10000xf32> to vector<10000x1xf32>
    %add3A_13 = arith.constant 1.000000e-16 : f32
    %add3A_14 = vector.broadcast %add3A_13 : f32 to vector<10000x1xf32>
    %add3A_15 = arith.addf %reshape3A_12, %add3A_14 : vector<10000x1xf32>
    %div3A = vector.broadcast %add3A_15 : vector<10000x1xf32> to vector<10000x128xf32>
    %div3A_16 = arith.divf %add3A, %div3A : vector<10000x128xf32>
    %get3A_17 = arith.constant 0 : index
    %get3A_18 = arith.constant 0 : index
    %get3A_19 = vector.load %arg2[%get3A_17, %get3A_18] : memref<1x128xf32, #tpu.memory_space<vmem>>, vector<1x128xf32>
    %add3A_20 = vector.broadcast %get3A_19 : vector<1x128xf32> to vector<10000x128xf32>
    %add3A_21 = arith.addf %div3A_16, %add3A_20 : vector<10000x128xf32>
    %reduce_sum3A_22 = arith.constant dense<0.000000e+00> : vector<128xf32>
    %reduce_sum3A_23 = vector.multi_reduction <add>, %add3A_21, %reduce_sum3A_22 [0] : vector<10000x128xf32> to vector<128xf32>
    %broadcast_in_dim3A = vector.shape_cast %reduce_sum3A_23 : vector<128xf32> to vector<1x128xf32>
    %div3A_24 = arith.constant 1.000000e+04 : f32
    %div3A_25 = vector.broadcast %div3A_24 : f32 to vector<1x128xf32>
    %div3A_26 = arith.divf %broadcast_in_dim3A, %div3A_25 : vector<1x128xf32>
    %sub3A = vector.broadcast %div3A_26 : vector<1x128xf32> to vector<10000x128xf32>
    %sub3A_27 = arith.subf %add3A_21, %sub3A : vector<10000x128xf32>
    %integer_pow3A = arith.mulf %sub3A_27, %sub3A_27 : vector<10000x128xf32>
    %reduce_sum3A_28 = arith.constant dense<0.000000e+00> : vector<128xf32>
    %reduce_sum3A_29 = vector.multi_reduction <add>, %integer_pow3A, %reduce_sum3A_28 [0] : vector<10000x128xf32> to vector<128xf32>
    %broadcast_in_dim3A_30 = vector.shape_cast %reduce_sum3A_29 : vector<128xf32> to vector<1x128xf32>
    %div3A_31 = arith.constant 1.000000e+04 : f32
    %div3A_32 = vector.broadcast %div3A_31 : f32 to vector<1x128xf32>
    %div3A_33 = arith.divf %broadcast_in_dim3A_30, %div3A_32 : vector<1x128xf32>
    %get3A_34 = arith.constant 0 : index
    %get3A_35 = arith.constant 0 : index
    %get3A_36 = vector.load %arg3[%get3A_34, %get3A_35] : memref<1x128xf32, #tpu.memory_space<vmem>>, vector<1x128xf32>
    %sub3A_37 = vector.broadcast %div3A_26 : vector<1x128xf32> to vector<10000x128xf32>
    %sub3A_38 = arith.subf %add3A_21, %sub3A_37 : vector<10000x128xf32>
    %mul3A = vector.broadcast %get3A_36 : vector<1x128xf32> to vector<10000x128xf32>
    %mul3A_39 = arith.mulf %mul3A, %sub3A_38 : vector<10000x128xf32>
    %add3A_40 = arith.constant 9.99999974E-6 : f32
    %add3A_41 = vector.broadcast %add3A_40 : f32 to vector<1x128xf32>
    %add3A_42 = arith.addf %div3A_33, %add3A_41 : vector<1x128xf32>
    %sqrt3A = math.sqrt %add3A_42 : vector<1x128xf32>
    %div3A_43 = vector.broadcast %sqrt3A : vector<1x128xf32> to vector<10000x128xf32>
    %div3A_44 = arith.divf %mul3A_39, %div3A_43 : vector<10000x128xf32>
    %get3A_45 = arith.constant 0 : index
    %get3A_46 = arith.constant 0 : index
    %get3A_47 = vector.load %arg4[%get3A_45, %get3A_46] : memref<1x128xf32, #tpu.memory_space<vmem>>, vector<1x128xf32>
    %add3A_48 = vector.broadcast %get3A_47 : vector<1x128xf32> to vector<10000x128xf32>
    %add3A_49 = arith.addf %div3A_44, %add3A_48 : vector<10000x128xf32>
    %gt3A = arith.constant 0.000000e+00 : f32
    %gt3A_50 = vector.broadcast %gt3A : f32 to vector<10000x128xf32>
    %gt3A_51 = arith.cmpf ogt, %add3A_49, %gt3A_50 : vector<10000x128xf32>
    %min3A = arith.constant 0.000000e+00 : f32
    %min3A_52 = vector.broadcast %min3A : f32 to vector<10000x128xf32>
    %min3A_53 = arith.minimumf %add3A_49, %min3A_52 : vector<10000x128xf32>
    %exp3A = math.exp %min3A_53 : vector<10000x128xf32>
    %sub3A_54 = arith.constant 1.000000e+00 : f32
    %sub3A_55 = vector.broadcast %sub3A_54 : f32 to vector<10000x128xf32>
    %sub3A_56 = arith.subf %exp3A, %sub3A_55 : vector<10000x128xf32>
    %select_n3A = arith.select %gt3A_51, %add3A_49, %sub3A_56 : vector<10000x128xi1>, vector<10000x128xf32>
    %broadcast_in_dim3A_57 = arith.constant 0.000000e+00 : f32
    %broadcast_in_dim3A_58 = vector.broadcast %broadcast_in_dim3A_57 : f32 to vector<240x128xf32>
    %concatenate3A = tpu.concatenate %select_n3A, %broadcast_in_dim3A_58 in 0 : vector<10000x128xf32>, vector<240x128xf32> -> vector<10240x128xf32>
    %swap3A = arith.constant 0 : index
    %swap3A_59 = arith.constant 0 : index
    %swap3A_60 = vector.load %arg5[%swap3A, %swap3A_59] : memref<10240x128xf32, #tpu.memory_space<vmem>>, vector<10240x128xf32>
    tpu.vector_store %arg5[%swap3A, %swap3A_59], %concatenate3A {strides = array<i32>} : memref<10240x128xf32, #tpu.memory_space<vmem>>, vector<10240x128xf32>,
    return
  }
}

module attributes {stable_mosaic.version = 14 : i64} {
  func.func @_lambda_(%arg0: memref<2x10000x128xf32, #tpu.memory_space<vmem>>, %arg1: memref<327680xf32, #tpu.memory_space<vmem>>, %arg2: memref<1x128xf32, #tpu.memory_space<vmem>>, %arg3: memref<1x128xf32, #tpu.memory_space<vmem>>, %arg4: memref<1x128xf32, #tpu.memory_space<vmem>>, %arg5: memref<10240x128xf32, #tpu.memory_space<vmem>>) attributes {dimension_semantics = [], scalar_prefetch = 0 : i64, scratch_operands = 0 : i64, tpu.core_type = #tpu.core_type<tc>} {
    %get3A = arith.constant 0 : index
    %get3A_0 = arith.constant 0 : index
    %get3A_1 = arith.constant 0 : index
    %get3A_2 = vector.load %arg0[%get3A, %get3A_0, %get3A_1] : memref<2x10000x128xf32, #tpu.memory_space<vmem>>, vector<1x10000x128xf32>
    %get3A_3 = vector.shape_cast %get3A_2 : vector<1x10000x128xf32> to vector<10000x128xf32>
    %get3A_4 = arith.constant 1 : index
    %get3A_5 = arith.constant 0 : index
    %get3A_6 = arith.constant 0 : index
    %get3A_7 = vector.load %arg0[%get3A_4, %get3A_5, %get3A_6] : memref<2x10000x128xf32, #tpu.memory_space<vmem>>, vector<1x10000x128xf32>
    %get3A_8 = vector.shape_cast %get3A_7 : vector<1x10000x128xf32> to vector<10000x128xf32>
    %add3A = arith.addf %get3A_3, %get3A_8 : vector<10000x128xf32>
    %get3A_9 = arith.constant 0 : index
    %get3A_10 = vector.load %arg1[%get3A_9] : memref<327680xf32, #tpu.memory_space<vmem>>, vector<327680xf32>
    %reshape3A = vector.shape_cast %get3A_10 : vector<327680xf32> to vector<32x10240xf32>
    %reduce_sum3A = arith.constant dense<0.000000e+00> : vector<10240xf32>
    %reduce_sum3A_11 = vector.multi_reduction <add>, %reshape3A, %reduce_sum3A [0] : vector<32x10240xf32> to vector<10240xf32>
    %slice3A = vector.extract_strided_slice %reduce_sum3A_11 {offsets = [0], sizes = [10000], strides = [1]} : vector<10240xf32> to vector<10000xf32>
    %reshape3A_12 = vector.shape_cast %slice3A : vector<10000xf32> to vector<10000x1xf32>
    %add3A_13 = arith.constant 1.000000e-16 : f32
    %add3A_14 = vector.broadcast %add3A_13 : f32 to vector<10000x1xf32>
    %add3A_15 = arith.addf %reshape3A_12, %add3A_14 : vector<10000x1xf32>
    %div3A = vector.broadcast %add3A_15 : vector<10000x1xf32> to vector<10000x128xf32>
    %div3A_16 = arith.divf %add3A, %div3A : vector<10000x128xf32>
    %get3A_17 = arith.constant 0 : index
    %get3A_18 = arith.constant 0 : index
    %get3A_19 = vector.load %arg2[%get3A_17, %get3A_18] : memref<1x128xf32, #tpu.memory_space<vmem>>, vector<1x128xf32>
    %add3A_20 = vector.broadcast %get3A_19 : vector<1x128xf32> to vector<10000x128xf32>
    %add3A_21 = arith.addf %div3A_16, %add3A_20 : vector<10000x128xf32>
    %reduce_sum3A_22 = arith.constant dense<0.000000e+00> : vector<128xf32>
    %reduce_sum3A_23 = vector.multi_reduction <add>, %add3A_21, %reduce_sum3A_22 [0] : vector<10000x128xf32> to vector<128xf32>
    %broadcast_in_dim3A = vector.shape_cast %reduce_sum3A_23 : vector<128xf32> to vector<1x128xf32>
    %div3A_24 = arith.constant 1.000000e+04 : f32
    %div3A_25 = vector.broadcast %div3A_24 : f32 to vector<1x128xf32>
    %div3A_26 = arith.divf %broadcast_in_dim3A, %div3A_25 : vector<1x128xf32>
    %sub3A = vector.broadcast %div3A_26 : vector<1x128xf32> to vector<10000x128xf32>
    %sub3A_27 = arith.subf %add3A_21, %sub3A : vector<10000x128xf32>
    %integer_pow3A = arith.mulf %sub3A_27, %sub3A_27 : vector<10000x128xf32>
    %reduce_sum3A_28 = arith.constant dense<0.000000e+00> : vector<128xf32>
    %reduce_sum3A_29 = vector.multi_reduction <add>, %integer_pow3A, %reduce_sum3A_28 [0] : vector<10000x128xf32> to vector<128xf32>
    %broadcast_in_dim3A_30 = vector.shape_cast %reduce_sum3A_29 : vector<128xf32> to vector<1x128xf32>
    %div3A_31 = arith.constant 1.000000e+04 : f32
    %div3A_32 = vector.broadcast %div3A_31 : f32 to vector<1x128xf32>
    %div3A_33 = arith.divf %broadcast_in_dim3A_30, %div3A_32 : vector<1x128xf32>
    %get3A_34 = arith.constant 0 : index
    %get3A_35 = arith.constant 0 : index
    %get3A_36 = vector.load %arg3[%get3A_34, %get3A_35] : memref<1x128xf32, #tpu.memory_space<vmem>>, vector<1x128xf32>
    %sub3A_37 = vector.broadcast %div3A_26 : vector<1x128xf32> to vector<10000x128xf32>
    %sub3A_38 = arith.subf %add3A_21, %sub3A_37 : vector<10000x128xf32>
    %mul3A = vector.broadcast %get3A_36 : vector<1x128xf32> to vector<10000x128xf32>
    %mul3A_39 = arith.mulf %mul3A, %sub3A_38 : vector<10000x128xf32>
    %add3A_40 = arith.constant 9.99999974E-6 : f32
    %add3A_41 = vector.broadcast %add3A_40 : f32 to vector<1x128xf32>
    %add3A_42 = arith.addf %div3A_33, %add3A_41 : vector<1x128xf32>
    %sqrt3A = math.sqrt %add3A_42 : vector<1x128xf32>
    %div3A_43 = vector.broadcast %sqrt3A : vector<1x128xf32> to vector<10000x128xf32>
    %div3A_44 = arith.divf %mul3A_39, %div3A_43 : vector<10000x128xf32>
    %get3A_45 = arith.constant 0 : index
    %get3A_46 = arith.constant 0 : index
    %get3A_47 = vector.load %arg4[%get3A_45, %get3A_46] : memref<1x128xf32, #tpu.memory_space<vmem>>, vector<1x128xf32>
    %add3A_48 = vector.broadcast %get3A_47 : vector<1x128xf32> to vector<10000x128xf32>
    %add3A_49 = arith.addf %div3A_44, %add3A_48 : vector<10000x128xf32>
    %max3A = arith.constant 0.000000e+00 : f32
    %max3A_50 = vector.broadcast %max3A : f32 to vector<10000x128xf32>
    %max3A_51 = arith.maximumf %add3A_49, %max3A_50 : vector<10000x128xf32>
    %broadcast_in_dim3A_52 = arith.constant 0.000000e+00 : f32
    %broadcast_in_dim3A_53 = vector.broadcast %broadcast_in_dim3A_52 : f32 to vector<240x128xf32>
    %concatenate3A = tpu.concatenate %max3A_51, %broadcast_in_dim3A_53 in 0 : vector<10000x128xf32>, vector<240x128xf32> -> vector<10240x128xf32>
    %swap3A = arith.constant 0 : index
    %swap3A_54 = arith.constant 0 : index
    %swap3A_55 = vector.load %arg5[%swap3A, %swap3A_54] : memref<10240x128xf32, #tpu.memory_space<vmem>>, vector<10240x128xf32>
    tpu.vector_store %arg5[%swap3A, %swap3A_54], %concatenate3A {strides = array<i32>} : memref<10240x128xf32, #tpu.memory_space<vmem>>, vector<10240x128xf32>,
    return
  }
}

module attributes {stable_mosaic.version = 14 : i64} {
  func.func @_lambda_(%arg0: memref<2x10000x128xf32, #tpu.memory_space<vmem>>, %arg1: memref<327680xf32, #tpu.memory_space<vmem>>, %arg2: memref<1x128xf32, #tpu.memory_space<vmem>>, %arg3: memref<1x128xf32, #tpu.memory_space<vmem>>, %arg4: memref<1x128xf32, #tpu.memory_space<vmem>>, %arg5: memref<10240x128xf32, #tpu.memory_space<vmem>>, %arg6: memref<10240x128xf32, #tpu.memory_space<vmem>>) attributes {dimension_semantics = [], scalar_prefetch = 0 : i64, scratch_operands = 0 : i64, tpu.core_type = #tpu.core_type<tc>} {
    %get3A = arith.constant 0 : index
    %get3A_0 = arith.constant 0 : index
    %get3A_1 = arith.constant 0 : index
    %get3A_2 = vector.load %arg0[%get3A, %get3A_0, %get3A_1] : memref<2x10000x128xf32, #tpu.memory_space<vmem>>, vector<1x10000x128xf32>
    %get3A_3 = vector.shape_cast %get3A_2 : vector<1x10000x128xf32> to vector<10000x128xf32>
    %get3A_4 = arith.constant 1 : index
    %get3A_5 = arith.constant 0 : index
    %get3A_6 = arith.constant 0 : index
    %get3A_7 = vector.load %arg0[%get3A_4, %get3A_5, %get3A_6] : memref<2x10000x128xf32, #tpu.memory_space<vmem>>, vector<1x10000x128xf32>
    %get3A_8 = vector.shape_cast %get3A_7 : vector<1x10000x128xf32> to vector<10000x128xf32>
    %add3A = arith.addf %get3A_3, %get3A_8 : vector<10000x128xf32>
    %get3A_9 = arith.constant 0 : index
    %get3A_10 = vector.load %arg1[%get3A_9] : memref<327680xf32, #tpu.memory_space<vmem>>, vector<327680xf32>
    %reshape3A = vector.shape_cast %get3A_10 : vector<327680xf32> to vector<32x10240xf32>
    %reduce_sum3A = arith.constant dense<0.000000e+00> : vector<10240xf32>
    %reduce_sum3A_11 = vector.multi_reduction <add>, %reshape3A, %reduce_sum3A [0] : vector<32x10240xf32> to vector<10240xf32>
    %slice3A = vector.extract_strided_slice %reduce_sum3A_11 {offsets = [0], sizes = [10000], strides = [1]} : vector<10240xf32> to vector<10000xf32>
    %reshape3A_12 = vector.shape_cast %slice3A : vector<10000xf32> to vector<10000x1xf32>
    %add3A_13 = arith.constant 1.000000e-16 : f32
    %add3A_14 = vector.broadcast %add3A_13 : f32 to vector<10000x1xf32>
    %add3A_15 = arith.addf %reshape3A_12, %add3A_14 : vector<10000x1xf32>
    %div3A = vector.broadcast %add3A_15 : vector<10000x1xf32> to vector<10000x128xf32>
    %div3A_16 = arith.divf %add3A, %div3A : vector<10000x128xf32>
    %get3A_17 = arith.constant 0 : index
    %get3A_18 = arith.constant 0 : index
    %get3A_19 = vector.load %arg2[%get3A_17, %get3A_18] : memref<1x128xf32, #tpu.memory_space<vmem>>, vector<1x128xf32>
    %add3A_20 = vector.broadcast %get3A_19 : vector<1x128xf32> to vector<10000x128xf32>
    %add3A_21 = arith.addf %div3A_16, %add3A_20 : vector<10000x128xf32>
    %reduce_sum3A_22 = arith.constant dense<0.000000e+00> : vector<128xf32>
    %reduce_sum3A_23 = vector.multi_reduction <add>, %add3A_21, %reduce_sum3A_22 [0] : vector<10000x128xf32> to vector<128xf32>
    %broadcast_in_dim3A = vector.shape_cast %reduce_sum3A_23 : vector<128xf32> to vector<1x128xf32>
    %div3A_24 = arith.constant 1.000000e+04 : f32
    %div3A_25 = vector.broadcast %div3A_24 : f32 to vector<1x128xf32>
    %div3A_26 = arith.divf %broadcast_in_dim3A, %div3A_25 : vector<1x128xf32>
    %sub3A = vector.broadcast %div3A_26 : vector<1x128xf32> to vector<10000x128xf32>
    %sub3A_27 = arith.subf %add3A_21, %sub3A : vector<10000x128xf32>
    %integer_pow3A = arith.mulf %sub3A_27, %sub3A_27 : vector<10000x128xf32>
    %reduce_sum3A_28 = arith.constant dense<0.000000e+00> : vector<128xf32>
    %reduce_sum3A_29 = vector.multi_reduction <add>, %integer_pow3A, %reduce_sum3A_28 [0] : vector<10000x128xf32> to vector<128xf32>
    %broadcast_in_dim3A_30 = vector.shape_cast %reduce_sum3A_29 : vector<128xf32> to vector<1x128xf32>
    %div3A_31 = arith.constant 1.000000e+04 : f32
    %div3A_32 = vector.broadcast %div3A_31 : f32 to vector<1x128xf32>
    %div3A_33 = arith.divf %broadcast_in_dim3A_30, %div3A_32 : vector<1x128xf32>
    %get3A_34 = arith.constant 0 : index
    %get3A_35 = arith.constant 0 : index
    %get3A_36 = vector.load %arg3[%get3A_34, %get3A_35] : memref<1x128xf32, #tpu.memory_space<vmem>>, vector<1x128xf32>
    %sub3A_37 = vector.broadcast %div3A_26 : vector<1x128xf32> to vector<10000x128xf32>
    %sub3A_38 = arith.subf %add3A_21, %sub3A_37 : vector<10000x128xf32>
    %mul3A = vector.broadcast %get3A_36 : vector<1x128xf32> to vector<10000x128xf32>
    %mul3A_39 = arith.mulf %mul3A, %sub3A_38 : vector<10000x128xf32>
    %add3A_40 = arith.constant 9.99999974E-6 : f32
    %add3A_41 = vector.broadcast %add3A_40 : f32 to vector<1x128xf32>
    %add3A_42 = arith.addf %div3A_33, %add3A_41 : vector<1x128xf32>
    %sqrt3A = math.sqrt %add3A_42 : vector<1x128xf32>
    %div3A_43 = vector.broadcast %sqrt3A : vector<1x128xf32> to vector<10000x128xf32>
    %div3A_44 = arith.divf %mul3A_39, %div3A_43 : vector<10000x128xf32>
    %get3A_45 = arith.constant 0 : index
    %get3A_46 = arith.constant 0 : index
    %get3A_47 = vector.load %arg4[%get3A_45, %get3A_46] : memref<1x128xf32, #tpu.memory_space<vmem>>, vector<1x128xf32>
    %add3A_48 = vector.broadcast %get3A_47 : vector<1x128xf32> to vector<10000x128xf32>
    %add3A_49 = arith.addf %div3A_44, %add3A_48 : vector<10000x128xf32>
    %max3A = arith.constant 0.000000e+00 : f32
    %max3A_50 = vector.broadcast %max3A : f32 to vector<10000x128xf32>
    %max3A_51 = arith.maximumf %add3A_49, %max3A_50 : vector<10000x128xf32>
    %get3A_52 = arith.constant 0 : index
    %get3A_53 = arith.constant 0 : index
    %get3A_54 = vector.load %arg5[%get3A_52, %get3A_53] : memref<10240x128xf32, #tpu.memory_space<vmem>>, vector<10240x128xf32>
    %slice3A_55 = vector.extract_strided_slice %get3A_54 {offsets = [0, 0], sizes = [10000, 128], strides = [1, 1]} : vector<10240x128xf32> to vector<10000x128xf32>
    %add3A_56 = arith.addf %max3A_51, %slice3A_55 : vector<10000x128xf32>
    %max3A_57 = arith.constant 0.000000e+00 : f32
    %max3A_58 = vector.broadcast %max3A_57 : f32 to vector<10000x128xf32>
    %max3A_59 = arith.maximumf %add3A_56, %max3A_58 : vector<10000x128xf32>
    %broadcast_in_dim3A_60 = arith.constant 0.000000e+00 : f32
    %broadcast_in_dim3A_61 = vector.broadcast %broadcast_in_dim3A_60 : f32 to vector<240x128xf32>
    %concatenate3A = tpu.concatenate %max3A_59, %broadcast_in_dim3A_61 in 0 : vector<10000x128xf32>, vector<240x128xf32> -> vector<10240x128xf32>
    %swap3A = arith.constant 0 : index
    %swap3A_62 = arith.constant 0 : index
    %swap3A_63 = vector.load %arg6[%swap3A, %swap3A_62] : memref<10240x128xf32, #tpu.memory_space<vmem>>, vector<10240x128xf32>
    tpu.vector_store %arg6[%swap3A, %swap3A_62], %concatenate3A {strides = array<i32>} : memref<10240x128xf32, #tpu.memory_space<vmem>>, vector<10240x128xf32>,
    return
  }
}

module attributes {stable_mosaic.version = 14 : i64} {
  func.func @_heads1_body(%arg0: memref<10240x128xf32, #tpu.memory_space<vmem>>, %arg1: memref<128x128xf32, #tpu.memory_space<vmem>>, %arg2: memref<1x128xf32, #tpu.memory_space<vmem>>, %arg3: memref<1x128xf32, #tpu.memory_space<vmem>>, %arg4: memref<1x128xf32, #tpu.memory_space<vmem>>, %arg5: memref<1x128xf32, #tpu.memory_space<vmem>>, %arg6: memref<1x1xf32, #tpu.memory_space<vmem>>, %arg7: memref<128x128xf32, #tpu.memory_space<vmem>>, %arg8: memref<1x128xf32, #tpu.memory_space<vmem>>, %arg9: memref<1x128xf32, #tpu.memory_space<vmem>>, %arg10: memref<1x128xf32, #tpu.memory_space<vmem>>, %arg11: memref<128x128xf32, #tpu.memory_space<vmem>>, %arg12: memref<1x128xf32, #tpu.memory_space<vmem>>, %arg13: memref<1x10240xf32, #tpu.memory_space<vmem>>, %arg14: memref<10240x128xf32, #tpu.memory_space<vmem>>) attributes {dimension_semantics = [], scalar_prefetch = 0 : i64, scratch_operands = 0 : i64, tpu.core_type = #tpu.core_type<tc>} {
    %get3A = arith.constant 0 : index
    %get3A_0 = arith.constant 0 : index
    %get3A_1 = vector.load %arg0[%get3A, %get3A_0] : memref<10240x128xf32, #tpu.memory_space<vmem>>, vector<10240x128xf32>
    %slice3A = vector.extract_strided_slice %get3A_1 {offsets = [0, 0], sizes = [10000, 128], strides = [1, 1]} : vector<10240x128xf32> to vector<10000x128xf32>
    %get3A_2 = arith.constant 0 : index
    %get3A_3 = arith.constant 0 : index
    %get3A_4 = vector.load %arg1[%get3A_2, %get3A_3] : memref<128x128xf32, #tpu.memory_space<vmem>>, vector<128x128xf32>
    %transpose3A = tpu.transpose %get3A_4, [1, 0] : vector<128x128xf32> -> vector<128x128xf32>
    %dot_general3A = arith.constant dense<0.000000e+00> : vector<10000x128xf32>
    %dot_general3A_5 = tpu.matmul %slice3A, %transpose3A, %dot_general3A {dimension_numbers = #tpu.dot_dimension_numbers<[1], [0], [0], [1], [0, 0, 1, 1], [], []>, transpose_lhs_hint = false} : vector<10000x128xf32>, vector<128x128xf32>, vector<10000x128xf32> -> vector<10000x128xf32>
    %get3A_6 = arith.constant 0 : index
    %get3A_7 = arith.constant 0 : index
    %get3A_8 = vector.load %arg2[%get3A_6, %get3A_7] : memref<1x128xf32, #tpu.memory_space<vmem>>, vector<1x128xf32>
    %add3A = vector.broadcast %get3A_8 : vector<1x128xf32> to vector<10000x128xf32>
    %add3A_9 = arith.addf %dot_general3A_5, %add3A : vector<10000x128xf32>
    %get3A_10 = arith.constant 0 : index
    %get3A_11 = arith.constant 0 : index
    %get3A_12 = vector.load %arg3[%get3A_10, %get3A_11] : memref<1x128xf32, #tpu.memory_space<vmem>>, vector<1x128xf32>
    %get3A_13 = arith.constant 0 : index
    %get3A_14 = arith.constant 0 : index
    %get3A_15 = vector.load %arg4[%get3A_13, %get3A_14] : memref<1x128xf32, #tpu.memory_space<vmem>>, vector<1x128xf32>
    %reduce_sum3A = arith.constant dense<0.000000e+00> : vector<128xf32>
    %reduce_sum3A_16 = vector.multi_reduction <add>, %add3A_9, %reduce_sum3A [0] : vector<10000x128xf32> to vector<128xf32>
    %broadcast_in_dim3A = vector.shape_cast %reduce_sum3A_16 : vector<128xf32> to vector<1x128xf32>
    %div3A = arith.constant 1.000000e+04 : f32
    %div3A_17 = vector.broadcast %div3A : f32 to vector<1x128xf32>
    %div3A_18 = arith.divf %broadcast_in_dim3A, %div3A_17 : vector<1x128xf32>
    %sub3A = vector.broadcast %div3A_18 : vector<1x128xf32> to vector<10000x128xf32>
    %sub3A_19 = arith.subf %add3A_9, %sub3A : vector<10000x128xf32>
    %integer_pow3A = arith.mulf %sub3A_19, %sub3A_19 : vector<10000x128xf32>
    %reduce_sum3A_20 = arith.constant dense<0.000000e+00> : vector<128xf32>
    %reduce_sum3A_21 = vector.multi_reduction <add>, %integer_pow3A, %reduce_sum3A_20 [0] : vector<10000x128xf32> to vector<128xf32>
    %broadcast_in_dim3A_22 = vector.shape_cast %reduce_sum3A_21 : vector<128xf32> to vector<1x128xf32>
    %div3A_23 = arith.constant 1.000000e+04 : f32
    %div3A_24 = vector.broadcast %div3A_23 : f32 to vector<1x128xf32>
    %div3A_25 = arith.divf %broadcast_in_dim3A_22, %div3A_24 : vector<1x128xf32>
    %sub3A_26 = vector.broadcast %div3A_18 : vector<1x128xf32> to vector<10000x128xf32>
    %sub3A_27 = arith.subf %add3A_9, %sub3A_26 : vector<10000x128xf32>
    %mul3A = vector.broadcast %get3A_12 : vector<1x128xf32> to vector<10000x128xf32>
    %mul3A_28 = arith.mulf %mul3A, %sub3A_27 : vector<10000x128xf32>
    %add3A_29 = arith.constant 9.99999974E-6 : f32
    %add3A_30 = vector.broadcast %add3A_29 : f32 to vector<1x128xf32>
    %add3A_31 = arith.addf %div3A_25, %add3A_30 : vector<1x128xf32>
    %sqrt3A = math.sqrt %add3A_31 : vector<1x128xf32>
    %div3A_32 = vector.broadcast %sqrt3A : vector<1x128xf32> to vector<10000x128xf32>
    %div3A_33 = arith.divf %mul3A_28, %div3A_32 : vector<10000x128xf32>
    %add3A_34 = vector.broadcast %get3A_15 : vector<1x128xf32> to vector<10000x128xf32>
    %add3A_35 = arith.addf %div3A_33, %add3A_34 : vector<10000x128xf32>
    %max3A = arith.constant 0.000000e+00 : f32
    %max3A_36 = vector.broadcast %max3A : f32 to vector<10000x128xf32>
    %max3A_37 = arith.maximumf %add3A_35, %max3A_36 : vector<10000x128xf32>
    %get3A_38 = arith.constant 0 : index
    %get3A_39 = arith.constant 0 : index
    %get3A_40 = vector.load %arg5[%get3A_38, %get3A_39] : memref<1x128xf32, #tpu.memory_space<vmem>>, vector<1x128xf32>
    %mul3A_41 = vector.broadcast %get3A_40 : vector<1x128xf32> to vector<10000x128xf32>
    %mul3A_42 = arith.mulf %max3A_37, %mul3A_41 : vector<10000x128xf32>
    %reduce_sum3A_43 = arith.constant dense<0.000000e+00> : vector<10000xf32>
    %reduce_sum3A_44 = vector.multi_reduction <add>, %mul3A_42, %reduce_sum3A_43 [1] : vector<10000x128xf32> to vector<10000xf32>
    %get3A_45 = arith.constant 0 : index
    %get3A_46 = arith.constant 0 : index
    %get3A_47 = vector.load %arg6[%get3A_45, %get3A_46] : memref<1x1xf32, #tpu.memory_space<vmem>>, vector<1x1xf32>
    %get3A_48 = vector.extract %get3A_47[0, 0] : f32 from vector<1x1xf32>
    %add3A_49 = vector.broadcast %get3A_48 : f32 to vector<10000xf32>
    %add3A_50 = arith.addf %reduce_sum3A_44, %add3A_49 : vector<10000xf32>
    %broadcast_in_dim3A_51 = arith.constant 0.000000e+00 : f32
    %broadcast_in_dim3A_52 = vector.broadcast %broadcast_in_dim3A_51 : f32 to vector<240xf32>
    %concatenate3A = tpu.concatenate %add3A_50, %broadcast_in_dim3A_52 in 0 : vector<10000xf32>, vector<240xf32> -> vector<10240xf32>
    %reshape3A = vector.shape_cast %concatenate3A : vector<10240xf32> to vector<1x10240xf32>
    %swap3A = arith.constant 0 : index
    %swap3A_53 = arith.constant 0 : index
    %swap3A_54 = vector.load %arg13[%swap3A, %swap3A_53] : memref<1x10240xf32, #tpu.memory_space<vmem>>, vector<1x10240xf32>
    tpu.vector_store %arg13[%swap3A, %swap3A_53], %reshape3A {strides = array<i32>} : memref<1x10240xf32, #tpu.memory_space<vmem>>, vector<1x10240xf32>,
    %get3A_55 = arith.constant 0 : index
    %get3A_56 = arith.constant 0 : index
    %get3A_57 = vector.load %arg7[%get3A_55, %get3A_56] : memref<128x128xf32, #tpu.memory_space<vmem>>, vector<128x128xf32>
    %transpose3A_58 = tpu.transpose %get3A_57, [1, 0] : vector<128x128xf32> -> vector<128x128xf32>
    %dot_general3A_59 = arith.constant dense<0.000000e+00> : vector<10000x128xf32>
    %dot_general3A_60 = tpu.matmul %slice3A, %transpose3A_58, %dot_general3A_59 {dimension_numbers = #tpu.dot_dimension_numbers<[1], [0], [0], [1], [0, 0, 1, 1], [], []>, transpose_lhs_hint = false} : vector<10000x128xf32>, vector<128x128xf32>, vector<10000x128xf32> -> vector<10000x128xf32>
    %get3A_61 = arith.constant 0 : index
    %get3A_62 = arith.constant 0 : index
    %get3A_63 = vector.load %arg8[%get3A_61, %get3A_62] : memref<1x128xf32, #tpu.memory_space<vmem>>, vector<1x128xf32>
    %add3A_64 = vector.broadcast %get3A_63 : vector<1x128xf32> to vector<10000x128xf32>
    %add3A_65 = arith.addf %dot_general3A_60, %add3A_64 : vector<10000x128xf32>
    %get3A_66 = arith.constant 0 : index
    %get3A_67 = arith.constant 0 : index
    %get3A_68 = vector.load %arg9[%get3A_66, %get3A_67] : memref<1x128xf32, #tpu.memory_space<vmem>>, vector<1x128xf32>
    %get3A_69 = arith.constant 0 : index
    %get3A_70 = arith.constant 0 : index
    %get3A_71 = vector.load %arg10[%get3A_69, %get3A_70] : memref<1x128xf32, #tpu.memory_space<vmem>>, vector<1x128xf32>
    %reduce_sum3A_72 = arith.constant dense<0.000000e+00> : vector<128xf32>
    %reduce_sum3A_73 = vector.multi_reduction <add>, %add3A_65, %reduce_sum3A_72 [0] : vector<10000x128xf32> to vector<128xf32>
    %broadcast_in_dim3A_74 = vector.shape_cast %reduce_sum3A_73 : vector<128xf32> to vector<1x128xf32>
    %div3A_75 = arith.constant 1.000000e+04 : f32
    %div3A_76 = vector.broadcast %div3A_75 : f32 to vector<1x128xf32>
    %div3A_77 = arith.divf %broadcast_in_dim3A_74, %div3A_76 : vector<1x128xf32>
    %sub3A_78 = vector.broadcast %div3A_77 : vector<1x128xf32> to vector<10000x128xf32>
    %sub3A_79 = arith.subf %add3A_65, %sub3A_78 : vector<10000x128xf32>
    %integer_pow3A_80 = arith.mulf %sub3A_79, %sub3A_79 : vector<10000x128xf32>
    %reduce_sum3A_81 = arith.constant dense<0.000000e+00> : vector<128xf32>
    %reduce_sum3A_82 = vector.multi_reduction <add>, %integer_pow3A_80, %reduce_sum3A_81 [0] : vector<10000x128xf32> to vector<128xf32>
    %broadcast_in_dim3A_83 = vector.shape_cast %reduce_sum3A_82 : vector<128xf32> to vector<1x128xf32>
    %div3A_84 = arith.constant 1.000000e+04 : f32
    %div3A_85 = vector.broadcast %div3A_84 : f32 to vector<1x128xf32>
    %div3A_86 = arith.divf %broadcast_in_dim3A_83, %div3A_85 : vector<1x128xf32>
    %sub3A_87 = vector.broadcast %div3A_77 : vector<1x128xf32> to vector<10000x128xf32>
    %sub3A_88 = arith.subf %add3A_65, %sub3A_87 : vector<10000x128xf32>
    %mul3A_89 = vector.broadcast %get3A_68 : vector<1x128xf32> to vector<10000x128xf32>
    %mul3A_90 = arith.mulf %mul3A_89, %sub3A_88 : vector<10000x128xf32>
    %add3A_91 = arith.constant 9.99999974E-6 : f32
    %add3A_92 = vector.broadcast %add3A_91 : f32 to vector<1x128xf32>
    %add3A_93 = arith.addf %div3A_86, %add3A_92 : vector<1x128xf32>
    %sqrt3A_94 = math.sqrt %add3A_93 : vector<1x128xf32>
    %div3A_95 = vector.broadcast %sqrt3A_94 : vector<1x128xf32> to vector<10000x128xf32>
    %div3A_96 = arith.divf %mul3A_90, %div3A_95 : vector<10000x128xf32>
    %add3A_97 = vector.broadcast %get3A_71 : vector<1x128xf32> to vector<10000x128xf32>
    %add3A_98 = arith.addf %div3A_96, %add3A_97 : vector<10000x128xf32>
    %max3A_99 = arith.constant 0.000000e+00 : f32
    %max3A_100 = vector.broadcast %max3A_99 : f32 to vector<10000x128xf32>
    %max3A_101 = arith.maximumf %add3A_98, %max3A_100 : vector<10000x128xf32>
    %get3A_102 = arith.constant 0 : index
    %get3A_103 = arith.constant 0 : index
    %get3A_104 = vector.load %arg11[%get3A_102, %get3A_103] : memref<128x128xf32, #tpu.memory_space<vmem>>, vector<128x128xf32>
    %transpose3A_105 = tpu.transpose %get3A_104, [1, 0] : vector<128x128xf32> -> vector<128x128xf32>
    %dot_general3A_106 = arith.constant dense<0.000000e+00> : vector<10000x128xf32>
    %dot_general3A_107 = tpu.matmul %max3A_101, %transpose3A_105, %dot_general3A_106 {dimension_numbers = #tpu.dot_dimension_numbers<[1], [0], [0], [1], [0, 0, 1, 1], [], []>, transpose_lhs_hint = false} : vector<10000x128xf32>, vector<128x128xf32>, vector<10000x128xf32> -> vector<10000x128xf32>
    %get3A_108 = arith.constant 0 : index
    %get3A_109 = arith.constant 0 : index
    %get3A_110 = vector.load %arg12[%get3A_108, %get3A_109] : memref<1x128xf32, #tpu.memory_space<vmem>>, vector<1x128xf32>
    %add3A_111 = vector.broadcast %get3A_110 : vector<1x128xf32> to vector<10000x128xf32>
    %add3A_112 = arith.addf %dot_general3A_107, %add3A_111 : vector<10000x128xf32>
    %broadcast_in_dim3A_113 = arith.constant 0.000000e+00 : f32
    %broadcast_in_dim3A_114 = vector.broadcast %broadcast_in_dim3A_113 : f32 to vector<240x128xf32>
    %concatenate3A_115 = tpu.concatenate %add3A_112, %broadcast_in_dim3A_114 in 0 : vector<10000x128xf32>, vector<240x128xf32> -> vector<10240x128xf32>
    %swap3A_116 = arith.constant 0 : index
    %swap3A_117 = arith.constant 0 : index
    %swap3A_118 = vector.load %arg14[%swap3A_116, %swap3A_117] : memref<10240x128xf32, #tpu.memory_space<vmem>>, vector<10240x128xf32>
    tpu.vector_store %arg14[%swap3A_116, %swap3A_117], %concatenate3A_115 {strides = array<i32>} : memref<10240x128xf32, #tpu.memory_space<vmem>>, vector<10240x128xf32>,
    return
  }
}

module attributes {stable_mosaic.version = 14 : i64} {
  func.func @_heads2_body(%arg0: memref<50x512xf32, #tpu.memory_space<vmem>>, %arg1: memref<10000x128xf32, #tpu.memory_space<vmem>>, %arg2: memref<128x128xf32, #tpu.memory_space<vmem>>, %arg3: memref<1x128xf32, #tpu.memory_space<vmem>>, %arg4: memref<128x128xf32, #tpu.memory_space<vmem>>, %arg5: memref<1x128xf32, #tpu.memory_space<vmem>>, %arg6: memref<128x128xf32, #tpu.memory_space<vmem>>, %arg7: memref<1x128xf32, #tpu.memory_space<vmem>>, %arg8: memref<128x128xf32, #tpu.memory_space<vmem>>, %arg9: memref<1x128xf32, #tpu.memory_space<vmem>>, %arg10: memref<1x128xf32, #tpu.memory_space<vmem>>, %arg11: memref<1x1xf32, #tpu.memory_space<vmem>>, %arg12: memref<50x512xf32, #tpu.memory_space<vmem>>, %arg13: memref<50x1xf32, #tpu.memory_space<vmem>>) attributes {dimension_semantics = [], scalar_prefetch = 0 : i64, scratch_operands = 0 : i64, tpu.core_type = #tpu.core_type<tc>} {
    %get3A = arith.constant 0 : index
    %get3A_0 = arith.constant 0 : index
    %get3A_1 = vector.load %arg0[%get3A, %get3A_0] : memref<50x512xf32, #tpu.memory_space<vmem>>, vector<50x512xf32>
    %reduce_max3A = arith.constant dense<0xFF800000> : vector<50xf32>
    %reduce_max3A_2 = vector.multi_reduction <maximumf>, %get3A_1, %reduce_max3A [1] : vector<50x512xf32> to vector<50xf32>
    %broadcast_in_dim3A = vector.shape_cast %reduce_max3A_2 : vector<50xf32> to vector<50x1xf32>
    %sub3A = vector.broadcast %broadcast_in_dim3A : vector<50x1xf32> to vector<50x512xf32>
    %sub3A_3 = arith.subf %get3A_1, %sub3A : vector<50x512xf32>
    %exp3A = math.exp %sub3A_3 : vector<50x512xf32>
    %reduce_sum3A = arith.constant dense<0.000000e+00> : vector<50xf32>
    %reduce_sum3A_4 = vector.multi_reduction <add>, %exp3A, %reduce_sum3A [1] : vector<50x512xf32> to vector<50xf32>
    %broadcast_in_dim3A_5 = vector.shape_cast %reduce_sum3A_4 : vector<50xf32> to vector<50x1xf32>
    %log3A = math.log %broadcast_in_dim3A_5 : vector<50x1xf32>
    %sub3A_6 = vector.broadcast %log3A : vector<50x1xf32> to vector<50x512xf32>
    %sub3A_7 = arith.subf %sub3A_3, %sub3A_6 : vector<50x512xf32>
    %swap3A = arith.constant 0 : index
    %swap3A_8 = arith.constant 0 : index
    %swap3A_9 = vector.load %arg12[%swap3A, %swap3A_8] : memref<50x512xf32, #tpu.memory_space<vmem>>, vector<50x512xf32>
    tpu.vector_store %arg12[%swap3A, %swap3A_8], %sub3A_7 {strides = array<i32>} : memref<50x512xf32, #tpu.memory_space<vmem>>, vector<50x512xf32>,
    %get3A_10 = arith.constant 0 : index
    %get3A_11 = arith.constant 0 : index
    %get3A_12 = vector.load %arg1[%get3A_10, %get3A_11] : memref<10000x128xf32, #tpu.memory_space<vmem>>, vector<10000x128xf32>
    %get3A_13 = arith.constant 0 : index
    %get3A_14 = arith.constant 0 : index
    %get3A_15 = vector.load %arg2[%get3A_13, %get3A_14] : memref<128x128xf32, #tpu.memory_space<vmem>>, vector<128x128xf32>
    %reduce_sum3A_16 = arith.constant dense<0.000000e+00> : vector<128xf32>
    %reduce_sum3A_17 = vector.multi_reduction <add>, %get3A_15, %reduce_sum3A_16 [1] : vector<128x128xf32> to vector<128xf32>
    %reshape3A = vector.shape_cast %reduce_sum3A_17 : vector<128xf32> to vector<1x128xf32>
    %get3A_18 = arith.constant 0 : index
    %get3A_19 = arith.constant 0 : index
    %get3A_20 = vector.load %arg3[%get3A_18, %get3A_19] : memref<1x128xf32, #tpu.memory_space<vmem>>, vector<1x128xf32>
    %add3A = arith.addf %reshape3A, %get3A_20 : vector<1x128xf32>
    %get3A_21 = arith.constant 0 : index
    %get3A_22 = arith.constant 0 : index
    %get3A_23 = vector.load %arg4[%get3A_21, %get3A_22] : memref<128x128xf32, #tpu.memory_space<vmem>>, vector<128x128xf32>
    %transpose3A = tpu.transpose %get3A_23, [1, 0] : vector<128x128xf32> -> vector<128x128xf32>
    %dot_general3A = arith.constant dense<0.000000e+00> : vector<10000x128xf32>
    %dot_general3A_24 = tpu.matmul %get3A_12, %transpose3A, %dot_general3A {dimension_numbers = #tpu.dot_dimension_numbers<[1], [0], [0], [1], [0, 0, 1, 1], [], []>, transpose_lhs_hint = false} : vector<10000x128xf32>, vector<128x128xf32>, vector<10000x128xf32> -> vector<10000x128xf32>
    %get3A_25 = arith.constant 0 : index
    %get3A_26 = arith.constant 0 : index
    %get3A_27 = vector.load %arg5[%get3A_25, %get3A_26] : memref<1x128xf32, #tpu.memory_space<vmem>>, vector<1x128xf32>
    %add3A_28 = vector.broadcast %get3A_27 : vector<1x128xf32> to vector<10000x128xf32>
    %add3A_29 = arith.addf %dot_general3A_24, %add3A_28 : vector<10000x128xf32>
    %get3A_30 = arith.constant 0 : index
    %get3A_31 = arith.constant 0 : index
    %get3A_32 = vector.load %arg6[%get3A_30, %get3A_31] : memref<128x128xf32, #tpu.memory_space<vmem>>, vector<128x128xf32>
    %transpose3A_33 = tpu.transpose %get3A_32, [1, 0] : vector<128x128xf32> -> vector<128x128xf32>
    %dot_general3A_34 = arith.constant dense<0.000000e+00> : vector<10000x128xf32>
    %dot_general3A_35 = tpu.matmul %get3A_12, %transpose3A_33, %dot_general3A_34 {dimension_numbers = #tpu.dot_dimension_numbers<[1], [0], [0], [1], [0, 0, 1, 1], [], []>, transpose_lhs_hint = false} : vector<10000x128xf32>, vector<128x128xf32>, vector<10000x128xf32> -> vector<10000x128xf32>
    %get3A_36 = arith.constant 0 : index
    %get3A_37 = arith.constant 0 : index
    %get3A_38 = vector.load %arg7[%get3A_36, %get3A_37] : memref<1x128xf32, #tpu.memory_space<vmem>>, vector<1x128xf32>
    %add3A_39 = vector.broadcast %get3A_38 : vector<1x128xf32> to vector<10000x128xf32>
    %add3A_40 = arith.addf %dot_general3A_35, %add3A_39 : vector<10000x128xf32>
    %iota3A = tpu.iota {dimensions = array<i32: 0>} : vector<128x4xi32>
    %iota3A_41 = tpu.iota {dimensions = array<i32: 1>} : vector<128x4xi32>
    %jit3A = arith.constant 32 : i32
    %div3A = vector.broadcast %jit3A : i32 to vector<128x4xi32>
    %div3A_42 = arith.divsi %iota3A, %div3A : vector<128x4xi32>
    %sign3A = arith.constant 0 : i32
    %sign3A_43 = vector.broadcast %sign3A : i32 to vector<128x4xi32>
    %sign3A_44 = arith.cmpi sgt, %iota3A, %sign3A_43 : vector<128x4xi32>
    %sign3A_45 = arith.extui %sign3A_44 : vector<128x4xi1> to vector<128x4xi32>
    %sign3A_46 = arith.constant 0 : i32
    %sign3A_47 = vector.broadcast %sign3A_46 : i32 to vector<128x4xi32>
    %sign3A_48 = arith.cmpi slt, %iota3A, %sign3A_47 : vector<128x4xi32>
    %sign3A_49 = arith.extui %sign3A_48 : vector<128x4xi1> to vector<128x4xi32>
    %sign3A_50 = arith.subi %sign3A_45, %sign3A_49 : vector<128x4xi32>
    %sign3A_51 = arith.constant 0 : i32
    %sign3A_52 = arith.cmpi sgt, %jit3A, %sign3A_51 : i32
    %sign3A_53 = arith.extui %sign3A_52 : i1 to i32
    %sign3A_54 = arith.constant 0 : i32
    %sign3A_55 = arith.cmpi slt, %jit3A, %sign3A_54 : i32
    %sign3A_56 = arith.extui %sign3A_55 : i1 to i32
    %sign3A_57 = arith.subi %sign3A_53, %sign3A_56 : i32
    %ne3A = vector.broadcast %sign3A_57 : i32 to vector<128x4xi32>
    %ne3A_58 = arith.cmpi ne, %sign3A_50, %ne3A : vector<128x4xi32>
    %rem3A = vector.broadcast %jit3A : i32 to vector<128x4xi32>
    %rem3A_59 = arith.remsi %iota3A, %rem3A : vector<128x4xi32>
    %ne3A_60 = arith.constant 0 : i32
    %ne3A_61 = vector.broadcast %ne3A_60 : i32 to vector<128x4xi32>
    %ne3A_62 = arith.cmpi ne, %rem3A_59, %ne3A_61 : vector<128x4xi32>
    %and3A = arith.andi %ne3A_58, %ne3A_62 : vector<128x4xi1>
    %sub3A_63 = arith.constant 1 : i32
    %sub3A_64 = vector.broadcast %sub3A_63 : i32 to vector<128x4xi32>
    %sub3A_65 = arith.subi %div3A_42, %sub3A_64 : vector<128x4xi32>
    %select_n3A = arith.select %and3A, %sub3A_65, %div3A_42 : vector<128x4xi1>, vector<128x4xi32>
    %eq3A = arith.cmpi eq, %select_n3A, %iota3A_41 : vector<128x4xi32>
    %convert_element_type3A = arith.extui %eq3A : vector<128x4xi1> to vector<128x4xi32>
    %convert_element_type3A_66 = arith.sitofp %convert_element_type3A : vector<128x4xi32> to vector<128x4xf32>
    %iota3A_67 = tpu.iota {dimensions = array<i32: 0>} : vector<50x10000xi32>
    %iota3A_68 = tpu.iota {dimensions = array<i32: 1>} : vector<50x10000xi32>
    %jit3A_69 = arith.constant 200 : i32
    %div3A_70 = vector.broadcast %jit3A_69 : i32 to vector<50x10000xi32>
    %div3A_71 = arith.divsi %iota3A_68, %div3A_70 : vector<50x10000xi32>
    %sign3A_72 = arith.constant 0 : i32
    %sign3A_73 = vector.broadcast %sign3A_72 : i32 to vector<50x10000xi32>
    %sign3A_74 = arith.cmpi sgt, %iota3A_68, %sign3A_73 : vector<50x10000xi32>
    %sign3A_75 = arith.extui %sign3A_74 : vector<50x10000xi1> to vector<50x10000xi32>
    %sign3A_76 = arith.constant 0 : i32
    %sign3A_77 = vector.broadcast %sign3A_76 : i32 to vector<50x10000xi32>
    %sign3A_78 = arith.cmpi slt, %iota3A_68, %sign3A_77 : vector<50x10000xi32>
    %sign3A_79 = arith.extui %sign3A_78 : vector<50x10000xi1> to vector<50x10000xi32>
    %sign3A_80 = arith.subi %sign3A_75, %sign3A_79 : vector<50x10000xi32>
    %sign3A_81 = arith.constant 0 : i32
    %sign3A_82 = arith.cmpi sgt, %jit3A_69, %sign3A_81 : i32
    %sign3A_83 = arith.extui %sign3A_82 : i1 to i32
    %sign3A_84 = arith.constant 0 : i32
    %sign3A_85 = arith.cmpi slt, %jit3A_69, %sign3A_84 : i32
    %sign3A_86 = arith.extui %sign3A_85 : i1 to i32
    %sign3A_87 = arith.subi %sign3A_83, %sign3A_86 : i32
    %ne3A_88 = vector.broadcast %sign3A_87 : i32 to vector<50x10000xi32>
    %ne3A_89 = arith.cmpi ne, %sign3A_80, %ne3A_88 : vector<50x10000xi32>
    %rem3A_90 = vector.broadcast %jit3A_69 : i32 to vector<50x10000xi32>
    %rem3A_91 = arith.remsi %iota3A_68, %rem3A_90 : vector<50x10000xi32>
    %ne3A_92 = arith.constant 0 : i32
    %ne3A_93 = vector.broadcast %ne3A_92 : i32 to vector<50x10000xi32>
    %ne3A_94 = arith.cmpi ne, %rem3A_91, %ne3A_93 : vector<50x10000xi32>
    %and3A_95 = arith.andi %ne3A_89, %ne3A_94 : vector<50x10000xi1>
    %sub3A_96 = arith.constant 1 : i32
    %sub3A_97 = vector.broadcast %sub3A_96 : i32 to vector<50x10000xi32>
    %sub3A_98 = arith.subi %div3A_71, %sub3A_97 : vector<50x10000xi32>
    %select_n3A_99 = arith.select %and3A_95, %sub3A_98, %div3A_71 : vector<50x10000xi1>, vector<50x10000xi32>
    %eq3A_100 = arith.cmpi eq, %select_n3A_99, %iota3A_67 : vector<50x10000xi32>
    %convert_element_type3A_101 = arith.extui %eq3A_100 : vector<50x10000xi1> to vector<50x10000xi32>
    %convert_element_type3A_102 = arith.sitofp %convert_element_type3A_101 : vector<50x10000xi32> to vector<50x10000xf32>
    %mul3A = vector.broadcast %add3A : vector<1x128xf32> to vector<10000x128xf32>
    %mul3A_103 = arith.mulf %add3A_29, %mul3A : vector<10000x128xf32>
    %dot_general3A_104 = arith.constant dense<0.000000e+00> : vector<10000x4xf32>
    %dot_general3A_105 = tpu.matmul %mul3A_103, %convert_element_type3A_66, %dot_general3A_104 {dimension_numbers = #tpu.dot_dimension_numbers<[1], [0], [0], [1], [0, 0, 1, 1], [], []>, transpose_lhs_hint = false} : vector<10000x128xf32>, vector<128x4xf32>, vector<10000x4xf32> -> vector<10000x4xf32>
    %div3A_106 = arith.constant 5.65685415 : f32
    %div3A_107 = vector.broadcast %div3A_106 : f32 to vector<10000x4xf32>
    %div3A_108 = arith.divf %dot_general3A_105, %div3A_107 : vector<10000x4xf32>
    %reduce_max3A_109 = vector.shape_cast %div3A_108 : vector<10000x4xf32> to vector<1x10000x4xf32>
    %reduce_max3A_110 = arith.constant dense<0xFF800000> : vector<1xf32>
    %reduce_max3A_111 = vector.multi_reduction <maximumf>, %reduce_max3A_109, %reduce_max3A_110 [1, 2] : vector<1x10000x4xf32> to vector<1xf32>
    %reduce_max3A_112 = vector.shape_cast %reduce_max3A_111 : vector<1xf32> to vector<1x1x1xf32>
    %reduce_max3A_113 = vector.extract %reduce_max3A_112[0, 0, 0] : f32 from vector<1x1x1xf32>
    %sub3A_114 = vector.broadcast %reduce_max3A_113 : f32 to vector<10000x4xf32>
    %sub3A_115 = arith.subf %div3A_108, %sub3A_114 : vector<10000x4xf32>
    %exp3A_116 = math.exp %sub3A_115 : vector<10000x4xf32>
    %dot_general3A_117 = arith.constant dense<0.000000e+00> : vector<50x4xf32>
    %dot_general3A_118 = tpu.matmul %convert_element_type3A_102, %exp3A_116, %dot_general3A_117 {dimension_numbers = #tpu.dot_dimension_numbers<[1], [0], [0], [1], [0, 0, 1, 1], [], []>, transpose_lhs_hint = false} : vector<50x10000xf32>, vector<10000x4xf32>, vector<50x4xf32> -> vector<50x4xf32>
    %transpose3A_119 = tpu.transpose %convert_element_type3A_102, [1, 0] : vector<50x10000xf32> -> vector<10000x50xf32>
    %dot_general3A_120 = arith.constant dense<0.000000e+00> : vector<10000x4xf32>
    %dot_general3A_121 = tpu.matmul %transpose3A_119, %dot_general3A_118, %dot_general3A_120 {dimension_numbers = #tpu.dot_dimension_numbers<[1], [0], [0], [1], [0, 0, 1, 1], [], []>, transpose_lhs_hint = false} : vector<10000x50xf32>, vector<50x4xf32>, vector<10000x4xf32> -> vector<10000x4xf32>
    %div3A_122 = arith.divf %exp3A_116, %dot_general3A_121 : vector<10000x4xf32>
    %transpose3A_123 = tpu.transpose %convert_element_type3A_66, [1, 0] : vector<128x4xf32> -> vector<4x128xf32>
    %dot_general3A_124 = arith.constant dense<0.000000e+00> : vector<10000x128xf32>
    %dot_general3A_125 = tpu.matmul %div3A_122, %transpose3A_123, %dot_general3A_124 {dimension_numbers = #tpu.dot_dimension_numbers<[1], [0], [0], [1], [0, 0, 1, 1], [], []>, transpose_lhs_hint = false} : vector<10000x4xf32>, vector<4x128xf32>, vector<10000x128xf32> -> vector<10000x128xf32>
    %mul3A_126 = arith.mulf %dot_general3A_125, %add3A_40 : vector<10000x128xf32>
    %dot_general3A_127 = arith.constant dense<0.000000e+00> : vector<50x128xf32>
    %dot_general3A_128 = tpu.matmul %convert_element_type3A_102, %mul3A_126, %dot_general3A_127 {dimension_numbers = #tpu.dot_dimension_numbers<[1], [0], [0], [1], [0, 0, 1, 1], [], []>, transpose_lhs_hint = false} : vector<50x10000xf32>, vector<10000x128xf32>, vector<50x128xf32> -> vector<50x128xf32>
    %get3A_129 = arith.constant 0 : index
    %get3A_130 = arith.constant 0 : index
    %get3A_131 = vector.load %arg8[%get3A_129, %get3A_130] : memref<128x128xf32, #tpu.memory_space<vmem>>, vector<128x128xf32>
    %transpose3A_132 = tpu.transpose %get3A_131, [1, 0] : vector<128x128xf32> -> vector<128x128xf32>
    %dot_general3A_133 = arith.constant dense<0.000000e+00> : vector<50x128xf32>
    %dot_general3A_134 = tpu.matmul %dot_general3A_128, %transpose3A_132, %dot_general3A_133 {dimension_numbers = #tpu.dot_dimension_numbers<[1], [0], [0], [1], [0, 0, 1, 1], [], []>, transpose_lhs_hint = false} : vector<50x128xf32>, vector<128x128xf32>, vector<50x128xf32> -> vector<50x128xf32>
    %get3A_135 = arith.constant 0 : index
    %get3A_136 = arith.constant 0 : index
    %get3A_137 = vector.load %arg9[%get3A_135, %get3A_136] : memref<1x128xf32, #tpu.memory_space<vmem>>, vector<1x128xf32>
    %add3A_138 = vector.broadcast %get3A_137 : vector<1x128xf32> to vector<50x128xf32>
    %add3A_139 = arith.addf %dot_general3A_134, %add3A_138 : vector<50x128xf32>
    %get3A_140 = arith.constant 0 : index
    %get3A_141 = arith.constant 0 : index
    %get3A_142 = vector.load %arg10[%get3A_140, %get3A_141] : memref<1x128xf32, #tpu.memory_space<vmem>>, vector<1x128xf32>
    %mul3A_143 = vector.broadcast %get3A_142 : vector<1x128xf32> to vector<50x128xf32>
    %mul3A_144 = arith.mulf %add3A_139, %mul3A_143 : vector<50x128xf32>
    %reduce_sum3A_145 = arith.constant dense<0.000000e+00> : vector<50xf32>
    %reduce_sum3A_146 = vector.multi_reduction <add>, %mul3A_144, %reduce_sum3A_145 [1] : vector<50x128xf32> to vector<50xf32>
    %broadcast_in_dim3A_147 = vector.shape_cast %reduce_sum3A_146 : vector<50xf32> to vector<50x1xf32>
    %get3A_148 = arith.constant 0 : index
    %get3A_149 = arith.constant 0 : index
    %get3A_150 = vector.load %arg11[%get3A_148, %get3A_149] : memref<1x1xf32, #tpu.memory_space<vmem>>, vector<1x1xf32>
    %get3A_151 = vector.extract %get3A_150[0, 0] : f32 from vector<1x1xf32>
    %add3A_152 = vector.broadcast %get3A_151 : f32 to vector<50x1xf32>
    %add3A_153 = arith.addf %broadcast_in_dim3A_147, %add3A_152 : vector<50x1xf32>
    %tanh3A = math.tanh %add3A_153 : vector<50x1xf32>
    %swap3A_154 = arith.constant 0 : index
    %swap3A_155 = arith.constant 0 : index
    %swap3A_156 = vector.load %arg13[%swap3A_154, %swap3A_155] : memref<50x1xf32, #tpu.memory_space<vmem>>, vector<50x1xf32>
    tpu.vector_store %arg13[%swap3A_154, %swap3A_155], %tanh3A {strides = array<i32>} : memref<50x1xf32, #tpu.memory_space<vmem>>, vector<50x1xf32>,
    return
  }
}

</mosaic_0001>

<sc_bundles>
// kernel: kernel.20.cloned.1.call-start
scs
__scs_entry_jumppad:
0x0: {  	(pc) =	sbr.rel $0x88, $3  }
0x1: {  	(tag) =	ssettag $0x0;
	lr =	simm.s32 $0x1  }
0x2: {  	[smem:$0x3F71] =	sst lr;
	_ =	strace $0xD0000000  }
0x3: {  	_ = 	snop  }
0x4: {  	_ = 	snop  }
0x5: {  	_ = 	snop  }
0x6: {  	_ = 	snop  }
0x7: {  	_ = 	snop  }
__scs_overlays_trampoline_lowered:
0x8: {  	[smem:$0x3F80] =	sst s0  }
0x9: {  	[smem:$0x3F81] =	sst s1  }
0xa: {  	[smem:$0x3F82] =	sst s2  }
0xb: {  	[smem:$0x3F83] =	sst s3  }
0xc: {  	[smem:$0x3F84] =	sst s4  }
0xd: {  	[smem:$0x3F85] =	sst s5  }
0xe: {  	[smem:$0x3F86] =	sst s6  }
0xf: {  	[smem:$0x3F87] =	sst s7  }
0x10: {  	[smem:$0x3F88] =	sst s8  }
0x11: {  	[smem:$0x3F89] =	sst s9;
	s0 =	simm.s32 @!p0 $0x0  }
0x12: {  	s1 =	sld [smem:$0x3F6F];
	s0 =	simm.s32 @p0 $0x1  }
0x13: {  	[smem:$0x3F8A] =	sst s0;
	s0 =	simm.s32 @!p1 $0x0  }
0x14: {  	s2 =	sld [smem:$0x3F6E];
	s0 =	simm.s32 @p1 $0x1  }
0x15: {  	[smem:$0x3F8B] =	sst s0;
	s0 =	simm.s32 @!p2 $0x0  }
0x16: {  	s3 =	sld [smem:$0x3FDB];
	s0 =	simm.s32 @p2 $0x1  }
0x17: {  	s4 =	simm.s32 $0x1BF5;
	[smem:$0x3F8D] =	sst s0  }
0x18: {  	s0 =	sld [smem:$0x3F70];
	_ =	swait.ge [sflag:s4], $0x0  }
0x19: {  	s7 =	sld [smem:$0x3F71]  }
0x1a: {  	s8 =	sadd.s32 $0xFFFFE003, lr  }
0x1b: {  	s9 =	sadd.s32 $0xFFFFFEF7, lr;
	s5 =	simm.s32 $0xFFFFFFFF;
	p2 =	slt.u32 s8, $0xFFFFF086  }
0x1c: {  	p1 =	slt.u32 s9, $0xF7A;
	s5 =	simm.s32 @!p2 $0x0  }
0x1d: {  	s5 =	simm.s32 @p1 $0x1;
	p0 =	seq.s32 s7, s2  }
0x1e: {  	s7 =	smul.u32 @!p0 $0xF7A, s2;
	p2 =	seq.s32 @!p0 s5, $0x0  }
0x1f: {  	s9 =	smul.u32 $0xF7A, s1;
	s8 =	simm.s32 @!p0 $0x1BF5;
	p2 =	por !p2, p0  }
0x20: {  	[sflag:s8] =	ssyncset.s32 @!p0 $0xFFFFF086;
	s6 =	sadd.s32 @!p0 s3, s7;
	s7 =	simm.s32 @!p0 $0x108  }
0x21: {  	s3 =	sadd.s32 s3, s9;
	s6 =	sadd.s32 @!p0 $0x88, s6;
	s7 =	simm.s32 @p2 $0x1082  }
0x22: {  	[simem:s7], [sflag:s8] =	dma.local @!p0 [hbm:s6], $0xF7A  }
0x23: {  	s9 =	sor.u32 $0xD0000000, s2;
	s6 =	simm.s32 $0x108;
	_ =	swait.ge @!p0 [sflag:s8], $0x0  }
0x24: {  	s3 =	sadd.s32 $0x88, s3;
	s6 =	simm.s32 @!p1 $0x1082;
	[sflag:s4] =	ssyncset.s32 $0xFFFFF086  }
0x25: {  	[simem:s6], [sflag:s4] =	dma.local [hbm:s3], $0xF7A  }
0x26: {  	[smem:$0x3F71] =	sst s1;
	(tag) =	ssettag s2;
	_ =	strace s9  }
0x27: {  	s1 =	sld [smem:$0x3F81]  }
0x28: {  	s2 =	sld [smem:$0x3F82]  }
0x29: {  	s4 =	sld [smem:$0x3F84]  }
0x2a: {  	p0 =	seq.s32 s5, $0x0;
	s5 =	sld [smem:$0x3F85]  }
0x2b: {  	s6 =	sld [smem:$0x3F86]  }
0x2c: {  	s7 =	sld [smem:$0x3F87]  }
0x2d: {  	s3 =	simm.s32 $0x108;
	s8 =	sld [smem:$0x3F88]  }
0x2e: {  	s3 =	simm.s32 @!p0 $0x1082;
	s9 =	sld [smem:$0x3F89]  }
0x2f: {  	lr =	sadd.s32 s0, s3;
	s0 =	sld [smem:$0x3F80]  }
0x30: {  	s3 =	sld [smem:$0x3F83]  }
0x31: {  	[smem:$0x3F8C] =	sst s10  }
0x32: {  	s10 =	sld [smem:$0x3F8A];
	_ =	sdelay $0x3  }
0x33: {  	p0 =	seq.s32 s10, $0x1;
	s10 =	sld [smem:$0x3F8C];
	_ =	sdelay $0x3  }
0x34: {  	[smem:$0x3F8C] =	sst s10  }
0x35: {  	s10 =	sld [smem:$0x3F8B];
	_ =	sdelay $0x3  }
0x36: {  	p1 =	seq.s32 s10, $0x1;
	s10 =	sld [smem:$0x3F8C];
	_ =	sdelay $0x3  }
0x37: {  	[smem:$0x3F8C] =	sst s10  }
0x38: {  	s10 =	sld [smem:$0x3F8D]  }
0x39: {  	_ = 	snop;
	(pc) =	sbr.ind lr, $3  }
0x3a: {  	_ = 	snop  }
0x3b: {  	_ = 	snop  }
0x3c: {  	p2 =	seq.s32 s10, $0x1;
	s10 =	sld [smem:$0x3F8C]  }
0x3d: {  	_ =	shalt  }
0x3e: {  	_ =	shalt  }
0x3f: {  	_ =	shalt  }
0x40: {  	_ =	shalt  }
0x41: {  	_ =	shalt  }
0x42: {  	_ =	shalt  }
0x43: {  	_ =	shalt  }
0x44: {  	_ =	shalt  }
0x45: {  	_ =	shalt  }
0x46: {  	_ =	shalt  }
0x47: {  	_ =	shalt  }
0x48: {  	_ =	shalt  }
0x49: {  	_ =	shalt  }
0x4a: {  	_ =	shalt  }
0x4b: {  	_ =	shalt  }
0x4c: {  	_ =	shalt  }
0x4d: {  	_ =	shalt  }
0x4e: {  	_ =	shalt  }
0x4f: {  	_ =	shalt  }
0x50: {  	_ =	shalt  }
0x51: {  	_ =	shalt  }
0x52: {  	_ =	shalt  }
0x53: {  	_ =	shalt  }
0x54: {  	_ =	shalt  }
0x55: {  	_ =	shalt  }
0x56: {  	_ =	shalt  }
0x57: {  	_ =	shalt  }
0x58: {  	_ =	shalt  }
0x59: {  	_ =	shalt  }
0x5a: {  	_ =	shalt  }
0x5b: {  	_ =	shalt  }
0x5c: {  	_ =	shalt  }
0x5d: {  	_ =	shalt  }
0x5e: {  	_ =	shalt  }
0x5f: {  	_ =	shalt  }
0x60: {  	_ =	shalt  }
0x61: {  	_ =	shalt  }
0x62: {  	_ =	shalt  }
0x63: {  	_ =	shalt  }
0x64: {  	_ =	shalt  }
0x65: {  	_ =	shalt  }
0x66: {  	_ =	shalt  }
0x67: {  	_ =	shalt  }
0x68: {  	_ =	shalt  }
0x69: {  	_ =	shalt  }
0x6a: {  	_ =	shalt  }
0x6b: {  	_ =	shalt  }
0x6c: {  	_ =	shalt  }
0x6d: {  	_ =	shalt  }
0x6e: {  	_ =	shalt  }
0x6f: {  	_ =	shalt  }
0x70: {  	_ =	shalt  }
0x71: {  	_ =	shalt  }
0x72: {  	_ =	shalt  }
0x73: {  	_ =	shalt  }
0x74: {  	_ =	shalt  }
0x75: {  	_ =	shalt  }
0x76: {  	_ =	shalt  }
0x77: {  	_ =	shalt  }
0x78: {  	_ =	shalt  }
0x79: {  	_ =	shalt  }
0x7a: {  	_ =	shalt  }
0x7b: {  	_ =	shalt  }
0x7c: {  	_ =	shalt  }
0x7d: {  	_ =	shalt  }
0x7e: {  	_ =	shalt  }
0x7f: {  	_ =	shalt  }
0x80: {  	_ =	shalt  }
0x81: {  	_ =	shalt  }
0x82: {  	_ =	shalt  }
0x83: {  	_ =	shalt  }
0x84: {  	_ =	shalt  }
0x85: {  	_ =	shalt  }
0x86: {  	_ =	shalt  }
0x87: {  	_ =	shalt  }
.Lfunc_end0:
.L_simem_size_0:
called_computation_lowered:
.L_overlay_start_0:
0x88: {  	s2 =	sld [smem:$0x3FD9]  }
0x89: {  	s3 =	sld [smem:$0x3FFE];
	_ =	sdelay $0x1  }
0x8a: {  	s1 =	srdreg.scid  }
0x8b: {  	s0 =	sand.u32 $0x1, s1  }
0x8c: {  	s14 =	sshll.u32 s0, $0xA;
	s2 =	sadd.s32 s3, s2  }
0x8d: {  	s2 =	sadd.s32 s2, s14  }
0x8e: {  	[smem:$0x3F98] =	sst s2  }
0x8f: {  	_ = 	snop  }
0x90: {  	s2 =	sld [smem:$0x3FD0];
	_ =	sdelay $0x2  }
0x91: {  	s15 =	simm.s32 $0xA;
	s4 =	simm.s32 $0x10  }
0x92: {  	[smem:s4], [sflag:s15] =	dma.local [hbm:s2], $0x1  }
0x93: {  	_ =	swait.eq [sflag:s15], $0x1  }
0x94: {  	[sflag:s15] =	ssyncset.done $0x0  }
0x95: {  	[sflag:s15] =	ssyncadd.s32 $0xFFFFFFFF  }
0x96: {  	s16 =	sld [smem:$0x10];
	(tm) =	ssettm $0x1  }
0x97: {  	s17 =	sld [smem:$0x3FFB];
	_ =	sdelay $0x3  }
0x98: {  	_ =	strace s17  }
0x99: {  	s3 =	sld [smem:$0x3FFC];
	_ =	sdelay $0x3  }
0x9a: {  	_ =	strace s3  }
0x9b: {  	s3 =	sld [smem:$0x3FFD];
	_ =	sdelay $0x3  }
0x9c: {  	_ =	strace s3  }
0x9d: {  	_ =	strace $0x8FFFFFFF  }
0x9e: {  	s18 =	sld [smem:$0x3FDB];
	_ =	sdelay $0x1  }
0x9f: {  	s19 =	simm.s32 $_scs_section_size  }
0xa0: {  	s5 =	simm.s32 $_size__tile_overlayer_lowered;
	s6 =	simm.s32 $_tile_overlayer_lowered  }
0xa1: {  	s22 =	simm.s32 $0x1BFF;
	s21 =	sshll.u32 s6, $0x1;
	s3 =	sadd.s32 s19, s18  }
0xa2: {  	s7 =	simm.s32 $0x0;
	s20 =	sshll.u32 s5, $0x1;
	s5 =	sadd.s32 s21, s3  }
0xa3: {  	[timem:s7], [sflag:s22] =	dma.local [hbm:s5], s20  }
0xa4: {  	_ =	swait.ge [sflag:s22], s20  }
0xa5: {  	s4 =	ssub.s32 $0x0, s20;
	[sflag:s22] =	ssyncset.done $0x0  }
0xa6: {  	[sflag:s22] =	ssyncadd.s32 s4;
	_ =	sdelay $0x1  }
0xa7: {  	s23 =	simm.s32 $0x1B8B  }
0xa8: {  	_ =	swait.ge [sflag:s23], $0x1  }
0xa9: {  	[sflag:s23] =	ssyncset.done $0x0  }
0xaa: {  	s25 =	simm.s32 $0x1B8E;
	s24 =	sld [smem:$0x3FFE];
	[sflag:s23] =	ssyncadd.s32 $0xFFFFFFFF  }
0xab: {  	s26 =	simm.s32 $execute0_lowered;
	[smem:$0x3FD2] =	sst s25  }
0xac: {  	s5 =	sshll.u32 s26, $0x1;
	_ =	strace $0x80000046;
	[dreg:$0x1] =	wrdreg $0xFFFFFFFF  }
0xad: {  	s28 =	simm.s32 $_size_execute0_lowered;
	s3 =	sadd.s32 s3, s5;
	[dreg:$0x0] =	wrdreg $0x0  }
0xae: {  	s5 =	sshll.u32 s28, $0x1;
	[dreg:$0x2] =	wrdreg s3  }
0xaf: {  	[dreg:$0x3] =	wrdreg s5  }
0xb0: {  	[dreg:$0x4] =	wrdreg $0xC0  }
0xb1: {  	_ =	task [dreg:s7], $0x5FFFF  }
0xb2: {  	[dreg:$0x1] =	wrdreg $0xFFFFFFFF  }
0xb3: {  	[dreg:$0x0] =	wrdreg $0x60  }
0xb4: {  	[dreg:$0x2] =	wrdreg s16  }
0xb5: {  	[dreg:$0x3] =	wrdreg s24  }
0xb6: {  	[dreg:$0x4] =	wrdreg $0x9  }
0xb7: {  	_ =	task.clear_ibuf [dreg:s7], $0x5FFFF;
	_ =	strace $0x90000046  }
0xb8: {  	s29 =	simm.s32 $0x9;
	_ =	strace $0x80000048  }
0xb9: {  	_ =	swait.ge [sflag:s29], $0x1  }
0xba: {  	[sflag:s29] =	ssyncadd.s32 $0xFFFFFFFF  }
0xbb: {  	_ =	strace $0x90000048  }
0xbc: {  	_ =	sfence  }
0xbd: {  	s30 =	sld [smem:$0x0];
	_ =	sdelay $0x2  }
0xbe: {  	s31 =	sshll.u32 s1, $0xD;
	s1 =	sshrl.u32 s1, $0x2  }
0xbf: {  	s3 =	sand.u32 $0x4000, s31;
	s1 =	sadd.s32 s1, s30  }
0xc0: {  	s0 =	sor.u32 s3, s0;
	s1 =	sshll.u32 s1, $0x11  }
0xc1: {  	s0 =	sor.u32 s1, s0  }
0xc2: {  	s0 =	sadd.s32 $0x8F2B, s0  }
0xc3: {  	[sflag:s0] =	ssyncadd.remote.s32 $0x1  }
0xc4: {  	_ =	sfence.sel $0xFFFF  }
0xc5: {  	[dreg:$0x0] =	wrdreg $0xFFFFFFFF;
	(pc) =	sbr.abs _section_cstart, $3  }
0xc6: {  	[dreg:$0x1] =	wrdreg $0xFFFFFFFF  }
0xc7: {  	_ =	task.clear_ibuf [dreg:s7], $0x2FFFF;
	_ =	strace $0x9FFFFFFF  }
0xc8: {  	(tm) =	ssettm $0x7FFFFFFF  }
0xc9: {  	_ =	shalt  }
tec
execute0_lowered:
.L_overlay_start_1:
0x0: {  	(tag) =	ssettag $0x1  }
0x1: {  	s2 =	rddreg [dreg:$0x0];
	s1 =	srdreg.scid  }
0x2: {  	s0 =	stileid.u32;
	s5 =	rddreg [dreg:$0x1]  }
0x3: {  	s3 =	simm.s32 $0x0;
	s12 =	simm.s32 $0x2C00;
	s13 =	simm.s32 $0x5800  }
0x4: {  	s14 =	simm.s32 $0x8000;
	s15 =	simm.s32 $0xA800;
	s16 =	simm.s32 $0xD000  }
0x5: {  	s17 =	simm.s32 $0x0;
	s6 =	sand.u32 $0x1, s1;
	s1 =	rddreg [dreg:$0x2]  }
0x6: {  	s4 =	sshll.u32 s0, $0x1;
	[smem:$0x7FF] =	sst s3;
	s10 =	smul.u32 $0x5100, s0  }
0x7: {  	s4 =	sor.u32 s6, s4;
	s9 =	ssub.s32 $0x2, s6;
	s11 =	smul.u32 $0x2880, s6  }
0x8: {  	_ =	strace $0x80000047;
	s7 =	smul.u32 $0x580, s4;
	s31 =	sshrl.u32 s9, $0x1  }
0x9: {  	s8 =	smul.u32 $0x500, s4;
	s4 =	sadd.s32 $0x21600, s5;
	s9 =	ssub.s32 s9, s31  }
0xa: {  	s10 =	sadd.s32 s11, s10;
	s11 =	simm.s32 $0x1;
	s7 =	sadd.s32 s7, s5  }
0xb: {  	s8 =	sadd.s32 s8, s5;
	s9 =	smax.u32 s9, $0x1;
	s5 =	sadd.s32 $0xB600, s7  }
0xc: {  	v0 =	vimm.f32 $0.0e+00;
	s6 =	sadd.s32 $0x16600, s7;
	s7 =	sadd.s32 $0x49C00, s7;
	s8 =	sadd.s32 $0x54C00, s8  }
.LBB2_1:
0xd: {  	[tilespmem:s3], [sflag:$0x1] =	stream.linear.gather [hbm4b:s5+s3], $0x2880, $0x38;
	[tilespmem:$0xFC00] =	vst v63  }
0xe: {  	_ =	swait.ge [sflag:s11], $0x2880  }
0xf: {  	[sflag:s11] =	ssyncset.done $0x0  }
0x10: {  	[sflag:s11] =	ssyncadd.s32 $0xFFFFD780  }
0x11: {  	[tilespmem:s12], [sflag:$0x1] =	stream.linear.gather [hbm4b:s6+s3], $0x2880, $0x38;
	[tilespmem:$0xFC00] =	vst v63  }
0x12: {  	_ =	swait.ge [sflag:s11], $0x2880  }
0x13: {  	[sflag:s11] =	ssyncset.done $0x0  }
0x14: {  	[sflag:s11] =	ssyncadd.s32 $0xFFFFD780  }
0x15: {  	[tilespmem:s13], [sflag:$0x1] =	stream.linear.gather [hbm4b:s2+s3], $0x2800, $0x38;
	[tilespmem:$0xFC00] =	vst v63  }
0x16: {  	_ =	swait.ge [sflag:s11], $0x2800  }
0x17: {  	[sflag:s11] =	ssyncset.done $0x0  }
0x18: {  	[sflag:s11] =	ssyncadd.s32 $0xFFFFD800  }
0x19: {  	[tilespmem:s14], [sflag:$0x1] =	stream.linear.gather [hbm4b:s4+s3], $0x2800, $0x38;
	[tilespmem:$0xFC00] =	vst v63  }
0x1a: {  	_ =	swait.ge [sflag:s11], $0x2800  }
0x1b: {  	[sflag:s11] =	ssyncset.done $0x0  }
0x1c: {  	s18 =	simm.s32 $0x0;
	[sflag:s11] =	ssyncadd.s32 $0xFFFFD800  }
.LBB2_2:
0x1d: {  	p0 =	sne.s32 s18, $0x9FC0  }
.Ltmp0:
0x1e: {  	_ = 	snop;
	(pc) =	sbr.rel @p0 .LBB2_2-.Ltmp0, $3  }
0x1f: {  	_ =	sdelay $0x1  }
0x20: {  	s19 =	sshra.s32 s18, $0x2  }
0x21: {  	s18 =	sadd.s32 $0x40, s18;
	[tilespmem:s19+$0xA800] =	vst v0  }
0x22: {  	s19 =	simm.s32 $0x0  }
0x23: {  	v2 =	vld [tilespmem:s19+$0x8000]  }
0x24: {  	v1 =	vimm.f32 $-3.000000010e+38;
	s18 =	simm.s32 $0x40;
	v3 =	vimm.f32 $-3.000000010e+38;
	v4 =	vld [tilespmem:s19+$0x5800]  }
.LBB2_4:
0x25: {  	p0 =	sne.s32 s18, $0x9FC0  }
.Ltmp1:
0x26: {  	_ = 	snop;
	(pc) =	sbr.rel @p0 .LBB2_4-.Ltmp1, $4  }
0x27: {  	_ = 	snop  }
0x28: {  	s19 =	sshra.s32 s18, $0x2;
	s18 =	sadd.s32 $0x40, s18;
	v1 =	vmax.f32 v1, v2  }
0x29: {  	v2 =	vld [tilespmem:s19+$0x8000];
	v3 =	vmax.f32 v3, v4  }
0x2a: {  	v4 =	vld [tilespmem:s19+$0x5800]  }
0x2b: {  	_ =	sdelay $0x3  }
0x2c: {  	v3 =	vmax.f32 v3, v4  }
0x2d: {  	v1 =	vmax.f32 v1, v2;
	(xrf0) =	vmax.scan.msk.f32 $0xffff, v3  }
0x2e: {  	(xrf0) =	vmax.scan.msk.f32 $0xffff, v1;
	_ =	sdelay $0x4  }
0x2f: {  	v1, _, _ =	vpop (xrf0)  }
0x30: {  	(v2sf) =	vpush v1, $0xF;
	v1, _, _ =	vpop (xrf0)  }
0x31: {  	(v2sf) =	vpush v1, $0xF;
	_ =	sdelay $0xd  }
0x32: {  	s18 =	spop (v2sf)  }
0x33: {  	s19 =	spop (v2sf)  }
0x34: {  	s18 =	sadd.f32 s19, s18;
	_ =	sdelay $0x1  }
0x35: {  	s19 =	smul.f32 $2.000000030e-01, s18;
	_ =	sdelay $0x1  }
0x36: {  	s20 =	simm.s32 $0xD000;
	s21 =	smov.u32 s10;
	s19 =	smax.f32 s18, s19  }
0x37: {  	s22 =	simm.s32 $0x0;
	s18 =	simm.s32 $0x0;
	v1 =	vmov s19;
	s19 =	simm.s32 $0x2C00  }
.LBB2_6:
0x38: {  	v3 =	vmov s19  }
0x39: {  	v4 =	vmov s18;
	_ =	sdelay $0x2  }
0x3a: {  	s23 =	simm.s32 $0x0  }
0x3b: {  	v5 =	vld.idx.msk [tilespmem:v3+s23+$0x0 ss:$0x1], $0xffff  }
0x3c: {  	v2 =	vld.idx.msk [tilespmem:v4+s23+$0x0 ss:$0x1], $0xffff;
	_ =	sdelay $0x6  }
0x3d: {  	v6 =	vld.idx.msk [tilespmem:v5+s14+$0x0], $0xffff  }
0x3e: {  	v2 =	vld.idx.msk [tilespmem:v2+s13+$0x0], $0xffff;
	_ =	sdelay $0x4  }
0x3f: {  	v2 =	vadd.f32 v6, v2;
	_ =	sdelay $0x1  }
0x40: {  	v6 =	vmul.f32 $2.000000030e-01, v2  }
0x41: {  	vm0 =	vge.f32 v2, $0.0e+00  }
0x42: {  	v2 =	vsel vm0, v2, v6  }
0x43: {  	v2 =	vsub.f32 v2, v1;
	_ =	sdelay $0x1  }
0x44: {  	v2 =	vmul.f32 $1.442695020e+00, v2;
	_ =	sdelay $0x1  }
0x45: {  	(erf) = vpow2.f32 v2;
	_ =	sdelay $0x5  }
0x46: {  	v2 =	vmov s20;
	_ =	sdelay $0x2  }
0x47: {  	p0 =	slt.u32 s21, $0x50910;
	v6 =	vpop (erf)  }
0x48: {  	v6 =	vpsel !p0, $0x0, v6  }
0x49: {  	[tilespmem:v2+s23+$0x0 ss:$0x1] =	vst.idx.msk $0xffff, v6  }
0x4a: {  	s23 =	simm.s32 $0x10;
	[tilespmem:v5+s15+$0x0] =	vst.idx.add.f32.msk $0xffff, v6  }
0x4b: {  	v5 =	vld.idx.msk [tilespmem:v3+s23+$0x0 ss:$0x1], $0xffff  }
0x4c: {  	s25 =	simm.s32 $0x80;
	s24 =	smov.u32 s21;
	v6 =	vld.idx.msk [tilespmem:v4+s23+$0x0 ss:$0x1], $0xffff  }
.LBB2_7:
0x4d: {  	p0 =	sne.s32 s25, $0x1C0;
	_ =	sdelay $0x5  }
0x4e: {  	v7 =	vld.idx.msk [tilespmem:v5+s14+$0x0], $0xffff  }
0x4f: {  	v6 =	vld.idx.msk [tilespmem:v6+s13+$0x0], $0xffff;
	_ =	sdelay $0x5  }
0x50: {  	v6 =	vadd.f32 v7, v6;
	_ =	sdelay $0x1  }
0x51: {  	v7 =	vmul.f32 $2.000000030e-01, v6  }
0x52: {  	vm0 =	vge.f32 v6, $0.0e+00  }
0x53: {  	v6 =	vsel vm0, v6, v7  }
0x54: {  	v6 =	vsub.f32 v6, v1;
	_ =	sdelay $0x1  }
0x55: {  	v6 =	vmul.f32 $1.442695020e+00, v6;
	_ =	sdelay $0x1  }
0x56: {  	(erf) = vpow2.f32 v6;
	_ =	sdelay $0x7  }
0x57: {  	s24 =	sadd.s32 $0x10, s24  }
0x58: {  	p1 =	slt.u32 s24, $0x50910;
	v6 =	vpop (erf)  }
.Ltmp2:
0x59: {  	v6 =	vpsel !p1, $0x0, v6;
	(pc) =	sbr.rel @p0 .LBB2_7-.Ltmp2, $4  }
0x5a: {  	[tilespmem:v2+s23+$0x0 ss:$0x1] =	vst.idx.msk $0xffff, v6  }
0x5b: {  	s23 =	sshra.s32 s25, $0x2;
	[tilespmem:v5+s15+$0x0] =	vst.idx.add.f32.msk $0xffff, v6  }
0x5c: {  	v5 =	vld.idx.msk [tilespmem:v3+s23+$0x0 ss:$0x1], $0xffff  }
0x5d: {  	s25 =	sadd.s32 $0x40, s25;
	v6 =	vld.idx.msk [tilespmem:v4+s23+$0x0 ss:$0x1], $0xffff  }
0x5e: {  	_ =	sdelay $0x6  }
0x5f: {  	v3 =	vld.idx.msk [tilespmem:v5+s14+$0x0], $0xffff  }
0x60: {  	v4 =	vld.idx.msk [tilespmem:v6+s13+$0x0], $0xffff;
	_ =	sdelay $0x4  }
0x61: {  	v3 =	vadd.f32 v3, v4;
	_ =	sdelay $0x1  }
0x62: {  	v4 =	vmul.f32 $2.000000030e-01, v3  }
0x63: {  	vm0 =	vge.f32 v3, $0.0e+00  }
0x64: {  	v3 =	vsel vm0, v3, v4  }
0x65: {  	v3 =	vsub.f32 v3, v1;
	_ =	sdelay $0x1  }
0x66: {  	v3 =	vmul.f32 $1.442695020e+00, v3;
	_ =	sdelay $0x1  }
0x67: {  	(erf) = vpow2.f32 v3;
	_ =	sdelay $0x7  }
0x68: {  	s24 =	sadd.s32 $0x10, s24  }
0x69: {  	s22 =	sadd.s32 $0x1, s22;
	p0 =	slt.u32 s24, $0x50910;
	v3 =	vpop (erf)  }
0x6a: {  	v3 =	vpsel !p0, $0x0, v3;
	p0 =	sne.s32 s22, $0x51  }
.Ltmp3:
0x6b: {  	_ = 	snop;
	(pc) =	sbr.rel @p0 .LBB2_6-.Ltmp3, $3  }
0x6c: {  	_ =	sdelay $0x1  }
0x6d: {  	s21 =	sadd.s32 $0x80, s21;
	[tilespmem:v2+s23+$0x0 ss:$0x1] =	vst.idx.msk $0xffff, v3  }
0x6e: {  	s18 =	sadd.s32 $0x80, s18;
	s19 =	sadd.s32 $0x80, s19;
	s20 =	sadd.s32 $0x80, s20;
	[tilespmem:v5+s15+$0x0] =	vst.idx.add.f32.msk $0xffff, v3  }
0x6f: {  	[hbm4b:s7+s3] =	stream.linear.scatter [tilespmem:s16], [sflag:$0x1], $0x2880, $0x38;
	[tilespmem:$0xFC00] =	vst v63  }
0x70: {  	s17 =	sadd.s32 $0x1, s17;
	_ =	swait.ge [sflag:s11], $0x2880  }
0x71: {  	p0 =	sne.s32 s17, s9;
	[sflag:s11] =	ssyncset.done $0x0  }
.Ltmp4:
0x72: {  	[sflag:s11] =	ssyncadd.s32 $0xFFFFD780;
	(pc) =	sbr.rel @p0 .LBB2_1-.Ltmp4, $4  }
0x73: {  	[hbm4b:s8+s3] =	stream.linear.scatter [tilespmem:s15], [sflag:$0x1], $0x2800, $0x38;
	[tilespmem:$0xFC00] =	vst v63  }
0x74: {  	_ =	swait.ge [sflag:s11], $0x2800  }
0x75: {  	[sflag:s11] =	ssyncset.done $0x0  }
0x76: {  	[sflag:s11] =	ssyncadd.s32 $0xFFFFD800  }
0x77: {  	_ =	sfence.sel $0x180000  }
0x78: {  	[bflag:$0x0] =	sbarrier.arrive $0xFFFF  }
0x79: {  	p0 =	sne.s32 s0, $0x0;
	_ =	strace $0x90000047  }
0x7a: {  	s0 =	sadd.s32 @!p0 $0x100000, s1;
	[bflag:$0x2] =	sbarrier.arrive $0xFFFF  }
0x7b: {  	[sflag:s0] =	ssyncadd.tile.s32 @!p0 $0x1;
	_ =	shalt  }
.Lfunc_end2:
_tile_overlayer_lowered:
.L_overlay_start_2:
0x7c: {  	(tag) =	ssettag $0x2  }
0x7d: {  	s0 =	rddreg [dreg:$0x0];
	s2 =	stileid.u32  }
0x7e: {  	s1 =	rddreg [dreg:$0x1];
	p0 =	sne.s32 s2, $0x0  }
0x7f: {  	s3 =	rddreg [dreg:$0x2];
	[bflag:$0x3] =	sbarrier.arrive $0xFFFF;
	s2 =	simm.s32 @!p0 $0x1C01  }
0x80: {  	[timem:s3], [sflag:s2] =	dma.local @!p0 [hbm:s0], s1  }
0x81: {  	s0 =	simm.s32 @!p0 $0x1  }
0x82: {  	_ =	swait.ge @!p0 [sflag:s0], s1  }
0x83: {  	s1 =	ssub.s32 @!p0 $0x0, s1;
	[sflag:s0] =	ssyncset.done @!p0 $0x0  }
0x84: {  	[sflag:s0] =	ssyncadd.s32 @!p0 s1  }
0x85: {  	[bflag:$0x3] =	sbarrier.arrive $0xFFFF  }
0x86: {  	_ =	shalt  }

// kernel: kernel.23.cloned.1.call-start
scs
__scs_entry_jumppad:
0x0: {  	(pc) =	sbr.rel $0x88, $3  }
0x1: {  	(tag) =	ssettag $0x0;
	lr =	simm.s32 $0x1  }
0x2: {  	[smem:$0x3F71] =	sst lr;
	_ =	strace $0xD0000000  }
0x3: {  	_ = 	snop  }
0x4: {  	_ = 	snop  }
0x5: {  	_ = 	snop  }
0x6: {  	_ = 	snop  }
0x7: {  	_ = 	snop  }
__scs_overlays_trampoline_lowered:
0x8: {  	[smem:$0x3F80] =	sst s0  }
0x9: {  	[smem:$0x3F81] =	sst s1  }
0xa: {  	[smem:$0x3F82] =	sst s2  }
0xb: {  	[smem:$0x3F83] =	sst s3  }
0xc: {  	[smem:$0x3F84] =	sst s4  }
0xd: {  	[smem:$0x3F85] =	sst s5  }
0xe: {  	[smem:$0x3F86] =	sst s6  }
0xf: {  	[smem:$0x3F87] =	sst s7  }
0x10: {  	[smem:$0x3F88] =	sst s8  }
0x11: {  	[smem:$0x3F89] =	sst s9;
	s0 =	simm.s32 @!p0 $0x0  }
0x12: {  	s1 =	sld [smem:$0x3F6F];
	s0 =	simm.s32 @p0 $0x1  }
0x13: {  	[smem:$0x3F8A] =	sst s0;
	s0 =	simm.s32 @!p1 $0x0  }
0x14: {  	s2 =	sld [smem:$0x3F6E];
	s0 =	simm.s32 @p1 $0x1  }
0x15: {  	[smem:$0x3F8B] =	sst s0;
	s0 =	simm.s32 @!p2 $0x0  }
0x16: {  	s3 =	sld [smem:$0x3FDB];
	s0 =	simm.s32 @p2 $0x1  }
0x17: {  	s4 =	simm.s32 $0x1BF5;
	[smem:$0x3F8D] =	sst s0  }
0x18: {  	s0 =	sld [smem:$0x3F70];
	_ =	swait.ge [sflag:s4], $0x0  }
0x19: {  	s7 =	sld [smem:$0x3F71]  }
0x1a: {  	s8 =	sadd.s32 $0xFFFFE003, lr  }
0x1b: {  	s9 =	sadd.s32 $0xFFFFFEF7, lr;
	s5 =	simm.s32 $0xFFFFFFFF;
	p2 =	slt.u32 s8, $0xFFFFF086  }
0x1c: {  	p1 =	slt.u32 s9, $0xF7A;
	s5 =	simm.s32 @!p2 $0x0  }
0x1d: {  	s5 =	simm.s32 @p1 $0x1;
	p0 =	seq.s32 s7, s2  }
0x1e: {  	s7 =	smul.u32 @!p0 $0xF7A, s2;
	p2 =	seq.s32 @!p0 s5, $0x0  }
0x1f: {  	s9 =	smul.u32 $0xF7A, s1;
	s8 =	simm.s32 @!p0 $0x1BF5;
	p2 =	por !p2, p0  }
0x20: {  	[sflag:s8] =	ssyncset.s32 @!p0 $0xFFFFF086;
	s6 =	sadd.s32 @!p0 s3, s7;
	s7 =	simm.s32 @!p0 $0x108  }
0x21: {  	s3 =	sadd.s32 s3, s9;
	s6 =	sadd.s32 @!p0 $0x88, s6;
	s7 =	simm.s32 @p2 $0x1082  }
0x22: {  	[simem:s7], [sflag:s8] =	dma.local @!p0 [hbm:s6], $0xF7A  }
0x23: {  	s9 =	sor.u32 $0xD0000000, s2;
	s6 =	simm.s32 $0x108;
	_ =	swait.ge @!p0 [sflag:s8], $0x0  }
0x24: {  	s3 =	sadd.s32 $0x88, s3;
	s6 =	simm.s32 @!p1 $0x1082;
	[sflag:s4] =	ssyncset.s32 $0xFFFFF086  }
0x25: {  	[simem:s6], [sflag:s4] =	dma.local [hbm:s3], $0xF7A  }
0x26: {  	[smem:$0x3F71] =	sst s1;
	(tag) =	ssettag s2;
	_ =	strace s9  }
0x27: {  	s1 =	sld [smem:$0x3F81]  }
0x28: {  	s2 =	sld [smem:$0x3F82]  }
0x29: {  	s4 =	sld [smem:$0x3F84]  }
0x2a: {  	p0 =	seq.s32 s5, $0x0;
	s5 =	sld [smem:$0x3F85]  }
0x2b: {  	s6 =	sld [smem:$0x3F86]  }
0x2c: {  	s7 =	sld [smem:$0x3F87]  }
0x2d: {  	s3 =	simm.s32 $0x108;
	s8 =	sld [smem:$0x3F88]  }
0x2e: {  	s3 =	simm.s32 @!p0 $0x1082;
	s9 =	sld [smem:$0x3F89]  }
0x2f: {  	lr =	sadd.s32 s0, s3;
	s0 =	sld [smem:$0x3F80]  }
0x30: {  	s3 =	sld [smem:$0x3F83]  }
0x31: {  	[smem:$0x3F8C] =	sst s10  }
0x32: {  	s10 =	sld [smem:$0x3F8A];
	_ =	sdelay $0x3  }
0x33: {  	p0 =	seq.s32 s10, $0x1;
	s10 =	sld [smem:$0x3F8C];
	_ =	sdelay $0x3  }
0x34: {  	[smem:$0x3F8C] =	sst s10  }
0x35: {  	s10 =	sld [smem:$0x3F8B];
	_ =	sdelay $0x3  }
0x36: {  	p1 =	seq.s32 s10, $0x1;
	s10 =	sld [smem:$0x3F8C];
	_ =	sdelay $0x3  }
0x37: {  	[smem:$0x3F8C] =	sst s10  }
0x38: {  	s10 =	sld [smem:$0x3F8D]  }
0x39: {  	_ = 	snop;
	(pc) =	sbr.ind lr, $3  }
0x3a: {  	_ = 	snop  }
0x3b: {  	_ = 	snop  }
0x3c: {  	p2 =	seq.s32 s10, $0x1;
	s10 =	sld [smem:$0x3F8C]  }
0x3d: {  	_ =	shalt  }
0x3e: {  	_ =	shalt  }
0x3f: {  	_ =	shalt  }
0x40: {  	_ =	shalt  }
0x41: {  	_ =	shalt  }
0x42: {  	_ =	shalt  }
0x43: {  	_ =	shalt  }
0x44: {  	_ =	shalt  }
0x45: {  	_ =	shalt  }
0x46: {  	_ =	shalt  }
0x47: {  	_ =	shalt  }
0x48: {  	_ =	shalt  }
0x49: {  	_ =	shalt  }
0x4a: {  	_ =	shalt  }
0x4b: {  	_ =	shalt  }
0x4c: {  	_ =	shalt  }
0x4d: {  	_ =	shalt  }
0x4e: {  	_ =	shalt  }
0x4f: {  	_ =	shalt  }
0x50: {  	_ =	shalt  }
0x51: {  	_ =	shalt  }
0x52: {  	_ =	shalt  }
0x53: {  	_ =	shalt  }
0x54: {  	_ =	shalt  }
0x55: {  	_ =	shalt  }
0x56: {  	_ =	shalt  }
0x57: {  	_ =	shalt  }
0x58: {  	_ =	shalt  }
0x59: {  	_ =	shalt  }
0x5a: {  	_ =	shalt  }
0x5b: {  	_ =	shalt  }
0x5c: {  	_ =	shalt  }
0x5d: {  	_ =	shalt  }
0x5e: {  	_ =	shalt  }
0x5f: {  	_ =	shalt  }
0x60: {  	_ =	shalt  }
0x61: {  	_ =	shalt  }
0x62: {  	_ =	shalt  }
0x63: {  	_ =	shalt  }
0x64: {  	_ =	shalt  }
0x65: {  	_ =	shalt  }
0x66: {  	_ =	shalt  }
0x67: {  	_ =	shalt  }
0x68: {  	_ =	shalt  }
0x69: {  	_ =	shalt  }
0x6a: {  	_ =	shalt  }
0x6b: {  	_ =	shalt  }
0x6c: {  	_ =	shalt  }
0x6d: {  	_ =	shalt  }
0x6e: {  	_ =	shalt  }
0x6f: {  	_ =	shalt  }
0x70: {  	_ =	shalt  }
0x71: {  	_ =	shalt  }
0x72: {  	_ =	shalt  }
0x73: {  	_ =	shalt  }
0x74: {  	_ =	shalt  }
0x75: {  	_ =	shalt  }
0x76: {  	_ =	shalt  }
0x77: {  	_ =	shalt  }
0x78: {  	_ =	shalt  }
0x79: {  	_ =	shalt  }
0x7a: {  	_ =	shalt  }
0x7b: {  	_ =	shalt  }
0x7c: {  	_ =	shalt  }
0x7d: {  	_ =	shalt  }
0x7e: {  	_ =	shalt  }
0x7f: {  	_ =	shalt  }
0x80: {  	_ =	shalt  }
0x81: {  	_ =	shalt  }
0x82: {  	_ =	shalt  }
0x83: {  	_ =	shalt  }
0x84: {  	_ =	shalt  }
0x85: {  	_ =	shalt  }
0x86: {  	_ =	shalt  }
0x87: {  	_ =	shalt  }
.Lfunc_end0:
.L_simem_size_0:
called_computation.1_lowered:
.L_overlay_start_0:
0x88: {  	s2 =	sld [smem:$0x3FD9]  }
0x89: {  	s3 =	sld [smem:$0x3FFE];
	_ =	sdelay $0x1  }
0x8a: {  	s1 =	srdreg.scid  }
0x8b: {  	s0 =	sand.u32 $0x1, s1  }
0x8c: {  	s16 =	sshll.u32 s0, $0xA;
	s2 =	sadd.s32 s3, s2  }
0x8d: {  	s2 =	sadd.s32 s2, s16  }
0x8e: {  	[smem:$0x3F98] =	sst s2  }
0x8f: {  	_ = 	snop  }
0x90: {  	(tm) =	ssettm $0x1  }
0x91: {  	s17 =	sld [smem:$0x3FFB];
	_ =	sdelay $0x3  }
0x92: {  	_ =	strace s17  }
0x93: {  	s2 =	sld [smem:$0x3FFC];
	_ =	sdelay $0x3  }
0x94: {  	_ =	strace s2  }
0x95: {  	s2 =	sld [smem:$0x3FFD];
	_ =	sdelay $0x3  }
0x96: {  	_ =	strace s2  }
0x97: {  	_ =	strace $0x8FFFFFFF  }
0x98: {  	s18 =	sld [smem:$0x3FDB];
	_ =	sdelay $0x1  }
0x99: {  	s19 =	simm.s32 $_scs_section_size  }
0x9a: {  	s4 =	simm.s32 $_size__tile_overlayer_lowered;
	s5 =	simm.s32 $_tile_overlayer_lowered  }
0x9b: {  	s22 =	simm.s32 $0x1BFF;
	s21 =	sshll.u32 s5, $0x1;
	s2 =	sadd.s32 s19, s18  }
0x9c: {  	s6 =	simm.s32 $0x0;
	s20 =	sshll.u32 s4, $0x1;
	s4 =	sadd.s32 s21, s2  }
0x9d: {  	[timem:s6], [sflag:s22] =	dma.local [hbm:s4], s20  }
0x9e: {  	_ =	swait.ge [sflag:s22], s20  }
0x9f: {  	s3 =	ssub.s32 $0x0, s20;
	[sflag:s22] =	ssyncset.done $0x0  }
0xa0: {  	[sflag:s22] =	ssyncadd.s32 s3;
	_ =	sdelay $0x1  }
0xa1: {  	s23 =	simm.s32 $0x1B8B  }
0xa2: {  	_ =	swait.ge [sflag:s23], $0x1  }
0xa3: {  	[sflag:s23] =	ssyncset.done $0x0  }
0xa4: {  	s25 =	simm.s32 $0x1B8E;
	s24 =	sld [smem:$0x3FFE];
	[sflag:s23] =	ssyncadd.s32 $0xFFFFFFFF  }
0xa5: {  	s26 =	simm.s32 $execute0_lowered;
	[smem:$0x3FD2] =	sst s25  }
0xa6: {  	s4 =	sshll.u32 s26, $0x1;
	_ =	strace $0x80000049;
	[dreg:$0x1] =	wrdreg $0xFFFFFFFF  }
0xa7: {  	s28 =	simm.s32 $_size_execute0_lowered;
	s2 =	sadd.s32 s2, s4;
	[dreg:$0x0] =	wrdreg $0x0  }
0xa8: {  	s4 =	sshll.u32 s28, $0x1;
	[dreg:$0x2] =	wrdreg s2  }
0xa9: {  	[dreg:$0x3] =	wrdreg s4  }
0xaa: {  	[dreg:$0x4] =	wrdreg $0xC0  }
0xab: {  	_ =	task [dreg:s6], $0x5FFFF  }
0xac: {  	[dreg:$0x1] =	wrdreg $0xFFFFFFFF  }
0xad: {  	[dreg:$0x0] =	wrdreg $0x60  }
0xae: {  	[dreg:$0x2] =	wrdreg s24  }
0xaf: {  	[dreg:$0x3] =	wrdreg $0xC4000  }
0xb0: {  	[dreg:$0x4] =	wrdreg $0x9  }
0xb1: {  	_ =	task.clear_ibuf [dreg:s6], $0x5FFFF;
	_ =	strace $0x90000049  }
0xb2: {  	s29 =	simm.s32 $0x9;
	_ =	strace $0x8000004B  }
0xb3: {  	_ =	swait.ge [sflag:s29], $0x1  }
0xb4: {  	[sflag:s29] =	ssyncadd.s32 $0xFFFFFFFF  }
0xb5: {  	_ =	strace $0x9000004B  }
0xb6: {  	_ =	sfence  }
0xb7: {  	s30 =	sld [smem:$0x0];
	_ =	sdelay $0x2  }
0xb8: {  	s31 =	sshll.u32 s1, $0xD;
	s1 =	sshrl.u32 s1, $0x2  }
0xb9: {  	s3 =	sand.u32 $0x4000, s31;
	s1 =	sadd.s32 s1, s30  }
0xba: {  	s0 =	sor.u32 s3, s0;
	s1 =	sshll.u32 s1, $0x11  }
0xbb: {  	s0 =	sor.u32 s1, s0  }
0xbc: {  	s0 =	sadd.s32 $0x8F2B, s0  }
0xbd: {  	[sflag:s0] =	ssyncadd.remote.s32 $0x1  }
0xbe: {  	_ =	sfence.sel $0xFFFF  }
0xbf: {  	[dreg:$0x0] =	wrdreg $0xFFFFFFFF;
	(pc) =	sbr.abs _section_cstart, $3  }
0xc0: {  	[dreg:$0x1] =	wrdreg $0xFFFFFFFF  }
0xc1: {  	_ =	task.clear_ibuf [dreg:s6], $0x2FFFF;
	_ =	strace $0x9FFFFFFF  }
0xc2: {  	(tm) =	ssettm $0x7FFFFFFF  }
0xc3: {  	_ =	shalt  }
tec
execute0_lowered:
.L_overlay_start_1:
0x0: {  	(tag) =	ssettag $0x1  }
0x1: {  	s5 =	rddreg [dreg:$0x0]  }
0x2: {  	s2 =	rddreg [dreg:$0x1]  }
0x3: {  	s4 =	srdreg.scid;
	s1 =	stileid.u32;
	s3 =	simm.s32 $0x0  }
0x4: {  	s18 =	simm.s32 $0x2C00;
	s19 =	simm.s32 $0x5800;
	s20 =	simm.s32 $0x8400  }
0x5: {  	s21 =	simm.s32 $0x80;
	s22 =	simm.s32 $0x1;
	s24 =	simm.s32 $0x0  }
0x6: {  	s6 =	sand.u32 $0x1, s4;
	s29 =	sshll.u32 s1, $0x1;
	s9 =	smul.u32 $0x50000, s1  }
0x7: {  	[smem:$0x7FF] =	sst s3;
	s15 =	sadd.s32 $0x5EC00, s5;
	s12 =	smul.u32 $0x14000, s1  }
0x8: {  	s23 =	sadd.s32 $0x12C000, s2;
	p0 =	seq.s32 s1, $0xF;
	s4 =	sor.u32 s6, s29  }
0x9: {  	_ =	strace $0x8000004A;
	s8 =	ssub.s32 $0x2, s6;
	s13 =	smul.u32 $0x138800, s6  }
0xa: {  	s23 =	sshrl.u32 @p0 s23, $0x3;
	s7 =	smul.u32 $0x580, s4;
	s30 =	sshrl.u32 s8, $0x1  }
0xb: {  	s4 =	sadd.s32 $0x21C00, s5;
	s31 =	sshrl.u32 s9, $0x2;
	s16 =	ssub.s32 s8, s30  }
0xc: {  	s6 =	sadd.s32 s31, s2;
	s14 =	sadd.s32 s12, s13;
	s17 =	sshrl.u32 s13, $0x3  }
0xd: {  	s13 =	sadd.s32 $0x138000, s2;
	s10 =	sadd.s32 s7, s5;
	s9 =	sadd.s32 $0x4000, s6  }
0xe: {  	s11 =	sadd.s32 $0xC000, s6;
	s12 =	sadd.s32 $0x10000, s6;
	s14 =	sshrl.u32 s14, $0x3  }
0xf: {  	s16 =	smax.u32 s16, $0x1;
	s5 =	sadd.s32 $0xB600, s10;
	s7 =	sadd.s32 $0x16600, s10  }
0x10: {  	s8 =	sadd.s32 $0x49C00, s10;
	s14 =	sadd.s32 s15, s14;
	s15 =	sadd.s32 s15, s17  }
0x11: {  	v0 =	vimm.f32 $0.0e+00;
	s10 =	sadd.s32 $0x8000, s6;
	s17 =	simm.s32 $0x2;
	s15 =	sadd.s32 $0x25800, s15  }
.LBB2_1:
0x12: {  	[tilespmem:s3], [sflag:$0x2] =	stream.linear.gather [hbm4b:s5+s3], $0x2880, $0x38;
	[tilespmem:$0x1FC80] =	vst v63  }
0x13: {  	_ =	swait.ge [sflag:s17], $0x2880  }
0x14: {  	[sflag:s17] =	ssyncset.done $0x0  }
0x15: {  	[sflag:s17] =	ssyncadd.s32 $0xFFFFD780  }
0x16: {  	[tilespmem:s18], [sflag:$0x2] =	stream.linear.gather [hbm4b:s7+s3], $0x2880, $0x38;
	[tilespmem:$0x1FC80] =	vst v63  }
0x17: {  	_ =	swait.ge [sflag:s17], $0x2880  }
0x18: {  	[sflag:s17] =	ssyncset.done $0x0  }
0x19: {  	[sflag:s17] =	ssyncadd.s32 $0xFFFFD780  }
0x1a: {  	[tilespmem:s19], [sflag:$0x2] =	stream.linear.gather [hbm4b:s8+s3], $0x2880, $0x38;
	[tilespmem:$0x1FC80] =	vst v63  }
0x1b: {  	_ =	swait.ge [sflag:s17], $0x2880  }
0x1c: {  	[sflag:s17] =	ssyncset.done $0x0  }
0x1d: {  	s25 =	simm.s32 $0x0;
	s26 =	simm.s32 $0x200;
	[sflag:s17] =	ssyncadd.s32 $0xFFFFD780  }
.LBB2_2:
0x1e: {  	p1 =	sne.s32 s26, $0xFE00;
	[tilespmem:s25+$0x8470] =	vst v0  }
0x1f: {  	[tilespmem:s25+$0x8400] =	vst v0  }
0x20: {  	[tilespmem:s25+$0x8410] =	vst v0  }
.Ltmp0:
0x21: {  	[tilespmem:s25+$0x8420] =	vst v0;
	(pc) =	sbr.rel @p1 .LBB2_2-.Ltmp0, $4  }
0x22: {  	[tilespmem:s25+$0x8430] =	vst v0  }
0x23: {  	[tilespmem:s25+$0x8440] =	vst v0  }
0x24: {  	[tilespmem:s25+$0x8450] =	vst v0  }
0x25: {  	[tilespmem:s25+$0x8460] =	vst v0;
	s25 =	sshra.s32 s26, $0x2;
	s26 =	sadd.s32 $0x200, s26  }
0x26: {  	[tilespmem:s25+$0x8470] =	vst v0  }
0x27: {  	[tilespmem:s25+$0x8400] =	vst v0  }
0x28: {  	[tilespmem:s25+$0x8410] =	vst v0  }
0x29: {  	[tilespmem:s25+$0x8420] =	vst v0  }
0x2a: {  	[tilespmem:s25+$0x8430] =	vst v0  }
0x2b: {  	[tilespmem:s25+$0x8440] =	vst v0  }
0x2c: {  	[tilespmem:s25+$0x8450] =	vst v0  }
0x2d: {  	[tilespmem:s25+$0x8460] =	vst v0  }
0x2e: {  	[spmem:s6] =	stream.linear.scatter [tilespmem:s20], [sflag:$0x2], $0x4000, $0x38;
	[tilespmem:$0x1FC80] =	vst v63  }
0x2f: {  	_ =	swait.ge [sflag:s17], $0x4000  }
0x30: {  	[sflag:s17] =	ssyncset.done $0x0  }
0x31: {  	[sflag:s17] =	ssyncadd.s32 $0xFFFFC000  }
0x32: {  	[spmem:s9] =	stream.linear.scatter [tilespmem:s20], [sflag:$0x2], $0x4000, $0x38;
	[tilespmem:$0x1FC80] =	vst v63  }
0x33: {  	_ =	swait.ge [sflag:s17], $0x4000  }
0x34: {  	[sflag:s17] =	ssyncset.done $0x0  }
0x35: {  	[sflag:s17] =	ssyncadd.s32 $0xFFFFC000  }
0x36: {  	[spmem:s10] =	stream.linear.scatter [tilespmem:s20], [sflag:$0x2], $0x4000, $0x38;
	[tilespmem:$0x1FC80] =	vst v63  }
0x37: {  	_ =	swait.ge [sflag:s17], $0x4000  }
0x38: {  	[sflag:s17] =	ssyncset.done $0x0  }
0x39: {  	s25 =	simm.s32 @p0 $0x8400;
	[sflag:s17] =	ssyncadd.s32 $0xFFFFC000  }
0x3a: {  	[spmem:s13] =	stream.linear.scatter @p0 [tilespmem:s25], [sflag:$0x2], $0x800, $0x38;
	[tilespmem:$0x1FC80] =	vst v63  }
0x3b: {  	s25 =	simm.s32 @p0 $0x2  }
0x3c: {  	_ =	swait.ge @p0 [sflag:s25], $0x800  }
0x3d: {  	[sflag:s25] =	ssyncset.done @p0 $0x0  }
0x3e: {  	s26 =	simm.s32 @!p0 $0x2;
	[sflag:s25] =	ssyncadd.s32 @p0 $0xFFFFF800;
	s25 =	simm.s32 @!p0 $0x8400  }
0x3f: {  	[spmem:s11] =	stream.linear.scatter @!p0 [tilespmem:s25], [sflag:$0x2], $0x4000, $0x38;
	[tilespmem:$0x1FC80] =	vst v63  }
0x40: {  	_ =	swait.ge @!p0 [sflag:s26], $0x4000  }
0x41: {  	[sflag:s26] =	ssyncset.done @!p0 $0x0  }
0x42: {  	[sflag:s26] =	ssyncadd.s32 @!p0 $0xFFFFC000  }
0x43: {  	[spmem:s12] =	stream.linear.scatter @!p0 [tilespmem:s25], [sflag:$0x2], $0x4000, $0x38;
	[tilespmem:$0x1FC80] =	vst v63  }
0x44: {  	_ =	swait.ge @!p0 [sflag:s26], $0x4000  }
0x45: {  	[sflag:s26] =	ssyncset.done @!p0 $0x0  }
0x46: {  	[sflag:s26] =	ssyncadd.s32 @!p0 $0xFFFFC000  }
0x47: {  	s25 =	simm.s32 $0x0;
	s26 =	simm.s32 $0x0;
	[bflag:$0x0] =	sbarrier.arrive $0xFFFF  }
.LBB2_4:
0x48: {  	s28 =	sshll.u32 s26, $0x7;
	v2 =	vmov s25  }
0x49: {  	v1 =	vmov s28;
	v2 =	vand.u32 $0x7F, v2  }
0x4a: {  	[tilespmem:s20], [sflag:$0x1] =	stream.indirect.gather [hbm4b:s4+s21], $0x80, s28, s21, $0xb8;
	v2 =	vadd.s32 v1, v2;
	[tilespmem:$0x1FC80] =	vst v63  }
0x4b: {  	_ =	swait.ge [sflag:s22], $0x4000;
	v2 =	vbroadcast v2, $0x0  }
0x4c: {  	[sflag:s22] =	ssyncset.done $0x0  }
0x4d: {  	s29 =	simm.s32 $0x8440;
	[sflag:s22] =	ssyncadd.s32 $0xFFFFC000  }
0x4e: {  	v6 =	vld [tilespmem:s29+$0x30]  }
0x4f: {  	v9 =	vld [tilespmem:s29+$0x10]  }
0x50: {  	v7 =	vld [tilespmem:s29+$0xFFFFFFC0]  }
0x51: {  	v3 =	vld.idx.msk [tilespmem:v2+s19+$0x0], $0xffff  }
0x52: {  	v12 =	vld [tilespmem:s29+$0xFFFFFFE0]  }
0x53: {  	v4 =	vld [tilespmem:s29+$0x20]  }
0x54: {  	v5 =	vld [tilespmem:s29+$0xFFFFFFD0]  }
0x55: {  	v2 =	vld [tilespmem:s29+$0xFFFFFFF0]  }
0x56: {  	v10 =	vmul.f32 v6, v3;
	v6 =	vld [tilespmem:s29+$0x0]  }
0x57: {  	s30 =	simm.s32 $0x1;
	v8 =	vmul.f32 v7, v3  }
0x58: {  	s31 =	simm.s32 $0x2;
	v11 =	vmov s30;
	s30 =	simm.s32 $0x8440;
	v7 =	vmul.f32 v12, v3;
	v9 =	vmul.f32 v9, v3  }
.LBB2_5:
0x59: {  	p1 =	sne.s32 s31, $0x7F  }
0x5a: {  	v11 =	vand.u32 $0x7F, v11;
	v5 =	vmul.f32 v5, v3;
	v4 =	vmul.f32 v4, v3;
	[tilespmem:s29+$0x30] =	vst v10;
	s30 =	sadd.s32 $0x80, s30;
	s0 =	smov.u32 s31;
	s31 =	sadd.s32 $0x1, s31  }
0x5b: {  	v10 =	vadd.s32 v1, v11;
	[tilespmem:s29+$0xFFFFFFC0] =	vst v8;
	v8 =	vmul.f32 v2, v3;
	v3 =	vmul.f32 v6, v3  }
0x5c: {  	v6 =	vbroadcast v10, $0x0;
	[tilespmem:s29+$0x10] =	vst v9  }
0x5d: {  	[tilespmem:s29+$0xFFFFFFE0] =	vst v7  }
0x5e: {  	v2 =	vld [tilespmem:s30+$0xFFFFFFF0];
	[tilespmem:s29+$0xFFFFFFF0] =	vst v8  }
0x5f: {  	v7 =	vld [tilespmem:s30+$0x30];
	[tilespmem:s29+$0x0] =	vst v3  }
0x60: {  	v9 =	vld [tilespmem:s30+$0x10];
	[tilespmem:s29+$0x20] =	vst v4  }
0x61: {  	v8 =	vld [tilespmem:s30+$0xFFFFFFC0];
	[tilespmem:s29+$0xFFFFFFD0] =	vst v5;
	s29 =	smov.u32 s30  }
0x62: {  	v3 =	vld.idx.msk [tilespmem:v6+s19+$0x0], $0xffff  }
0x63: {  	v12 =	vld [tilespmem:s30+$0xFFFFFFE0]  }
0x64: {  	v4 =	vld [tilespmem:s30+$0x20]  }
.Ltmp1:
0x65: {  	v5 =	vld [tilespmem:s30+$0xFFFFFFD0];
	(pc) =	sbr.rel @p1 .LBB2_5-.Ltmp1, $3  }
0x66: {  	v6 =	vld [tilespmem:s30+$0x0];
	_ =	sdelay $0x1  }
0x67: {  	v8 =	vmul.f32 v8, v3;
	v10 =	vmul.f32 v7, v3  }
0x68: {  	v11 =	vmov s0;
	v9 =	vmul.f32 v9, v3;
	v7 =	vmul.f32 v12, v3  }
0x69: {  	[tilespmem:s29+$0x30] =	vst v10;
	v58 =	vand.u32 $0x7F, v11  }
0x6a: {  	[tilespmem:s29+$0xFFFFFFC0] =	vst v8;
	v1 =	vadd.s32 v1, v58  }
0x6b: {  	v2 =	vmul.f32 v2, v3;
	[tilespmem:s29+$0x10] =	vst v9;
	v1 =	vbroadcast v1, $0x0  }
0x6c: {  	s0 =	sadd.s32 $0x80, s30;
	[tilespmem:s29+$0xFFFFFFE0] =	vst v7;
	v6 =	vmul.f32 v6, v3  }
0x6d: {  	v4 =	vmul.f32 v4, v3;
	v3 =	vmul.f32 v5, v3;
	v7 =	vld [tilespmem:s0+$0xFFFFFFF0];
	[tilespmem:s29+$0xFFFFFFF0] =	vst v2  }
0x6e: {  	v2 =	vld [tilespmem:s0+$0x30];
	[tilespmem:s29+$0x0] =	vst v6  }
0x6f: {  	v60 =	vld [tilespmem:s0+$0xFFFFFFC0];
	[tilespmem:s29+$0xFFFFFFD0] =	vst v3  }
0x70: {  	v59 =	vld [tilespmem:s0+$0x10];
	[tilespmem:s29+$0x20] =	vst v4  }
0x71: {  	v1 =	vld.idx.msk [tilespmem:v1+s19+$0x0], $0xffff;
	_ =	sdelay $0x2  }
0x72: {  	v6 =	vld [tilespmem:s0+$0x0]  }
0x73: {  	v3 =	vld [tilespmem:s0+$0xFFFFFFE0]  }
0x74: {  	v2 =	vmul.f32 v2, v1  }
0x75: {  	v61 =	vld [tilespmem:s0+$0x20];
	v4 =	vmul.f32 v60, v1  }
0x76: {  	v62 =	vld [tilespmem:s0+$0xFFFFFFD0];
	v5 =	vmul.f32 v59, v1;
	[tilespmem:s0+$0x30] =	vst v2  }
0x77: {  	v63 =	vmul.f32 v6, v1;
	[tilespmem:s0+$0xFFFFFFC0] =	vst v4  }
0x78: {  	v2 =	vmul.f32 v3, v1;
	[tilespmem:s0+$0x10] =	vst v5  }
0x79: {  	v3 =	vmul.f32 v7, v1;
	[tilespmem:s0+$0x0] =	vst v63  }
0x7a: {  	[tilespmem:s0+$0xFFFFFFE0] =	vst v2;
	v2 =	vmul.f32 v61, v1  }
0x7b: {  	s26 =	sadd.s32 $0x1, s26;
	[tilespmem:s0+$0xFFFFFFF0] =	vst v3;
	v1 =	vmul.f32 v62, v1  }
0x7c: {  	p1 =	sne.s32 s26, $0x51;
	[tilespmem:s0+$0x20] =	vst v2  }
.Ltmp2:
0x7d: {  	s31 =	sadd.s32 $0x2C00, s28;
	[tilespmem:s0+$0xFFFFFFD0] =	vst v1;
	(pc) =	sbr.rel @p1 .LBB2_4-.Ltmp2, $4  }
0x7e: {  	[spmem:s2] =	stream.indirect.scatter.add.f32 [tilespmem:s20], [sflag:$0x2], $0x80, s31, s21, $0xb8;
	[tilespmem:$0x1FC80] =	vst v63  }
0x7f: {  	_ =	swait.ge [sflag:s17], $0x4000  }
0x80: {  	[sflag:s17] =	ssyncset.done $0x0  }
0x81: {  	[sflag:s17] =	ssyncadd.s32 $0xFFFFC000  }
0x82: {  	[bflag:$0x0] =	sbarrier.arrive $0xFFFF;
	s0 =	simm.s32 @p0 $0x1FC2  }
0x83: {  	[hbm:s15], [sflag:s0] =	dma.local @p0 [spmem:s23], $0x1900  }
0x84: {  	s0 =	simm.s32 @p0 $0x2  }
0x85: {  	s24 =	sadd.s32 $0x1, s24;
	_ =	swait.ge @p0 [sflag:s0], $0x1900  }
0x86: {  	s25 =	sshll.u32 @!p0 s1, $0x6;
	p1 =	sne.s32 s24, s16;
	[sflag:s0] =	ssyncset.done @p0 $0x0  }
0x87: {  	[sflag:s0] =	ssyncadd.s32 @p0 $0xFFFFE700;
	s0 =	sor.u32 @!p0 $0x1C02, s25;
	s25 =	sshrl.u32 @!p0 s6, $0x3  }
0x88: {  	[hbm:s14], [sflag:s0] =	dma.local @!p0 [spmem:s25], $0x2800  }
.Ltmp3:
0x89: {  	_ = 	snop;
	(pc) =	sbr.rel @p1 .LBB2_1-.Ltmp3, $4  }
0x8a: {  	s0 =	simm.s32 @!p0 $0x2  }
0x8b: {  	_ =	swait.ge @!p0 [sflag:s0], $0x2800  }
0x8c: {  	[sflag:s0] =	ssyncset.done @!p0 $0x0  }
0x8d: {  	[sflag:s0] =	ssyncadd.s32 @!p0 $0xFFFFD800  }
0x8e: {  	_ =	sfence.sel $0x180000  }
0x8f: {  	[bflag:$0x0] =	sbarrier.arrive $0xFFFF  }
0x90: {  	_ =	strace $0x9000004A  }
0x91: {  	[bflag:$0x2] =	sbarrier.arrive $0xFFFF  }
0x92: {  	p0 =	sne.s32 s1, $0x0;
	s0 =	rddreg [dreg:$0x2]  }
0x93: {  	s0 =	sadd.s32 @!p0 $0x100000, s0  }
0x94: {  	[sflag:s0] =	ssyncadd.tile.s32 @!p0 $0x1;
	_ =	shalt  }
.Lfunc_end2:
_tile_overlayer_lowered:
.L_overlay_start_2:
0x95: {  	(tag) =	ssettag $0x2  }
0x96: {  	s0 =	rddreg [dreg:$0x0];
	s2 =	stileid.u32  }
0x97: {  	s1 =	rddreg [dreg:$0x1];
	p0 =	sne.s32 s2, $0x0  }
0x98: {  	s3 =	rddreg [dreg:$0x2];
	[bflag:$0x3] =	sbarrier.arrive $0xFFFF;
	s2 =	simm.s32 @!p0 $0x1C02  }
0x99: {  	[timem:s3], [sflag:s2] =	dma.local @!p0 [hbm:s0], s1  }
0x9a: {  	s0 =	simm.s32 @!p0 $0x2  }
0x9b: {  	_ =	swait.ge @!p0 [sflag:s0], s1  }
0x9c: {  	s1 =	ssub.s32 @!p0 $0x0, s1;
	[sflag:s0] =	ssyncset.done @!p0 $0x0  }
0x9d: {  	[sflag:s0] =	ssyncadd.s32 @!p0 s1  }
0x9e: {  	[bflag:$0x3] =	sbarrier.arrive $0xFFFF  }
0x9f: {  	_ =	shalt  }

// kernel: kernel.26.cloned.1.call-start
scs
__scs_entry_jumppad:
0x0: {  	(pc) =	sbr.rel $0x88, $3  }
0x1: {  	(tag) =	ssettag $0x0;
	lr =	simm.s32 $0x1  }
0x2: {  	[smem:$0x3F71] =	sst lr;
	_ =	strace $0xD0000000  }
0x3: {  	_ = 	snop  }
0x4: {  	_ = 	snop  }
0x5: {  	_ = 	snop  }
0x6: {  	_ = 	snop  }
0x7: {  	_ = 	snop  }
__scs_overlays_trampoline_lowered:
0x8: {  	[smem:$0x3F80] =	sst s0  }
0x9: {  	[smem:$0x3F81] =	sst s1  }
0xa: {  	[smem:$0x3F82] =	sst s2  }
0xb: {  	[smem:$0x3F83] =	sst s3  }
0xc: {  	[smem:$0x3F84] =	sst s4  }
0xd: {  	[smem:$0x3F85] =	sst s5  }
0xe: {  	[smem:$0x3F86] =	sst s6  }
0xf: {  	[smem:$0x3F87] =	sst s7  }
0x10: {  	[smem:$0x3F88] =	sst s8  }
0x11: {  	[smem:$0x3F89] =	sst s9;
	s0 =	simm.s32 @!p0 $0x0  }
0x12: {  	s1 =	sld [smem:$0x3F6F];
	s0 =	simm.s32 @p0 $0x1  }
0x13: {  	[smem:$0x3F8A] =	sst s0;
	s0 =	simm.s32 @!p1 $0x0  }
0x14: {  	s2 =	sld [smem:$0x3F6E];
	s0 =	simm.s32 @p1 $0x1  }
0x15: {  	[smem:$0x3F8B] =	sst s0;
	s0 =	simm.s32 @!p2 $0x0  }
0x16: {  	s3 =	sld [smem:$0x3FDB];
	s0 =	simm.s32 @p2 $0x1  }
0x17: {  	s4 =	simm.s32 $0x1BF5;
	[smem:$0x3F8D] =	sst s0  }
0x18: {  	s0 =	sld [smem:$0x3F70];
	_ =	swait.ge [sflag:s4], $0x0  }
0x19: {  	s7 =	sld [smem:$0x3F71]  }
0x1a: {  	s8 =	sadd.s32 $0xFFFFE003, lr  }
0x1b: {  	s9 =	sadd.s32 $0xFFFFFEF7, lr;
	s5 =	simm.s32 $0xFFFFFFFF;
	p2 =	slt.u32 s8, $0xFFFFF086  }
0x1c: {  	p1 =	slt.u32 s9, $0xF7A;
	s5 =	simm.s32 @!p2 $0x0  }
0x1d: {  	s5 =	simm.s32 @p1 $0x1;
	p0 =	seq.s32 s7, s2  }
0x1e: {  	s7 =	smul.u32 @!p0 $0xF7A, s2;
	p2 =	seq.s32 @!p0 s5, $0x0  }
0x1f: {  	s9 =	smul.u32 $0xF7A, s1;
	s8 =	simm.s32 @!p0 $0x1BF5;
	p2 =	por !p2, p0  }
0x20: {  	[sflag:s8] =	ssyncset.s32 @!p0 $0xFFFFF086;
	s6 =	sadd.s32 @!p0 s3, s7;
	s7 =	simm.s32 @!p0 $0x108  }
0x21: {  	s3 =	sadd.s32 s3, s9;
	s6 =	sadd.s32 @!p0 $0x88, s6;
	s7 =	simm.s32 @p2 $0x1082  }
0x22: {  	[simem:s7], [sflag:s8] =	dma.local @!p0 [hbm:s6], $0xF7A  }
0x23: {  	s9 =	sor.u32 $0xD0000000, s2;
	s6 =	simm.s32 $0x108;
	_ =	swait.ge @!p0 [sflag:s8], $0x0  }
0x24: {  	s3 =	sadd.s32 $0x88, s3;
	s6 =	simm.s32 @!p1 $0x1082;
	[sflag:s4] =	ssyncset.s32 $0xFFFFF086  }
0x25: {  	[simem:s6], [sflag:s4] =	dma.local [hbm:s3], $0xF7A  }
0x26: {  	[smem:$0x3F71] =	sst s1;
	(tag) =	ssettag s2;
	_ =	strace s9  }
0x27: {  	s1 =	sld [smem:$0x3F81]  }
0x28: {  	s2 =	sld [smem:$0x3F82]  }
0x29: {  	s4 =	sld [smem:$0x3F84]  }
0x2a: {  	p0 =	seq.s32 s5, $0x0;
	s5 =	sld [smem:$0x3F85]  }
0x2b: {  	s6 =	sld [smem:$0x3F86]  }
0x2c: {  	s7 =	sld [smem:$0x3F87]  }
0x2d: {  	s3 =	simm.s32 $0x108;
	s8 =	sld [smem:$0x3F88]  }
0x2e: {  	s3 =	simm.s32 @!p0 $0x1082;
	s9 =	sld [smem:$0x3F89]  }
0x2f: {  	lr =	sadd.s32 s0, s3;
	s0 =	sld [smem:$0x3F80]  }
0x30: {  	s3 =	sld [smem:$0x3F83]  }
0x31: {  	[smem:$0x3F8C] =	sst s10  }
0x32: {  	s10 =	sld [smem:$0x3F8A];
	_ =	sdelay $0x3  }
0x33: {  	p0 =	seq.s32 s10, $0x1;
	s10 =	sld [smem:$0x3F8C];
	_ =	sdelay $0x3  }
0x34: {  	[smem:$0x3F8C] =	sst s10  }
0x35: {  	s10 =	sld [smem:$0x3F8B];
	_ =	sdelay $0x3  }
0x36: {  	p1 =	seq.s32 s10, $0x1;
	s10 =	sld [smem:$0x3F8C];
	_ =	sdelay $0x3  }
0x37: {  	[smem:$0x3F8C] =	sst s10  }
0x38: {  	s10 =	sld [smem:$0x3F8D]  }
0x39: {  	_ = 	snop;
	(pc) =	sbr.ind lr, $3  }
0x3a: {  	_ = 	snop  }
0x3b: {  	_ = 	snop  }
0x3c: {  	p2 =	seq.s32 s10, $0x1;
	s10 =	sld [smem:$0x3F8C]  }
0x3d: {  	_ =	shalt  }
0x3e: {  	_ =	shalt  }
0x3f: {  	_ =	shalt  }
0x40: {  	_ =	shalt  }
0x41: {  	_ =	shalt  }
0x42: {  	_ =	shalt  }
0x43: {  	_ =	shalt  }
0x44: {  	_ =	shalt  }
0x45: {  	_ =	shalt  }
0x46: {  	_ =	shalt  }
0x47: {  	_ =	shalt  }
0x48: {  	_ =	shalt  }
0x49: {  	_ =	shalt  }
0x4a: {  	_ =	shalt  }
0x4b: {  	_ =	shalt  }
0x4c: {  	_ =	shalt  }
0x4d: {  	_ =	shalt  }
0x4e: {  	_ =	shalt  }
0x4f: {  	_ =	shalt  }
0x50: {  	_ =	shalt  }
0x51: {  	_ =	shalt  }
0x52: {  	_ =	shalt  }
0x53: {  	_ =	shalt  }
0x54: {  	_ =	shalt  }
0x55: {  	_ =	shalt  }
0x56: {  	_ =	shalt  }
0x57: {  	_ =	shalt  }
0x58: {  	_ =	shalt  }
0x59: {  	_ =	shalt  }
0x5a: {  	_ =	shalt  }
0x5b: {  	_ =	shalt  }
0x5c: {  	_ =	shalt  }
0x5d: {  	_ =	shalt  }
0x5e: {  	_ =	shalt  }
0x5f: {  	_ =	shalt  }
0x60: {  	_ =	shalt  }
0x61: {  	_ =	shalt  }
0x62: {  	_ =	shalt  }
0x63: {  	_ =	shalt  }
0x64: {  	_ =	shalt  }
0x65: {  	_ =	shalt  }
0x66: {  	_ =	shalt  }
0x67: {  	_ =	shalt  }
0x68: {  	_ =	shalt  }
0x69: {  	_ =	shalt  }
0x6a: {  	_ =	shalt  }
0x6b: {  	_ =	shalt  }
0x6c: {  	_ =	shalt  }
0x6d: {  	_ =	shalt  }
0x6e: {  	_ =	shalt  }
0x6f: {  	_ =	shalt  }
0x70: {  	_ =	shalt  }
0x71: {  	_ =	shalt  }
0x72: {  	_ =	shalt  }
0x73: {  	_ =	shalt  }
0x74: {  	_ =	shalt  }
0x75: {  	_ =	shalt  }
0x76: {  	_ =	shalt  }
0x77: {  	_ =	shalt  }
0x78: {  	_ =	shalt  }
0x79: {  	_ =	shalt  }
0x7a: {  	_ =	shalt  }
0x7b: {  	_ =	shalt  }
0x7c: {  	_ =	shalt  }
0x7d: {  	_ =	shalt  }
0x7e: {  	_ =	shalt  }
0x7f: {  	_ =	shalt  }
0x80: {  	_ =	shalt  }
0x81: {  	_ =	shalt  }
0x82: {  	_ =	shalt  }
0x83: {  	_ =	shalt  }
0x84: {  	_ =	shalt  }
0x85: {  	_ =	shalt  }
0x86: {  	_ =	shalt  }
0x87: {  	_ =	shalt  }
.Lfunc_end0:
.L_simem_size_0:
called_computation.2_lowered:
.L_overlay_start_0:
0x88: {  	s2 =	sld [smem:$0x3FD9]  }
0x89: {  	s3 =	sld [smem:$0x3FFE];
	_ =	sdelay $0x1  }
0x8a: {  	s1 =	srdreg.scid  }
0x8b: {  	s0 =	sand.u32 $0x1, s1  }
0x8c: {  	s14 =	sshll.u32 s0, $0xA;
	s2 =	sadd.s32 s3, s2  }
0x8d: {  	s2 =	sadd.s32 s2, s14  }
0x8e: {  	[smem:$0x3F98] =	sst s2  }
0x8f: {  	_ = 	snop  }
0x90: {  	s2 =	sld [smem:$0x3FD0];
	_ =	sdelay $0x2  }
0x91: {  	s15 =	simm.s32 $0xA;
	s4 =	simm.s32 $0x10  }
0x92: {  	[smem:s4], [sflag:s15] =	dma.local [hbm:s2], $0x1  }
0x93: {  	_ =	swait.eq [sflag:s15], $0x1  }
0x94: {  	[sflag:s15] =	ssyncset.done $0x0  }
0x95: {  	[sflag:s15] =	ssyncadd.s32 $0xFFFFFFFF  }
0x96: {  	s16 =	sld [smem:$0x10];
	(tm) =	ssettm $0x1  }
0x97: {  	s17 =	sld [smem:$0x3FFB];
	_ =	sdelay $0x3  }
0x98: {  	_ =	strace s17  }
0x99: {  	s3 =	sld [smem:$0x3FFC];
	_ =	sdelay $0x3  }
0x9a: {  	_ =	strace s3  }
0x9b: {  	s3 =	sld [smem:$0x3FFD];
	_ =	sdelay $0x3  }
0x9c: {  	_ =	strace s3  }
0x9d: {  	_ =	strace $0x8FFFFFFF  }
0x9e: {  	s18 =	sld [smem:$0x3FDB];
	_ =	sdelay $0x1  }
0x9f: {  	s19 =	simm.s32 $_scs_section_size  }
0xa0: {  	s5 =	simm.s32 $_size__tile_overlayer_lowered;
	s6 =	simm.s32 $_tile_overlayer_lowered  }
0xa1: {  	s22 =	simm.s32 $0x1BFF;
	s21 =	sshll.u32 s6, $0x1;
	s3 =	sadd.s32 s19, s18  }
0xa2: {  	s7 =	simm.s32 $0x0;
	s20 =	sshll.u32 s5, $0x1;
	s5 =	sadd.s32 s21, s3  }
0xa3: {  	[timem:s7], [sflag:s22] =	dma.local [hbm:s5], s20  }
0xa4: {  	_ =	swait.ge [sflag:s22], s20  }
0xa5: {  	s4 =	ssub.s32 $0x0, s20;
	[sflag:s22] =	ssyncset.done $0x0  }
0xa6: {  	[sflag:s22] =	ssyncadd.s32 s4;
	_ =	sdelay $0x1  }
0xa7: {  	s23 =	simm.s32 $0x1B8B  }
0xa8: {  	_ =	swait.ge [sflag:s23], $0x1  }
0xa9: {  	[sflag:s23] =	ssyncset.done $0x0  }
0xaa: {  	s25 =	simm.s32 $0x1B8E;
	s24 =	sld [smem:$0x3FFE];
	[sflag:s23] =	ssyncadd.s32 $0xFFFFFFFF  }
0xab: {  	s26 =	simm.s32 $execute0_lowered;
	[smem:$0x3FD2] =	sst s25  }
0xac: {  	s5 =	sshll.u32 s26, $0x1;
	_ =	strace $0x8000004C;
	[dreg:$0x1] =	wrdreg $0xFFFFFFFF  }
0xad: {  	s28 =	simm.s32 $_size_execute0_lowered;
	s3 =	sadd.s32 s3, s5;
	[dreg:$0x0] =	wrdreg $0x0  }
0xae: {  	s5 =	sshll.u32 s28, $0x1;
	[dreg:$0x2] =	wrdreg s3  }
0xaf: {  	[dreg:$0x3] =	wrdreg s5  }
0xb0: {  	[dreg:$0x4] =	wrdreg $0xC0  }
0xb1: {  	_ =	task [dreg:s7], $0x5FFFF  }
0xb2: {  	[dreg:$0x1] =	wrdreg $0xFFFFFFFF  }
0xb3: {  	[dreg:$0x0] =	wrdreg $0x60  }
0xb4: {  	[dreg:$0x2] =	wrdreg s16  }
0xb5: {  	[dreg:$0x3] =	wrdreg s24  }
0xb6: {  	[dreg:$0x4] =	wrdreg $0x9  }
0xb7: {  	_ =	task.clear_ibuf [dreg:s7], $0x5FFFF;
	_ =	strace $0x9000004C  }
0xb8: {  	s29 =	simm.s32 $0x9;
	_ =	strace $0x8000004E  }
0xb9: {  	_ =	swait.ge [sflag:s29], $0x1  }
0xba: {  	[sflag:s29] =	ssyncadd.s32 $0xFFFFFFFF  }
0xbb: {  	_ =	strace $0x9000004E  }
0xbc: {  	_ =	sfence  }
0xbd: {  	s30 =	sld [smem:$0x0];
	_ =	sdelay $0x2  }
0xbe: {  	s31 =	sshll.u32 s1, $0xD;
	s1 =	sshrl.u32 s1, $0x2  }
0xbf: {  	s3 =	sand.u32 $0x4000, s31;
	s1 =	sadd.s32 s1, s30  }
0xc0: {  	s0 =	sor.u32 s3, s0;
	s1 =	sshll.u32 s1, $0x11  }
0xc1: {  	s0 =	sor.u32 s1, s0  }
0xc2: {  	s0 =	sadd.s32 $0x8F2B, s0  }
0xc3: {  	[sflag:s0] =	ssyncadd.remote.s32 $0x1  }
0xc4: {  	_ =	sfence.sel $0xFFFF  }
0xc5: {  	[dreg:$0x0] =	wrdreg $0xFFFFFFFF;
	(pc) =	sbr.abs _section_cstart, $3  }
0xc6: {  	[dreg:$0x1] =	wrdreg $0xFFFFFFFF  }
0xc7: {  	_ =	task.clear_ibuf [dreg:s7], $0x2FFFF;
	_ =	strace $0x9FFFFFFF  }
0xc8: {  	(tm) =	ssettm $0x7FFFFFFF  }
0xc9: {  	_ =	shalt  }
tec
execute0_lowered:
.L_overlay_start_1:
0x0: {  	(tag) =	ssettag $0x1  }
0x1: {  	s2 =	rddreg [dreg:$0x0];
	s1 =	srdreg.scid  }
0x2: {  	s0 =	stileid.u32;
	s5 =	rddreg [dreg:$0x1]  }
0x3: {  	s3 =	simm.s32 $0x0;
	s12 =	simm.s32 $0x2C00;
	s13 =	simm.s32 $0x5800  }
0x4: {  	s14 =	simm.s32 $0x8000;
	s15 =	simm.s32 $0xA800;
	s16 =	simm.s32 $0xD000  }
0x5: {  	s17 =	simm.s32 $0x0;
	s6 =	sand.u32 $0x1, s1;
	s1 =	rddreg [dreg:$0x2]  }
0x6: {  	s4 =	sshll.u32 s0, $0x1;
	[smem:$0x7FF] =	sst s3;
	s10 =	smul.u32 $0x5100, s0  }
0x7: {  	s4 =	sor.u32 s6, s4;
	s9 =	ssub.s32 $0x2, s6;
	s11 =	smul.u32 $0x2880, s6  }
0x8: {  	_ =	strace $0x8000004D;
	s7 =	smul.u32 $0x580, s4;
	s31 =	sshrl.u32 s9, $0x1  }
0x9: {  	s8 =	smul.u32 $0x500, s4;
	s4 =	sadd.s32 $0x21600, s5;
	s9 =	ssub.s32 s9, s31  }
0xa: {  	s10 =	sadd.s32 s11, s10;
	s11 =	simm.s32 $0x1;
	s7 =	sadd.s32 s7, s5  }
0xb: {  	s8 =	sadd.s32 s8, s5;
	s9 =	smax.u32 s9, $0x1;
	s5 =	sadd.s32 $0xB600, s7  }
0xc: {  	v0 =	vimm.f32 $0.0e+00;
	s6 =	sadd.s32 $0x16600, s7;
	s7 =	sadd.s32 $0x49C00, s7;
	s8 =	sadd.s32 $0x54C00, s8  }
.LBB2_1:
0xd: {  	[tilespmem:s3], [sflag:$0x1] =	stream.linear.gather [hbm4b:s5+s3], $0x2880, $0x38;
	[tilespmem:$0xFC00] =	vst v63  }
0xe: {  	_ =	swait.ge [sflag:s11], $0x2880  }
0xf: {  	[sflag:s11] =	ssyncset.done $0x0  }
0x10: {  	[sflag:s11] =	ssyncadd.s32 $0xFFFFD780  }
0x11: {  	[tilespmem:s12], [sflag:$0x1] =	stream.linear.gather [hbm4b:s6+s3], $0x2880, $0x38;
	[tilespmem:$0xFC00] =	vst v63  }
0x12: {  	_ =	swait.ge [sflag:s11], $0x2880  }
0x13: {  	[sflag:s11] =	ssyncset.done $0x0  }
0x14: {  	[sflag:s11] =	ssyncadd.s32 $0xFFFFD780  }
0x15: {  	[tilespmem:s13], [sflag:$0x1] =	stream.linear.gather [hbm4b:s2+s3], $0x2800, $0x38;
	[tilespmem:$0xFC00] =	vst v63  }
0x16: {  	_ =	swait.ge [sflag:s11], $0x2800  }
0x17: {  	[sflag:s11] =	ssyncset.done $0x0  }
0x18: {  	[sflag:s11] =	ssyncadd.s32 $0xFFFFD800  }
0x19: {  	[tilespmem:s14], [sflag:$0x1] =	stream.linear.gather [hbm4b:s4+s3], $0x2800, $0x38;
	[tilespmem:$0xFC00] =	vst v63  }
0x1a: {  	_ =	swait.ge [sflag:s11], $0x2800  }
0x1b: {  	[sflag:s11] =	ssyncset.done $0x0  }
0x1c: {  	s18 =	simm.s32 $0x0;
	[sflag:s11] =	ssyncadd.s32 $0xFFFFD800  }
.LBB2_2:
0x1d: {  	p0 =	sne.s32 s18, $0x9FC0  }
.Ltmp0:
0x1e: {  	_ = 	snop;
	(pc) =	sbr.rel @p0 .LBB2_2-.Ltmp0, $3  }
0x1f: {  	_ =	sdelay $0x1  }
0x20: {  	s19 =	sshra.s32 s18, $0x2  }
0x21: {  	s18 =	sadd.s32 $0x40, s18;
	[tilespmem:s19+$0xA800] =	vst v0  }
0x22: {  	s19 =	simm.s32 $0x0  }
0x23: {  	v2 =	vld [tilespmem:s19+$0x8000]  }
0x24: {  	v1 =	vimm.f32 $-3.000000010e+38;
	s18 =	simm.s32 $0x40;
	v3 =	vimm.f32 $-3.000000010e+38;
	v4 =	vld [tilespmem:s19+$0x5800]  }
.LBB2_4:
0x25: {  	p0 =	sne.s32 s18, $0x9FC0  }
.Ltmp1:
0x26: {  	_ = 	snop;
	(pc) =	sbr.rel @p0 .LBB2_4-.Ltmp1, $4  }
0x27: {  	_ = 	snop  }
0x28: {  	s19 =	sshra.s32 s18, $0x2;
	s18 =	sadd.s32 $0x40, s18;
	v1 =	vmax.f32 v1, v2  }
0x29: {  	v2 =	vld [tilespmem:s19+$0x8000];
	v3 =	vmax.f32 v3, v4  }
0x2a: {  	v4 =	vld [tilespmem:s19+$0x5800]  }
0x2b: {  	_ =	sdelay $0x3  }
0x2c: {  	v3 =	vmax.f32 v3, v4  }
0x2d: {  	v1 =	vmax.f32 v1, v2;
	(xrf0) =	vmax.scan.msk.f32 $0xffff, v3  }
0x2e: {  	(xrf0) =	vmax.scan.msk.f32 $0xffff, v1;
	_ =	sdelay $0x4  }
0x2f: {  	v1, _, _ =	vpop (xrf0)  }
0x30: {  	(v2sf) =	vpush v1, $0xF;
	v1, _, _ =	vpop (xrf0)  }
0x31: {  	(v2sf) =	vpush v1, $0xF;
	_ =	sdelay $0xd  }
0x32: {  	s18 =	spop (v2sf)  }
0x33: {  	s19 =	spop (v2sf)  }
0x34: {  	s18 =	sadd.f32 s19, s18;
	_ =	sdelay $0x1  }
0x35: {  	s19 =	smul.f32 $2.000000030e-01, s18;
	_ =	sdelay $0x1  }
0x36: {  	s20 =	simm.s32 $0xD000;
	s21 =	smov.u32 s10;
	s19 =	smax.f32 s18, s19  }
0x37: {  	s22 =	simm.s32 $0x0;
	s18 =	simm.s32 $0x0;
	v1 =	vmov s19;
	s19 =	simm.s32 $0x2C00  }
.LBB2_6:
0x38: {  	v3 =	vmov s19  }
0x39: {  	v4 =	vmov s18;
	_ =	sdelay $0x2  }
0x3a: {  	s23 =	simm.s32 $0x0  }
0x3b: {  	v5 =	vld.idx.msk [tilespmem:v3+s23+$0x0 ss:$0x1], $0xffff  }
0x3c: {  	v2 =	vld.idx.msk [tilespmem:v4+s23+$0x0 ss:$0x1], $0xffff;
	_ =	sdelay $0x6  }
0x3d: {  	v6 =	vld.idx.msk [tilespmem:v5+s14+$0x0], $0xffff  }
0x3e: {  	v2 =	vld.idx.msk [tilespmem:v2+s13+$0x0], $0xffff;
	_ =	sdelay $0x4  }
0x3f: {  	v2 =	vadd.f32 v6, v2;
	_ =	sdelay $0x1  }
0x40: {  	v6 =	vmul.f32 $2.000000030e-01, v2  }
0x41: {  	vm0 =	vge.f32 v2, $0.0e+00  }
0x42: {  	v2 =	vsel vm0, v2, v6  }
0x43: {  	v2 =	vsub.f32 v2, v1;
	_ =	sdelay $0x1  }
0x44: {  	v2 =	vmul.f32 $1.442695020e+00, v2;
	_ =	sdelay $0x1  }
0x45: {  	(erf) = vpow2.f32 v2;
	_ =	sdelay $0x5  }
0x46: {  	v2 =	vmov s20;
	_ =	sdelay $0x2  }
0x47: {  	p0 =	slt.u32 s21, $0x50910;
	v6 =	vpop (erf)  }
0x48: {  	v6 =	vpsel !p0, $0x0, v6  }
0x49: {  	[tilespmem:v2+s23+$0x0 ss:$0x1] =	vst.idx.msk $0xffff, v6  }
0x4a: {  	s23 =	simm.s32 $0x10;
	[tilespmem:v5+s15+$0x0] =	vst.idx.add.f32.msk $0xffff, v6  }
0x4b: {  	v5 =	vld.idx.msk [tilespmem:v3+s23+$0x0 ss:$0x1], $0xffff  }
0x4c: {  	s25 =	simm.s32 $0x80;
	s24 =	smov.u32 s21;
	v6 =	vld.idx.msk [tilespmem:v4+s23+$0x0 ss:$0x1], $0xffff  }
.LBB2_7:
0x4d: {  	p0 =	sne.s32 s25, $0x1C0;
	_ =	sdelay $0x5  }
0x4e: {  	v7 =	vld.idx.msk [tilespmem:v5+s14+$0x0], $0xffff  }
0x4f: {  	v6 =	vld.idx.msk [tilespmem:v6+s13+$0x0], $0xffff;
	_ =	sdelay $0x5  }
0x50: {  	v6 =	vadd.f32 v7, v6;
	_ =	sdelay $0x1  }
0x51: {  	v7 =	vmul.f32 $2.000000030e-01, v6  }
0x52: {  	vm0 =	vge.f32 v6, $0.0e+00  }
0x53: {  	v6 =	vsel vm0, v6, v7  }
0x54: {  	v6 =	vsub.f32 v6, v1;
	_ =	sdelay $0x1  }
0x55: {  	v6 =	vmul.f32 $1.442695020e+00, v6;
	_ =	sdelay $0x1  }
0x56: {  	(erf) = vpow2.f32 v6;
	_ =	sdelay $0x7  }
0x57: {  	s24 =	sadd.s32 $0x10, s24  }
0x58: {  	p1 =	slt.u32 s24, $0x50910;
	v6 =	vpop (erf)  }
.Ltmp2:
0x59: {  	v6 =	vpsel !p1, $0x0, v6;
	(pc) =	sbr.rel @p0 .LBB2_7-.Ltmp2, $4  }
0x5a: {  	[tilespmem:v2+s23+$0x0 ss:$0x1] =	vst.idx.msk $0xffff, v6  }
0x5b: {  	s23 =	sshra.s32 s25, $0x2;
	[tilespmem:v5+s15+$0x0] =	vst.idx.add.f32.msk $0xffff, v6  }
0x5c: {  	v5 =	vld.idx.msk [tilespmem:v3+s23+$0x0 ss:$0x1], $0xffff  }
0x5d: {  	s25 =	sadd.s32 $0x40, s25;
	v6 =	vld.idx.msk [tilespmem:v4+s23+$0x0 ss:$0x1], $0xffff  }
0x5e: {  	_ =	sdelay $0x6  }
0x5f: {  	v3 =	vld.idx.msk [tilespmem:v5+s14+$0x0], $0xffff  }
0x60: {  	v4 =	vld.idx.msk [tilespmem:v6+s13+$0x0], $0xffff;
	_ =	sdelay $0x4  }
0x61: {  	v3 =	vadd.f32 v3, v4;
	_ =	sdelay $0x1  }
0x62: {  	v4 =	vmul.f32 $2.000000030e-01, v3  }
0x63: {  	vm0 =	vge.f32 v3, $0.0e+00  }
0x64: {  	v3 =	vsel vm0, v3, v4  }
0x65: {  	v3 =	vsub.f32 v3, v1;
	_ =	sdelay $0x1  }
0x66: {  	v3 =	vmul.f32 $1.442695020e+00, v3;
	_ =	sdelay $0x1  }
0x67: {  	(erf) = vpow2.f32 v3;
	_ =	sdelay $0x7  }
0x68: {  	s24 =	sadd.s32 $0x10, s24  }
0x69: {  	s22 =	sadd.s32 $0x1, s22;
	p0 =	slt.u32 s24, $0x50910;
	v3 =	vpop (erf)  }
0x6a: {  	v3 =	vpsel !p0, $0x0, v3;
	p0 =	sne.s32 s22, $0x51  }
.Ltmp3:
0x6b: {  	_ = 	snop;
	(pc) =	sbr.rel @p0 .LBB2_6-.Ltmp3, $3  }
0x6c: {  	_ =	sdelay $0x1  }
0x6d: {  	s21 =	sadd.s32 $0x80, s21;
	[tilespmem:v2+s23+$0x0 ss:$0x1] =	vst.idx.msk $0xffff, v3  }
0x6e: {  	s18 =	sadd.s32 $0x80, s18;
	s19 =	sadd.s32 $0x80, s19;
	s20 =	sadd.s32 $0x80, s20;
	[tilespmem:v5+s15+$0x0] =	vst.idx.add.f32.msk $0xffff, v3  }
0x6f: {  	[hbm4b:s7+s3] =	stream.linear.scatter [tilespmem:s16], [sflag:$0x1], $0x2880, $0x38;
	[tilespmem:$0xFC00] =	vst v63  }
0x70: {  	s17 =	sadd.s32 $0x1, s17;
	_ =	swait.ge [sflag:s11], $0x2880  }
0x71: {  	p0 =	sne.s32 s17, s9;
	[sflag:s11] =	ssyncset.done $0x0  }
.Ltmp4:
0x72: {  	[sflag:s11] =	ssyncadd.s32 $0xFFFFD780;
	(pc) =	sbr.rel @p0 .LBB2_1-.Ltmp4, $4  }
0x73: {  	[hbm4b:s8+s3] =	stream.linear.scatter [tilespmem:s15], [sflag:$0x1], $0x2800, $0x38;
	[tilespmem:$0xFC00] =	vst v63  }
0x74: {  	_ =	swait.ge [sflag:s11], $0x2800  }
0x75: {  	[sflag:s11] =	ssyncset.done $0x0  }
0x76: {  	[sflag:s11] =	ssyncadd.s32 $0xFFFFD800  }
0x77: {  	_ =	sfence.sel $0x180000  }
0x78: {  	[bflag:$0x0] =	sbarrier.arrive $0xFFFF  }
0x79: {  	p0 =	sne.s32 s0, $0x0;
	_ =	strace $0x9000004D  }
0x7a: {  	s0 =	sadd.s32 @!p0 $0x100000, s1;
	[bflag:$0x2] =	sbarrier.arrive $0xFFFF  }
0x7b: {  	[sflag:s0] =	ssyncadd.tile.s32 @!p0 $0x1;
	_ =	shalt  }
.Lfunc_end2:
_tile_overlayer_lowered:
.L_overlay_start_2:
0x7c: {  	(tag) =	ssettag $0x2  }
0x7d: {  	s0 =	rddreg [dreg:$0x0];
	s2 =	stileid.u32  }
0x7e: {  	s1 =	rddreg [dreg:$0x1];
	p0 =	sne.s32 s2, $0x0  }
0x7f: {  	s3 =	rddreg [dreg:$0x2];
	[bflag:$0x3] =	sbarrier.arrive $0xFFFF;
	s2 =	simm.s32 @!p0 $0x1C01  }
0x80: {  	[timem:s3], [sflag:s2] =	dma.local @!p0 [hbm:s0], s1  }
0x81: {  	s0 =	simm.s32 @!p0 $0x1  }
0x82: {  	_ =	swait.ge @!p0 [sflag:s0], s1  }
0x83: {  	s1 =	ssub.s32 @!p0 $0x0, s1;
	[sflag:s0] =	ssyncset.done @!p0 $0x0  }
0x84: {  	[sflag:s0] =	ssyncadd.s32 @!p0 s1  }
0x85: {  	[bflag:$0x3] =	sbarrier.arrive $0xFFFF  }
0x86: {  	_ =	shalt  }

// kernel: kernel.29.cloned.1.call-start
scs
__scs_entry_jumppad:
0x0: {  	(pc) =	sbr.rel $0x88, $3  }
0x1: {  	(tag) =	ssettag $0x0;
	lr =	simm.s32 $0x1  }
0x2: {  	[smem:$0x3F71] =	sst lr;
	_ =	strace $0xD0000000  }
0x3: {  	_ = 	snop  }
0x4: {  	_ = 	snop  }
0x5: {  	_ = 	snop  }
0x6: {  	_ = 	snop  }
0x7: {  	_ = 	snop  }
__scs_overlays_trampoline_lowered:
0x8: {  	[smem:$0x3F80] =	sst s0  }
0x9: {  	[smem:$0x3F81] =	sst s1  }
0xa: {  	[smem:$0x3F82] =	sst s2  }
0xb: {  	[smem:$0x3F83] =	sst s3  }
0xc: {  	[smem:$0x3F84] =	sst s4  }
0xd: {  	[smem:$0x3F85] =	sst s5  }
0xe: {  	[smem:$0x3F86] =	sst s6  }
0xf: {  	[smem:$0x3F87] =	sst s7  }
0x10: {  	[smem:$0x3F88] =	sst s8  }
0x11: {  	[smem:$0x3F89] =	sst s9;
	s0 =	simm.s32 @!p0 $0x0  }
0x12: {  	s1 =	sld [smem:$0x3F6F];
	s0 =	simm.s32 @p0 $0x1  }
0x13: {  	[smem:$0x3F8A] =	sst s0;
	s0 =	simm.s32 @!p1 $0x0  }
0x14: {  	s2 =	sld [smem:$0x3F6E];
	s0 =	simm.s32 @p1 $0x1  }
0x15: {  	[smem:$0x3F8B] =	sst s0;
	s0 =	simm.s32 @!p2 $0x0  }
0x16: {  	s3 =	sld [smem:$0x3FDB];
	s0 =	simm.s32 @p2 $0x1  }
0x17: {  	s4 =	simm.s32 $0x1BF5;
	[smem:$0x3F8D] =	sst s0  }
0x18: {  	s0 =	sld [smem:$0x3F70];
	_ =	swait.ge [sflag:s4], $0x0  }
0x19: {  	s7 =	sld [smem:$0x3F71]  }
0x1a: {  	s8 =	sadd.s32 $0xFFFFE003, lr  }
0x1b: {  	s9 =	sadd.s32 $0xFFFFFEF7, lr;
	s5 =	simm.s32 $0xFFFFFFFF;
	p2 =	slt.u32 s8, $0xFFFFF086  }
0x1c: {  	p1 =	slt.u32 s9, $0xF7A;
	s5 =	simm.s32 @!p2 $0x0  }
0x1d: {  	s5 =	simm.s32 @p1 $0x1;
	p0 =	seq.s32 s7, s2  }
0x1e: {  	s7 =	smul.u32 @!p0 $0xF7A, s2;
	p2 =	seq.s32 @!p0 s5, $0x0  }
0x1f: {  	s9 =	smul.u32 $0xF7A, s1;
	s8 =	simm.s32 @!p0 $0x1BF5;
	p2 =	por !p2, p0  }
0x20: {  	[sflag:s8] =	ssyncset.s32 @!p0 $0xFFFFF086;
	s6 =	sadd.s32 @!p0 s3, s7;
	s7 =	simm.s32 @!p0 $0x108  }
0x21: {  	s3 =	sadd.s32 s3, s9;
	s6 =	sadd.s32 @!p0 $0x88, s6;
	s7 =	simm.s32 @p2 $0x1082  }
0x22: {  	[simem:s7], [sflag:s8] =	dma.local @!p0 [hbm:s6], $0xF7A  }
0x23: {  	s9 =	sor.u32 $0xD0000000, s2;
	s6 =	simm.s32 $0x108;
	_ =	swait.ge @!p0 [sflag:s8], $0x0  }
0x24: {  	s3 =	sadd.s32 $0x88, s3;
	s6 =	simm.s32 @!p1 $0x1082;
	[sflag:s4] =	ssyncset.s32 $0xFFFFF086  }
0x25: {  	[simem:s6], [sflag:s4] =	dma.local [hbm:s3], $0xF7A  }
0x26: {  	[smem:$0x3F71] =	sst s1;
	(tag) =	ssettag s2;
	_ =	strace s9  }
0x27: {  	s1 =	sld [smem:$0x3F81]  }
0x28: {  	s2 =	sld [smem:$0x3F82]  }
0x29: {  	s4 =	sld [smem:$0x3F84]  }
0x2a: {  	p0 =	seq.s32 s5, $0x0;
	s5 =	sld [smem:$0x3F85]  }
0x2b: {  	s6 =	sld [smem:$0x3F86]  }
0x2c: {  	s7 =	sld [smem:$0x3F87]  }
0x2d: {  	s3 =	simm.s32 $0x108;
	s8 =	sld [smem:$0x3F88]  }
0x2e: {  	s3 =	simm.s32 @!p0 $0x1082;
	s9 =	sld [smem:$0x3F89]  }
0x2f: {  	lr =	sadd.s32 s0, s3;
	s0 =	sld [smem:$0x3F80]  }
0x30: {  	s3 =	sld [smem:$0x3F83]  }
0x31: {  	[smem:$0x3F8C] =	sst s10  }
0x32: {  	s10 =	sld [smem:$0x3F8A];
	_ =	sdelay $0x3  }
0x33: {  	p0 =	seq.s32 s10, $0x1;
	s10 =	sld [smem:$0x3F8C];
	_ =	sdelay $0x3  }
0x34: {  	[smem:$0x3F8C] =	sst s10  }
0x35: {  	s10 =	sld [smem:$0x3F8B];
	_ =	sdelay $0x3  }
0x36: {  	p1 =	seq.s32 s10, $0x1;
	s10 =	sld [smem:$0x3F8C];
	_ =	sdelay $0x3  }
0x37: {  	[smem:$0x3F8C] =	sst s10  }
0x38: {  	s10 =	sld [smem:$0x3F8D]  }
0x39: {  	_ = 	snop;
	(pc) =	sbr.ind lr, $3  }
0x3a: {  	_ = 	snop  }
0x3b: {  	_ = 	snop  }
0x3c: {  	p2 =	seq.s32 s10, $0x1;
	s10 =	sld [smem:$0x3F8C]  }
0x3d: {  	_ =	shalt  }
0x3e: {  	_ =	shalt  }
0x3f: {  	_ =	shalt  }
0x40: {  	_ =	shalt  }
0x41: {  	_ =	shalt  }
0x42: {  	_ =	shalt  }
0x43: {  	_ =	shalt  }
0x44: {  	_ =	shalt  }
0x45: {  	_ =	shalt  }
0x46: {  	_ =	shalt  }
0x47: {  	_ =	shalt  }
0x48: {  	_ =	shalt  }
0x49: {  	_ =	shalt  }
0x4a: {  	_ =	shalt  }
0x4b: {  	_ =	shalt  }
0x4c: {  	_ =	shalt  }
0x4d: {  	_ =	shalt  }
0x4e: {  	_ =	shalt  }
0x4f: {  	_ =	shalt  }
0x50: {  	_ =	shalt  }
0x51: {  	_ =	shalt  }
0x52: {  	_ =	shalt  }
0x53: {  	_ =	shalt  }
0x54: {  	_ =	shalt  }
0x55: {  	_ =	shalt  }
0x56: {  	_ =	shalt  }
0x57: {  	_ =	shalt  }
0x58: {  	_ =	shalt  }
0x59: {  	_ =	shalt  }
0x5a: {  	_ =	shalt  }
0x5b: {  	_ =	shalt  }
0x5c: {  	_ =	shalt  }
0x5d: {  	_ =	shalt  }
0x5e: {  	_ =	shalt  }
0x5f: {  	_ =	shalt  }
0x60: {  	_ =	shalt  }
0x61: {  	_ =	shalt  }
0x62: {  	_ =	shalt  }
0x63: {  	_ =	shalt  }
0x64: {  	_ =	shalt  }
0x65: {  	_ =	shalt  }
0x66: {  	_ =	shalt  }
0x67: {  	_ =	shalt  }
0x68: {  	_ =	shalt  }
0x69: {  	_ =	shalt  }
0x6a: {  	_ =	shalt  }
0x6b: {  	_ =	shalt  }
0x6c: {  	_ =	shalt  }
0x6d: {  	_ =	shalt  }
0x6e: {  	_ =	shalt  }
0x6f: {  	_ =	shalt  }
0x70: {  	_ =	shalt  }
0x71: {  	_ =	shalt  }
0x72: {  	_ =	shalt  }
0x73: {  	_ =	shalt  }
0x74: {  	_ =	shalt  }
0x75: {  	_ =	shalt  }
0x76: {  	_ =	shalt  }
0x77: {  	_ =	shalt  }
0x78: {  	_ =	shalt  }
0x79: {  	_ =	shalt  }
0x7a: {  	_ =	shalt  }
0x7b: {  	_ =	shalt  }
0x7c: {  	_ =	shalt  }
0x7d: {  	_ =	shalt  }
0x7e: {  	_ =	shalt  }
0x7f: {  	_ =	shalt  }
0x80: {  	_ =	shalt  }
0x81: {  	_ =	shalt  }
0x82: {  	_ =	shalt  }
0x83: {  	_ =	shalt  }
0x84: {  	_ =	shalt  }
0x85: {  	_ =	shalt  }
0x86: {  	_ =	shalt  }
0x87: {  	_ =	shalt  }
.Lfunc_end0:
.L_simem_size_0:
called_computation.3_lowered:
.L_overlay_start_0:
0x88: {  	s2 =	sld [smem:$0x3FD9]  }
0x89: {  	s3 =	sld [smem:$0x3FFE];
	_ =	sdelay $0x1  }
0x8a: {  	s1 =	srdreg.scid  }
0x8b: {  	s0 =	sand.u32 $0x1, s1  }
0x8c: {  	s16 =	sshll.u32 s0, $0xA;
	s2 =	sadd.s32 s3, s2  }
0x8d: {  	s2 =	sadd.s32 s2, s16  }
0x8e: {  	[smem:$0x3F98] =	sst s2  }
0x8f: {  	_ = 	snop  }
0x90: {  	(tm) =	ssettm $0x1  }
0x91: {  	s17 =	sld [smem:$0x3FFB];
	_ =	sdelay $0x3  }
0x92: {  	_ =	strace s17  }
0x93: {  	s2 =	sld [smem:$0x3FFC];
	_ =	sdelay $0x3  }
0x94: {  	_ =	strace s2  }
0x95: {  	s2 =	sld [smem:$0x3FFD];
	_ =	sdelay $0x3  }
0x96: {  	_ =	strace s2  }
0x97: {  	_ =	strace $0x8FFFFFFF  }
0x98: {  	s18 =	sld [smem:$0x3FDB];
	_ =	sdelay $0x1  }
0x99: {  	s19 =	simm.s32 $_scs_section_size  }
0x9a: {  	s4 =	simm.s32 $_size__tile_overlayer_lowered;
	s5 =	simm.s32 $_tile_overlayer_lowered  }
0x9b: {  	s22 =	simm.s32 $0x1BFF;
	s21 =	sshll.u32 s5, $0x1;
	s2 =	sadd.s32 s19, s18  }
0x9c: {  	s6 =	simm.s32 $0x0;
	s20 =	sshll.u32 s4, $0x1;
	s4 =	sadd.s32 s21, s2  }
0x9d: {  	[timem:s6], [sflag:s22] =	dma.local [hbm:s4], s20  }
0x9e: {  	_ =	swait.ge [sflag:s22], s20  }
0x9f: {  	s3 =	ssub.s32 $0x0, s20;
	[sflag:s22] =	ssyncset.done $0x0  }
0xa0: {  	[sflag:s22] =	ssyncadd.s32 s3;
	_ =	sdelay $0x1  }
0xa1: {  	s23 =	simm.s32 $0x1B8B  }
0xa2: {  	_ =	swait.ge [sflag:s23], $0x1  }
0xa3: {  	[sflag:s23] =	ssyncset.done $0x0  }
0xa4: {  	s25 =	simm.s32 $0x1B8E;
	s24 =	sld [smem:$0x3FFE];
	[sflag:s23] =	ssyncadd.s32 $0xFFFFFFFF  }
0xa5: {  	s26 =	simm.s32 $execute0_lowered;
	[smem:$0x3FD2] =	sst s25  }
0xa6: {  	s4 =	sshll.u32 s26, $0x1;
	_ =	strace $0x8000004F;
	[dreg:$0x1] =	wrdreg $0xFFFFFFFF  }
0xa7: {  	s28 =	simm.s32 $_size_execute0_lowered;
	s2 =	sadd.s32 s2, s4;
	[dreg:$0x0] =	wrdreg $0x0  }
0xa8: {  	s4 =	sshll.u32 s28, $0x1;
	[dreg:$0x2] =	wrdreg s2  }
0xa9: {  	[dreg:$0x3] =	wrdreg s4  }
0xaa: {  	[dreg:$0x4] =	wrdreg $0xC0  }
0xab: {  	_ =	task [dreg:s6], $0x5FFFF  }
0xac: {  	[dreg:$0x1] =	wrdreg $0xFFFFFFFF  }
0xad: {  	[dreg:$0x0] =	wrdreg $0x60  }
0xae: {  	[dreg:$0x2] =	wrdreg s24  }
0xaf: {  	[dreg:$0x3] =	wrdreg $0xC4000  }
0xb0: {  	[dreg:$0x4] =	wrdreg $0x9  }
0xb1: {  	_ =	task.clear_ibuf [dreg:s6], $0x5FFFF;
	_ =	strace $0x9000004F  }
0xb2: {  	s29 =	simm.s32 $0x9;
	_ =	strace $0x80000051  }
0xb3: {  	_ =	swait.ge [sflag:s29], $0x1  }
0xb4: {  	[sflag:s29] =	ssyncadd.s32 $0xFFFFFFFF  }
0xb5: {  	_ =	strace $0x90000051  }
0xb6: {  	_ =	sfence  }
0xb7: {  	s30 =	sld [smem:$0x0];
	_ =	sdelay $0x2  }
0xb8: {  	s31 =	sshll.u32 s1, $0xD;
	s1 =	sshrl.u32 s1, $0x2  }
0xb9: {  	s3 =	sand.u32 $0x4000, s31;
	s1 =	sadd.s32 s1, s30  }
0xba: {  	s0 =	sor.u32 s3, s0;
	s1 =	sshll.u32 s1, $0x11  }
0xbb: {  	s0 =	sor.u32 s1, s0  }
0xbc: {  	s0 =	sadd.s32 $0x8F2B, s0  }
0xbd: {  	[sflag:s0] =	ssyncadd.remote.s32 $0x1  }
0xbe: {  	_ =	sfence.sel $0xFFFF  }
0xbf: {  	[dreg:$0x0] =	wrdreg $0xFFFFFFFF;
	(pc) =	sbr.abs _section_cstart, $3  }
0xc0: {  	[dreg:$0x1] =	wrdreg $0xFFFFFFFF  }
0xc1: {  	_ =	task.clear_ibuf [dreg:s6], $0x2FFFF;
	_ =	strace $0x9FFFFFFF  }
0xc2: {  	(tm) =	ssettm $0x7FFFFFFF  }
0xc3: {  	_ =	shalt  }
tec
execute0_lowered:
.L_overlay_start_1:
0x0: {  	(tag) =	ssettag $0x1  }
0x1: {  	s5 =	rddreg [dreg:$0x0]  }
0x2: {  	s2 =	rddreg [dreg:$0x1]  }
0x3: {  	s4 =	srdreg.scid;
	s1 =	stileid.u32;
	s3 =	simm.s32 $0x0  }
0x4: {  	s18 =	simm.s32 $0x2C00;
	s19 =	simm.s32 $0x5800;
	s20 =	simm.s32 $0x8400  }
0x5: {  	s21 =	simm.s32 $0x80;
	s22 =	simm.s32 $0x1;
	s24 =	simm.s32 $0x0  }
0x6: {  	s6 =	sand.u32 $0x1, s4;
	s29 =	sshll.u32 s1, $0x1;
	s9 =	smul.u32 $0x50000, s1  }
0x7: {  	[smem:$0x7FF] =	sst s3;
	s15 =	sadd.s32 $0x5EC00, s5;
	s12 =	smul.u32 $0x14000, s1  }
0x8: {  	s23 =	sadd.s32 $0x12C000, s2;
	p0 =	seq.s32 s1, $0xF;
	s4 =	sor.u32 s6, s29  }
0x9: {  	_ =	strace $0x80000050;
	s8 =	ssub.s32 $0x2, s6;
	s13 =	smul.u32 $0x138800, s6  }
0xa: {  	s23 =	sshrl.u32 @p0 s23, $0x3;
	s7 =	smul.u32 $0x580, s4;
	s30 =	sshrl.u32 s8, $0x1  }
0xb: {  	s4 =	sadd.s32 $0x21C00, s5;
	s31 =	sshrl.u32 s9, $0x2;
	s16 =	ssub.s32 s8, s30  }
0xc: {  	s6 =	sadd.s32 s31, s2;
	s14 =	sadd.s32 s12, s13;
	s17 =	sshrl.u32 s13, $0x3  }
0xd: {  	s13 =	sadd.s32 $0x138000, s2;
	s10 =	sadd.s32 s7, s5;
	s9 =	sadd.s32 $0x4000, s6  }
0xe: {  	s11 =	sadd.s32 $0xC000, s6;
	s12 =	sadd.s32 $0x10000, s6;
	s14 =	sshrl.u32 s14, $0x3  }
0xf: {  	s16 =	smax.u32 s16, $0x1;
	s5 =	sadd.s32 $0xB600, s10;
	s7 =	sadd.s32 $0x16600, s10  }
0x10: {  	s8 =	sadd.s32 $0x49C00, s10;
	s14 =	sadd.s32 s15, s14;
	s15 =	sadd.s32 s15, s17  }
0x11: {  	v0 =	vimm.f32 $0.0e+00;
	s10 =	sadd.s32 $0x8000, s6;
	s17 =	simm.s32 $0x2;
	s15 =	sadd.s32 $0x25800, s15  }
.LBB2_1:
0x12: {  	[tilespmem:s3], [sflag:$0x2] =	stream.linear.gather [hbm4b:s5+s3], $0x2880, $0x38;
	[tilespmem:$0x1FC80] =	vst v63  }
0x13: {  	_ =	swait.ge [sflag:s17], $0x2880  }
0x14: {  	[sflag:s17] =	ssyncset.done $0x0  }
0x15: {  	[sflag:s17] =	ssyncadd.s32 $0xFFFFD780  }
0x16: {  	[tilespmem:s18], [sflag:$0x2] =	stream.linear.gather [hbm4b:s7+s3], $0x2880, $0x38;
	[tilespmem:$0x1FC80] =	vst v63  }
0x17: {  	_ =	swait.ge [sflag:s17], $0x2880  }
0x18: {  	[sflag:s17] =	ssyncset.done $0x0  }
0x19: {  	[sflag:s17] =	ssyncadd.s32 $0xFFFFD780  }
0x1a: {  	[tilespmem:s19], [sflag:$0x2] =	stream.linear.gather [hbm4b:s8+s3], $0x2880, $0x38;
	[tilespmem:$0x1FC80] =	vst v63  }
0x1b: {  	_ =	swait.ge [sflag:s17], $0x2880  }
0x1c: {  	[sflag:s17] =	ssyncset.done $0x0  }
0x1d: {  	s25 =	simm.s32 $0x0;
	s26 =	simm.s32 $0x200;
	[sflag:s17] =	ssyncadd.s32 $0xFFFFD780  }
.LBB2_2:
0x1e: {  	p1 =	sne.s32 s26, $0xFE00;
	[tilespmem:s25+$0x8470] =	vst v0  }
0x1f: {  	[tilespmem:s25+$0x8400] =	vst v0  }
0x20: {  	[tilespmem:s25+$0x8410] =	vst v0  }
.Ltmp0:
0x21: {  	[tilespmem:s25+$0x8420] =	vst v0;
	(pc) =	sbr.rel @p1 .LBB2_2-.Ltmp0, $4  }
0x22: {  	[tilespmem:s25+$0x8430] =	vst v0  }
0x23: {  	[tilespmem:s25+$0x8440] =	vst v0  }
0x24: {  	[tilespmem:s25+$0x8450] =	vst v0  }
0x25: {  	[tilespmem:s25+$0x8460] =	vst v0;
	s25 =	sshra.s32 s26, $0x2;
	s26 =	sadd.s32 $0x200, s26  }
0x26: {  	[tilespmem:s25+$0x8470] =	vst v0  }
0x27: {  	[tilespmem:s25+$0x8400] =	vst v0  }
0x28: {  	[tilespmem:s25+$0x8410] =	vst v0  }
0x29: {  	[tilespmem:s25+$0x8420] =	vst v0  }
0x2a: {  	[tilespmem:s25+$0x8430] =	vst v0  }
0x2b: {  	[tilespmem:s25+$0x8440] =	vst v0  }
0x2c: {  	[tilespmem:s25+$0x8450] =	vst v0  }
0x2d: {  	[tilespmem:s25+$0x8460] =	vst v0  }
0x2e: {  	[spmem:s6] =	stream.linear.scatter [tilespmem:s20], [sflag:$0x2], $0x4000, $0x38;
	[tilespmem:$0x1FC80] =	vst v63  }
0x2f: {  	_ =	swait.ge [sflag:s17], $0x4000  }
0x30: {  	[sflag:s17] =	ssyncset.done $0x0  }
0x31: {  	[sflag:s17] =	ssyncadd.s32 $0xFFFFC000  }
0x32: {  	[spmem:s9] =	stream.linear.scatter [tilespmem:s20], [sflag:$0x2], $0x4000, $0x38;
	[tilespmem:$0x1FC80] =	vst v63  }
0x33: {  	_ =	swait.ge [sflag:s17], $0x4000  }
0x34: {  	[sflag:s17] =	ssyncset.done $0x0  }
0x35: {  	[sflag:s17] =	ssyncadd.s32 $0xFFFFC000  }
0x36: {  	[spmem:s10] =	stream.linear.scatter [tilespmem:s20], [sflag:$0x2], $0x4000, $0x38;
	[tilespmem:$0x1FC80] =	vst v63  }
0x37: {  	_ =	swait.ge [sflag:s17], $0x4000  }
0x38: {  	[sflag:s17] =	ssyncset.done $0x0  }
0x39: {  	s25 =	simm.s32 @p0 $0x8400;
	[sflag:s17] =	ssyncadd.s32 $0xFFFFC000  }
0x3a: {  	[spmem:s13] =	stream.linear.scatter @p0 [tilespmem:s25], [sflag:$0x2], $0x800, $0x38;
	[tilespmem:$0x1FC80] =	vst v63  }
0x3b: {  	s25 =	simm.s32 @p0 $0x2  }
0x3c: {  	_ =	swait.ge @p0 [sflag:s25], $0x800  }
0x3d: {  	[sflag:s25] =	ssyncset.done @p0 $0x0  }
0x3e: {  	s26 =	simm.s32 @!p0 $0x2;
	[sflag:s25] =	ssyncadd.s32 @p0 $0xFFFFF800;
	s25 =	simm.s32 @!p0 $0x8400  }
0x3f: {  	[spmem:s11] =	stream.linear.scatter @!p0 [tilespmem:s25], [sflag:$0x2], $0x4000, $0x38;
	[tilespmem:$0x1FC80] =	vst v63  }
0x40: {  	_ =	swait.ge @!p0 [sflag:s26], $0x4000  }
0x41: {  	[sflag:s26] =	ssyncset.done @!p0 $0x0  }
0x42: {  	[sflag:s26] =	ssyncadd.s32 @!p0 $0xFFFFC000  }
0x43: {  	[spmem:s12] =	stream.linear.scatter @!p0 [tilespmem:s25], [sflag:$0x2], $0x4000, $0x38;
	[tilespmem:$0x1FC80] =	vst v63  }
0x44: {  	_ =	swait.ge @!p0 [sflag:s26], $0x4000  }
0x45: {  	[sflag:s26] =	ssyncset.done @!p0 $0x0  }
0x46: {  	[sflag:s26] =	ssyncadd.s32 @!p0 $0xFFFFC000  }
0x47: {  	s25 =	simm.s32 $0x0;
	s26 =	simm.s32 $0x0;
	[bflag:$0x0] =	sbarrier.arrive $0xFFFF  }
.LBB2_4:
0x48: {  	s28 =	sshll.u32 s26, $0x7;
	v2 =	vmov s25  }
0x49: {  	v1 =	vmov s28;
	v2 =	vand.u32 $0x7F, v2  }
0x4a: {  	[tilespmem:s20], [sflag:$0x1] =	stream.indirect.gather [hbm4b:s4+s21], $0x80, s28, s21, $0xb8;
	v2 =	vadd.s32 v1, v2;
	[tilespmem:$0x1FC80] =	vst v63  }
0x4b: {  	_ =	swait.ge [sflag:s22], $0x4000;
	v2 =	vbroadcast v2, $0x0  }
0x4c: {  	[sflag:s22] =	ssyncset.done $0x0  }
0x4d: {  	s29 =	simm.s32 $0x8440;
	[sflag:s22] =	ssyncadd.s32 $0xFFFFC000  }
0x4e: {  	v6 =	vld [tilespmem:s29+$0x30]  }
0x4f: {  	v9 =	vld [tilespmem:s29+$0x10]  }
0x50: {  	v7 =	vld [tilespmem:s29+$0xFFFFFFC0]  }
0x51: {  	v3 =	vld.idx.msk [tilespmem:v2+s19+$0x0], $0xffff  }
0x52: {  	v12 =	vld [tilespmem:s29+$0xFFFFFFE0]  }
0x53: {  	v4 =	vld [tilespmem:s29+$0x20]  }
0x54: {  	v5 =	vld [tilespmem:s29+$0xFFFFFFD0]  }
0x55: {  	v2 =	vld [tilespmem:s29+$0xFFFFFFF0]  }
0x56: {  	v10 =	vmul.f32 v6, v3;
	v6 =	vld [tilespmem:s29+$0x0]  }
0x57: {  	s30 =	simm.s32 $0x1;
	v8 =	vmul.f32 v7, v3  }
0x58: {  	s31 =	simm.s32 $0x2;
	v11 =	vmov s30;
	s30 =	simm.s32 $0x8440;
	v7 =	vmul.f32 v12, v3;
	v9 =	vmul.f32 v9, v3  }
.LBB2_5:
0x59: {  	p1 =	sne.s32 s31, $0x7F  }
0x5a: {  	v11 =	vand.u32 $0x7F, v11;
	v5 =	vmul.f32 v5, v3;
	v4 =	vmul.f32 v4, v3;
	[tilespmem:s29+$0x30] =	vst v10;
	s30 =	sadd.s32 $0x80, s30;
	s0 =	smov.u32 s31;
	s31 =	sadd.s32 $0x1, s31  }
0x5b: {  	v10 =	vadd.s32 v1, v11;
	[tilespmem:s29+$0xFFFFFFC0] =	vst v8;
	v8 =	vmul.f32 v2, v3;
	v3 =	vmul.f32 v6, v3  }
0x5c: {  	v6 =	vbroadcast v10, $0x0;
	[tilespmem:s29+$0x10] =	vst v9  }
0x5d: {  	[tilespmem:s29+$0xFFFFFFE0] =	vst v7  }
0x5e: {  	v2 =	vld [tilespmem:s30+$0xFFFFFFF0];
	[tilespmem:s29+$0xFFFFFFF0] =	vst v8  }
0x5f: {  	v7 =	vld [tilespmem:s30+$0x30];
	[tilespmem:s29+$0x0] =	vst v3  }
0x60: {  	v9 =	vld [tilespmem:s30+$0x10];
	[tilespmem:s29+$0x20] =	vst v4  }
0x61: {  	v8 =	vld [tilespmem:s30+$0xFFFFFFC0];
	[tilespmem:s29+$0xFFFFFFD0] =	vst v5;
	s29 =	smov.u32 s30  }
0x62: {  	v3 =	vld.idx.msk [tilespmem:v6+s19+$0x0], $0xffff  }
0x63: {  	v12 =	vld [tilespmem:s30+$0xFFFFFFE0]  }
0x64: {  	v4 =	vld [tilespmem:s30+$0x20]  }
.Ltmp1:
0x65: {  	v5 =	vld [tilespmem:s30+$0xFFFFFFD0];
	(pc) =	sbr.rel @p1 .LBB2_5-.Ltmp1, $3  }
0x66: {  	v6 =	vld [tilespmem:s30+$0x0];
	_ =	sdelay $0x1  }
0x67: {  	v8 =	vmul.f32 v8, v3;
	v10 =	vmul.f32 v7, v3  }
0x68: {  	v11 =	vmov s0;
	v9 =	vmul.f32 v9, v3;
	v7 =	vmul.f32 v12, v3  }
0x69: {  	[tilespmem:s29+$0x30] =	vst v10;
	v58 =	vand.u32 $0x7F, v11  }
0x6a: {  	[tilespmem:s29+$0xFFFFFFC0] =	vst v8;
	v1 =	vadd.s32 v1, v58  }
0x6b: {  	v2 =	vmul.f32 v2, v3;
	[tilespmem:s29+$0x10] =	vst v9;
	v1 =	vbroadcast v1, $0x0  }
0x6c: {  	s0 =	sadd.s32 $0x80, s30;
	[tilespmem:s29+$0xFFFFFFE0] =	vst v7;
	v6 =	vmul.f32 v6, v3  }
0x6d: {  	v4 =	vmul.f32 v4, v3;
	v3 =	vmul.f32 v5, v3;
	v7 =	vld [tilespmem:s0+$0xFFFFFFF0];
	[tilespmem:s29+$0xFFFFFFF0] =	vst v2  }
0x6e: {  	v2 =	vld [tilespmem:s0+$0x30];
	[tilespmem:s29+$0x0] =	vst v6  }
0x6f: {  	v60 =	vld [tilespmem:s0+$0xFFFFFFC0];
	[tilespmem:s29+$0xFFFFFFD0] =	vst v3  }
0x70: {  	v59 =	vld [tilespmem:s0+$0x10];
	[tilespmem:s29+$0x20] =	vst v4  }
0x71: {  	v1 =	vld.idx.msk [tilespmem:v1+s19+$0x0], $0xffff;
	_ =	sdelay $0x2  }
0x72: {  	v6 =	vld [tilespmem:s0+$0x0]  }
0x73: {  	v3 =	vld [tilespmem:s0+$0xFFFFFFE0]  }
0x74: {  	v2 =	vmul.f32 v2, v1  }
0x75: {  	v61 =	vld [tilespmem:s0+$0x20];
	v4 =	vmul.f32 v60, v1  }
0x76: {  	v62 =	vld [tilespmem:s0+$0xFFFFFFD0];
	v5 =	vmul.f32 v59, v1;
	[tilespmem:s0+$0x30] =	vst v2  }
0x77: {  	v63 =	vmul.f32 v6, v1;
	[tilespmem:s0+$0xFFFFFFC0] =	vst v4  }
0x78: {  	v2 =	vmul.f32 v3, v1;
	[tilespmem:s0+$0x10] =	vst v5  }
0x79: {  	v3 =	vmul.f32 v7, v1;
	[tilespmem:s0+$0x0] =	vst v63  }
0x7a: {  	[tilespmem:s0+$0xFFFFFFE0] =	vst v2;
	v2 =	vmul.f32 v61, v1  }
0x7b: {  	s26 =	sadd.s32 $0x1, s26;
	[tilespmem:s0+$0xFFFFFFF0] =	vst v3;
	v1 =	vmul.f32 v62, v1  }
0x7c: {  	p1 =	sne.s32 s26, $0x51;
	[tilespmem:s0+$0x20] =	vst v2  }
.Ltmp2:
0x7d: {  	s31 =	sadd.s32 $0x2C00, s28;
	[tilespmem:s0+$0xFFFFFFD0] =	vst v1;
	(pc) =	sbr.rel @p1 .LBB2_4-.Ltmp2, $4  }
0x7e: {  	[spmem:s2] =	stream.indirect.scatter.add.f32 [tilespmem:s20], [sflag:$0x2], $0x80, s31, s21, $0xb8;
	[tilespmem:$0x1FC80] =	vst v63  }
0x7f: {  	_ =	swait.ge [sflag:s17], $0x4000  }
0x80: {  	[sflag:s17] =	ssyncset.done $0x0  }
0x81: {  	[sflag:s17] =	ssyncadd.s32 $0xFFFFC000  }
0x82: {  	[bflag:$0x0] =	sbarrier.arrive $0xFFFF;
	s0 =	simm.s32 @p0 $0x1FC2  }
0x83: {  	[hbm:s15], [sflag:s0] =	dma.local @p0 [spmem:s23], $0x1900  }
0x84: {  	s0 =	simm.s32 @p0 $0x2  }
0x85: {  	s24 =	sadd.s32 $0x1, s24;
	_ =	swait.ge @p0 [sflag:s0], $0x1900  }
0x86: {  	s25 =	sshll.u32 @!p0 s1, $0x6;
	p1 =	sne.s32 s24, s16;
	[sflag:s0] =	ssyncset.done @p0 $0x0  }
0x87: {  	[sflag:s0] =	ssyncadd.s32 @p0 $0xFFFFE700;
	s0 =	sor.u32 @!p0 $0x1C02, s25;
	s25 =	sshrl.u32 @!p0 s6, $0x3  }
0x88: {  	[hbm:s14], [sflag:s0] =	dma.local @!p0 [spmem:s25], $0x2800  }
.Ltmp3:
0x89: {  	_ = 	snop;
	(pc) =	sbr.rel @p1 .LBB2_1-.Ltmp3, $4  }
0x8a: {  	s0 =	simm.s32 @!p0 $0x2  }
0x8b: {  	_ =	swait.ge @!p0 [sflag:s0], $0x2800  }
0x8c: {  	[sflag:s0] =	ssyncset.done @!p0 $0x0  }
0x8d: {  	[sflag:s0] =	ssyncadd.s32 @!p0 $0xFFFFD800  }
0x8e: {  	_ =	sfence.sel $0x180000  }
0x8f: {  	[bflag:$0x0] =	sbarrier.arrive $0xFFFF  }
0x90: {  	_ =	strace $0x90000050  }
0x91: {  	[bflag:$0x2] =	sbarrier.arrive $0xFFFF  }
0x92: {  	p0 =	sne.s32 s1, $0x0;
	s0 =	rddreg [dreg:$0x2]  }
0x93: {  	s0 =	sadd.s32 @!p0 $0x100000, s0  }
0x94: {  	[sflag:s0] =	ssyncadd.tile.s32 @!p0 $0x1;
	_ =	shalt  }
.Lfunc_end2:
_tile_overlayer_lowered:
.L_overlay_start_2:
0x95: {  	(tag) =	ssettag $0x2  }
0x96: {  	s0 =	rddreg [dreg:$0x0];
	s2 =	stileid.u32  }
0x97: {  	s1 =	rddreg [dreg:$0x1];
	p0 =	sne.s32 s2, $0x0  }
0x98: {  	s3 =	rddreg [dreg:$0x2];
	[bflag:$0x3] =	sbarrier.arrive $0xFFFF;
	s2 =	simm.s32 @!p0 $0x1C02  }
0x99: {  	[timem:s3], [sflag:s2] =	dma.local @!p0 [hbm:s0], s1  }
0x9a: {  	s0 =	simm.s32 @!p0 $0x2  }
0x9b: {  	_ =	swait.ge @!p0 [sflag:s0], s1  }
0x9c: {  	s1 =	ssub.s32 @!p0 $0x0, s1;
	[sflag:s0] =	ssyncset.done @!p0 $0x0  }
0x9d: {  	[sflag:s0] =	ssyncadd.s32 @!p0 s1  }
0x9e: {  	[bflag:$0x3] =	sbarrier.arrive $0xFFFF  }
0x9f: {  	_ =	shalt  }

// kernel: kernel.32.cloned.1.call-start
scs
__scs_entry_jumppad:
0x0: {  	(pc) =	sbr.rel $0x88, $3  }
0x1: {  	(tag) =	ssettag $0x0;
	lr =	simm.s32 $0x1  }
0x2: {  	[smem:$0x3F71] =	sst lr;
	_ =	strace $0xD0000000  }
0x3: {  	_ = 	snop  }
0x4: {  	_ = 	snop  }
0x5: {  	_ = 	snop  }
0x6: {  	_ = 	snop  }
0x7: {  	_ = 	snop  }
__scs_overlays_trampoline_lowered:
0x8: {  	[smem:$0x3F80] =	sst s0  }
0x9: {  	[smem:$0x3F81] =	sst s1  }
0xa: {  	[smem:$0x3F82] =	sst s2  }
0xb: {  	[smem:$0x3F83] =	sst s3  }
0xc: {  	[smem:$0x3F84] =	sst s4  }
0xd: {  	[smem:$0x3F85] =	sst s5  }
0xe: {  	[smem:$0x3F86] =	sst s6  }
0xf: {  	[smem:$0x3F87] =	sst s7  }
0x10: {  	[smem:$0x3F88] =	sst s8  }
0x11: {  	[smem:$0x3F89] =	sst s9;
	s0 =	simm.s32 @!p0 $0x0  }
0x12: {  	s1 =	sld [smem:$0x3F6F];
	s0 =	simm.s32 @p0 $0x1  }
0x13: {  	[smem:$0x3F8A] =	sst s0;
	s0 =	simm.s32 @!p1 $0x0  }
0x14: {  	s2 =	sld [smem:$0x3F6E];
	s0 =	simm.s32 @p1 $0x1  }
0x15: {  	[smem:$0x3F8B] =	sst s0;
	s0 =	simm.s32 @!p2 $0x0  }
0x16: {  	s3 =	sld [smem:$0x3FDB];
	s0 =	simm.s32 @p2 $0x1  }
0x17: {  	s4 =	simm.s32 $0x1BF5;
	[smem:$0x3F8D] =	sst s0  }
0x18: {  	s0 =	sld [smem:$0x3F70];
	_ =	swait.ge [sflag:s4], $0x0  }
0x19: {  	s7 =	sld [smem:$0x3F71]  }
0x1a: {  	s8 =	sadd.s32 $0xFFFFE003, lr  }
0x1b: {  	s9 =	sadd.s32 $0xFFFFFEF7, lr;
	s5 =	simm.s32 $0xFFFFFFFF;
	p2 =	slt.u32 s8, $0xFFFFF086  }
0x1c: {  	p1 =	slt.u32 s9, $0xF7A;
	s5 =	simm.s32 @!p2 $0x0  }
0x1d: {  	s5 =	simm.s32 @p1 $0x1;
	p0 =	seq.s32 s7, s2  }
0x1e: {  	s7 =	smul.u32 @!p0 $0xF7A, s2;
	p2 =	seq.s32 @!p0 s5, $0x0  }
0x1f: {  	s9 =	smul.u32 $0xF7A, s1;
	s8 =	simm.s32 @!p0 $0x1BF5;
	p2 =	por !p2, p0  }
0x20: {  	[sflag:s8] =	ssyncset.s32 @!p0 $0xFFFFF086;
	s6 =	sadd.s32 @!p0 s3, s7;
	s7 =	simm.s32 @!p0 $0x108  }
0x21: {  	s3 =	sadd.s32 s3, s9;
	s6 =	sadd.s32 @!p0 $0x88, s6;
	s7 =	simm.s32 @p2 $0x1082  }
0x22: {  	[simem:s7], [sflag:s8] =	dma.local @!p0 [hbm:s6], $0xF7A  }
0x23: {  	s9 =	sor.u32 $0xD0000000, s2;
	s6 =	simm.s32 $0x108;
	_ =	swait.ge @!p0 [sflag:s8], $0x0  }
0x24: {  	s3 =	sadd.s32 $0x88, s3;
	s6 =	simm.s32 @!p1 $0x1082;
	[sflag:s4] =	ssyncset.s32 $0xFFFFF086  }
0x25: {  	[simem:s6], [sflag:s4] =	dma.local [hbm:s3], $0xF7A  }
0x26: {  	[smem:$0x3F71] =	sst s1;
	(tag) =	ssettag s2;
	_ =	strace s9  }
0x27: {  	s1 =	sld [smem:$0x3F81]  }
0x28: {  	s2 =	sld [smem:$0x3F82]  }
0x29: {  	s4 =	sld [smem:$0x3F84]  }
0x2a: {  	p0 =	seq.s32 s5, $0x0;
	s5 =	sld [smem:$0x3F85]  }
0x2b: {  	s6 =	sld [smem:$0x3F86]  }
0x2c: {  	s7 =	sld [smem:$0x3F87]  }
0x2d: {  	s3 =	simm.s32 $0x108;
	s8 =	sld [smem:$0x3F88]  }
0x2e: {  	s3 =	simm.s32 @!p0 $0x1082;
	s9 =	sld [smem:$0x3F89]  }
0x2f: {  	lr =	sadd.s32 s0, s3;
	s0 =	sld [smem:$0x3F80]  }
0x30: {  	s3 =	sld [smem:$0x3F83]  }
0x31: {  	[smem:$0x3F8C] =	sst s10  }
0x32: {  	s10 =	sld [smem:$0x3F8A];
	_ =	sdelay $0x3  }
0x33: {  	p0 =	seq.s32 s10, $0x1;
	s10 =	sld [smem:$0x3F8C];
	_ =	sdelay $0x3  }
0x34: {  	[smem:$0x3F8C] =	sst s10  }
0x35: {  	s10 =	sld [smem:$0x3F8B];
	_ =	sdelay $0x3  }
0x36: {  	p1 =	seq.s32 s10, $0x1;
	s10 =	sld [smem:$0x3F8C];
	_ =	sdelay $0x3  }
0x37: {  	[smem:$0x3F8C] =	sst s10  }
0x38: {  	s10 =	sld [smem:$0x3F8D]  }
0x39: {  	_ = 	snop;
	(pc) =	sbr.ind lr, $3  }
0x3a: {  	_ = 	snop  }
0x3b: {  	_ = 	snop  }
0x3c: {  	p2 =	seq.s32 s10, $0x1;
	s10 =	sld [smem:$0x3F8C]  }
0x3d: {  	_ =	shalt  }
0x3e: {  	_ =	shalt  }
0x3f: {  	_ =	shalt  }
0x40: {  	_ =	shalt  }
0x41: {  	_ =	shalt  }
0x42: {  	_ =	shalt  }
0x43: {  	_ =	shalt  }
0x44: {  	_ =	shalt  }
0x45: {  	_ =	shalt  }
0x46: {  	_ =	shalt  }
0x47: {  	_ =	shalt  }
0x48: {  	_ =	shalt  }
0x49: {  	_ =	shalt  }
0x4a: {  	_ =	shalt  }
0x4b: {  	_ =	shalt  }
0x4c: {  	_ =	shalt  }
0x4d: {  	_ =	shalt  }
0x4e: {  	_ =	shalt  }
0x4f: {  	_ =	shalt  }
0x50: {  	_ =	shalt  }
0x51: {  	_ =	shalt  }
0x52: {  	_ =	shalt  }
0x53: {  	_ =	shalt  }
0x54: {  	_ =	shalt  }
0x55: {  	_ =	shalt  }
0x56: {  	_ =	shalt  }
0x57: {  	_ =	shalt  }
0x58: {  	_ =	shalt  }
0x59: {  	_ =	shalt  }
0x5a: {  	_ =	shalt  }
0x5b: {  	_ =	shalt  }
0x5c: {  	_ =	shalt  }
0x5d: {  	_ =	shalt  }
0x5e: {  	_ =	shalt  }
0x5f: {  	_ =	shalt  }
0x60: {  	_ =	shalt  }
0x61: {  	_ =	shalt  }
0x62: {  	_ =	shalt  }
0x63: {  	_ =	shalt  }
0x64: {  	_ =	shalt  }
0x65: {  	_ =	shalt  }
0x66: {  	_ =	shalt  }
0x67: {  	_ =	shalt  }
0x68: {  	_ =	shalt  }
0x69: {  	_ =	shalt  }
0x6a: {  	_ =	shalt  }
0x6b: {  	_ =	shalt  }
0x6c: {  	_ =	shalt  }
0x6d: {  	_ =	shalt  }
0x6e: {  	_ =	shalt  }
0x6f: {  	_ =	shalt  }
0x70: {  	_ =	shalt  }
0x71: {  	_ =	shalt  }
0x72: {  	_ =	shalt  }
0x73: {  	_ =	shalt  }
0x74: {  	_ =	shalt  }
0x75: {  	_ =	shalt  }
0x76: {  	_ =	shalt  }
0x77: {  	_ =	shalt  }
0x78: {  	_ =	shalt  }
0x79: {  	_ =	shalt  }
0x7a: {  	_ =	shalt  }
0x7b: {  	_ =	shalt  }
0x7c: {  	_ =	shalt  }
0x7d: {  	_ =	shalt  }
0x7e: {  	_ =	shalt  }
0x7f: {  	_ =	shalt  }
0x80: {  	_ =	shalt  }
0x81: {  	_ =	shalt  }
0x82: {  	_ =	shalt  }
0x83: {  	_ =	shalt  }
0x84: {  	_ =	shalt  }
0x85: {  	_ =	shalt  }
0x86: {  	_ =	shalt  }
0x87: {  	_ =	shalt  }
.Lfunc_end0:
.L_simem_size_0:
called_computation.4_lowered:
.L_overlay_start_0:
0x88: {  	s2 =	sld [smem:$0x3FD9]  }
0x89: {  	s3 =	sld [smem:$0x3FFE];
	_ =	sdelay $0x1  }
0x8a: {  	s1 =	srdreg.scid  }
0x8b: {  	s0 =	sand.u32 $0x1, s1  }
0x8c: {  	s14 =	sshll.u32 s0, $0xA;
	s2 =	sadd.s32 s3, s2  }
0x8d: {  	s2 =	sadd.s32 s2, s14  }
0x8e: {  	[smem:$0x3F98] =	sst s2  }
0x8f: {  	_ = 	snop  }
0x90: {  	s2 =	sld [smem:$0x3FD0];
	_ =	sdelay $0x2  }
0x91: {  	s15 =	simm.s32 $0xA;
	s4 =	simm.s32 $0x10  }
0x92: {  	[smem:s4], [sflag:s15] =	dma.local [hbm:s2], $0x1  }
0x93: {  	_ =	swait.eq [sflag:s15], $0x1  }
0x94: {  	[sflag:s15] =	ssyncset.done $0x0  }
0x95: {  	[sflag:s15] =	ssyncadd.s32 $0xFFFFFFFF  }
0x96: {  	s16 =	sld [smem:$0x10];
	(tm) =	ssettm $0x1  }
0x97: {  	s17 =	sld [smem:$0x3FFB];
	_ =	sdelay $0x3  }
0x98: {  	_ =	strace s17  }
0x99: {  	s3 =	sld [smem:$0x3FFC];
	_ =	sdelay $0x3  }
0x9a: {  	_ =	strace s3  }
0x9b: {  	s3 =	sld [smem:$0x3FFD];
	_ =	sdelay $0x3  }
0x9c: {  	_ =	strace s3  }
0x9d: {  	_ =	strace $0x8FFFFFFF  }
0x9e: {  	s18 =	sld [smem:$0x3FDB];
	_ =	sdelay $0x1  }
0x9f: {  	s19 =	simm.s32 $_scs_section_size  }
0xa0: {  	s5 =	simm.s32 $_size__tile_overlayer_lowered;
	s6 =	simm.s32 $_tile_overlayer_lowered  }
0xa1: {  	s22 =	simm.s32 $0x1BFF;
	s21 =	sshll.u32 s6, $0x1;
	s3 =	sadd.s32 s19, s18  }
0xa2: {  	s7 =	simm.s32 $0x0;
	s20 =	sshll.u32 s5, $0x1;
	s5 =	sadd.s32 s21, s3  }
0xa3: {  	[timem:s7], [sflag:s22] =	dma.local [hbm:s5], s20  }
0xa4: {  	_ =	swait.ge [sflag:s22], s20  }
0xa5: {  	s4 =	ssub.s32 $0x0, s20;
	[sflag:s22] =	ssyncset.done $0x0  }
0xa6: {  	[sflag:s22] =	ssyncadd.s32 s4;
	_ =	sdelay $0x1  }
0xa7: {  	s23 =	simm.s32 $0x1B8B  }
0xa8: {  	_ =	swait.ge [sflag:s23], $0x1  }
0xa9: {  	[sflag:s23] =	ssyncset.done $0x0  }
0xaa: {  	s25 =	simm.s32 $0x1B8E;
	s24 =	sld [smem:$0x3FFE];
	[sflag:s23] =	ssyncadd.s32 $0xFFFFFFFF  }
0xab: {  	s26 =	simm.s32 $execute0_lowered;
	[smem:$0x3FD2] =	sst s25  }
0xac: {  	s5 =	sshll.u32 s26, $0x1;
	_ =	strace $0x80000052;
	[dreg:$0x1] =	wrdreg $0xFFFFFFFF  }
0xad: {  	s28 =	simm.s32 $_size_execute0_lowered;
	s3 =	sadd.s32 s3, s5;
	[dreg:$0x0] =	wrdreg $0x0  }
0xae: {  	s5 =	sshll.u32 s28, $0x1;
	[dreg:$0x2] =	wrdreg s3  }
0xaf: {  	[dreg:$0x3] =	wrdreg s5  }
0xb0: {  	[dreg:$0x4] =	wrdreg $0xC0  }
0xb1: {  	_ =	task [dreg:s7], $0x5FFFF  }
0xb2: {  	[dreg:$0x1] =	wrdreg $0xFFFFFFFF  }
0xb3: {  	[dreg:$0x0] =	wrdreg $0x60  }
0xb4: {  	[dreg:$0x2] =	wrdreg s16  }
0xb5: {  	[dreg:$0x3] =	wrdreg s24  }
0xb6: {  	[dreg:$0x4] =	wrdreg $0x9  }
0xb7: {  	_ =	task.clear_ibuf [dreg:s7], $0x5FFFF;
	_ =	strace $0x90000052  }
0xb8: {  	s29 =	simm.s32 $0x9;
	_ =	strace $0x80000054  }
0xb9: {  	_ =	swait.ge [sflag:s29], $0x1  }
0xba: {  	[sflag:s29] =	ssyncadd.s32 $0xFFFFFFFF  }
0xbb: {  	_ =	strace $0x90000054  }
0xbc: {  	_ =	sfence  }
0xbd: {  	s30 =	sld [smem:$0x0];
	_ =	sdelay $0x2  }
0xbe: {  	s31 =	sshll.u32 s1, $0xD;
	s1 =	sshrl.u32 s1, $0x2  }
0xbf: {  	s3 =	sand.u32 $0x4000, s31;
	s1 =	sadd.s32 s1, s30  }
0xc0: {  	s0 =	sor.u32 s3, s0;
	s1 =	sshll.u32 s1, $0x11  }
0xc1: {  	s0 =	sor.u32 s1, s0  }
0xc2: {  	s0 =	sadd.s32 $0x8F2B, s0  }
0xc3: {  	[sflag:s0] =	ssyncadd.remote.s32 $0x1  }
0xc4: {  	_ =	sfence.sel $0xFFFF  }
0xc5: {  	[dreg:$0x0] =	wrdreg $0xFFFFFFFF;
	(pc) =	sbr.abs _section_cstart, $3  }
0xc6: {  	[dreg:$0x1] =	wrdreg $0xFFFFFFFF  }
0xc7: {  	_ =	task.clear_ibuf [dreg:s7], $0x2FFFF;
	_ =	strace $0x9FFFFFFF  }
0xc8: {  	(tm) =	ssettm $0x7FFFFFFF  }
0xc9: {  	_ =	shalt  }
tec
execute0_lowered:
.L_overlay_start_1:
0x0: {  	(tag) =	ssettag $0x1  }
0x1: {  	s2 =	rddreg [dreg:$0x0];
	s1 =	srdreg.scid  }
0x2: {  	s0 =	stileid.u32;
	s5 =	rddreg [dreg:$0x1]  }
0x3: {  	s3 =	simm.s32 $0x0;
	s12 =	simm.s32 $0x2C00;
	s13 =	simm.s32 $0x5800  }
0x4: {  	s14 =	simm.s32 $0x8000;
	s15 =	simm.s32 $0xA800;
	s16 =	simm.s32 $0xD000  }
0x5: {  	s17 =	simm.s32 $0x0;
	s6 =	sand.u32 $0x1, s1;
	s1 =	rddreg [dreg:$0x2]  }
0x6: {  	s4 =	sshll.u32 s0, $0x1;
	[smem:$0x7FF] =	sst s3;
	s10 =	smul.u32 $0x5100, s0  }
0x7: {  	s4 =	sor.u32 s6, s4;
	s9 =	ssub.s32 $0x2, s6;
	s11 =	smul.u32 $0x2880, s6  }
0x8: {  	_ =	strace $0x80000053;
	s7 =	smul.u32 $0x580, s4;
	s31 =	sshrl.u32 s9, $0x1  }
0x9: {  	s8 =	smul.u32 $0x500, s4;
	s4 =	sadd.s32 $0x21600, s5;
	s9 =	ssub.s32 s9, s31  }
0xa: {  	s10 =	sadd.s32 s11, s10;
	s11 =	simm.s32 $0x1;
	s7 =	sadd.s32 s7, s5  }
0xb: {  	s8 =	sadd.s32 s8, s5;
	s9 =	smax.u32 s9, $0x1;
	s5 =	sadd.s32 $0xB600, s7  }
0xc: {  	v0 =	vimm.f32 $0.0e+00;
	s6 =	sadd.s32 $0x16600, s7;
	s7 =	sadd.s32 $0x49C00, s7;
	s8 =	sadd.s32 $0x54C00, s8  }
.LBB2_1:
0xd: {  	[tilespmem:s3], [sflag:$0x1] =	stream.linear.gather [hbm4b:s5+s3], $0x2880, $0x38;
	[tilespmem:$0xFC00] =	vst v63  }
0xe: {  	_ =	swait.ge [sflag:s11], $0x2880  }
0xf: {  	[sflag:s11] =	ssyncset.done $0x0  }
0x10: {  	[sflag:s11] =	ssyncadd.s32 $0xFFFFD780  }
0x11: {  	[tilespmem:s12], [sflag:$0x1] =	stream.linear.gather [hbm4b:s6+s3], $0x2880, $0x38;
	[tilespmem:$0xFC00] =	vst v63  }
0x12: {  	_ =	swait.ge [sflag:s11], $0x2880  }
0x13: {  	[sflag:s11] =	ssyncset.done $0x0  }
0x14: {  	[sflag:s11] =	ssyncadd.s32 $0xFFFFD780  }
0x15: {  	[tilespmem:s13], [sflag:$0x1] =	stream.linear.gather [hbm4b:s2+s3], $0x2800, $0x38;
	[tilespmem:$0xFC00] =	vst v63  }
0x16: {  	_ =	swait.ge [sflag:s11], $0x2800  }
0x17: {  	[sflag:s11] =	ssyncset.done $0x0  }
0x18: {  	[sflag:s11] =	ssyncadd.s32 $0xFFFFD800  }
0x19: {  	[tilespmem:s14], [sflag:$0x1] =	stream.linear.gather [hbm4b:s4+s3], $0x2800, $0x38;
	[tilespmem:$0xFC00] =	vst v63  }
0x1a: {  	_ =	swait.ge [sflag:s11], $0x2800  }
0x1b: {  	[sflag:s11] =	ssyncset.done $0x0  }
0x1c: {  	s18 =	simm.s32 $0x0;
	[sflag:s11] =	ssyncadd.s32 $0xFFFFD800  }
.LBB2_2:
0x1d: {  	p0 =	sne.s32 s18, $0x9FC0  }
.Ltmp0:
0x1e: {  	_ = 	snop;
	(pc) =	sbr.rel @p0 .LBB2_2-.Ltmp0, $3  }
0x1f: {  	_ =	sdelay $0x1  }
0x20: {  	s19 =	sshra.s32 s18, $0x2  }
0x21: {  	s18 =	sadd.s32 $0x40, s18;
	[tilespmem:s19+$0xA800] =	vst v0  }
0x22: {  	s19 =	simm.s32 $0x0  }
0x23: {  	v2 =	vld [tilespmem:s19+$0x8000]  }
0x24: {  	v1 =	vimm.f32 $-3.000000010e+38;
	s18 =	simm.s32 $0x40;
	v3 =	vimm.f32 $-3.000000010e+38;
	v4 =	vld [tilespmem:s19+$0x5800]  }
.LBB2_4:
0x25: {  	p0 =	sne.s32 s18, $0x9FC0  }
.Ltmp1:
0x26: {  	_ = 	snop;
	(pc) =	sbr.rel @p0 .LBB2_4-.Ltmp1, $4  }
0x27: {  	_ = 	snop  }
0x28: {  	s19 =	sshra.s32 s18, $0x2;
	s18 =	sadd.s32 $0x40, s18;
	v1 =	vmax.f32 v1, v2  }
0x29: {  	v2 =	vld [tilespmem:s19+$0x8000];
	v3 =	vmax.f32 v3, v4  }
0x2a: {  	v4 =	vld [tilespmem:s19+$0x5800]  }
0x2b: {  	_ =	sdelay $0x3  }
0x2c: {  	v3 =	vmax.f32 v3, v4  }
0x2d: {  	v1 =	vmax.f32 v1, v2;
	(xrf0) =	vmax.scan.msk.f32 $0xffff, v3  }
0x2e: {  	(xrf0) =	vmax.scan.msk.f32 $0xffff, v1;
	_ =	sdelay $0x4  }
0x2f: {  	v1, _, _ =	vpop (xrf0)  }
0x30: {  	(v2sf) =	vpush v1, $0xF;
	v1, _, _ =	vpop (xrf0)  }
0x31: {  	(v2sf) =	vpush v1, $0xF;
	_ =	sdelay $0xd  }
0x32: {  	s18 =	spop (v2sf)  }
0x33: {  	s19 =	spop (v2sf)  }
0x34: {  	s18 =	sadd.f32 s19, s18;
	_ =	sdelay $0x1  }
0x35: {  	s19 =	smul.f32 $2.000000030e-01, s18;
	_ =	sdelay $0x1  }
0x36: {  	s20 =	simm.s32 $0xD000;
	s21 =	smov.u32 s10;
	s19 =	smax.f32 s18, s19  }
0x37: {  	s22 =	simm.s32 $0x0;
	s18 =	simm.s32 $0x0;
	v1 =	vmov s19;
	s19 =	simm.s32 $0x2C00  }
.LBB2_6:
0x38: {  	v3 =	vmov s19  }
0x39: {  	v4 =	vmov s18;
	_ =	sdelay $0x2  }
0x3a: {  	s23 =	simm.s32 $0x0  }
0x3b: {  	v5 =	vld.idx.msk [tilespmem:v3+s23+$0x0 ss:$0x1], $0xffff  }
0x3c: {  	v2 =	vld.idx.msk [tilespmem:v4+s23+$0x0 ss:$0x1], $0xffff;
	_ =	sdelay $0x6  }
0x3d: {  	v6 =	vld.idx.msk [tilespmem:v5+s14+$0x0], $0xffff  }
0x3e: {  	v2 =	vld.idx.msk [tilespmem:v2+s13+$0x0], $0xffff;
	_ =	sdelay $0x4  }
0x3f: {  	v2 =	vadd.f32 v6, v2;
	_ =	sdelay $0x1  }
0x40: {  	v6 =	vmul.f32 $2.000000030e-01, v2  }
0x41: {  	vm0 =	vge.f32 v2, $0.0e+00  }
0x42: {  	v2 =	vsel vm0, v2, v6  }
0x43: {  	v2 =	vsub.f32 v2, v1;
	_ =	sdelay $0x1  }
0x44: {  	v2 =	vmul.f32 $1.442695020e+00, v2;
	_ =	sdelay $0x1  }
0x45: {  	(erf) = vpow2.f32 v2;
	_ =	sdelay $0x5  }
0x46: {  	v2 =	vmov s20;
	_ =	sdelay $0x2  }
0x47: {  	p0 =	slt.u32 s21, $0x50910;
	v6 =	vpop (erf)  }
0x48: {  	v6 =	vpsel !p0, $0x0, v6  }
0x49: {  	[tilespmem:v2+s23+$0x0 ss:$0x1] =	vst.idx.msk $0xffff, v6  }
0x4a: {  	s23 =	simm.s32 $0x10;
	[tilespmem:v5+s15+$0x0] =	vst.idx.add.f32.msk $0xffff, v6  }
0x4b: {  	v5 =	vld.idx.msk [tilespmem:v3+s23+$0x0 ss:$0x1], $0xffff  }
0x4c: {  	s25 =	simm.s32 $0x80;
	s24 =	smov.u32 s21;
	v6 =	vld.idx.msk [tilespmem:v4+s23+$0x0 ss:$0x1], $0xffff  }
.LBB2_7:
0x4d: {  	p0 =	sne.s32 s25, $0x1C0;
	_ =	sdelay $0x5  }
0x4e: {  	v7 =	vld.idx.msk [tilespmem:v5+s14+$0x0], $0xffff  }
0x4f: {  	v6 =	vld.idx.msk [tilespmem:v6+s13+$0x0], $0xffff;
	_ =	sdelay $0x5  }
0x50: {  	v6 =	vadd.f32 v7, v6;
	_ =	sdelay $0x1  }
0x51: {  	v7 =	vmul.f32 $2.000000030e-01, v6  }
0x52: {  	vm0 =	vge.f32 v6, $0.0e+00  }
0x53: {  	v6 =	vsel vm0, v6, v7  }
0x54: {  	v6 =	vsub.f32 v6, v1;
	_ =	sdelay $0x1  }
0x55: {  	v6 =	vmul.f32 $1.442695020e+00, v6;
	_ =	sdelay $0x1  }
0x56: {  	(erf) = vpow2.f32 v6;
	_ =	sdelay $0x7  }
0x57: {  	s24 =	sadd.s32 $0x10, s24  }
0x58: {  	p1 =	slt.u32 s24, $0x50910;
	v6 =	vpop (erf)  }
.Ltmp2:
0x59: {  	v6 =	vpsel !p1, $0x0, v6;
	(pc) =	sbr.rel @p0 .LBB2_7-.Ltmp2, $4  }
0x5a: {  	[tilespmem:v2+s23+$0x0 ss:$0x1] =	vst.idx.msk $0xffff, v6  }
0x5b: {  	s23 =	sshra.s32 s25, $0x2;
	[tilespmem:v5+s15+$0x0] =	vst.idx.add.f32.msk $0xffff, v6  }
0x5c: {  	v5 =	vld.idx.msk [tilespmem:v3+s23+$0x0 ss:$0x1], $0xffff  }
0x5d: {  	s25 =	sadd.s32 $0x40, s25;
	v6 =	vld.idx.msk [tilespmem:v4+s23+$0x0 ss:$0x1], $0xffff  }
0x5e: {  	_ =	sdelay $0x6  }
0x5f: {  	v3 =	vld.idx.msk [tilespmem:v5+s14+$0x0], $0xffff  }
0x60: {  	v4 =	vld.idx.msk [tilespmem:v6+s13+$0x0], $0xffff;
	_ =	sdelay $0x4  }
0x61: {  	v3 =	vadd.f32 v3, v4;
	_ =	sdelay $0x1  }
0x62: {  	v4 =	vmul.f32 $2.000000030e-01, v3  }
0x63: {  	vm0 =	vge.f32 v3, $0.0e+00  }
0x64: {  	v3 =	vsel vm0, v3, v4  }
0x65: {  	v3 =	vsub.f32 v3, v1;
	_ =	sdelay $0x1  }
0x66: {  	v3 =	vmul.f32 $1.442695020e+00, v3;
	_ =	sdelay $0x1  }
0x67: {  	(erf) = vpow2.f32 v3;
	_ =	sdelay $0x7  }
0x68: {  	s24 =	sadd.s32 $0x10, s24  }
0x69: {  	s22 =	sadd.s32 $0x1, s22;
	p0 =	slt.u32 s24, $0x50910;
	v3 =	vpop (erf)  }
0x6a: {  	v3 =	vpsel !p0, $0x0, v3;
	p0 =	sne.s32 s22, $0x51  }
.Ltmp3:
0x6b: {  	_ = 	snop;
	(pc) =	sbr.rel @p0 .LBB2_6-.Ltmp3, $3  }
0x6c: {  	_ =	sdelay $0x1  }
0x6d: {  	s21 =	sadd.s32 $0x80, s21;
	[tilespmem:v2+s23+$0x0 ss:$0x1] =	vst.idx.msk $0xffff, v3  }
0x6e: {  	s18 =	sadd.s32 $0x80, s18;
	s19 =	sadd.s32 $0x80, s19;
	s20 =	sadd.s32 $0x80, s20;
	[tilespmem:v5+s15+$0x0] =	vst.idx.add.f32.msk $0xffff, v3  }
0x6f: {  	[hbm4b:s7+s3] =	stream.linear.scatter [tilespmem:s16], [sflag:$0x1], $0x2880, $0x38;
	[tilespmem:$0xFC00] =	vst v63  }
0x70: {  	s17 =	sadd.s32 $0x1, s17;
	_ =	swait.ge [sflag:s11], $0x2880  }
0x71: {  	p0 =	sne.s32 s17, s9;
	[sflag:s11] =	ssyncset.done $0x0  }
.Ltmp4:
0x72: {  	[sflag:s11] =	ssyncadd.s32 $0xFFFFD780;
	(pc) =	sbr.rel @p0 .LBB2_1-.Ltmp4, $4  }
0x73: {  	[hbm4b:s8+s3] =	stream.linear.scatter [tilespmem:s15], [sflag:$0x1], $0x2800, $0x38;
	[tilespmem:$0xFC00] =	vst v63  }
0x74: {  	_ =	swait.ge [sflag:s11], $0x2800  }
0x75: {  	[sflag:s11] =	ssyncset.done $0x0  }
0x76: {  	[sflag:s11] =	ssyncadd.s32 $0xFFFFD800  }
0x77: {  	_ =	sfence.sel $0x180000  }
0x78: {  	[bflag:$0x0] =	sbarrier.arrive $0xFFFF  }
0x79: {  	p0 =	sne.s32 s0, $0x0;
	_ =	strace $0x90000053  }
0x7a: {  	s0 =	sadd.s32 @!p0 $0x100000, s1;
	[bflag:$0x2] =	sbarrier.arrive $0xFFFF  }
0x7b: {  	[sflag:s0] =	ssyncadd.tile.s32 @!p0 $0x1;
	_ =	shalt  }
.Lfunc_end2:
_tile_overlayer_lowered:
.L_overlay_start_2:
0x7c: {  	(tag) =	ssettag $0x2  }
0x7d: {  	s0 =	rddreg [dreg:$0x0];
	s2 =	stileid.u32  }
0x7e: {  	s1 =	rddreg [dreg:$0x1];
	p0 =	sne.s32 s2, $0x0  }
0x7f: {  	s3 =	rddreg [dreg:$0x2];
	[bflag:$0x3] =	sbarrier.arrive $0xFFFF;
	s2 =	simm.s32 @!p0 $0x1C01  }
0x80: {  	[timem:s3], [sflag:s2] =	dma.local @!p0 [hbm:s0], s1  }
0x81: {  	s0 =	simm.s32 @!p0 $0x1  }
0x82: {  	_ =	swait.ge @!p0 [sflag:s0], s1  }
0x83: {  	s1 =	ssub.s32 @!p0 $0x0, s1;
	[sflag:s0] =	ssyncset.done @!p0 $0x0  }
0x84: {  	[sflag:s0] =	ssyncadd.s32 @!p0 s1  }
0x85: {  	[bflag:$0x3] =	sbarrier.arrive $0xFFFF  }
0x86: {  	_ =	shalt  }

// kernel: kernel.35.cloned.1.call-start
scs
__scs_entry_jumppad:
0x0: {  	(pc) =	sbr.rel $0x88, $3  }
0x1: {  	(tag) =	ssettag $0x0;
	lr =	simm.s32 $0x1  }
0x2: {  	[smem:$0x3F71] =	sst lr;
	_ =	strace $0xD0000000  }
0x3: {  	_ = 	snop  }
0x4: {  	_ = 	snop  }
0x5: {  	_ = 	snop  }
0x6: {  	_ = 	snop  }
0x7: {  	_ = 	snop  }
__scs_overlays_trampoline_lowered:
0x8: {  	[smem:$0x3F80] =	sst s0  }
0x9: {  	[smem:$0x3F81] =	sst s1  }
0xa: {  	[smem:$0x3F82] =	sst s2  }
0xb: {  	[smem:$0x3F83] =	sst s3  }
0xc: {  	[smem:$0x3F84] =	sst s4  }
0xd: {  	[smem:$0x3F85] =	sst s5  }
0xe: {  	[smem:$0x3F86] =	sst s6  }
0xf: {  	[smem:$0x3F87] =	sst s7  }
0x10: {  	[smem:$0x3F88] =	sst s8  }
0x11: {  	[smem:$0x3F89] =	sst s9;
	s0 =	simm.s32 @!p0 $0x0  }
0x12: {  	s1 =	sld [smem:$0x3F6F];
	s0 =	simm.s32 @p0 $0x1  }
0x13: {  	[smem:$0x3F8A] =	sst s0;
	s0 =	simm.s32 @!p1 $0x0  }
0x14: {  	s2 =	sld [smem:$0x3F6E];
	s0 =	simm.s32 @p1 $0x1  }
0x15: {  	[smem:$0x3F8B] =	sst s0;
	s0 =	simm.s32 @!p2 $0x0  }
0x16: {  	s3 =	sld [smem:$0x3FDB];
	s0 =	simm.s32 @p2 $0x1  }
0x17: {  	s4 =	simm.s32 $0x1BF5;
	[smem:$0x3F8D] =	sst s0  }
0x18: {  	s0 =	sld [smem:$0x3F70];
	_ =	swait.ge [sflag:s4], $0x0  }
0x19: {  	s7 =	sld [smem:$0x3F71]  }
0x1a: {  	s8 =	sadd.s32 $0xFFFFE003, lr  }
0x1b: {  	s9 =	sadd.s32 $0xFFFFFEF7, lr;
	s5 =	simm.s32 $0xFFFFFFFF;
	p2 =	slt.u32 s8, $0xFFFFF086  }
0x1c: {  	p1 =	slt.u32 s9, $0xF7A;
	s5 =	simm.s32 @!p2 $0x0  }
0x1d: {  	s5 =	simm.s32 @p1 $0x1;
	p0 =	seq.s32 s7, s2  }
0x1e: {  	s7 =	smul.u32 @!p0 $0xF7A, s2;
	p2 =	seq.s32 @!p0 s5, $0x0  }
0x1f: {  	s9 =	smul.u32 $0xF7A, s1;
	s8 =	simm.s32 @!p0 $0x1BF5;
	p2 =	por !p2, p0  }
0x20: {  	[sflag:s8] =	ssyncset.s32 @!p0 $0xFFFFF086;
	s6 =	sadd.s32 @!p0 s3, s7;
	s7 =	simm.s32 @!p0 $0x108  }
0x21: {  	s3 =	sadd.s32 s3, s9;
	s6 =	sadd.s32 @!p0 $0x88, s6;
	s7 =	simm.s32 @p2 $0x1082  }
0x22: {  	[simem:s7], [sflag:s8] =	dma.local @!p0 [hbm:s6], $0xF7A  }
0x23: {  	s9 =	sor.u32 $0xD0000000, s2;
	s6 =	simm.s32 $0x108;
	_ =	swait.ge @!p0 [sflag:s8], $0x0  }
0x24: {  	s3 =	sadd.s32 $0x88, s3;
	s6 =	simm.s32 @!p1 $0x1082;
	[sflag:s4] =	ssyncset.s32 $0xFFFFF086  }
0x25: {  	[simem:s6], [sflag:s4] =	dma.local [hbm:s3], $0xF7A  }
0x26: {  	[smem:$0x3F71] =	sst s1;
	(tag) =	ssettag s2;
	_ =	strace s9  }
0x27: {  	s1 =	sld [smem:$0x3F81]  }
0x28: {  	s2 =	sld [smem:$0x3F82]  }
0x29: {  	s4 =	sld [smem:$0x3F84]  }
0x2a: {  	p0 =	seq.s32 s5, $0x0;
	s5 =	sld [smem:$0x3F85]  }
0x2b: {  	s6 =	sld [smem:$0x3F86]  }
0x2c: {  	s7 =	sld [smem:$0x3F87]  }
0x2d: {  	s3 =	simm.s32 $0x108;
	s8 =	sld [smem:$0x3F88]  }
0x2e: {  	s3 =	simm.s32 @!p0 $0x1082;
	s9 =	sld [smem:$0x3F89]  }
0x2f: {  	lr =	sadd.s32 s0, s3;
	s0 =	sld [smem:$0x3F80]  }
0x30: {  	s3 =	sld [smem:$0x3F83]  }
0x31: {  	[smem:$0x3F8C] =	sst s10  }
0x32: {  	s10 =	sld [smem:$0x3F8A];
	_ =	sdelay $0x3  }
0x33: {  	p0 =	seq.s32 s10, $0x1;
	s10 =	sld [smem:$0x3F8C];
	_ =	sdelay $0x3  }
0x34: {  	[smem:$0x3F8C] =	sst s10  }
0x35: {  	s10 =	sld [smem:$0x3F8B];
	_ =	sdelay $0x3  }
0x36: {  	p1 =	seq.s32 s10, $0x1;
	s10 =	sld [smem:$0x3F8C];
	_ =	sdelay $0x3  }
0x37: {  	[smem:$0x3F8C] =	sst s10  }
0x38: {  	s10 =	sld [smem:$0x3F8D]  }
0x39: {  	_ = 	snop;
	(pc) =	sbr.ind lr, $3  }
0x3a: {  	_ = 	snop  }
0x3b: {  	_ = 	snop  }
0x3c: {  	p2 =	seq.s32 s10, $0x1;
	s10 =	sld [smem:$0x3F8C]  }
0x3d: {  	_ =	shalt  }
0x3e: {  	_ =	shalt  }
0x3f: {  	_ =	shalt  }
0x40: {  	_ =	shalt  }
0x41: {  	_ =	shalt  }
0x42: {  	_ =	shalt  }
0x43: {  	_ =	shalt  }
0x44: {  	_ =	shalt  }
0x45: {  	_ =	shalt  }
0x46: {  	_ =	shalt  }
0x47: {  	_ =	shalt  }
0x48: {  	_ =	shalt  }
0x49: {  	_ =	shalt  }
0x4a: {  	_ =	shalt  }
0x4b: {  	_ =	shalt  }
0x4c: {  	_ =	shalt  }
0x4d: {  	_ =	shalt  }
0x4e: {  	_ =	shalt  }
0x4f: {  	_ =	shalt  }
0x50: {  	_ =	shalt  }
0x51: {  	_ =	shalt  }
0x52: {  	_ =	shalt  }
0x53: {  	_ =	shalt  }
0x54: {  	_ =	shalt  }
0x55: {  	_ =	shalt  }
0x56: {  	_ =	shalt  }
0x57: {  	_ =	shalt  }
0x58: {  	_ =	shalt  }
0x59: {  	_ =	shalt  }
0x5a: {  	_ =	shalt  }
0x5b: {  	_ =	shalt  }
0x5c: {  	_ =	shalt  }
0x5d: {  	_ =	shalt  }
0x5e: {  	_ =	shalt  }
0x5f: {  	_ =	shalt  }
0x60: {  	_ =	shalt  }
0x61: {  	_ =	shalt  }
0x62: {  	_ =	shalt  }
0x63: {  	_ =	shalt  }
0x64: {  	_ =	shalt  }
0x65: {  	_ =	shalt  }
0x66: {  	_ =	shalt  }
0x67: {  	_ =	shalt  }
0x68: {  	_ =	shalt  }
0x69: {  	_ =	shalt  }
0x6a: {  	_ =	shalt  }
0x6b: {  	_ =	shalt  }
0x6c: {  	_ =	shalt  }
0x6d: {  	_ =	shalt  }
0x6e: {  	_ =	shalt  }
0x6f: {  	_ =	shalt  }
0x70: {  	_ =	shalt  }
0x71: {  	_ =	shalt  }
0x72: {  	_ =	shalt  }
0x73: {  	_ =	shalt  }
0x74: {  	_ =	shalt  }
0x75: {  	_ =	shalt  }
0x76: {  	_ =	shalt  }
0x77: {  	_ =	shalt  }
0x78: {  	_ =	shalt  }
0x79: {  	_ =	shalt  }
0x7a: {  	_ =	shalt  }
0x7b: {  	_ =	shalt  }
0x7c: {  	_ =	shalt  }
0x7d: {  	_ =	shalt  }
0x7e: {  	_ =	shalt  }
0x7f: {  	_ =	shalt  }
0x80: {  	_ =	shalt  }
0x81: {  	_ =	shalt  }
0x82: {  	_ =	shalt  }
0x83: {  	_ =	shalt  }
0x84: {  	_ =	shalt  }
0x85: {  	_ =	shalt  }
0x86: {  	_ =	shalt  }
0x87: {  	_ =	shalt  }
.Lfunc_end0:
.L_simem_size_0:
called_computation.5_lowered:
.L_overlay_start_0:
0x88: {  	s2 =	sld [smem:$0x3FD9]  }
0x89: {  	s3 =	sld [smem:$0x3FFE];
	_ =	sdelay $0x1  }
0x8a: {  	s1 =	srdreg.scid  }
0x8b: {  	s0 =	sand.u32 $0x1, s1  }
0x8c: {  	s16 =	sshll.u32 s0, $0xA;
	s2 =	sadd.s32 s3, s2  }
0x8d: {  	s2 =	sadd.s32 s2, s16  }
0x8e: {  	[smem:$0x3F98] =	sst s2  }
0x8f: {  	_ = 	snop  }
0x90: {  	(tm) =	ssettm $0x1  }
0x91: {  	s17 =	sld [smem:$0x3FFB];
	_ =	sdelay $0x3  }
0x92: {  	_ =	strace s17  }
0x93: {  	s2 =	sld [smem:$0x3FFC];
	_ =	sdelay $0x3  }
0x94: {  	_ =	strace s2  }
0x95: {  	s2 =	sld [smem:$0x3FFD];
	_ =	sdelay $0x3  }
0x96: {  	_ =	strace s2  }
0x97: {  	_ =	strace $0x8FFFFFFF  }
0x98: {  	s18 =	sld [smem:$0x3FDB];
	_ =	sdelay $0x1  }
0x99: {  	s19 =	simm.s32 $_scs_section_size  }
0x9a: {  	s4 =	simm.s32 $_size__tile_overlayer_lowered;
	s5 =	simm.s32 $_tile_overlayer_lowered  }
0x9b: {  	s22 =	simm.s32 $0x1BFF;
	s21 =	sshll.u32 s5, $0x1;
	s2 =	sadd.s32 s19, s18  }
0x9c: {  	s6 =	simm.s32 $0x0;
	s20 =	sshll.u32 s4, $0x1;
	s4 =	sadd.s32 s21, s2  }
0x9d: {  	[timem:s6], [sflag:s22] =	dma.local [hbm:s4], s20  }
0x9e: {  	_ =	swait.ge [sflag:s22], s20  }
0x9f: {  	s3 =	ssub.s32 $0x0, s20;
	[sflag:s22] =	ssyncset.done $0x0  }
0xa0: {  	[sflag:s22] =	ssyncadd.s32 s3;
	_ =	sdelay $0x1  }
0xa1: {  	s23 =	simm.s32 $0x1B8B  }
0xa2: {  	_ =	swait.ge [sflag:s23], $0x1  }
0xa3: {  	[sflag:s23] =	ssyncset.done $0x0  }
0xa4: {  	s25 =	simm.s32 $0x1B8E;
	s24 =	sld [smem:$0x3FFE];
	[sflag:s23] =	ssyncadd.s32 $0xFFFFFFFF  }
0xa5: {  	s26 =	simm.s32 $execute0_lowered;
	[smem:$0x3FD2] =	sst s25  }
0xa6: {  	s4 =	sshll.u32 s26, $0x1;
	_ =	strace $0x80000055;
	[dreg:$0x1] =	wrdreg $0xFFFFFFFF  }
0xa7: {  	s28 =	simm.s32 $_size_execute0_lowered;
	s2 =	sadd.s32 s2, s4;
	[dreg:$0x0] =	wrdreg $0x0  }
0xa8: {  	s4 =	sshll.u32 s28, $0x1;
	[dreg:$0x2] =	wrdreg s2  }
0xa9: {  	[dreg:$0x3] =	wrdreg s4  }
0xaa: {  	[dreg:$0x4] =	wrdreg $0xC0  }
0xab: {  	_ =	task [dreg:s6], $0x5FFFF  }
0xac: {  	[dreg:$0x1] =	wrdreg $0xFFFFFFFF  }
0xad: {  	[dreg:$0x0] =	wrdreg $0x60  }
0xae: {  	[dreg:$0x2] =	wrdreg s24  }
0xaf: {  	[dreg:$0x3] =	wrdreg $0xC4000  }
0xb0: {  	[dreg:$0x4] =	wrdreg $0x9  }
0xb1: {  	_ =	task.clear_ibuf [dreg:s6], $0x5FFFF;
	_ =	strace $0x90000055  }
0xb2: {  	s29 =	simm.s32 $0x9;
	_ =	strace $0x80000057  }
0xb3: {  	_ =	swait.ge [sflag:s29], $0x1  }
0xb4: {  	[sflag:s29] =	ssyncadd.s32 $0xFFFFFFFF  }
0xb5: {  	_ =	strace $0x90000057  }
0xb6: {  	_ =	sfence  }
0xb7: {  	s30 =	sld [smem:$0x0];
	_ =	sdelay $0x2  }
0xb8: {  	s31 =	sshll.u32 s1, $0xD;
	s1 =	sshrl.u32 s1, $0x2  }
0xb9: {  	s3 =	sand.u32 $0x4000, s31;
	s1 =	sadd.s32 s1, s30  }
0xba: {  	s0 =	sor.u32 s3, s0;
	s1 =	sshll.u32 s1, $0x11  }
0xbb: {  	s0 =	sor.u32 s1, s0  }
0xbc: {  	s0 =	sadd.s32 $0x8F2B, s0  }
0xbd: {  	[sflag:s0] =	ssyncadd.remote.s32 $0x1  }
0xbe: {  	_ =	sfence.sel $0xFFFF  }
0xbf: {  	[dreg:$0x0] =	wrdreg $0xFFFFFFFF;
	(pc) =	sbr.abs _section_cstart, $3  }
0xc0: {  	[dreg:$0x1] =	wrdreg $0xFFFFFFFF  }
0xc1: {  	_ =	task.clear_ibuf [dreg:s6], $0x2FFFF;
	_ =	strace $0x9FFFFFFF  }
0xc2: {  	(tm) =	ssettm $0x7FFFFFFF  }
0xc3: {  	_ =	shalt  }
tec
execute0_lowered:
.L_overlay_start_1:
0x0: {  	(tag) =	ssettag $0x1  }
0x1: {  	s5 =	rddreg [dreg:$0x0]  }
0x2: {  	s2 =	rddreg [dreg:$0x1]  }
0x3: {  	s4 =	srdreg.scid;
	s1 =	stileid.u32;
	s3 =	simm.s32 $0x0  }
0x4: {  	s18 =	simm.s32 $0x2C00;
	s19 =	simm.s32 $0x5800;
	s20 =	simm.s32 $0x8400  }
0x5: {  	s21 =	simm.s32 $0x80;
	s22 =	simm.s32 $0x1;
	s24 =	simm.s32 $0x0  }
0x6: {  	s6 =	sand.u32 $0x1, s4;
	s29 =	sshll.u32 s1, $0x1;
	s9 =	smul.u32 $0x50000, s1  }
0x7: {  	[smem:$0x7FF] =	sst s3;
	s15 =	sadd.s32 $0x5EC00, s5;
	s12 =	smul.u32 $0x14000, s1  }
0x8: {  	s23 =	sadd.s32 $0x12C000, s2;
	p0 =	seq.s32 s1, $0xF;
	s4 =	sor.u32 s6, s29  }
0x9: {  	_ =	strace $0x80000056;
	s8 =	ssub.s32 $0x2, s6;
	s13 =	smul.u32 $0x138800, s6  }
0xa: {  	s23 =	sshrl.u32 @p0 s23, $0x3;
	s7 =	smul.u32 $0x580, s4;
	s30 =	sshrl.u32 s8, $0x1  }
0xb: {  	s4 =	sadd.s32 $0x21C00, s5;
	s31 =	sshrl.u32 s9, $0x2;
	s16 =	ssub.s32 s8, s30  }
0xc: {  	s6 =	sadd.s32 s31, s2;
	s14 =	sadd.s32 s12, s13;
	s17 =	sshrl.u32 s13, $0x3  }
0xd: {  	s13 =	sadd.s32 $0x138000, s2;
	s10 =	sadd.s32 s7, s5;
	s9 =	sadd.s32 $0x4000, s6  }
0xe: {  	s11 =	sadd.s32 $0xC000, s6;
	s12 =	sadd.s32 $0x10000, s6;
	s14 =	sshrl.u32 s14, $0x3  }
0xf: {  	s16 =	smax.u32 s16, $0x1;
	s5 =	sadd.s32 $0xB600, s10;
	s7 =	sadd.s32 $0x16600, s10  }
0x10: {  	s8 =	sadd.s32 $0x49C00, s10;
	s14 =	sadd.s32 s15, s14;
	s15 =	sadd.s32 s15, s17  }
0x11: {  	v0 =	vimm.f32 $0.0e+00;
	s10 =	sadd.s32 $0x8000, s6;
	s17 =	simm.s32 $0x2;
	s15 =	sadd.s32 $0x25800, s15  }
.LBB2_1:
0x12: {  	[tilespmem:s3], [sflag:$0x2] =	stream.linear.gather [hbm4b:s5+s3], $0x2880, $0x38;
	[tilespmem:$0x1FC80] =	vst v63  }
0x13: {  	_ =	swait.ge [sflag:s17], $0x2880  }
0x14: {  	[sflag:s17] =	ssyncset.done $0x0  }
0x15: {  	[sflag:s17] =	ssyncadd.s32 $0xFFFFD780  }
0x16: {  	[tilespmem:s18], [sflag:$0x2] =	stream.linear.gather [hbm4b:s7+s3], $0x2880, $0x38;
	[tilespmem:$0x1FC80] =	vst v63  }
0x17: {  	_ =	swait.ge [sflag:s17], $0x2880  }
0x18: {  	[sflag:s17] =	ssyncset.done $0x0  }
0x19: {  	[sflag:s17] =	ssyncadd.s32 $0xFFFFD780  }
0x1a: {  	[tilespmem:s19], [sflag:$0x2] =	stream.linear.gather [hbm4b:s8+s3], $0x2880, $0x38;
	[tilespmem:$0x1FC80] =	vst v63  }
0x1b: {  	_ =	swait.ge [sflag:s17], $0x2880  }
0x1c: {  	[sflag:s17] =	ssyncset.done $0x0  }
0x1d: {  	s25 =	simm.s32 $0x0;
	s26 =	simm.s32 $0x200;
	[sflag:s17] =	ssyncadd.s32 $0xFFFFD780  }
.LBB2_2:
0x1e: {  	p1 =	sne.s32 s26, $0xFE00;
	[tilespmem:s25+$0x8470] =	vst v0  }
0x1f: {  	[tilespmem:s25+$0x8400] =	vst v0  }
0x20: {  	[tilespmem:s25+$0x8410] =	vst v0  }
.Ltmp0:
0x21: {  	[tilespmem:s25+$0x8420] =	vst v0;
	(pc) =	sbr.rel @p1 .LBB2_2-.Ltmp0, $4  }
0x22: {  	[tilespmem:s25+$0x8430] =	vst v0  }
0x23: {  	[tilespmem:s25+$0x8440] =	vst v0  }
0x24: {  	[tilespmem:s25+$0x8450] =	vst v0  }
0x25: {  	[tilespmem:s25+$0x8460] =	vst v0;
	s25 =	sshra.s32 s26, $0x2;
	s26 =	sadd.s32 $0x200, s26  }
0x26: {  	[tilespmem:s25+$0x8470] =	vst v0  }
0x27: {  	[tilespmem:s25+$0x8400] =	vst v0  }
0x28: {  	[tilespmem:s25+$0x8410] =	vst v0  }
0x29: {  	[tilespmem:s25+$0x8420] =	vst v0  }
0x2a: {  	[tilespmem:s25+$0x8430] =	vst v0  }
0x2b: {  	[tilespmem:s25+$0x8440] =	vst v0  }
0x2c: {  	[tilespmem:s25+$0x8450] =	vst v0  }
0x2d: {  	[tilespmem:s25+$0x8460] =	vst v0  }
0x2e: {  	[spmem:s6] =	stream.linear.scatter [tilespmem:s20], [sflag:$0x2], $0x4000, $0x38;
	[tilespmem:$0x1FC80] =	vst v63  }
0x2f: {  	_ =	swait.ge [sflag:s17], $0x4000  }
0x30: {  	[sflag:s17] =	ssyncset.done $0x0  }
0x31: {  	[sflag:s17] =	ssyncadd.s32 $0xFFFFC000  }
0x32: {  	[spmem:s9] =	stream.linear.scatter [tilespmem:s20], [sflag:$0x2], $0x4000, $0x38;
	[tilespmem:$0x1FC80] =	vst v63  }
0x33: {  	_ =	swait.ge [sflag:s17], $0x4000  }
0x34: {  	[sflag:s17] =	ssyncset.done $0x0  }
0x35: {  	[sflag:s17] =	ssyncadd.s32 $0xFFFFC000  }
0x36: {  	[spmem:s10] =	stream.linear.scatter [tilespmem:s20], [sflag:$0x2], $0x4000, $0x38;
	[tilespmem:$0x1FC80] =	vst v63  }
0x37: {  	_ =	swait.ge [sflag:s17], $0x4000  }
0x38: {  	[sflag:s17] =	ssyncset.done $0x0  }
0x39: {  	s25 =	simm.s32 @p0 $0x8400;
	[sflag:s17] =	ssyncadd.s32 $0xFFFFC000  }
0x3a: {  	[spmem:s13] =	stream.linear.scatter @p0 [tilespmem:s25], [sflag:$0x2], $0x800, $0x38;
	[tilespmem:$0x1FC80] =	vst v63  }
0x3b: {  	s25 =	simm.s32 @p0 $0x2  }
0x3c: {  	_ =	swait.ge @p0 [sflag:s25], $0x800  }
0x3d: {  	[sflag:s25] =	ssyncset.done @p0 $0x0  }
0x3e: {  	s26 =	simm.s32 @!p0 $0x2;
	[sflag:s25] =	ssyncadd.s32 @p0 $0xFFFFF800;
	s25 =	simm.s32 @!p0 $0x8400  }
0x3f: {  	[spmem:s11] =	stream.linear.scatter @!p0 [tilespmem:s25], [sflag:$0x2], $0x4000, $0x38;
	[tilespmem:$0x1FC80] =	vst v63  }
0x40: {  	_ =	swait.ge @!p0 [sflag:s26], $0x4000  }
0x41: {  	[sflag:s26] =	ssyncset.done @!p0 $0x0  }
0x42: {  	[sflag:s26] =	ssyncadd.s32 @!p0 $0xFFFFC000  }
0x43: {  	[spmem:s12] =	stream.linear.scatter @!p0 [tilespmem:s25], [sflag:$0x2], $0x4000, $0x38;
	[tilespmem:$0x1FC80] =	vst v63  }
0x44: {  	_ =	swait.ge @!p0 [sflag:s26], $0x4000  }
0x45: {  	[sflag:s26] =	ssyncset.done @!p0 $0x0  }
0x46: {  	[sflag:s26] =	ssyncadd.s32 @!p0 $0xFFFFC000  }
0x47: {  	s25 =	simm.s32 $0x0;
	s26 =	simm.s32 $0x0;
	[bflag:$0x0] =	sbarrier.arrive $0xFFFF  }
.LBB2_4:
0x48: {  	s28 =	sshll.u32 s26, $0x7;
	v2 =	vmov s25  }
0x49: {  	v1 =	vmov s28;
	v2 =	vand.u32 $0x7F, v2  }
0x4a: {  	[tilespmem:s20], [sflag:$0x1] =	stream.indirect.gather [hbm4b:s4+s21], $0x80, s28, s21, $0xb8;
	v2 =	vadd.s32 v1, v2;
	[tilespmem:$0x1FC80] =	vst v63  }
0x4b: {  	_ =	swait.ge [sflag:s22], $0x4000;
	v2 =	vbroadcast v2, $0x0  }
0x4c: {  	[sflag:s22] =	ssyncset.done $0x0  }
0x4d: {  	s29 =	simm.s32 $0x8440;
	[sflag:s22] =	ssyncadd.s32 $0xFFFFC000  }
0x4e: {  	v6 =	vld [tilespmem:s29+$0x30]  }
0x4f: {  	v9 =	vld [tilespmem:s29+$0x10]  }
0x50: {  	v7 =	vld [tilespmem:s29+$0xFFFFFFC0]  }
0x51: {  	v3 =	vld.idx.msk [tilespmem:v2+s19+$0x0], $0xffff  }
0x52: {  	v12 =	vld [tilespmem:s29+$0xFFFFFFE0]  }
0x53: {  	v4 =	vld [tilespmem:s29+$0x20]  }
0x54: {  	v5 =	vld [tilespmem:s29+$0xFFFFFFD0]  }
0x55: {  	v2 =	vld [tilespmem:s29+$0xFFFFFFF0]  }
0x56: {  	v10 =	vmul.f32 v6, v3;
	v6 =	vld [tilespmem:s29+$0x0]  }
0x57: {  	s30 =	simm.s32 $0x1;
	v8 =	vmul.f32 v7, v3  }
0x58: {  	s31 =	simm.s32 $0x2;
	v11 =	vmov s30;
	s30 =	simm.s32 $0x8440;
	v7 =	vmul.f32 v12, v3;
	v9 =	vmul.f32 v9, v3  }
.LBB2_5:
0x59: {  	p1 =	sne.s32 s31, $0x7F  }
0x5a: {  	v11 =	vand.u32 $0x7F, v11;
	v5 =	vmul.f32 v5, v3;
	v4 =	vmul.f32 v4, v3;
	[tilespmem:s29+$0x30] =	vst v10;
	s30 =	sadd.s32 $0x80, s30;
	s0 =	smov.u32 s31;
	s31 =	sadd.s32 $0x1, s31  }
0x5b: {  	v10 =	vadd.s32 v1, v11;
	[tilespmem:s29+$0xFFFFFFC0] =	vst v8;
	v8 =	vmul.f32 v2, v3;
	v3 =	vmul.f32 v6, v3  }
0x5c: {  	v6 =	vbroadcast v10, $0x0;
	[tilespmem:s29+$0x10] =	vst v9  }
0x5d: {  	[tilespmem:s29+$0xFFFFFFE0] =	vst v7  }
0x5e: {  	v2 =	vld [tilespmem:s30+$0xFFFFFFF0];
	[tilespmem:s29+$0xFFFFFFF0] =	vst v8  }
0x5f: {  	v7 =	vld [tilespmem:s30+$0x30];
	[tilespmem:s29+$0x0] =	vst v3  }
0x60: {  	v9 =	vld [tilespmem:s30+$0x10];
	[tilespmem:s29+$0x20] =	vst v4  }
0x61: {  	v8 =	vld [tilespmem:s30+$0xFFFFFFC0];
	[tilespmem:s29+$0xFFFFFFD0] =	vst v5;
	s29 =	smov.u32 s30  }
0x62: {  	v3 =	vld.idx.msk [tilespmem:v6+s19+$0x0], $0xffff  }
0x63: {  	v12 =	vld [tilespmem:s30+$0xFFFFFFE0]  }
0x64: {  	v4 =	vld [tilespmem:s30+$0x20]  }
.Ltmp1:
0x65: {  	v5 =	vld [tilespmem:s30+$0xFFFFFFD0];
	(pc) =	sbr.rel @p1 .LBB2_5-.Ltmp1, $3  }
0x66: {  	v6 =	vld [tilespmem:s30+$0x0];
	_ =	sdelay $0x1  }
0x67: {  	v8 =	vmul.f32 v8, v3;
	v10 =	vmul.f32 v7, v3  }
0x68: {  	v11 =	vmov s0;
	v9 =	vmul.f32 v9, v3;
	v7 =	vmul.f32 v12, v3  }
0x69: {  	[tilespmem:s29+$0x30] =	vst v10;
	v58 =	vand.u32 $0x7F, v11  }
0x6a: {  	[tilespmem:s29+$0xFFFFFFC0] =	vst v8;
	v1 =	vadd.s32 v1, v58  }
0x6b: {  	v2 =	vmul.f32 v2, v3;
	[tilespmem:s29+$0x10] =	vst v9;
	v1 =	vbroadcast v1, $0x0  }
0x6c: {  	s0 =	sadd.s32 $0x80, s30;
	[tilespmem:s29+$0xFFFFFFE0] =	vst v7;
	v6 =	vmul.f32 v6, v3  }
0x6d: {  	v4 =	vmul.f32 v4, v3;
	v3 =	vmul.f32 v5, v3;
	v7 =	vld [tilespmem:s0+$0xFFFFFFF0];
	[tilespmem:s29+$0xFFFFFFF0] =	vst v2  }
0x6e: {  	v2 =	vld [tilespmem:s0+$0x30];
	[tilespmem:s29+$0x0] =	vst v6  }
0x6f: {  	v60 =	vld [tilespmem:s0+$0xFFFFFFC0];
	[tilespmem:s29+$0xFFFFFFD0] =	vst v3  }
0x70: {  	v59 =	vld [tilespmem:s0+$0x10];
	[tilespmem:s29+$0x20] =	vst v4  }
0x71: {  	v1 =	vld.idx.msk [tilespmem:v1+s19+$0x0], $0xffff;
	_ =	sdelay $0x2  }
0x72: {  	v6 =	vld [tilespmem:s0+$0x0]  }
0x73: {  	v3 =	vld [tilespmem:s0+$0xFFFFFFE0]  }
0x74: {  	v2 =	vmul.f32 v2, v1  }
0x75: {  	v61 =	vld [tilespmem:s0+$0x20];
	v4 =	vmul.f32 v60, v1  }
0x76: {  	v62 =	vld [tilespmem:s0+$0xFFFFFFD0];
	v5 =	vmul.f32 v59, v1;
	[tilespmem:s0+$0x30] =	vst v2  }
0x77: {  	v63 =	vmul.f32 v6, v1;
	[tilespmem:s0+$0xFFFFFFC0] =	vst v4  }
0x78: {  	v2 =	vmul.f32 v3, v1;
	[tilespmem:s0+$0x10] =	vst v5  }
0x79: {  	v3 =	vmul.f32 v7, v1;
	[tilespmem:s0+$0x0] =	vst v63  }
0x7a: {  	[tilespmem:s0+$0xFFFFFFE0] =	vst v2;
	v2 =	vmul.f32 v61, v1  }
0x7b: {  	s26 =	sadd.s32 $0x1, s26;
	[tilespmem:s0+$0xFFFFFFF0] =	vst v3;
	v1 =	vmul.f32 v62, v1  }
0x7c: {  	p1 =	sne.s32 s26, $0x51;
	[tilespmem:s0+$0x20] =	vst v2  }
.Ltmp2:
0x7d: {  	s31 =	sadd.s32 $0x2C00, s28;
	[tilespmem:s0+$0xFFFFFFD0] =	vst v1;
	(pc) =	sbr.rel @p1 .LBB2_4-.Ltmp2, $4  }
0x7e: {  	[spmem:s2] =	stream.indirect.scatter.add.f32 [tilespmem:s20], [sflag:$0x2], $0x80, s31, s21, $0xb8;
	[tilespmem:$0x1FC80] =	vst v63  }
0x7f: {  	_ =	swait.ge [sflag:s17], $0x4000  }
0x80: {  	[sflag:s17] =	ssyncset.done $0x0  }
0x81: {  	[sflag:s17] =	ssyncadd.s32 $0xFFFFC000  }
0x82: {  	[bflag:$0x0] =	sbarrier.arrive $0xFFFF;
	s0 =	simm.s32 @p0 $0x1FC2  }
0x83: {  	[hbm:s15], [sflag:s0] =	dma.local @p0 [spmem:s23], $0x1900  }
0x84: {  	s0 =	simm.s32 @p0 $0x2  }
0x85: {  	s24 =	sadd.s32 $0x1, s24;
	_ =	swait.ge @p0 [sflag:s0], $0x1900  }
0x86: {  	s25 =	sshll.u32 @!p0 s1, $0x6;
	p1 =	sne.s32 s24, s16;
	[sflag:s0] =	ssyncset.done @p0 $0x0  }
0x87: {  	[sflag:s0] =	ssyncadd.s32 @p0 $0xFFFFE700;
	s0 =	sor.u32 @!p0 $0x1C02, s25;
	s25 =	sshrl.u32 @!p0 s6, $0x3  }
0x88: {  	[hbm:s14], [sflag:s0] =	dma.local @!p0 [spmem:s25], $0x2800  }
.Ltmp3:
0x89: {  	_ = 	snop;
	(pc) =	sbr.rel @p1 .LBB2_1-.Ltmp3, $4  }
0x8a: {  	s0 =	simm.s32 @!p0 $0x2  }
0x8b: {  	_ =	swait.ge @!p0 [sflag:s0], $0x2800  }
0x8c: {  	[sflag:s0] =	ssyncset.done @!p0 $0x0  }
0x8d: {  	[sflag:s0] =	ssyncadd.s32 @!p0 $0xFFFFD800  }
0x8e: {  	_ =	sfence.sel $0x180000  }
0x8f: {  	[bflag:$0x0] =	sbarrier.arrive $0xFFFF  }
0x90: {  	_ =	strace $0x90000056  }
0x91: {  	[bflag:$0x2] =	sbarrier.arrive $0xFFFF  }
0x92: {  	p0 =	sne.s32 s1, $0x0;
	s0 =	rddreg [dreg:$0x2]  }
0x93: {  	s0 =	sadd.s32 @!p0 $0x100000, s0  }
0x94: {  	[sflag:s0] =	ssyncadd.tile.s32 @!p0 $0x1;
	_ =	shalt  }
.Lfunc_end2:
_tile_overlayer_lowered:
.L_overlay_start_2:
0x95: {  	(tag) =	ssettag $0x2  }
0x96: {  	s0 =	rddreg [dreg:$0x0];
	s2 =	stileid.u32  }
0x97: {  	s1 =	rddreg [dreg:$0x1];
	p0 =	sne.s32 s2, $0x0  }
0x98: {  	s3 =	rddreg [dreg:$0x2];
	[bflag:$0x3] =	sbarrier.arrive $0xFFFF;
	s2 =	simm.s32 @!p0 $0x1C02  }
0x99: {  	[timem:s3], [sflag:s2] =	dma.local @!p0 [hbm:s0], s1  }
0x9a: {  	s0 =	simm.s32 @!p0 $0x2  }
0x9b: {  	_ =	swait.ge @!p0 [sflag:s0], s1  }
0x9c: {  	s1 =	ssub.s32 @!p0 $0x0, s1;
	[sflag:s0] =	ssyncset.done @!p0 $0x0  }
0x9d: {  	[sflag:s0] =	ssyncadd.s32 @!p0 s1  }
0x9e: {  	[bflag:$0x3] =	sbarrier.arrive $0xFFFF  }
0x9f: {  	_ =	shalt  }

// kernel: kernel.38.cloned.1.call-start
scs
__scs_entry_jumppad:
0x0: {  	(pc) =	sbr.rel $0x88, $3  }
0x1: {  	(tag) =	ssettag $0x0;
	lr =	simm.s32 $0x1  }
0x2: {  	[smem:$0x3F71] =	sst lr;
	_ =	strace $0xD0000000  }
0x3: {  	_ = 	snop  }
0x4: {  	_ = 	snop  }
0x5: {  	_ = 	snop  }
0x6: {  	_ = 	snop  }
0x7: {  	_ = 	snop  }
__scs_overlays_trampoline_lowered:
0x8: {  	[smem:$0x3F80] =	sst s0  }
0x9: {  	[smem:$0x3F81] =	sst s1  }
0xa: {  	[smem:$0x3F82] =	sst s2  }
0xb: {  	[smem:$0x3F83] =	sst s3  }
0xc: {  	[smem:$0x3F84] =	sst s4  }
0xd: {  	[smem:$0x3F85] =	sst s5  }
0xe: {  	[smem:$0x3F86] =	sst s6  }
0xf: {  	[smem:$0x3F87] =	sst s7  }
0x10: {  	[smem:$0x3F88] =	sst s8  }
0x11: {  	[smem:$0x3F89] =	sst s9;
	s0 =	simm.s32 @!p0 $0x0  }
0x12: {  	s1 =	sld [smem:$0x3F6F];
	s0 =	simm.s32 @p0 $0x1  }
0x13: {  	[smem:$0x3F8A] =	sst s0;
	s0 =	simm.s32 @!p1 $0x0  }
0x14: {  	s2 =	sld [smem:$0x3F6E];
	s0 =	simm.s32 @p1 $0x1  }
0x15: {  	[smem:$0x3F8B] =	sst s0;
	s0 =	simm.s32 @!p2 $0x0  }
0x16: {  	s3 =	sld [smem:$0x3FDB];
	s0 =	simm.s32 @p2 $0x1  }
0x17: {  	s4 =	simm.s32 $0x1BF5;
	[smem:$0x3F8D] =	sst s0  }
0x18: {  	s0 =	sld [smem:$0x3F70];
	_ =	swait.ge [sflag:s4], $0x0  }
0x19: {  	s7 =	sld [smem:$0x3F71]  }
0x1a: {  	s8 =	sadd.s32 $0xFFFFE003, lr  }
0x1b: {  	s9 =	sadd.s32 $0xFFFFFEF7, lr;
	s5 =	simm.s32 $0xFFFFFFFF;
	p2 =	slt.u32 s8, $0xFFFFF086  }
0x1c: {  	p1 =	slt.u32 s9, $0xF7A;
	s5 =	simm.s32 @!p2 $0x0  }
0x1d: {  	s5 =	simm.s32 @p1 $0x1;
	p0 =	seq.s32 s7, s2  }
0x1e: {  	s7 =	smul.u32 @!p0 $0xF7A, s2;
	p2 =	seq.s32 @!p0 s5, $0x0  }
0x1f: {  	s9 =	smul.u32 $0xF7A, s1;
	s8 =	simm.s32 @!p0 $0x1BF5;
	p2 =	por !p2, p0  }
0x20: {  	[sflag:s8] =	ssyncset.s32 @!p0 $0xFFFFF086;
	s6 =	sadd.s32 @!p0 s3, s7;
	s7 =	simm.s32 @!p0 $0x108  }
0x21: {  	s3 =	sadd.s32 s3, s9;
	s6 =	sadd.s32 @!p0 $0x88, s6;
	s7 =	simm.s32 @p2 $0x1082  }
0x22: {  	[simem:s7], [sflag:s8] =	dma.local @!p0 [hbm:s6], $0xF7A  }
0x23: {  	s9 =	sor.u32 $0xD0000000, s2;
	s6 =	simm.s32 $0x108;
	_ =	swait.ge @!p0 [sflag:s8], $0x0  }
0x24: {  	s3 =	sadd.s32 $0x88, s3;
	s6 =	simm.s32 @!p1 $0x1082;
	[sflag:s4] =	ssyncset.s32 $0xFFFFF086  }
0x25: {  	[simem:s6], [sflag:s4] =	dma.local [hbm:s3], $0xF7A  }
0x26: {  	[smem:$0x3F71] =	sst s1;
	(tag) =	ssettag s2;
	_ =	strace s9  }
0x27: {  	s1 =	sld [smem:$0x3F81]  }
0x28: {  	s2 =	sld [smem:$0x3F82]  }
0x29: {  	s4 =	sld [smem:$0x3F84]  }
0x2a: {  	p0 =	seq.s32 s5, $0x0;
	s5 =	sld [smem:$0x3F85]  }
0x2b: {  	s6 =	sld [smem:$0x3F86]  }
0x2c: {  	s7 =	sld [smem:$0x3F87]  }
0x2d: {  	s3 =	simm.s32 $0x108;
	s8 =	sld [smem:$0x3F88]  }
0x2e: {  	s3 =	simm.s32 @!p0 $0x1082;
	s9 =	sld [smem:$0x3F89]  }
0x2f: {  	lr =	sadd.s32 s0, s3;
	s0 =	sld [smem:$0x3F80]  }
0x30: {  	s3 =	sld [smem:$0x3F83]  }
0x31: {  	[smem:$0x3F8C] =	sst s10  }
0x32: {  	s10 =	sld [smem:$0x3F8A];
	_ =	sdelay $0x3  }
0x33: {  	p0 =	seq.s32 s10, $0x1;
	s10 =	sld [smem:$0x3F8C];
	_ =	sdelay $0x3  }
0x34: {  	[smem:$0x3F8C] =	sst s10  }
0x35: {  	s10 =	sld [smem:$0x3F8B];
	_ =	sdelay $0x3  }
0x36: {  	p1 =	seq.s32 s10, $0x1;
	s10 =	sld [smem:$0x3F8C];
	_ =	sdelay $0x3  }
0x37: {  	[smem:$0x3F8C] =	sst s10  }
0x38: {  	s10 =	sld [smem:$0x3F8D]  }
0x39: {  	_ = 	snop;
	(pc) =	sbr.ind lr, $3  }
0x3a: {  	_ = 	snop  }
0x3b: {  	_ = 	snop  }
0x3c: {  	p2 =	seq.s32 s10, $0x1;
	s10 =	sld [smem:$0x3F8C]  }
0x3d: {  	_ =	shalt  }
0x3e: {  	_ =	shalt  }
0x3f: {  	_ =	shalt  }
0x40: {  	_ =	shalt  }
0x41: {  	_ =	shalt  }
0x42: {  	_ =	shalt  }
0x43: {  	_ =	shalt  }
0x44: {  	_ =	shalt  }
0x45: {  	_ =	shalt  }
0x46: {  	_ =	shalt  }
0x47: {  	_ =	shalt  }
0x48: {  	_ =	shalt  }
0x49: {  	_ =	shalt  }
0x4a: {  	_ =	shalt  }
0x4b: {  	_ =	shalt  }
0x4c: {  	_ =	shalt  }
0x4d: {  	_ =	shalt  }
0x4e: {  	_ =	shalt  }
0x4f: {  	_ =	shalt  }
0x50: {  	_ =	shalt  }
0x51: {  	_ =	shalt  }
0x52: {  	_ =	shalt  }
0x53: {  	_ =	shalt  }
0x54: {  	_ =	shalt  }
0x55: {  	_ =	shalt  }
0x56: {  	_ =	shalt  }
0x57: {  	_ =	shalt  }
0x58: {  	_ =	shalt  }
0x59: {  	_ =	shalt  }
0x5a: {  	_ =	shalt  }
0x5b: {  	_ =	shalt  }
0x5c: {  	_ =	shalt  }
0x5d: {  	_ =	shalt  }
0x5e: {  	_ =	shalt  }
0x5f: {  	_ =	shalt  }
0x60: {  	_ =	shalt  }
0x61: {  	_ =	shalt  }
0x62: {  	_ =	shalt  }
0x63: {  	_ =	shalt  }
0x64: {  	_ =	shalt  }
0x65: {  	_ =	shalt  }
0x66: {  	_ =	shalt  }
0x67: {  	_ =	shalt  }
0x68: {  	_ =	shalt  }
0x69: {  	_ =	shalt  }
0x6a: {  	_ =	shalt  }
0x6b: {  	_ =	shalt  }
0x6c: {  	_ =	shalt  }
0x6d: {  	_ =	shalt  }
0x6e: {  	_ =	shalt  }
0x6f: {  	_ =	shalt  }
0x70: {  	_ =	shalt  }
0x71: {  	_ =	shalt  }
0x72: {  	_ =	shalt  }
0x73: {  	_ =	shalt  }
0x74: {  	_ =	shalt  }
0x75: {  	_ =	shalt  }
0x76: {  	_ =	shalt  }
0x77: {  	_ =	shalt  }
0x78: {  	_ =	shalt  }
0x79: {  	_ =	shalt  }
0x7a: {  	_ =	shalt  }
0x7b: {  	_ =	shalt  }
0x7c: {  	_ =	shalt  }
0x7d: {  	_ =	shalt  }
0x7e: {  	_ =	shalt  }
0x7f: {  	_ =	shalt  }
0x80: {  	_ =	shalt  }
0x81: {  	_ =	shalt  }
0x82: {  	_ =	shalt  }
0x83: {  	_ =	shalt  }
0x84: {  	_ =	shalt  }
0x85: {  	_ =	shalt  }
0x86: {  	_ =	shalt  }
0x87: {  	_ =	shalt  }
.Lfunc_end0:
.L_simem_size_0:
called_computation.6_lowered:
.L_overlay_start_0:
0x88: {  	s2 =	sld [smem:$0x3FD9]  }
0x89: {  	s3 =	sld [smem:$0x3FFE];
	_ =	sdelay $0x1  }
0x8a: {  	s1 =	srdreg.scid  }
0x8b: {  	s0 =	sand.u32 $0x1, s1  }
0x8c: {  	s14 =	sshll.u32 s0, $0xA;
	s2 =	sadd.s32 s3, s2  }
0x8d: {  	s2 =	sadd.s32 s2, s14  }
0x8e: {  	[smem:$0x3F98] =	sst s2  }
0x8f: {  	_ = 	snop  }
0x90: {  	s2 =	sld [smem:$0x3FD0];
	_ =	sdelay $0x2  }
0x91: {  	s15 =	simm.s32 $0xA;
	s4 =	simm.s32 $0x10  }
0x92: {  	[smem:s4], [sflag:s15] =	dma.local [hbm:s2], $0x1  }
0x93: {  	_ =	swait.eq [sflag:s15], $0x1  }
0x94: {  	[sflag:s15] =	ssyncset.done $0x0  }
0x95: {  	[sflag:s15] =	ssyncadd.s32 $0xFFFFFFFF  }
0x96: {  	s16 =	sld [smem:$0x10];
	(tm) =	ssettm $0x1  }
0x97: {  	s17 =	sld [smem:$0x3FFB];
	_ =	sdelay $0x3  }
0x98: {  	_ =	strace s17  }
0x99: {  	s3 =	sld [smem:$0x3FFC];
	_ =	sdelay $0x3  }
0x9a: {  	_ =	strace s3  }
0x9b: {  	s3 =	sld [smem:$0x3FFD];
	_ =	sdelay $0x3  }
0x9c: {  	_ =	strace s3  }
0x9d: {  	_ =	strace $0x8FFFFFFF  }
0x9e: {  	s18 =	sld [smem:$0x3FDB];
	_ =	sdelay $0x1  }
0x9f: {  	s19 =	simm.s32 $_scs_section_size  }
0xa0: {  	s5 =	simm.s32 $_size__tile_overlayer_lowered;
	s6 =	simm.s32 $_tile_overlayer_lowered  }
0xa1: {  	s22 =	simm.s32 $0x1BFF;
	s21 =	sshll.u32 s6, $0x1;
	s3 =	sadd.s32 s19, s18  }
0xa2: {  	s7 =	simm.s32 $0x0;
	s20 =	sshll.u32 s5, $0x1;
	s5 =	sadd.s32 s21, s3  }
0xa3: {  	[timem:s7], [sflag:s22] =	dma.local [hbm:s5], s20  }
0xa4: {  	_ =	swait.ge [sflag:s22], s20  }
0xa5: {  	s4 =	ssub.s32 $0x0, s20;
	[sflag:s22] =	ssyncset.done $0x0  }
0xa6: {  	[sflag:s22] =	ssyncadd.s32 s4;
	_ =	sdelay $0x1  }
0xa7: {  	s23 =	simm.s32 $0x1B8B  }
0xa8: {  	_ =	swait.ge [sflag:s23], $0x1  }
0xa9: {  	[sflag:s23] =	ssyncset.done $0x0  }
0xaa: {  	s25 =	simm.s32 $0x1B8E;
	s24 =	sld [smem:$0x3FFE];
	[sflag:s23] =	ssyncadd.s32 $0xFFFFFFFF  }
0xab: {  	s26 =	simm.s32 $execute0_lowered;
	[smem:$0x3FD2] =	sst s25  }
0xac: {  	s5 =	sshll.u32 s26, $0x1;
	_ =	strace $0x80000058;
	[dreg:$0x1] =	wrdreg $0xFFFFFFFF  }
0xad: {  	s28 =	simm.s32 $_size_execute0_lowered;
	s3 =	sadd.s32 s3, s5;
	[dreg:$0x0] =	wrdreg $0x0  }
0xae: {  	s5 =	sshll.u32 s28, $0x1;
	[dreg:$0x2] =	wrdreg s3  }
0xaf: {  	[dreg:$0x3] =	wrdreg s5  }
0xb0: {  	[dreg:$0x4] =	wrdreg $0xC0  }
0xb1: {  	_ =	task [dreg:s7], $0x5FFFF  }
0xb2: {  	[dreg:$0x1] =	wrdreg $0xFFFFFFFF  }
0xb3: {  	[dreg:$0x0] =	wrdreg $0x60  }
0xb4: {  	[dreg:$0x2] =	wrdreg s16  }
0xb5: {  	[dreg:$0x3] =	wrdreg s24  }
0xb6: {  	[dreg:$0x4] =	wrdreg $0x9  }
0xb7: {  	_ =	task.clear_ibuf [dreg:s7], $0x5FFFF;
	_ =	strace $0x90000058  }
0xb8: {  	s29 =	simm.s32 $0x9;
	_ =	strace $0x8000005A  }
0xb9: {  	_ =	swait.ge [sflag:s29], $0x1  }
0xba: {  	[sflag:s29] =	ssyncadd.s32 $0xFFFFFFFF  }
0xbb: {  	_ =	strace $0x9000005A  }
0xbc: {  	_ =	sfence  }
0xbd: {  	s30 =	sld [smem:$0x0];
	_ =	sdelay $0x2  }
0xbe: {  	s31 =	sshll.u32 s1, $0xD;
	s1 =	sshrl.u32 s1, $0x2  }
0xbf: {  	s3 =	sand.u32 $0x4000, s31;
	s1 =	sadd.s32 s1, s30  }
0xc0: {  	s0 =	sor.u32 s3, s0;
	s1 =	sshll.u32 s1, $0x11  }
0xc1: {  	s0 =	sor.u32 s1, s0  }
0xc2: {  	s0 =	sadd.s32 $0x8F2B, s0  }
0xc3: {  	[sflag:s0] =	ssyncadd.remote.s32 $0x1  }
0xc4: {  	_ =	sfence.sel $0xFFFF  }
0xc5: {  	[dreg:$0x0] =	wrdreg $0xFFFFFFFF;
	(pc) =	sbr.abs _section_cstart, $3  }
0xc6: {  	[dreg:$0x1] =	wrdreg $0xFFFFFFFF  }
0xc7: {  	_ =	task.clear_ibuf [dreg:s7], $0x2FFFF;
	_ =	strace $0x9FFFFFFF  }
0xc8: {  	(tm) =	ssettm $0x7FFFFFFF  }
0xc9: {  	_ =	shalt  }
tec
execute0_lowered:
.L_overlay_start_1:
0x0: {  	(tag) =	ssettag $0x1  }
0x1: {  	s2 =	rddreg [dreg:$0x0];
	s1 =	srdreg.scid  }
0x2: {  	s0 =	stileid.u32;
	s5 =	rddreg [dreg:$0x1]  }
0x3: {  	s3 =	simm.s32 $0x0;
	s12 =	simm.s32 $0x2C00;
	s13 =	simm.s32 $0x5800  }
0x4: {  	s14 =	simm.s32 $0x8000;
	s15 =	simm.s32 $0xA800;
	s16 =	simm.s32 $0xD000  }
0x5: {  	s17 =	simm.s32 $0x0;
	s6 =	sand.u32 $0x1, s1;
	s1 =	rddreg [dreg:$0x2]  }
0x6: {  	s4 =	sshll.u32 s0, $0x1;
	[smem:$0x7FF] =	sst s3;
	s10 =	smul.u32 $0x5100, s0  }
0x7: {  	s4 =	sor.u32 s6, s4;
	s9 =	ssub.s32 $0x2, s6;
	s11 =	smul.u32 $0x2880, s6  }
0x8: {  	_ =	strace $0x80000059;
	s7 =	smul.u32 $0x580, s4;
	s31 =	sshrl.u32 s9, $0x1  }
0x9: {  	s8 =	smul.u32 $0x500, s4;
	s4 =	sadd.s32 $0x21600, s5;
	s9 =	ssub.s32 s9, s31  }
0xa: {  	s10 =	sadd.s32 s11, s10;
	s11 =	simm.s32 $0x1;
	s7 =	sadd.s32 s7, s5  }
0xb: {  	s8 =	sadd.s32 s8, s5;
	s9 =	smax.u32 s9, $0x1;
	s5 =	sadd.s32 $0xB600, s7  }
0xc: {  	v0 =	vimm.f32 $0.0e+00;
	s6 =	sadd.s32 $0x16600, s7;
	s7 =	sadd.s32 $0x49C00, s7;
	s8 =	sadd.s32 $0x54C00, s8  }
.LBB2_1:
0xd: {  	[tilespmem:s3], [sflag:$0x1] =	stream.linear.gather [hbm4b:s5+s3], $0x2880, $0x38;
	[tilespmem:$0xFC00] =	vst v63  }
0xe: {  	_ =	swait.ge [sflag:s11], $0x2880  }
0xf: {  	[sflag:s11] =	ssyncset.done $0x0  }
0x10: {  	[sflag:s11] =	ssyncadd.s32 $0xFFFFD780  }
0x11: {  	[tilespmem:s12], [sflag:$0x1] =	stream.linear.gather [hbm4b:s6+s3], $0x2880, $0x38;
	[tilespmem:$0xFC00] =	vst v63  }
0x12: {  	_ =	swait.ge [sflag:s11], $0x2880  }
0x13: {  	[sflag:s11] =	ssyncset.done $0x0  }
0x14: {  	[sflag:s11] =	ssyncadd.s32 $0xFFFFD780  }
0x15: {  	[tilespmem:s13], [sflag:$0x1] =	stream.linear.gather [hbm4b:s2+s3], $0x2800, $0x38;
	[tilespmem:$0xFC00] =	vst v63  }
0x16: {  	_ =	swait.ge [sflag:s11], $0x2800  }
0x17: {  	[sflag:s11] =	ssyncset.done $0x0  }
0x18: {  	[sflag:s11] =	ssyncadd.s32 $0xFFFFD800  }
0x19: {  	[tilespmem:s14], [sflag:$0x1] =	stream.linear.gather [hbm4b:s4+s3], $0x2800, $0x38;
	[tilespmem:$0xFC00] =	vst v63  }
0x1a: {  	_ =	swait.ge [sflag:s11], $0x2800  }
0x1b: {  	[sflag:s11] =	ssyncset.done $0x0  }
0x1c: {  	s18 =	simm.s32 $0x0;
	[sflag:s11] =	ssyncadd.s32 $0xFFFFD800  }
.LBB2_2:
0x1d: {  	p0 =	sne.s32 s18, $0x9FC0  }
.Ltmp0:
0x1e: {  	_ = 	snop;
	(pc) =	sbr.rel @p0 .LBB2_2-.Ltmp0, $3  }
0x1f: {  	_ =	sdelay $0x1  }
0x20: {  	s19 =	sshra.s32 s18, $0x2  }
0x21: {  	s18 =	sadd.s32 $0x40, s18;
	[tilespmem:s19+$0xA800] =	vst v0  }
0x22: {  	s19 =	simm.s32 $0x0  }
0x23: {  	v2 =	vld [tilespmem:s19+$0x8000]  }
0x24: {  	v1 =	vimm.f32 $-3.000000010e+38;
	s18 =	simm.s32 $0x40;
	v3 =	vimm.f32 $-3.000000010e+38;
	v4 =	vld [tilespmem:s19+$0x5800]  }
.LBB2_4:
0x25: {  	p0 =	sne.s32 s18, $0x9FC0  }
.Ltmp1:
0x26: {  	_ = 	snop;
	(pc) =	sbr.rel @p0 .LBB2_4-.Ltmp1, $4  }
0x27: {  	_ = 	snop  }
0x28: {  	s19 =	sshra.s32 s18, $0x2;
	s18 =	sadd.s32 $0x40, s18;
	v1 =	vmax.f32 v1, v2  }
0x29: {  	v2 =	vld [tilespmem:s19+$0x8000];
	v3 =	vmax.f32 v3, v4  }
0x2a: {  	v4 =	vld [tilespmem:s19+$0x5800]  }
0x2b: {  	_ =	sdelay $0x3  }
0x2c: {  	v3 =	vmax.f32 v3, v4  }
0x2d: {  	v1 =	vmax.f32 v1, v2;
	(xrf0) =	vmax.scan.msk.f32 $0xffff, v3  }
0x2e: {  	(xrf0) =	vmax.scan.msk.f32 $0xffff, v1;
	_ =	sdelay $0x4  }
0x2f: {  	v1, _, _ =	vpop (xrf0)  }
0x30: {  	(v2sf) =	vpush v1, $0xF;
	v1, _, _ =	vpop (xrf0)  }
0x31: {  	(v2sf) =	vpush v1, $0xF;
	_ =	sdelay $0xd  }
0x32: {  	s18 =	spop (v2sf)  }
0x33: {  	s19 =	spop (v2sf)  }
0x34: {  	s18 =	sadd.f32 s19, s18;
	_ =	sdelay $0x1  }
0x35: {  	s19 =	smul.f32 $2.000000030e-01, s18;
	_ =	sdelay $0x1  }
0x36: {  	s20 =	simm.s32 $0xD000;
	s21 =	smov.u32 s10;
	s19 =	smax.f32 s18, s19  }
0x37: {  	s22 =	simm.s32 $0x0;
	s18 =	simm.s32 $0x0;
	v1 =	vmov s19;
	s19 =	simm.s32 $0x2C00  }
.LBB2_6:
0x38: {  	v3 =	vmov s19  }
0x39: {  	v4 =	vmov s18;
	_ =	sdelay $0x2  }
0x3a: {  	s23 =	simm.s32 $0x0  }
0x3b: {  	v5 =	vld.idx.msk [tilespmem:v3+s23+$0x0 ss:$0x1], $0xffff  }
0x3c: {  	v2 =	vld.idx.msk [tilespmem:v4+s23+$0x0 ss:$0x1], $0xffff;
	_ =	sdelay $0x6  }
0x3d: {  	v6 =	vld.idx.msk [tilespmem:v5+s14+$0x0], $0xffff  }
0x3e: {  	v2 =	vld.idx.msk [tilespmem:v2+s13+$0x0], $0xffff;
	_ =	sdelay $0x4  }
0x3f: {  	v2 =	vadd.f32 v6, v2;
	_ =	sdelay $0x1  }
0x40: {  	v6 =	vmul.f32 $2.000000030e-01, v2  }
0x41: {  	vm0 =	vge.f32 v2, $0.0e+00  }
0x42: {  	v2 =	vsel vm0, v2, v6  }
0x43: {  	v2 =	vsub.f32 v2, v1;
	_ =	sdelay $0x1  }
0x44: {  	v2 =	vmul.f32 $1.442695020e+00, v2;
	_ =	sdelay $0x1  }
0x45: {  	(erf) = vpow2.f32 v2;
	_ =	sdelay $0x5  }
0x46: {  	v2 =	vmov s20;
	_ =	sdelay $0x2  }
0x47: {  	p0 =	slt.u32 s21, $0x50910;
	v6 =	vpop (erf)  }
0x48: {  	v6 =	vpsel !p0, $0x0, v6  }
0x49: {  	[tilespmem:v2+s23+$0x0 ss:$0x1] =	vst.idx.msk $0xffff, v6  }
0x4a: {  	s23 =	simm.s32 $0x10;
	[tilespmem:v5+s15+$0x0] =	vst.idx.add.f32.msk $0xffff, v6  }
0x4b: {  	v5 =	vld.idx.msk [tilespmem:v3+s23+$0x0 ss:$0x1], $0xffff  }
0x4c: {  	s25 =	simm.s32 $0x80;
	s24 =	smov.u32 s21;
	v6 =	vld.idx.msk [tilespmem:v4+s23+$0x0 ss:$0x1], $0xffff  }
.LBB2_7:
0x4d: {  	p0 =	sne.s32 s25, $0x1C0;
	_ =	sdelay $0x5  }
0x4e: {  	v7 =	vld.idx.msk [tilespmem:v5+s14+$0x0], $0xffff  }
0x4f: {  	v6 =	vld.idx.msk [tilespmem:v6+s13+$0x0], $0xffff;
	_ =	sdelay $0x5  }
0x50: {  	v6 =	vadd.f32 v7, v6;
	_ =	sdelay $0x1  }
0x51: {  	v7 =	vmul.f32 $2.000000030e-01, v6  }
0x52: {  	vm0 =	vge.f32 v6, $0.0e+00  }
0x53: {  	v6 =	vsel vm0, v6, v7  }
0x54: {  	v6 =	vsub.f32 v6, v1;
	_ =	sdelay $0x1  }
0x55: {  	v6 =	vmul.f32 $1.442695020e+00, v6;
	_ =	sdelay $0x1  }
0x56: {  	(erf) = vpow2.f32 v6;
	_ =	sdelay $0x7  }
0x57: {  	s24 =	sadd.s32 $0x10, s24  }
0x58: {  	p1 =	slt.u32 s24, $0x50910;
	v6 =	vpop (erf)  }
.Ltmp2:
0x59: {  	v6 =	vpsel !p1, $0x0, v6;
	(pc) =	sbr.rel @p0 .LBB2_7-.Ltmp2, $4  }
0x5a: {  	[tilespmem:v2+s23+$0x0 ss:$0x1] =	vst.idx.msk $0xffff, v6  }
0x5b: {  	s23 =	sshra.s32 s25, $0x2;
	[tilespmem:v5+s15+$0x0] =	vst.idx.add.f32.msk $0xffff, v6  }
0x5c: {  	v5 =	vld.idx.msk [tilespmem:v3+s23+$0x0 ss:$0x1], $0xffff  }
0x5d: {  	s25 =	sadd.s32 $0x40, s25;
	v6 =	vld.idx.msk [tilespmem:v4+s23+$0x0 ss:$0x1], $0xffff  }
0x5e: {  	_ =	sdelay $0x6  }
0x5f: {  	v3 =	vld.idx.msk [tilespmem:v5+s14+$0x0], $0xffff  }
0x60: {  	v4 =	vld.idx.msk [tilespmem:v6+s13+$0x0], $0xffff;
	_ =	sdelay $0x4  }
0x61: {  	v3 =	vadd.f32 v3, v4;
	_ =	sdelay $0x1  }
0x62: {  	v4 =	vmul.f32 $2.000000030e-01, v3  }
0x63: {  	vm0 =	vge.f32 v3, $0.0e+00  }
0x64: {  	v3 =	vsel vm0, v3, v4  }
0x65: {  	v3 =	vsub.f32 v3, v1;
	_ =	sdelay $0x1  }
0x66: {  	v3 =	vmul.f32 $1.442695020e+00, v3;
	_ =	sdelay $0x1  }
0x67: {  	(erf) = vpow2.f32 v3;
	_ =	sdelay $0x7  }
0x68: {  	s24 =	sadd.s32 $0x10, s24  }
0x69: {  	s22 =	sadd.s32 $0x1, s22;
	p0 =	slt.u32 s24, $0x50910;
	v3 =	vpop (erf)  }
0x6a: {  	v3 =	vpsel !p0, $0x0, v3;
	p0 =	sne.s32 s22, $0x51  }
.Ltmp3:
0x6b: {  	_ = 	snop;
	(pc) =	sbr.rel @p0 .LBB2_6-.Ltmp3, $3  }
0x6c: {  	_ =	sdelay $0x1  }
0x6d: {  	s21 =	sadd.s32 $0x80, s21;
	[tilespmem:v2+s23+$0x0 ss:$0x1] =	vst.idx.msk $0xffff, v3  }
0x6e: {  	s18 =	sadd.s32 $0x80, s18;
	s19 =	sadd.s32 $0x80, s19;
	s20 =	sadd.s32 $0x80, s20;
	[tilespmem:v5+s15+$0x0] =	vst.idx.add.f32.msk $0xffff, v3  }
0x6f: {  	[hbm4b:s7+s3] =	stream.linear.scatter [tilespmem:s16], [sflag:$0x1], $0x2880, $0x38;
	[tilespmem:$0xFC00] =	vst v63  }
0x70: {  	s17 =	sadd.s32 $0x1, s17;
	_ =	swait.ge [sflag:s11], $0x2880  }
0x71: {  	p0 =	sne.s32 s17, s9;
	[sflag:s11] =	ssyncset.done $0x0  }
.Ltmp4:
0x72: {  	[sflag:s11] =	ssyncadd.s32 $0xFFFFD780;
	(pc) =	sbr.rel @p0 .LBB2_1-.Ltmp4, $4  }
0x73: {  	[hbm4b:s8+s3] =	stream.linear.scatter [tilespmem:s15], [sflag:$0x1], $0x2800, $0x38;
	[tilespmem:$0xFC00] =	vst v63  }
0x74: {  	_ =	swait.ge [sflag:s11], $0x2800  }
0x75: {  	[sflag:s11] =	ssyncset.done $0x0  }
0x76: {  	[sflag:s11] =	ssyncadd.s32 $0xFFFFD800  }
0x77: {  	_ =	sfence.sel $0x180000  }
0x78: {  	[bflag:$0x0] =	sbarrier.arrive $0xFFFF  }
0x79: {  	p0 =	sne.s32 s0, $0x0;
	_ =	strace $0x90000059  }
0x7a: {  	s0 =	sadd.s32 @!p0 $0x100000, s1;
	[bflag:$0x2] =	sbarrier.arrive $0xFFFF  }
0x7b: {  	[sflag:s0] =	ssyncadd.tile.s32 @!p0 $0x1;
	_ =	shalt  }
.Lfunc_end2:
_tile_overlayer_lowered:
.L_overlay_start_2:
0x7c: {  	(tag) =	ssettag $0x2  }
0x7d: {  	s0 =	rddreg [dreg:$0x0];
	s2 =	stileid.u32  }
0x7e: {  	s1 =	rddreg [dreg:$0x1];
	p0 =	sne.s32 s2, $0x0  }
0x7f: {  	s3 =	rddreg [dreg:$0x2];
	[bflag:$0x3] =	sbarrier.arrive $0xFFFF;
	s2 =	simm.s32 @!p0 $0x1C01  }
0x80: {  	[timem:s3], [sflag:s2] =	dma.local @!p0 [hbm:s0], s1  }
0x81: {  	s0 =	simm.s32 @!p0 $0x1  }
0x82: {  	_ =	swait.ge @!p0 [sflag:s0], s1  }
0x83: {  	s1 =	ssub.s32 @!p0 $0x0, s1;
	[sflag:s0] =	ssyncset.done @!p0 $0x0  }
0x84: {  	[sflag:s0] =	ssyncadd.s32 @!p0 s1  }
0x85: {  	[bflag:$0x3] =	sbarrier.arrive $0xFFFF  }
0x86: {  	_ =	shalt  }

// kernel: kernel.41.cloned.1.call-start
scs
__scs_entry_jumppad:
0x0: {  	(pc) =	sbr.rel $0x88, $3  }
0x1: {  	(tag) =	ssettag $0x0;
	lr =	simm.s32 $0x1  }
0x2: {  	[smem:$0x3F71] =	sst lr;
	_ =	strace $0xD0000000  }
0x3: {  	_ = 	snop  }
0x4: {  	_ = 	snop  }
0x5: {  	_ = 	snop  }
0x6: {  	_ = 	snop  }
0x7: {  	_ = 	snop  }
__scs_overlays_trampoline_lowered:
0x8: {  	[smem:$0x3F80] =	sst s0  }
0x9: {  	[smem:$0x3F81] =	sst s1  }
0xa: {  	[smem:$0x3F82] =	sst s2  }
0xb: {  	[smem:$0x3F83] =	sst s3  }
0xc: {  	[smem:$0x3F84] =	sst s4  }
0xd: {  	[smem:$0x3F85] =	sst s5  }
0xe: {  	[smem:$0x3F86] =	sst s6  }
0xf: {  	[smem:$0x3F87] =	sst s7  }
0x10: {  	[smem:$0x3F88] =	sst s8  }
0x11: {  	[smem:$0x3F89] =	sst s9;
	s0 =	simm.s32 @!p0 $0x0  }
0x12: {  	s1 =	sld [smem:$0x3F6F];
	s0 =	simm.s32 @p0 $0x1  }
0x13: {  	[smem:$0x3F8A] =	sst s0;
	s0 =	simm.s32 @!p1 $0x0  }
0x14: {  	s2 =	sld [smem:$0x3F6E];
	s0 =	simm.s32 @p1 $0x1  }
0x15: {  	[smem:$0x3F8B] =	sst s0;
	s0 =	simm.s32 @!p2 $0x0  }
0x16: {  	s3 =	sld [smem:$0x3FDB];
	s0 =	simm.s32 @p2 $0x1  }
0x17: {  	s4 =	simm.s32 $0x1BF5;
	[smem:$0x3F8D] =	sst s0  }
0x18: {  	s0 =	sld [smem:$0x3F70];
	_ =	swait.ge [sflag:s4], $0x0  }
0x19: {  	s7 =	sld [smem:$0x3F71]  }
0x1a: {  	s8 =	sadd.s32 $0xFFFFE003, lr  }
0x1b: {  	s9 =	sadd.s32 $0xFFFFFEF7, lr;
	s5 =	simm.s32 $0xFFFFFFFF;
	p2 =	slt.u32 s8, $0xFFFFF086  }
0x1c: {  	p1 =	slt.u32 s9, $0xF7A;
	s5 =	simm.s32 @!p2 $0x0  }
0x1d: {  	s5 =	simm.s32 @p1 $0x1;
	p0 =	seq.s32 s7, s2  }
0x1e: {  	s7 =	smul.u32 @!p0 $0xF7A, s2;
	p2 =	seq.s32 @!p0 s5, $0x0  }
0x1f: {  	s9 =	smul.u32 $0xF7A, s1;
	s8 =	simm.s32 @!p0 $0x1BF5;
	p2 =	por !p2, p0  }
0x20: {  	[sflag:s8] =	ssyncset.s32 @!p0 $0xFFFFF086;
	s6 =	sadd.s32 @!p0 s3, s7;
	s7 =	simm.s32 @!p0 $0x108  }
0x21: {  	s3 =	sadd.s32 s3, s9;
	s6 =	sadd.s32 @!p0 $0x88, s6;
	s7 =	simm.s32 @p2 $0x1082  }
0x22: {  	[simem:s7], [sflag:s8] =	dma.local @!p0 [hbm:s6], $0xF7A  }
0x23: {  	s9 =	sor.u32 $0xD0000000, s2;
	s6 =	simm.s32 $0x108;
	_ =	swait.ge @!p0 [sflag:s8], $0x0  }
0x24: {  	s3 =	sadd.s32 $0x88, s3;
	s6 =	simm.s32 @!p1 $0x1082;
	[sflag:s4] =	ssyncset.s32 $0xFFFFF086  }
0x25: {  	[simem:s6], [sflag:s4] =	dma.local [hbm:s3], $0xF7A  }
0x26: {  	[smem:$0x3F71] =	sst s1;
	(tag) =	ssettag s2;
	_ =	strace s9  }
0x27: {  	s1 =	sld [smem:$0x3F81]  }
0x28: {  	s2 =	sld [smem:$0x3F82]  }
0x29: {  	s4 =	sld [smem:$0x3F84]  }
0x2a: {  	p0 =	seq.s32 s5, $0x0;
	s5 =	sld [smem:$0x3F85]  }
0x2b: {  	s6 =	sld [smem:$0x3F86]  }
0x2c: {  	s7 =	sld [smem:$0x3F87]  }
0x2d: {  	s3 =	simm.s32 $0x108;
	s8 =	sld [smem:$0x3F88]  }
0x2e: {  	s3 =	simm.s32 @!p0 $0x1082;
	s9 =	sld [smem:$0x3F89]  }
0x2f: {  	lr =	sadd.s32 s0, s3;
	s0 =	sld [smem:$0x3F80]  }
0x30: {  	s3 =	sld [smem:$0x3F83]  }
0x31: {  	[smem:$0x3F8C] =	sst s10  }
0x32: {  	s10 =	sld [smem:$0x3F8A];
	_ =	sdelay $0x3  }
0x33: {  	p0 =	seq.s32 s10, $0x1;
	s10 =	sld [smem:$0x3F8C];
	_ =	sdelay $0x3  }
0x34: {  	[smem:$0x3F8C] =	sst s10  }
0x35: {  	s10 =	sld [smem:$0x3F8B];
	_ =	sdelay $0x3  }
0x36: {  	p1 =	seq.s32 s10, $0x1;
	s10 =	sld [smem:$0x3F8C];
	_ =	sdelay $0x3  }
0x37: {  	[smem:$0x3F8C] =	sst s10  }
0x38: {  	s10 =	sld [smem:$0x3F8D]  }
0x39: {  	_ = 	snop;
	(pc) =	sbr.ind lr, $3  }
0x3a: {  	_ = 	snop  }
0x3b: {  	_ = 	snop  }
0x3c: {  	p2 =	seq.s32 s10, $0x1;
	s10 =	sld [smem:$0x3F8C]  }
0x3d: {  	_ =	shalt  }
0x3e: {  	_ =	shalt  }
0x3f: {  	_ =	shalt  }
0x40: {  	_ =	shalt  }
0x41: {  	_ =	shalt  }
0x42: {  	_ =	shalt  }
0x43: {  	_ =	shalt  }
0x44: {  	_ =	shalt  }
0x45: {  	_ =	shalt  }
0x46: {  	_ =	shalt  }
0x47: {  	_ =	shalt  }
0x48: {  	_ =	shalt  }
0x49: {  	_ =	shalt  }
0x4a: {  	_ =	shalt  }
0x4b: {  	_ =	shalt  }
0x4c: {  	_ =	shalt  }
0x4d: {  	_ =	shalt  }
0x4e: {  	_ =	shalt  }
0x4f: {  	_ =	shalt  }
0x50: {  	_ =	shalt  }
0x51: {  	_ =	shalt  }
0x52: {  	_ =	shalt  }
0x53: {  	_ =	shalt  }
0x54: {  	_ =	shalt  }
0x55: {  	_ =	shalt  }
0x56: {  	_ =	shalt  }
0x57: {  	_ =	shalt  }
0x58: {  	_ =	shalt  }
0x59: {  	_ =	shalt  }
0x5a: {  	_ =	shalt  }
0x5b: {  	_ =	shalt  }
0x5c: {  	_ =	shalt  }
0x5d: {  	_ =	shalt  }
0x5e: {  	_ =	shalt  }
0x5f: {  	_ =	shalt  }
0x60: {  	_ =	shalt  }
0x61: {  	_ =	shalt  }
0x62: {  	_ =	shalt  }
0x63: {  	_ =	shalt  }
0x64: {  	_ =	shalt  }
0x65: {  	_ =	shalt  }
0x66: {  	_ =	shalt  }
0x67: {  	_ =	shalt  }
0x68: {  	_ =	shalt  }
0x69: {  	_ =	shalt  }
0x6a: {  	_ =	shalt  }
0x6b: {  	_ =	shalt  }
0x6c: {  	_ =	shalt  }
0x6d: {  	_ =	shalt  }
0x6e: {  	_ =	shalt  }
0x6f: {  	_ =	shalt  }
0x70: {  	_ =	shalt  }
0x71: {  	_ =	shalt  }
0x72: {  	_ =	shalt  }
0x73: {  	_ =	shalt  }
0x74: {  	_ =	shalt  }
0x75: {  	_ =	shalt  }
0x76: {  	_ =	shalt  }
0x77: {  	_ =	shalt  }
0x78: {  	_ =	shalt  }
0x79: {  	_ =	shalt  }
0x7a: {  	_ =	shalt  }
0x7b: {  	_ =	shalt  }
0x7c: {  	_ =	shalt  }
0x7d: {  	_ =	shalt  }
0x7e: {  	_ =	shalt  }
0x7f: {  	_ =	shalt  }
0x80: {  	_ =	shalt  }
0x81: {  	_ =	shalt  }
0x82: {  	_ =	shalt  }
0x83: {  	_ =	shalt  }
0x84: {  	_ =	shalt  }
0x85: {  	_ =	shalt  }
0x86: {  	_ =	shalt  }
0x87: {  	_ =	shalt  }
.Lfunc_end0:
.L_simem_size_0:
called_computation.7_lowered:
.L_overlay_start_0:
0x88: {  	s2 =	sld [smem:$0x3FD9]  }
0x89: {  	s3 =	sld [smem:$0x3FFE];
	_ =	sdelay $0x1  }
0x8a: {  	s1 =	srdreg.scid  }
0x8b: {  	s0 =	sand.u32 $0x1, s1  }
0x8c: {  	s16 =	sshll.u32 s0, $0xA;
	s2 =	sadd.s32 s3, s2  }
0x8d: {  	s2 =	sadd.s32 s2, s16  }
0x8e: {  	[smem:$0x3F98] =	sst s2  }
0x8f: {  	_ = 	snop  }
0x90: {  	(tm) =	ssettm $0x1  }
0x91: {  	s17 =	sld [smem:$0x3FFB];
	_ =	sdelay $0x3  }
0x92: {  	_ =	strace s17  }
0x93: {  	s2 =	sld [smem:$0x3FFC];
	_ =	sdelay $0x3  }
0x94: {  	_ =	strace s2  }
0x95: {  	s2 =	sld [smem:$0x3FFD];
	_ =	sdelay $0x3  }
0x96: {  	_ =	strace s2  }
0x97: {  	_ =	strace $0x8FFFFFFF  }
0x98: {  	s18 =	sld [smem:$0x3FDB];
	_ =	sdelay $0x1  }
0x99: {  	s19 =	simm.s32 $_scs_section_size  }
0x9a: {  	s4 =	simm.s32 $_size__tile_overlayer_lowered;
	s5 =	simm.s32 $_tile_overlayer_lowered  }
0x9b: {  	s22 =	simm.s32 $0x1BFF;
	s21 =	sshll.u32 s5, $0x1;
	s2 =	sadd.s32 s19, s18  }
0x9c: {  	s6 =	simm.s32 $0x0;
	s20 =	sshll.u32 s4, $0x1;
	s4 =	sadd.s32 s21, s2  }
0x9d: {  	[timem:s6], [sflag:s22] =	dma.local [hbm:s4], s20  }
0x9e: {  	_ =	swait.ge [sflag:s22], s20  }
0x9f: {  	s3 =	ssub.s32 $0x0, s20;
	[sflag:s22] =	ssyncset.done $0x0  }
0xa0: {  	[sflag:s22] =	ssyncadd.s32 s3;
	_ =	sdelay $0x1  }
0xa1: {  	s23 =	simm.s32 $0x1B8B  }
0xa2: {  	_ =	swait.ge [sflag:s23], $0x1  }
0xa3: {  	[sflag:s23] =	ssyncset.done $0x0  }
0xa4: {  	s25 =	simm.s32 $0x1B8E;
	s24 =	sld [smem:$0x3FFE];
	[sflag:s23] =	ssyncadd.s32 $0xFFFFFFFF  }
0xa5: {  	s26 =	simm.s32 $execute0_lowered;
	[smem:$0x3FD2] =	sst s25  }
0xa6: {  	s4 =	sshll.u32 s26, $0x1;
	_ =	strace $0x8000005B;
	[dreg:$0x1] =	wrdreg $0xFFFFFFFF  }
0xa7: {  	s28 =	simm.s32 $_size_execute0_lowered;
	s2 =	sadd.s32 s2, s4;
	[dreg:$0x0] =	wrdreg $0x0  }
0xa8: {  	s4 =	sshll.u32 s28, $0x1;
	[dreg:$0x2] =	wrdreg s2  }
0xa9: {  	[dreg:$0x3] =	wrdreg s4  }
0xaa: {  	[dreg:$0x4] =	wrdreg $0xC0  }
0xab: {  	_ =	task [dreg:s6], $0x5FFFF  }
0xac: {  	[dreg:$0x1] =	wrdreg $0xFFFFFFFF  }
0xad: {  	[dreg:$0x0] =	wrdreg $0x60  }
0xae: {  	[dreg:$0x2] =	wrdreg s24  }
0xaf: {  	[dreg:$0x3] =	wrdreg $0xC4000  }
0xb0: {  	[dreg:$0x4] =	wrdreg $0x9  }
0xb1: {  	_ =	task.clear_ibuf [dreg:s6], $0x5FFFF;
	_ =	strace $0x9000005B  }
0xb2: {  	s29 =	simm.s32 $0x9;
	_ =	strace $0x8000005D  }
0xb3: {  	_ =	swait.ge [sflag:s29], $0x1  }
0xb4: {  	[sflag:s29] =	ssyncadd.s32 $0xFFFFFFFF  }
0xb5: {  	_ =	strace $0x9000005D  }
0xb6: {  	_ =	sfence  }
0xb7: {  	s30 =	sld [smem:$0x0];
	_ =	sdelay $0x2  }
0xb8: {  	s31 =	sshll.u32 s1, $0xD;
	s1 =	sshrl.u32 s1, $0x2  }
0xb9: {  	s3 =	sand.u32 $0x4000, s31;
	s1 =	sadd.s32 s1, s30  }
0xba: {  	s0 =	sor.u32 s3, s0;
	s1 =	sshll.u32 s1, $0x11  }
0xbb: {  	s0 =	sor.u32 s1, s0  }
0xbc: {  	s0 =	sadd.s32 $0x8F2B, s0  }
0xbd: {  	[sflag:s0] =	ssyncadd.remote.s32 $0x1  }
0xbe: {  	_ =	sfence.sel $0xFFFF  }
0xbf: {  	[dreg:$0x0] =	wrdreg $0xFFFFFFFF;
	(pc) =	sbr.abs _section_cstart, $3  }
0xc0: {  	[dreg:$0x1] =	wrdreg $0xFFFFFFFF  }
0xc1: {  	_ =	task.clear_ibuf [dreg:s6], $0x2FFFF;
	_ =	strace $0x9FFFFFFF  }
0xc2: {  	(tm) =	ssettm $0x7FFFFFFF  }
0xc3: {  	_ =	shalt  }
tec
execute0_lowered:
.L_overlay_start_1:
0x0: {  	(tag) =	ssettag $0x1  }
0x1: {  	s5 =	rddreg [dreg:$0x0]  }
0x2: {  	s2 =	rddreg [dreg:$0x1]  }
0x3: {  	s4 =	srdreg.scid;
	s1 =	stileid.u32;
	s3 =	simm.s32 $0x0  }
0x4: {  	s18 =	simm.s32 $0x2C00;
	s19 =	simm.s32 $0x5800;
	s20 =	simm.s32 $0x8400  }
0x5: {  	s21 =	simm.s32 $0x80;
	s22 =	simm.s32 $0x1;
	s24 =	simm.s32 $0x0  }
0x6: {  	s6 =	sand.u32 $0x1, s4;
	s29 =	sshll.u32 s1, $0x1;
	s9 =	smul.u32 $0x50000, s1  }
0x7: {  	[smem:$0x7FF] =	sst s3;
	s15 =	sadd.s32 $0x5EC00, s5;
	s12 =	smul.u32 $0x14000, s1  }
0x8: {  	s23 =	sadd.s32 $0x12C000, s2;
	p0 =	seq.s32 s1, $0xF;
	s4 =	sor.u32 s6, s29  }
0x9: {  	_ =	strace $0x8000005C;
	s8 =	ssub.s32 $0x2, s6;
	s13 =	smul.u32 $0x138800, s6  }
0xa: {  	s23 =	sshrl.u32 @p0 s23, $0x3;
	s7 =	smul.u32 $0x580, s4;
	s30 =	sshrl.u32 s8, $0x1  }
0xb: {  	s4 =	sadd.s32 $0x21C00, s5;
	s31 =	sshrl.u32 s9, $0x2;
	s16 =	ssub.s32 s8, s30  }
0xc: {  	s6 =	sadd.s32 s31, s2;
	s14 =	sadd.s32 s12, s13;
	s17 =	sshrl.u32 s13, $0x3  }
0xd: {  	s13 =	sadd.s32 $0x138000, s2;
	s10 =	sadd.s32 s7, s5;
	s9 =	sadd.s32 $0x4000, s6  }
0xe: {  	s11 =	sadd.s32 $0xC000, s6;
	s12 =	sadd.s32 $0x10000, s6;
	s14 =	sshrl.u32 s14, $0x3  }
0xf: {  	s16 =	smax.u32 s16, $0x1;
	s5 =	sadd.s32 $0xB600, s10;
	s7 =	sadd.s32 $0x16600, s10  }
0x10: {  	s8 =	sadd.s32 $0x49C00, s10;
	s14 =	sadd.s32 s15, s14;
	s15 =	sadd.s32 s15, s17  }
0x11: {  	v0 =	vimm.f32 $0.0e+00;
	s10 =	sadd.s32 $0x8000, s6;
	s17 =	simm.s32 $0x2;
	s15 =	sadd.s32 $0x25800, s15  }
.LBB2_1:
0x12: {  	[tilespmem:s3], [sflag:$0x2] =	stream.linear.gather [hbm4b:s5+s3], $0x2880, $0x38;
	[tilespmem:$0x1FC80] =	vst v63  }
0x13: {  	_ =	swait.ge [sflag:s17], $0x2880  }
0x14: {  	[sflag:s17] =	ssyncset.done $0x0  }
0x15: {  	[sflag:s17] =	ssyncadd.s32 $0xFFFFD780  }
0x16: {  	[tilespmem:s18], [sflag:$0x2] =	stream.linear.gather [hbm4b:s7+s3], $0x2880, $0x38;
	[tilespmem:$0x1FC80] =	vst v63  }
0x17: {  	_ =	swait.ge [sflag:s17], $0x2880  }
0x18: {  	[sflag:s17] =	ssyncset.done $0x0  }
0x19: {  	[sflag:s17] =	ssyncadd.s32 $0xFFFFD780  }
0x1a: {  	[tilespmem:s19], [sflag:$0x2] =	stream.linear.gather [hbm4b:s8+s3], $0x2880, $0x38;
	[tilespmem:$0x1FC80] =	vst v63  }
0x1b: {  	_ =	swait.ge [sflag:s17], $0x2880  }
0x1c: {  	[sflag:s17] =	ssyncset.done $0x0  }
0x1d: {  	s25 =	simm.s32 $0x0;
	s26 =	simm.s32 $0x200;
	[sflag:s17] =	ssyncadd.s32 $0xFFFFD780  }
.LBB2_2:
0x1e: {  	p1 =	sne.s32 s26, $0xFE00;
	[tilespmem:s25+$0x8470] =	vst v0  }
0x1f: {  	[tilespmem:s25+$0x8400] =	vst v0  }
0x20: {  	[tilespmem:s25+$0x8410] =	vst v0  }
.Ltmp0:
0x21: {  	[tilespmem:s25+$0x8420] =	vst v0;
	(pc) =	sbr.rel @p1 .LBB2_2-.Ltmp0, $4  }
0x22: {  	[tilespmem:s25+$0x8430] =	vst v0  }
0x23: {  	[tilespmem:s25+$0x8440] =	vst v0  }
0x24: {  	[tilespmem:s25+$0x8450] =	vst v0  }
0x25: {  	[tilespmem:s25+$0x8460] =	vst v0;
	s25 =	sshra.s32 s26, $0x2;
	s26 =	sadd.s32 $0x200, s26  }
0x26: {  	[tilespmem:s25+$0x8470] =	vst v0  }
0x27: {  	[tilespmem:s25+$0x8400] =	vst v0  }
0x28: {  	[tilespmem:s25+$0x8410] =	vst v0  }
0x29: {  	[tilespmem:s25+$0x8420] =	vst v0  }
0x2a: {  	[tilespmem:s25+$0x8430] =	vst v0  }
0x2b: {  	[tilespmem:s25+$0x8440] =	vst v0  }
0x2c: {  	[tilespmem:s25+$0x8450] =	vst v0  }
0x2d: {  	[tilespmem:s25+$0x8460] =	vst v0  }
0x2e: {  	[spmem:s6] =	stream.linear.scatter [tilespmem:s20], [sflag:$0x2], $0x4000, $0x38;
	[tilespmem:$0x1FC80] =	vst v63  }
0x2f: {  	_ =	swait.ge [sflag:s17], $0x4000  }
0x30: {  	[sflag:s17] =	ssyncset.done $0x0  }
0x31: {  	[sflag:s17] =	ssyncadd.s32 $0xFFFFC000  }
0x32: {  	[spmem:s9] =	stream.linear.scatter [tilespmem:s20], [sflag:$0x2], $0x4000, $0x38;
	[tilespmem:$0x1FC80] =	vst v63  }
0x33: {  	_ =	swait.ge [sflag:s17], $0x4000  }
0x34: {  	[sflag:s17] =	ssyncset.done $0x0  }
0x35: {  	[sflag:s17] =	ssyncadd.s32 $0xFFFFC000  }
0x36: {  	[spmem:s10] =	stream.linear.scatter [tilespmem:s20], [sflag:$0x2], $0x4000, $0x38;
	[tilespmem:$0x1FC80] =	vst v63  }
0x37: {  	_ =	swait.ge [sflag:s17], $0x4000  }
0x38: {  	[sflag:s17] =	ssyncset.done $0x0  }
0x39: {  	s25 =	simm.s32 @p0 $0x8400;
	[sflag:s17] =	ssyncadd.s32 $0xFFFFC000  }
0x3a: {  	[spmem:s13] =	stream.linear.scatter @p0 [tilespmem:s25], [sflag:$0x2], $0x800, $0x38;
	[tilespmem:$0x1FC80] =	vst v63  }
0x3b: {  	s25 =	simm.s32 @p0 $0x2  }
0x3c: {  	_ =	swait.ge @p0 [sflag:s25], $0x800  }
0x3d: {  	[sflag:s25] =	ssyncset.done @p0 $0x0  }
0x3e: {  	s26 =	simm.s32 @!p0 $0x2;
	[sflag:s25] =	ssyncadd.s32 @p0 $0xFFFFF800;
	s25 =	simm.s32 @!p0 $0x8400  }
0x3f: {  	[spmem:s11] =	stream.linear.scatter @!p0 [tilespmem:s25], [sflag:$0x2], $0x4000, $0x38;
	[tilespmem:$0x1FC80] =	vst v63  }
0x40: {  	_ =	swait.ge @!p0 [sflag:s26], $0x4000  }
0x41: {  	[sflag:s26] =	ssyncset.done @!p0 $0x0  }
0x42: {  	[sflag:s26] =	ssyncadd.s32 @!p0 $0xFFFFC000  }
0x43: {  	[spmem:s12] =	stream.linear.scatter @!p0 [tilespmem:s25], [sflag:$0x2], $0x4000, $0x38;
	[tilespmem:$0x1FC80] =	vst v63  }
0x44: {  	_ =	swait.ge @!p0 [sflag:s26], $0x4000  }
0x45: {  	[sflag:s26] =	ssyncset.done @!p0 $0x0  }
0x46: {  	[sflag:s26] =	ssyncadd.s32 @!p0 $0xFFFFC000  }
0x47: {  	s25 =	simm.s32 $0x0;
	s26 =	simm.s32 $0x0;
	[bflag:$0x0] =	sbarrier.arrive $0xFFFF  }
.LBB2_4:
0x48: {  	s28 =	sshll.u32 s26, $0x7;
	v2 =	vmov s25  }
0x49: {  	v1 =	vmov s28;
	v2 =	vand.u32 $0x7F, v2  }
0x4a: {  	[tilespmem:s20], [sflag:$0x1] =	stream.indirect.gather [hbm4b:s4+s21], $0x80, s28, s21, $0xb8;
	v2 =	vadd.s32 v1, v2;
	[tilespmem:$0x1FC80] =	vst v63  }
0x4b: {  	_ =	swait.ge [sflag:s22], $0x4000;
	v2 =	vbroadcast v2, $0x0  }
0x4c: {  	[sflag:s22] =	ssyncset.done $0x0  }
0x4d: {  	s29 =	simm.s32 $0x8440;
	[sflag:s22] =	ssyncadd.s32 $0xFFFFC000  }
0x4e: {  	v6 =	vld [tilespmem:s29+$0x30]  }
0x4f: {  	v9 =	vld [tilespmem:s29+$0x10]  }
0x50: {  	v7 =	vld [tilespmem:s29+$0xFFFFFFC0]  }
0x51: {  	v3 =	vld.idx.msk [tilespmem:v2+s19+$0x0], $0xffff  }
0x52: {  	v12 =	vld [tilespmem:s29+$0xFFFFFFE0]  }
0x53: {  	v4 =	vld [tilespmem:s29+$0x20]  }
0x54: {  	v5 =	vld [tilespmem:s29+$0xFFFFFFD0]  }
0x55: {  	v2 =	vld [tilespmem:s29+$0xFFFFFFF0]  }
0x56: {  	v10 =	vmul.f32 v6, v3;
	v6 =	vld [tilespmem:s29+$0x0]  }
0x57: {  	s30 =	simm.s32 $0x1;
	v8 =	vmul.f32 v7, v3  }
0x58: {  	s31 =	simm.s32 $0x2;
	v11 =	vmov s30;
	s30 =	simm.s32 $0x8440;
	v7 =	vmul.f32 v12, v3;
	v9 =	vmul.f32 v9, v3  }
.LBB2_5:
0x59: {  	p1 =	sne.s32 s31, $0x7F  }
0x5a: {  	v11 =	vand.u32 $0x7F, v11;
	v5 =	vmul.f32 v5, v3;
	v4 =	vmul.f32 v4, v3;
	[tilespmem:s29+$0x30] =	vst v10;
	s30 =	sadd.s32 $0x80, s30;
	s0 =	smov.u32 s31;
	s31 =	sadd.s32 $0x1, s31  }
0x5b: {  	v10 =	vadd.s32 v1, v11;
	[tilespmem:s29+$0xFFFFFFC0] =	vst v8;
	v8 =	vmul.f32 v2, v3;
	v3 =	vmul.f32 v6, v3  }
0x5c: {  	v6 =	vbroadcast v10, $0x0;
	[tilespmem:s29+$0x10] =	vst v9  }
0x5d: {  	[tilespmem:s29+$0xFFFFFFE0] =	vst v7  }
0x5e: {  	v2 =	vld [tilespmem:s30+$0xFFFFFFF0];
	[tilespmem:s29+$0xFFFFFFF0] =	vst v8  }
0x5f: {  	v7 =	vld [tilespmem:s30+$0x30];
	[tilespmem:s29+$0x0] =	vst v3  }
0x60: {  	v9 =	vld [tilespmem:s30+$0x10];
	[tilespmem:s29+$0x20] =	vst v4  }
0x61: {  	v8 =	vld [tilespmem:s30+$0xFFFFFFC0];
	[tilespmem:s29+$0xFFFFFFD0] =	vst v5;
	s29 =	smov.u32 s30  }
0x62: {  	v3 =	vld.idx.msk [tilespmem:v6+s19+$0x0], $0xffff  }
0x63: {  	v12 =	vld [tilespmem:s30+$0xFFFFFFE0]  }
0x64: {  	v4 =	vld [tilespmem:s30+$0x20]  }
.Ltmp1:
0x65: {  	v5 =	vld [tilespmem:s30+$0xFFFFFFD0];
	(pc) =	sbr.rel @p1 .LBB2_5-.Ltmp1, $3  }
0x66: {  	v6 =	vld [tilespmem:s30+$0x0];
	_ =	sdelay $0x1  }
0x67: {  	v8 =	vmul.f32 v8, v3;
	v10 =	vmul.f32 v7, v3  }
0x68: {  	v11 =	vmov s0;
	v9 =	vmul.f32 v9, v3;
	v7 =	vmul.f32 v12, v3  }
0x69: {  	[tilespmem:s29+$0x30] =	vst v10;
	v58 =	vand.u32 $0x7F, v11  }
0x6a: {  	[tilespmem:s29+$0xFFFFFFC0] =	vst v8;
	v1 =	vadd.s32 v1, v58  }
0x6b: {  	v2 =	vmul.f32 v2, v3;
	[tilespmem:s29+$0x10] =	vst v9;
	v1 =	vbroadcast v1, $0x0  }
0x6c: {  	s0 =	sadd.s32 $0x80, s30;
	[tilespmem:s29+$0xFFFFFFE0] =	vst v7;
	v6 =	vmul.f32 v6, v3  }
0x6d: {  	v4 =	vmul.f32 v4, v3;
	v3 =	vmul.f32 v5, v3;
	v7 =	vld [tilespmem:s0+$0xFFFFFFF0];
	[tilespmem:s29+$0xFFFFFFF0] =	vst v2  }
0x6e: {  	v2 =	vld [tilespmem:s0+$0x30];
	[tilespmem:s29+$0x0] =	vst v6  }
0x6f: {  	v60 =	vld [tilespmem:s0+$0xFFFFFFC0];
	[tilespmem:s29+$0xFFFFFFD0] =	vst v3  }
0x70: {  	v59 =	vld [tilespmem:s0+$0x10];
	[tilespmem:s29+$0x20] =	vst v4  }
0x71: {  	v1 =	vld.idx.msk [tilespmem:v1+s19+$0x0], $0xffff;
	_ =	sdelay $0x2  }
0x72: {  	v6 =	vld [tilespmem:s0+$0x0]  }
0x73: {  	v3 =	vld [tilespmem:s0+$0xFFFFFFE0]  }
0x74: {  	v2 =	vmul.f32 v2, v1  }
0x75: {  	v61 =	vld [tilespmem:s0+$0x20];
	v4 =	vmul.f32 v60, v1  }
0x76: {  	v62 =	vld [tilespmem:s0+$0xFFFFFFD0];
	v5 =	vmul.f32 v59, v1;
	[tilespmem:s0+$0x30] =	vst v2  }
0x77: {  	v63 =	vmul.f32 v6, v1;
	[tilespmem:s0+$0xFFFFFFC0] =	vst v4  }
0x78: {  	v2 =	vmul.f32 v3, v1;
	[tilespmem:s0+$0x10] =	vst v5  }
0x79: {  	v3 =	vmul.f32 v7, v1;
	[tilespmem:s0+$0x0] =	vst v63  }
0x7a: {  	[tilespmem:s0+$0xFFFFFFE0] =	vst v2;
	v2 =	vmul.f32 v61, v1  }
0x7b: {  	s26 =	sadd.s32 $0x1, s26;
	[tilespmem:s0+$0xFFFFFFF0] =	vst v3;
	v1 =	vmul.f32 v62, v1  }
0x7c: {  	p1 =	sne.s32 s26, $0x51;
	[tilespmem:s0+$0x20] =	vst v2  }
.Ltmp2:
0x7d: {  	s31 =	sadd.s32 $0x2C00, s28;
	[tilespmem:s0+$0xFFFFFFD0] =	vst v1;
	(pc) =	sbr.rel @p1 .LBB2_4-.Ltmp2, $4  }
0x7e: {  	[spmem:s2] =	stream.indirect.scatter.add.f32 [tilespmem:s20], [sflag:$0x2], $0x80, s31, s21, $0xb8;
	[tilespmem:$0x1FC80] =	vst v63  }
0x7f: {  	_ =	swait.ge [sflag:s17], $0x4000  }
0x80: {  	[sflag:s17] =	ssyncset.done $0x0  }
0x81: {  	[sflag:s17] =	ssyncadd.s32 $0xFFFFC000  }
0x82: {  	[bflag:$0x0] =	sbarrier.arrive $0xFFFF;
	s0 =	simm.s32 @p0 $0x1FC2  }
0x83: {  	[hbm:s15], [sflag:s0] =	dma.local @p0 [spmem:s23], $0x1900  }
0x84: {  	s0 =	simm.s32 @p0 $0x2  }
0x85: {  	s24 =	sadd.s32 $0x1, s24;
	_ =	swait.ge @p0 [sflag:s0], $0x1900  }
0x86: {  	s25 =	sshll.u32 @!p0 s1, $0x6;
	p1 =	sne.s32 s24, s16;
	[sflag:s0] =	ssyncset.done @p0 $0x0  }
0x87: {  	[sflag:s0] =	ssyncadd.s32 @p0 $0xFFFFE700;
	s0 =	sor.u32 @!p0 $0x1C02, s25;
	s25 =	sshrl.u32 @!p0 s6, $0x3  }
0x88: {  	[hbm:s14], [sflag:s0] =	dma.local @!p0 [spmem:s25], $0x2800  }
.Ltmp3:
0x89: {  	_ = 	snop;
	(pc) =	sbr.rel @p1 .LBB2_1-.Ltmp3, $4  }
0x8a: {  	s0 =	simm.s32 @!p0 $0x2  }
0x8b: {  	_ =	swait.ge @!p0 [sflag:s0], $0x2800  }
0x8c: {  	[sflag:s0] =	ssyncset.done @!p0 $0x0  }
0x8d: {  	[sflag:s0] =	ssyncadd.s32 @!p0 $0xFFFFD800  }
0x8e: {  	_ =	sfence.sel $0x180000  }
0x8f: {  	[bflag:$0x0] =	sbarrier.arrive $0xFFFF  }
0x90: {  	_ =	strace $0x9000005C  }
0x91: {  	[bflag:$0x2] =	sbarrier.arrive $0xFFFF  }
0x92: {  	p0 =	sne.s32 s1, $0x0;
	s0 =	rddreg [dreg:$0x2]  }
0x93: {  	s0 =	sadd.s32 @!p0 $0x100000, s0  }
0x94: {  	[sflag:s0] =	ssyncadd.tile.s32 @!p0 $0x1;
	_ =	shalt  }
.Lfunc_end2:
_tile_overlayer_lowered:
.L_overlay_start_2:
0x95: {  	(tag) =	ssettag $0x2  }
0x96: {  	s0 =	rddreg [dreg:$0x0];
	s2 =	stileid.u32  }
0x97: {  	s1 =	rddreg [dreg:$0x1];
	p0 =	sne.s32 s2, $0x0  }
0x98: {  	s3 =	rddreg [dreg:$0x2];
	[bflag:$0x3] =	sbarrier.arrive $0xFFFF;
	s2 =	simm.s32 @!p0 $0x1C02  }
0x99: {  	[timem:s3], [sflag:s2] =	dma.local @!p0 [hbm:s0], s1  }
0x9a: {  	s0 =	simm.s32 @!p0 $0x2  }
0x9b: {  	_ =	swait.ge @!p0 [sflag:s0], s1  }
0x9c: {  	s1 =	ssub.s32 @!p0 $0x0, s1;
	[sflag:s0] =	ssyncset.done @!p0 $0x0  }
0x9d: {  	[sflag:s0] =	ssyncadd.s32 @!p0 s1  }
0x9e: {  	[bflag:$0x3] =	sbarrier.arrive $0xFFFF  }
0x9f: {  	_ =	shalt  }

</sc_bundles>
